<compile_context>
chip_gen: v7x
topology: tpu7x:2x2x1
jax: 0.10.2.dev20260603
libtpu: 0.0.44.dev20260713+nightly
codegen_flags: <defaults>
</compile_context>

<pallas_src>
import functools

import jax
import jax.numpy as jnp
import numpy as np
from jax import lax
from jax.experimental import pallas as pl
from jax.experimental.pallas import tpu as pltpu
from jax.experimental.pallas import tpu_sc as plsc

N_NODE = 10000
IN_DIM = 128
NWORD = IN_DIM // 2
E = 320000
B_Q = 16384
REL_PAD = 10240

NC = 2
NS = 16
NW = NC * NS
EDGES_PER_TILE = E // NW
CHUNK = 40
NCHUNKS = EDGES_PER_TILE // CHUNK
QP_TILE = B_Q // NW
ROWS_A = 632
ROWS_B = N_NODE - 15 * ROWS_A
_IDX_OFFS = (0, 16, 24)

_SC_MESH = plsc.VectorSubcoreMesh(core_axis_name="c", subcore_axis_name="s")

_PERM = np.concatenate([
    np.concatenate([np.arange(16 * k, 16 * k + 16),
                    np.arange(64 + 16 * k, 64 + 16 * k + 16)])
    for k in range(4)])

_MASK_HI = np.int32(-65536)



def _pack_tc(x):
    u = lax.bitcast_convert_type(x.astype(jnp.bfloat16), jnp.uint16)
    w = (u[:, 64:].astype(jnp.uint32) << 16) | u[:, :64].astype(jnp.uint32)
    return lax.bitcast_convert_type(w, jnp.int32)


def _tabs_body(h_ref, r_ref, ws_ref, wr_ref, wqr_ref, b_ref,
               t1_ref, t2_ref, aq_ref):
    h = h_ref[...]
    a = lax.dot_general(h, ws_ref[...], (((1,), (1,)), ((), ())),
                        preferred_element_type=jnp.float32)
    t1_ref[:, :NWORD] = _pack_tc(a)
    t1_ref[:, NWORD:] = _pack_tc(h)
    r = r_ref[...]
    a = lax.dot_general(r, wr_ref[...], (((1,), (1,)), ((), ())),
                        preferred_element_type=jnp.float32)
    t2_ref[:, :NWORD] = _pack_tc(a)
    t2_ref[:, NWORD:] = _pack_tc(r)
    aq_ref[...] = lax.dot_general(
        r, wqr_ref[...], (((1,), (1,)), ((), ())),
        preferred_element_type=jnp.float32) + b_ref[...]


def _final_body(p_ref, wh_ref, out_ref):
    s = p_ref[0] + p_ref[1]
    out_ref[...] = lax.dot_general(
        s, wh_ref[...], (((1,), (1,)), ((), ())),
        preferred_element_type=jnp.float32)



def _sc_aq_body(aqf_hbm, qrel_hbm, out_hbm, idx_v, rows_v, sem):
    cid = lax.axis_index("c")
    sid = lax.axis_index("s")
    wid = sid * NC + cid
    base = wid * QP_TILE

    for k in range(QP_TILE // 128):
        pltpu.sync_copy(qrel_hbm.at[pl.ds(base + 128 * k, 128)], idx_v)
        pltpu.async_copy(aqf_hbm.at[idx_v], rows_v, sem).wait()
        pltpu.sync_copy(rows_v, out_hbm.at[pl.ds(base + 128 * k, 128)])


_sc_aq = functools.partial(
    pl.kernel,
    out_type=jax.ShapeDtypeStruct((B_Q, IN_DIM), jnp.float32),
    mesh=_SC_MESH,
    compiler_params=pltpu.CompilerParams(needs_layout_passes=False),
    scratch_types=[
        pltpu.VMEM((128,), jnp.int32),
        pltpu.VMEM((128, IN_DIM), jnp.float32),
        pltpu.SemaphoreType.DMA,
    ],
)(_sc_aq_body)



def _unpack(words):
    lo = plsc.bitcast(jnp.left_shift(words, 16), jnp.float32)
    hi = plsc.bitcast(jnp.bitwise_and(words, _MASK_HI), jnp.float32)
    return lo, hi


def _sc_edge_body(subc_hbm, relc_hbm, ridxc_hbm, objc_hbm,
                  t1_hbm, t2_hbm, t3_hbm, wv_hbm, out_hbm,
                  sub0, sub1, rel0, rel1, ridx0, ridx1,
                  obji0, obji1, obj0, obj1,
                  bs0, bs1, br0, br1, bq0, bq1, msg0, msg1,
                  wv_v, acc,
                  cs0, cs1, ss0, ss1,
                  g00, g01, g02, g10, g11, g12):
    cid = lax.axis_index("c")
    sid = lax.axis_index("s")
    wid = sid * NC + cid
    ebase = wid * EDGES_PER_TILE

    subv = [sub0, sub1]
    relv = [rel0, rel1]
    ridxv = [ridx0, ridx1]
    objiv = [obji0, obji1]
    objv = [obj0, obj1]
    bufs_s = [bs0, bs1]
    bufs_r = [br0, br1]
    bufs_q = [bq0, bq1]
    msgv = [msg0, msg1]
    csem = [cs0, cs1]
    ssem = [ss0, ss1]
    gsem = [[g00, g01, g02], [g10, g11, g12]]

    pltpu.sync_copy(wv_hbm, wv_v)

    w_regs = [wv_v[pl.ds(16 * j, 16)] for j in range(8)]
    wb_vec = wv_v[pl.ds(IN_DIM, 16)]

    def _idx_dma(ci, p):
        sl = pl.ds(ebase + ci * CHUNK, CHUNK)
        pltpu.async_copy(subc_hbm.at[sl], subv[p], csem[p])
        pltpu.async_copy(relc_hbm.at[sl], relv[p], csem[p])
        pltpu.async_copy(ridxc_hbm.at[sl], ridxv[p], csem[p])
        pltpu.async_copy(objc_hbm.at[sl], objiv[p], csem[p])

    def _idx_wait(ci, p):
        sl = pl.ds(ebase + ci * CHUNK, CHUNK)
        pltpu.make_async_copy(subc_hbm.at[sl], subv[p], csem[p]).wait()
        pltpu.make_async_copy(relc_hbm.at[sl], relv[p], csem[p]).wait()
        pltpu.make_async_copy(ridxc_hbm.at[sl], ridxv[p], csem[p]).wait()
        pltpu.make_async_copy(objc_hbm.at[sl], objiv[p], csem[p]).wait()

    def _gather_issue(p):
        pltpu.async_copy(t1_hbm.at[subv[p]], bufs_s[p], gsem[p][0])
        pltpu.async_copy(t2_hbm.at[relv[p]], bufs_r[p], gsem[p][1])
        pltpu.async_copy(t3_hbm.at[ridxv[p]], bufs_q[p], gsem[p][2])

    def _compute(p):
        b_s, b_r, b_q, msg = bufs_s[p], bufs_r[p], bufs_q[p], msgv[p]

        def _edge(e, icarry):
            accv = wb_vec
            for g in range(4):
                sl = pl.ds(16 * g, 16)
                a = (plsc.bitcast(b_s[e, sl], jnp.bfloat16)
                     + plsc.bitcast(b_r[e, sl], jnp.bfloat16))
                lo, hi = _unpack(plsc.bitcast(a, jnp.int32))
                tlo = jnp.maximum(lo + b_q[e, pl.ds(32 * g, 16)], 0.0)
                thi = jnp.maximum(hi + b_q[e, pl.ds(32 * g + 16, 16)], 0.0)
                accv = accv + tlo * w_regs[2 * g] + thi * w_regs[2 * g + 1]
            ssum = jnp.sum(accv)
            sv = jnp.full((16,), ssum, jnp.float32)
            av = 1.0 / (1.0 + jnp.exp(-sv))
            for g in range(4):
                sl = pl.ds(NWORD + 16 * g, 16)
                m = (plsc.bitcast(b_s[e, sl], jnp.bfloat16)
                     + plsc.bitcast(b_r[e, sl], jnp.bfloat16))
                lo, hi = _unpack(plsc.bitcast(m, jnp.int32))
                msg[e, pl.ds(32 * g, 16)] = lo * av
                msg[e, pl.ds(32 * g + 16, 16)] = hi * av
            return icarry

        lax.fori_loop(0, CHUNK, _edge, 0)

    def _obj_copy(p):
        for off in _IDX_OFFS:
            sl = pl.ds(off, 16)
            objv[p][sl] = objiv[p][sl]

    def _half(ci, p):
        q = 1 - p

        @pl.when(ci + 1 < NCHUNKS)
        def _():
            _idx_wait(ci + 1, q)

        @pl.when(ci >= 1)
        def _():
            pltpu.make_async_copy(
                msgv[q], acc.at[objv[q]], ssem[q]).wait()

        @pl.when(ci + 1 < NCHUNKS)
        def _():
            _obj_copy(q)
            _gather_issue(q)

        pltpu.make_async_copy(t1_hbm.at[subv[p]], bufs_s[p], gsem[p][0]).wait()
        pltpu.make_async_copy(t2_hbm.at[relv[p]], bufs_r[p], gsem[p][1]).wait()
        pltpu.make_async_copy(t3_hbm.at[ridxv[p]], bufs_q[p], gsem[p][2]).wait()

        @pl.when(ci + 2 < NCHUNKS)
        def _():
            _idx_dma(ci + 2, p)

        _compute(p)
        pltpu.async_copy(msgv[p], acc.at[objv[p]], ssem[p], add=True)

    _idx_dma(0, 0)
    zero16 = jnp.zeros((16,), jnp.float32)
    for i in range(CHUNK):
        for j in range(8):
            msg0[i, pl.ds(16 * j, 16)] = zero16
    row0 = sid * ROWS_A
    nz = jnp.where(sid < 15, ROWS_A // CHUNK, ROWS_B // CHUNK)

    def _zacc(z, carry):
        pltpu.sync_copy(msg0, acc.at[pl.ds(row0 + z * CHUNK, CHUNK)])
        return carry

    lax.fori_loop(0, nz, _zacc, 0)

    @pl.when(sid < 15)
    def _():
        pltpu.sync_copy(msg0.at[pl.ds(0, 32)],
                        acc.at[pl.ds(row0 + 15 * CHUNK, 32)])

    _idx_wait(0, 0)
    _obj_copy(0)
    _gather_issue(0)
    _idx_dma(1, 1)
    plsc.subcore_barrier()

    def _pair(i, carry):
        _half(2 * i, 0)
        _half(2 * i + 1, 1)
        return carry

    lax.fori_loop(0, NCHUNKS // 2, _pair, 0)
    pltpu.make_async_copy(msgv[1], acc.at[objv[1]], ssem[1]).wait()

    plsc.subcore_barrier()

    @pl.when(sid < 15)
    def _():
        pltpu.sync_copy(acc.at[pl.ds(sid * ROWS_A, ROWS_A)],
                        out_hbm.at[cid, pl.ds(sid * ROWS_A, ROWS_A)])

    @pl.when(sid == 15)
    def _():
        pltpu.sync_copy(acc.at[pl.ds(15 * ROWS_A, ROWS_B)],
                        out_hbm.at[cid, pl.ds(15 * ROWS_A, ROWS_B)])


_sc_edge = functools.partial(
    pl.kernel,
    out_type=jax.ShapeDtypeStruct((NC, N_NODE, IN_DIM), jnp.float32),
    mesh=_SC_MESH,
    compiler_params=pltpu.CompilerParams(needs_layout_passes=False),
    scratch_types=(
        [pltpu.VMEM((CHUNK,), jnp.int32)] * 10
        + [pltpu.VMEM((CHUNK, 2 * NWORD), jnp.int32)] * 4
        + [pltpu.VMEM((CHUNK, IN_DIM), jnp.float32)] * 2
        + [pltpu.VMEM((CHUNK, IN_DIM), jnp.float32)] * 2
        + [pltpu.VMEM((144,), jnp.float32)]
        + [pltpu.VMEM_SHARED((N_NODE, IN_DIM), jnp.float32)]
        + [pltpu.SemaphoreType.DMA] * 10
    ),
)(_sc_edge_body)



def kernel(q_sub, q_rel, hidden, edges, nodes, old_nodes_new_idx,
           rela_embed, Ws_attn, Wr_attn, Wqr_attn_w, Wqr_attn_b,
           w_alpha_w, w_alpha_b, W_h):
    sub_col = edges[:, 4]
    rel_col = edges[:, 2]
    ridx_col = edges[:, 0]
    obj_col = edges[:, 5]

    n_rel = rela_embed.shape[0]
    t1, t2, aqf = pl.pallas_call(
        _tabs_body,
        grid=(REL_PAD // 256,),
        in_specs=[
            pl.BlockSpec((256, IN_DIM), lambda i: (i, 0)),
            pl.BlockSpec((256, IN_DIM), lambda i: (i, 0)),
            pl.BlockSpec((IN_DIM, IN_DIM), lambda i: (0, 0)),
            pl.BlockSpec((IN_DIM, IN_DIM), lambda i: (0, 0)),
            pl.BlockSpec((IN_DIM, IN_DIM), lambda i: (0, 0)),
            pl.BlockSpec((1, IN_DIM), lambda i: (0, 0)),
        ],
        out_specs=[
            pl.BlockSpec((256, IN_DIM), lambda i: (i, 0)),
            pl.BlockSpec((256, IN_DIM), lambda i: (i, 0)),
            pl.BlockSpec((256, IN_DIM), lambda i: (i, 0)),
        ],
        out_shape=[
            jax.ShapeDtypeStruct((N_NODE, IN_DIM), jnp.int32),
            jax.ShapeDtypeStruct((n_rel, IN_DIM), jnp.int32),
            jax.ShapeDtypeStruct((n_rel, IN_DIM), jnp.float32),
        ],
    )(hidden, rela_embed, Ws_attn, Wr_attn,
      Wqr_attn_w[_PERM, :], Wqr_attn_b[_PERM].reshape(1, IN_DIM))

    t3 = _sc_aq(aqf, q_rel.astype(jnp.int32))

    wv = jnp.concatenate([
        w_alpha_w.reshape(-1)[_PERM], w_alpha_b.reshape(-1),
        jnp.zeros((15,), jnp.float32)])

    partials = _sc_edge(sub_col, rel_col, ridx_col, obj_col, t1, t2, t3, wv)

    out = pl.pallas_call(
        _final_body,
        grid=(N_NODE // 400,),
        in_specs=[
            pl.BlockSpec((NC, 400, IN_DIM), lambda i: (0, i, 0)),
            pl.BlockSpec((IN_DIM, IN_DIM), lambda i: (0, 0)),
        ],
        out_specs=pl.BlockSpec((400, IN_DIM), lambda i: (i, 0)),
        out_shape=jax.ShapeDtypeStruct((N_NODE, IN_DIM), jnp.float32),
    )(partials, W_h[:, _PERM])
    return out

# --- scband reference (transcript-rebuilt; emitter-appended) ---
"""Pipeline reference for scband-gnnlayer-5325759447706 (READ-ONLY COPY).

The authoritative reference and input builder live on the scoring server;
editing this copy changes nothing except your own understanding.
"""

import jax, jax.numpy as jnp
import numpy as np

N_NODE = 10000
N_EDGE = 320000
IN_DIM = 128
OUT_DIM = 128
ATTN_DIM = 128
N_REL = 5000
REL_VOCAB = 2 * N_REL + 1  # 10001
B = 16384


def setup_inputs(seed: int = 0) -> dict:
    key = jax.random.key(seed)
    ks = jax.random.split(key, 16)
    inp = {}
    inp["q_sub"] = jax.random.randint(ks[0], (B,), 0, 10000, dtype=jnp.int64) if jax.config.jax_enable_x64 else jax.random.randint(ks[0], (B,), 0, 10000, dtype=jnp.int32)
    inp["q_rel"] = jax.random.randint(ks[1], (B,), 0, REL_VOCAB, dtype=jnp.int32)
    inp["hidden"] = jax.random.normal(ks[2], (N_NODE, IN_DIM), dtype=jnp.float32)
    inp["edges"] = jax.random.randint(ks[3], (N_EDGE, 6), 0, 10000, dtype=jnp.int32)
    inp["nodes"] = jax.random.randint(ks[4], (N_NODE, 2), 0, 10000, dtype=jnp.int32)
    inp["old_nodes_new_idx"] = jax.random.randint(ks[5], (5000,), 0, 10000, dtype=jnp.int32)
    # learned parameters
    s = 1.0 / np.sqrt(IN_DIM)
    inp["rela_embed"] = jax.random.normal(ks[6], (REL_VOCAB, IN_DIM), dtype=jnp.float32) * s
    inp["Ws_attn"] = jax.random.normal(ks[7], (ATTN_DIM, IN_DIM), dtype=jnp.float32) * s
    inp["Wr_attn"] = jax.random.normal(ks[8], (ATTN_DIM, IN_DIM), dtype=jnp.float32) * s
    inp["Wqr_attn_w"] = jax.random.normal(ks[9], (ATTN_DIM, IN_DIM), dtype=jnp.float32) * s
    inp["Wqr_attn_b"] = jnp.zeros((ATTN_DIM,), dtype=jnp.float32)
    inp["w_alpha_w"] = jax.random.normal(ks[10], (1, ATTN_DIM), dtype=jnp.float32) * (1.0 / np.sqrt(ATTN_DIM))
    inp["w_alpha_b"] = jnp.zeros((1,), dtype=jnp.float32)
    inp["W_h"] = jax.random.normal(ks[11], (OUT_DIM, IN_DIM), dtype=jnp.float32) * s
    return inp


def reference(q_sub, q_rel, hidden, edges, nodes, old_nodes_new_idx,
              rela_embed, Ws_attn, Wr_attn, Wqr_attn_w, Wqr_attn_b,
              w_alpha_w, w_alpha_b, W_h):
    # edges columns: [batch_idx, head, rela, tail, old_idx(sub), new_idx(obj)]
    sub = edges[:, 4]
    rel = edges[:, 2]
    obj = edges[:, 5]
    r_idx = edges[:, 0]

    hs = jnp.take(hidden, sub, axis=0)                    # gather: [E, in_dim]
    hr = jnp.take(rela_embed, rel, axis=0)                # embedding lookup: [E, in_dim]
    h_q = jnp.take(rela_embed, q_rel, axis=0)             # [B, in_dim]
    h_qr = jnp.take(h_q, r_idx, axis=0)                   # gather: [E, in_dim]

    message = hs + hr
    attn_hid = jax.nn.relu(hs @ Ws_attn.T + hr @ Wr_attn.T + h_qr @ Wqr_attn_w.T + Wqr_attn_b)
    alpha = jax.nn.sigmoid(attn_hid @ w_alpha_w.T + w_alpha_b)  # [E, 1]
    message = alpha * message

    n_node = nodes.shape[0]
    message_agg = jax.ops.segment_sum(message, obj, num_segments=n_node)  # scatter-add
    hidden_new = message_agg @ W_h.T  # act = identity (default act=lambda x: x)
    return hidden_new

if __name__ == "__main__":
    import jax
    _d = setup_inputs()
    print(jax.jit(kernel)(*tuple(_d.values())))

</pallas_src>

<mosaic_0001>
#map = affine_map<(d0, d1) -> (0, 0)>
#map1 = affine_map<(d0, d1) -> (0)>
module attributes {stable_mosaic.version = 14 : i64} {
  func.func @_sc_aq_body(%arg0: i32, %arg1: i32, %arg2: memref<10001x128xf32, #tpu.memory_space<hbm>>, %arg3: memref<16384xi32, #tpu.memory_space<hbm>>, %arg4: memref<16384x128xf32, #tpu.memory_space<hbm>>, %arg5: memref<128xi32, #tpu.memory_space<vmem>>, %arg6: memref<128x128xf32, #tpu.memory_space<vmem>>, %arg7: memref<!tpu.dma_semaphore, #tpu.memory_space<semaphore_mem>>) attributes {dimension_semantics = [#tpu.dimension_semantics<core_parallel>, #tpu.dimension_semantics<subcore_parallel>], iteration_bounds = array<i64: 2, 16>, scalar_prefetch = 0 : i64, scratch_operands = 3 : i64, tpu.core_type = #tpu.core_type<sc_vector_subcore>, window_params = [{transform_indices = #map}, {transform_indices = #map1}, {transform_indices = #map}]} {
    %mul3A = arith.constant 2 : i32
    %mul3A_0 = arith.muli %arg1, %mul3A : i32
    %add3A = arith.addi %mul3A_0, %arg0 : i32
    %mul3A_1 = arith.constant 512 : i32
    %mul3A_2 = arith.muli %add3A, %mul3A_1 : i32
    %add3A_3 = arith.constant 0 : i32
    %add3A_4 = arith.addi %mul3A_2, %add3A_3 : i32
    "tpu.region"() ({
      %run_scoped3A = tpu.sem_alloc : memref<!tpu.dma_semaphore, #tpu.memory_space<semaphore_mem>>
      %dma_start3A_41 = tpu.memref_slice %arg3[%add3A_4] : memref<16384xi32, #tpu.memory_space<hbm>> -> memref<128xi32, #tpu.memory_space<hbm>>
      %dma_start3A_42 = tpu.memref_slice %arg3[%add3A_4] : memref<16384xi32, #tpu.memory_space<hbm>> -> memref<128xi32, #tpu.memory_space<hbm>>
      tpu.enqueue_dma source(%dma_start3A_42 : memref<128xi32, #tpu.memory_space<hbm>>) target(%arg5 : memref<128xi32, #tpu.memory_space<vmem>>) target_semaphore(%run_scoped3A : memref<!tpu.dma_semaphore, #tpu.memory_space<semaphore_mem>>)
      %dma_wait3A_43 = tpu.memref_slice %arg3[%add3A_4] : memref<16384xi32, #tpu.memory_space<hbm>> -> memref<128xi32, #tpu.memory_space<hbm>>
      %dma_wait3A_44 = tpu.memref_slice %arg3[%add3A_4] : memref<16384xi32, #tpu.memory_space<hbm>> -> memref<128xi32, #tpu.memory_space<hbm>>
      tpu.wait_dma2 semaphore(%run_scoped3A : memref<!tpu.dma_semaphore, #tpu.memory_space<semaphore_mem>>) src(%dma_wait3A_44 : memref<128xi32, #tpu.memory_space<hbm>>) dst(%arg5 : memref<128xi32, #tpu.memory_space<vmem>>)
      tpu.yield
    }) : () -> ()
    %dma_start3A = arith.constant 0 : i32
    %dma_start3A_5 = arith.constant 0 : i32
    %dma_start3A_6 = tpu.memref_slice %arg2[%dma_start3A, %dma_start3A_5] : memref<10001x128xf32, #tpu.memory_space<hbm>> -> memref<10001x128xf32, #tpu.memory_space<hbm>>
    tpu.enqueue_indirect_dma source(%dma_start3A_6 : memref<10001x128xf32, #tpu.memory_space<hbm>>) target(%arg6 : memref<128x128xf32, #tpu.memory_space<vmem>>) offsets(%arg5 : memref<128xi32, #tpu.memory_space<vmem>>) semaphore(%arg7 : memref<!tpu.dma_semaphore, #tpu.memory_space<semaphore_mem>>)
    %dma_wait3A = arith.constant 0 : i32
    %dma_wait3A_7 = arith.constant 0 : i32
    %dma_wait3A_8 = tpu.memref_slice %arg2[%dma_wait3A, %dma_wait3A_7] : memref<10001x128xf32, #tpu.memory_space<hbm>> -> memref<10001x128xf32, #tpu.memory_space<hbm>>
    tpu.wait_indirect_dma semaphore(%arg7 : memref<!tpu.dma_semaphore, #tpu.memory_space<semaphore_mem>>) src(%dma_wait3A_8 : memref<10001x128xf32, #tpu.memory_space<hbm>>) dst(%arg6 : memref<128x128xf32, #tpu.memory_space<vmem>>)
    %add3A_9 = arith.constant 0 : i32
    %add3A_10 = arith.addi %mul3A_2, %add3A_9 : i32
    "tpu.region"() ({
      %run_scoped3A = tpu.sem_alloc : memref<!tpu.dma_semaphore, #tpu.memory_space<semaphore_mem>>
      %dma_start3A_41 = arith.constant 0 : i32
      %dma_start3A_42 = tpu.memref_slice %arg4[%add3A_10, %dma_start3A_41] : memref<16384x128xf32, #tpu.memory_space<hbm>> -> memref<128x128xf32, #tpu.memory_space<hbm>>
      %dma_start3A_43 = arith.constant 0 : i32
      %dma_start3A_44 = tpu.memref_slice %arg4[%add3A_10, %dma_start3A_43] : memref<16384x128xf32, #tpu.memory_space<hbm>> -> memref<128x128xf32, #tpu.memory_space<hbm>>
      tpu.enqueue_dma source(%arg6 : memref<128x128xf32, #tpu.memory_space<vmem>>) target(%dma_start3A_44 : memref<128x128xf32, #tpu.memory_space<hbm>>) target_semaphore(%run_scoped3A : memref<!tpu.dma_semaphore, #tpu.memory_space<semaphore_mem>>)
      %dma_wait3A_45 = arith.constant 0 : i32
      %dma_wait3A_46 = tpu.memref_slice %arg4[%add3A_10, %dma_wait3A_45] : memref<16384x128xf32, #tpu.memory_space<hbm>> -> memref<128x128xf32, #tpu.memory_space<hbm>>
      %dma_wait3A_47 = arith.constant 0 : i32
      %dma_wait3A_48 = tpu.memref_slice %arg4[%add3A_10, %dma_wait3A_47] : memref<16384x128xf32, #tpu.memory_space<hbm>> -> memref<128x128xf32, #tpu.memory_space<hbm>>
      tpu.wait_dma2 semaphore(%run_scoped3A : memref<!tpu.dma_semaphore, #tpu.memory_space<semaphore_mem>>) src(%arg6 : memref<128x128xf32, #tpu.memory_space<vmem>>) dst(%dma_wait3A_48 : memref<128x128xf32, #tpu.memory_space<hbm>>)
      tpu.yield
    }) : () -> ()
    %add3A_11 = arith.constant 128 : i32
    %add3A_12 = arith.addi %mul3A_2, %add3A_11 : i32
    "tpu.region"() ({
      %run_scoped3A = tpu.sem_alloc : memref<!tpu.dma_semaphore, #tpu.memory_space<semaphore_mem>>
      %dma_start3A_41 = tpu.memref_slice %arg3[%add3A_12] : memref<16384xi32, #tpu.memory_space<hbm>> -> memref<128xi32, #tpu.memory_space<hbm>>
      %dma_start3A_42 = tpu.memref_slice %arg3[%add3A_12] : memref<16384xi32, #tpu.memory_space<hbm>> -> memref<128xi32, #tpu.memory_space<hbm>>
      tpu.enqueue_dma source(%dma_start3A_42 : memref<128xi32, #tpu.memory_space<hbm>>) target(%arg5 : memref<128xi32, #tpu.memory_space<vmem>>) target_semaphore(%run_scoped3A : memref<!tpu.dma_semaphore, #tpu.memory_space<semaphore_mem>>)
      %dma_wait3A_43 = tpu.memref_slice %arg3[%add3A_12] : memref<16384xi32, #tpu.memory_space<hbm>> -> memref<128xi32, #tpu.memory_space<hbm>>
      %dma_wait3A_44 = tpu.memref_slice %arg3[%add3A_12] : memref<16384xi32, #tpu.memory_space<hbm>> -> memref<128xi32, #tpu.memory_space<hbm>>
      tpu.wait_dma2 semaphore(%run_scoped3A : memref<!tpu.dma_semaphore, #tpu.memory_space<semaphore_mem>>) src(%dma_wait3A_44 : memref<128xi32, #tpu.memory_space<hbm>>) dst(%arg5 : memref<128xi32, #tpu.memory_space<vmem>>)
      tpu.yield
    }) : () -> ()
    %dma_start3A_13 = arith.constant 0 : i32
    %dma_start3A_14 = arith.constant 0 : i32
    %dma_start3A_15 = tpu.memref_slice %arg2[%dma_start3A_13, %dma_start3A_14] : memref<10001x128xf32, #tpu.memory_space<hbm>> -> memref<10001x128xf32, #tpu.memory_space<hbm>>
    tpu.enqueue_indirect_dma source(%dma_start3A_15 : memref<10001x128xf32, #tpu.memory_space<hbm>>) target(%arg6 : memref<128x128xf32, #tpu.memory_space<vmem>>) offsets(%arg5 : memref<128xi32, #tpu.memory_space<vmem>>) semaphore(%arg7 : memref<!tpu.dma_semaphore, #tpu.memory_space<semaphore_mem>>)
    %dma_wait3A_16 = arith.constant 0 : i32
    %dma_wait3A_17 = arith.constant 0 : i32
    %dma_wait3A_18 = tpu.memref_slice %arg2[%dma_wait3A_16, %dma_wait3A_17] : memref<10001x128xf32, #tpu.memory_space<hbm>> -> memref<10001x128xf32, #tpu.memory_space<hbm>>
    tpu.wait_indirect_dma semaphore(%arg7 : memref<!tpu.dma_semaphore, #tpu.memory_space<semaphore_mem>>) src(%dma_wait3A_18 : memref<10001x128xf32, #tpu.memory_space<hbm>>) dst(%arg6 : memref<128x128xf32, #tpu.memory_space<vmem>>)
    %add3A_19 = arith.constant 128 : i32
    %add3A_20 = arith.addi %mul3A_2, %add3A_19 : i32
    "tpu.region"() ({
      %run_scoped3A = tpu.sem_alloc : memref<!tpu.dma_semaphore, #tpu.memory_space<semaphore_mem>>
      %dma_start3A_41 = arith.constant 0 : i32
      %dma_start3A_42 = tpu.memref_slice %arg4[%add3A_20, %dma_start3A_41] : memref<16384x128xf32, #tpu.memory_space<hbm>> -> memref<128x128xf32, #tpu.memory_space<hbm>>
      %dma_start3A_43 = arith.constant 0 : i32
      %dma_start3A_44 = tpu.memref_slice %arg4[%add3A_20, %dma_start3A_43] : memref<16384x128xf32, #tpu.memory_space<hbm>> -> memref<128x128xf32, #tpu.memory_space<hbm>>
      tpu.enqueue_dma source(%arg6 : memref<128x128xf32, #tpu.memory_space<vmem>>) target(%dma_start3A_44 : memref<128x128xf32, #tpu.memory_space<hbm>>) target_semaphore(%run_scoped3A : memref<!tpu.dma_semaphore, #tpu.memory_space<semaphore_mem>>)
      %dma_wait3A_45 = arith.constant 0 : i32
      %dma_wait3A_46 = tpu.memref_slice %arg4[%add3A_20, %dma_wait3A_45] : memref<16384x128xf32, #tpu.memory_space<hbm>> -> memref<128x128xf32, #tpu.memory_space<hbm>>
      %dma_wait3A_47 = arith.constant 0 : i32
      %dma_wait3A_48 = tpu.memref_slice %arg4[%add3A_20, %dma_wait3A_47] : memref<16384x128xf32, #tpu.memory_space<hbm>> -> memref<128x128xf32, #tpu.memory_space<hbm>>
      tpu.wait_dma2 semaphore(%run_scoped3A : memref<!tpu.dma_semaphore, #tpu.memory_space<semaphore_mem>>) src(%arg6 : memref<128x128xf32, #tpu.memory_space<vmem>>) dst(%dma_wait3A_48 : memref<128x128xf32, #tpu.memory_space<hbm>>)
      tpu.yield
    }) : () -> ()
    %add3A_21 = arith.constant 256 : i32
    %add3A_22 = arith.addi %mul3A_2, %add3A_21 : i32
    "tpu.region"() ({
      %run_scoped3A = tpu.sem_alloc : memref<!tpu.dma_semaphore, #tpu.memory_space<semaphore_mem>>
      %dma_start3A_41 = tpu.memref_slice %arg3[%add3A_22] : memref<16384xi32, #tpu.memory_space<hbm>> -> memref<128xi32, #tpu.memory_space<hbm>>
      %dma_start3A_42 = tpu.memref_slice %arg3[%add3A_22] : memref<16384xi32, #tpu.memory_space<hbm>> -> memref<128xi32, #tpu.memory_space<hbm>>
      tpu.enqueue_dma source(%dma_start3A_42 : memref<128xi32, #tpu.memory_space<hbm>>) target(%arg5 : memref<128xi32, #tpu.memory_space<vmem>>) target_semaphore(%run_scoped3A : memref<!tpu.dma_semaphore, #tpu.memory_space<semaphore_mem>>)
      %dma_wait3A_43 = tpu.memref_slice %arg3[%add3A_22] : memref<16384xi32, #tpu.memory_space<hbm>> -> memref<128xi32, #tpu.memory_space<hbm>>
      %dma_wait3A_44 = tpu.memref_slice %arg3[%add3A_22] : memref<16384xi32, #tpu.memory_space<hbm>> -> memref<128xi32, #tpu.memory_space<hbm>>
      tpu.wait_dma2 semaphore(%run_scoped3A : memref<!tpu.dma_semaphore, #tpu.memory_space<semaphore_mem>>) src(%dma_wait3A_44 : memref<128xi32, #tpu.memory_space<hbm>>) dst(%arg5 : memref<128xi32, #tpu.memory_space<vmem>>)
      tpu.yield
    }) : () -> ()
    %dma_start3A_23 = arith.constant 0 : i32
    %dma_start3A_24 = arith.constant 0 : i32
    %dma_start3A_25 = tpu.memref_slice %arg2[%dma_start3A_23, %dma_start3A_24] : memref<10001x128xf32, #tpu.memory_space<hbm>> -> memref<10001x128xf32, #tpu.memory_space<hbm>>
    tpu.enqueue_indirect_dma source(%dma_start3A_25 : memref<10001x128xf32, #tpu.memory_space<hbm>>) target(%arg6 : memref<128x128xf32, #tpu.memory_space<vmem>>) offsets(%arg5 : memref<128xi32, #tpu.memory_space<vmem>>) semaphore(%arg7 : memref<!tpu.dma_semaphore, #tpu.memory_space<semaphore_mem>>)
    %dma_wait3A_26 = arith.constant 0 : i32
    %dma_wait3A_27 = arith.constant 0 : i32
    %dma_wait3A_28 = tpu.memref_slice %arg2[%dma_wait3A_26, %dma_wait3A_27] : memref<10001x128xf32, #tpu.memory_space<hbm>> -> memref<10001x128xf32, #tpu.memory_space<hbm>>
    tpu.wait_indirect_dma semaphore(%arg7 : memref<!tpu.dma_semaphore, #tpu.memory_space<semaphore_mem>>) src(%dma_wait3A_28 : memref<10001x128xf32, #tpu.memory_space<hbm>>) dst(%arg6 : memref<128x128xf32, #tpu.memory_space<vmem>>)
    %add3A_29 = arith.constant 256 : i32
    %add3A_30 = arith.addi %mul3A_2, %add3A_29 : i32
    "tpu.region"() ({
      %run_scoped3A = tpu.sem_alloc : memref<!tpu.dma_semaphore, #tpu.memory_space<semaphore_mem>>
      %dma_start3A_41 = arith.constant 0 : i32
      %dma_start3A_42 = tpu.memref_slice %arg4[%add3A_30, %dma_start3A_41] : memref<16384x128xf32, #tpu.memory_space<hbm>> -> memref<128x128xf32, #tpu.memory_space<hbm>>
      %dma_start3A_43 = arith.constant 0 : i32
      %dma_start3A_44 = tpu.memref_slice %arg4[%add3A_30, %dma_start3A_43] : memref<16384x128xf32, #tpu.memory_space<hbm>> -> memref<128x128xf32, #tpu.memory_space<hbm>>
      tpu.enqueue_dma source(%arg6 : memref<128x128xf32, #tpu.memory_space<vmem>>) target(%dma_start3A_44 : memref<128x128xf32, #tpu.memory_space<hbm>>) target_semaphore(%run_scoped3A : memref<!tpu.dma_semaphore, #tpu.memory_space<semaphore_mem>>)
      %dma_wait3A_45 = arith.constant 0 : i32
      %dma_wait3A_46 = tpu.memref_slice %arg4[%add3A_30, %dma_wait3A_45] : memref<16384x128xf32, #tpu.memory_space<hbm>> -> memref<128x128xf32, #tpu.memory_space<hbm>>
      %dma_wait3A_47 = arith.constant 0 : i32
      %dma_wait3A_48 = tpu.memref_slice %arg4[%add3A_30, %dma_wait3A_47] : memref<16384x128xf32, #tpu.memory_space<hbm>> -> memref<128x128xf32, #tpu.memory_space<hbm>>
      tpu.wait_dma2 semaphore(%run_scoped3A : memref<!tpu.dma_semaphore, #tpu.memory_space<semaphore_mem>>) src(%arg6 : memref<128x128xf32, #tpu.memory_space<vmem>>) dst(%dma_wait3A_48 : memref<128x128xf32, #tpu.memory_space<hbm>>)
      tpu.yield
    }) : () -> ()
    %add3A_31 = arith.constant 384 : i32
    %add3A_32 = arith.addi %mul3A_2, %add3A_31 : i32
    "tpu.region"() ({
      %run_scoped3A = tpu.sem_alloc : memref<!tpu.dma_semaphore, #tpu.memory_space<semaphore_mem>>
      %dma_start3A_41 = tpu.memref_slice %arg3[%add3A_32] : memref<16384xi32, #tpu.memory_space<hbm>> -> memref<128xi32, #tpu.memory_space<hbm>>
      %dma_start3A_42 = tpu.memref_slice %arg3[%add3A_32] : memref<16384xi32, #tpu.memory_space<hbm>> -> memref<128xi32, #tpu.memory_space<hbm>>
      tpu.enqueue_dma source(%dma_start3A_42 : memref<128xi32, #tpu.memory_space<hbm>>) target(%arg5 : memref<128xi32, #tpu.memory_space<vmem>>) target_semaphore(%run_scoped3A : memref<!tpu.dma_semaphore, #tpu.memory_space<semaphore_mem>>)
      %dma_wait3A_43 = tpu.memref_slice %arg3[%add3A_32] : memref<16384xi32, #tpu.memory_space<hbm>> -> memref<128xi32, #tpu.memory_space<hbm>>
      %dma_wait3A_44 = tpu.memref_slice %arg3[%add3A_32] : memref<16384xi32, #tpu.memory_space<hbm>> -> memref<128xi32, #tpu.memory_space<hbm>>
      tpu.wait_dma2 semaphore(%run_scoped3A : memref<!tpu.dma_semaphore, #tpu.memory_space<semaphore_mem>>) src(%dma_wait3A_44 : memref<128xi32, #tpu.memory_space<hbm>>) dst(%arg5 : memref<128xi32, #tpu.memory_space<vmem>>)
      tpu.yield
    }) : () -> ()
    %dma_start3A_33 = arith.constant 0 : i32
    %dma_start3A_34 = arith.constant 0 : i32
    %dma_start3A_35 = tpu.memref_slice %arg2[%dma_start3A_33, %dma_start3A_34] : memref<10001x128xf32, #tpu.memory_space<hbm>> -> memref<10001x128xf32, #tpu.memory_space<hbm>>
    tpu.enqueue_indirect_dma source(%dma_start3A_35 : memref<10001x128xf32, #tpu.memory_space<hbm>>) target(%arg6 : memref<128x128xf32, #tpu.memory_space<vmem>>) offsets(%arg5 : memref<128xi32, #tpu.memory_space<vmem>>) semaphore(%arg7 : memref<!tpu.dma_semaphore, #tpu.memory_space<semaphore_mem>>)
    %dma_wait3A_36 = arith.constant 0 : i32
    %dma_wait3A_37 = arith.constant 0 : i32
    %dma_wait3A_38 = tpu.memref_slice %arg2[%dma_wait3A_36, %dma_wait3A_37] : memref<10001x128xf32, #tpu.memory_space<hbm>> -> memref<10001x128xf32, #tpu.memory_space<hbm>>
    tpu.wait_indirect_dma semaphore(%arg7 : memref<!tpu.dma_semaphore, #tpu.memory_space<semaphore_mem>>) src(%dma_wait3A_38 : memref<10001x128xf32, #tpu.memory_space<hbm>>) dst(%arg6 : memref<128x128xf32, #tpu.memory_space<vmem>>)
    %add3A_39 = arith.constant 384 : i32
    %add3A_40 = arith.addi %mul3A_2, %add3A_39 : i32
    "tpu.region"() ({
      %run_scoped3A = tpu.sem_alloc : memref<!tpu.dma_semaphore, #tpu.memory_space<semaphore_mem>>
      %dma_start3A_41 = arith.constant 0 : i32
      %dma_start3A_42 = tpu.memref_slice %arg4[%add3A_40, %dma_start3A_41] : memref<16384x128xf32, #tpu.memory_space<hbm>> -> memref<128x128xf32, #tpu.memory_space<hbm>>
      %dma_start3A_43 = arith.constant 0 : i32
      %dma_start3A_44 = tpu.memref_slice %arg4[%add3A_40, %dma_start3A_43] : memref<16384x128xf32, #tpu.memory_space<hbm>> -> memref<128x128xf32, #tpu.memory_space<hbm>>
      tpu.enqueue_dma source(%arg6 : memref<128x128xf32, #tpu.memory_space<vmem>>) target(%dma_start3A_44 : memref<128x128xf32, #tpu.memory_space<hbm>>) target_semaphore(%run_scoped3A : memref<!tpu.dma_semaphore, #tpu.memory_space<semaphore_mem>>)
      %dma_wait3A_45 = arith.constant 0 : i32
      %dma_wait3A_46 = tpu.memref_slice %arg4[%add3A_40, %dma_wait3A_45] : memref<16384x128xf32, #tpu.memory_space<hbm>> -> memref<128x128xf32, #tpu.memory_space<hbm>>
      %dma_wait3A_47 = arith.constant 0 : i32
      %dma_wait3A_48 = tpu.memref_slice %arg4[%add3A_40, %dma_wait3A_47] : memref<16384x128xf32, #tpu.memory_space<hbm>> -> memref<128x128xf32, #tpu.memory_space<hbm>>
      tpu.wait_dma2 semaphore(%run_scoped3A : memref<!tpu.dma_semaphore, #tpu.memory_space<semaphore_mem>>) src(%arg6 : memref<128x128xf32, #tpu.memory_space<vmem>>) dst(%dma_wait3A_48 : memref<128x128xf32, #tpu.memory_space<hbm>>)
      tpu.yield
    }) : () -> ()
    return
  }
}

#map = affine_map<(d0, d1) -> (0)>
#map1 = affine_map<(d0, d1) -> (0, 0)>
#map2 = affine_map<(d0, d1) -> (0, 0, 0)>
module attributes {stable_mosaic.version = 14 : i64} {
  func.func @_sc_edge_body(%arg0: i32, %arg1: i32, %arg2: memref<320000xi32, #tpu.memory_space<hbm>>, %arg3: memref<320000xi32, #tpu.memory_space<hbm>>, %arg4: memref<320000xi32, #tpu.memory_space<hbm>>, %arg5: memref<320000xi32, #tpu.memory_space<hbm>>, %arg6: memref<10000x128xi32, #tpu.memory_space<hbm>>, %arg7: memref<10001x128xi32, #tpu.memory_space<hbm>>, %arg8: memref<16384x128xf32, #tpu.memory_space<hbm>>, %arg9: memref<144xf32, #tpu.memory_space<hbm>>, %arg10: memref<2x10000x128xf32, #tpu.memory_space<hbm>>, %arg11: memref<40xi32, #tpu.memory_space<vmem>>, %arg12: memref<40xi32, #tpu.memory_space<vmem>>, %arg13: memref<40xi32, #tpu.memory_space<vmem>>, %arg14: memref<40xi32, #tpu.memory_space<vmem>>, %arg15: memref<40xi32, #tpu.memory_space<vmem>>, %arg16: memref<40xi32, #tpu.memory_space<vmem>>, %arg17: memref<40xi32, #tpu.memory_space<vmem>>, %arg18: memref<40xi32, #tpu.memory_space<vmem>>, %arg19: memref<40xi32, #tpu.memory_space<vmem>>, %arg20: memref<40xi32, #tpu.memory_space<vmem>>, %arg21: memref<40x128xi32, #tpu.memory_space<vmem>>, %arg22: memref<40x128xi32, #tpu.memory_space<vmem>>, %arg23: memref<40x128xi32, #tpu.memory_space<vmem>>, %arg24: memref<40x128xi32, #tpu.memory_space<vmem>>, %arg25: memref<40x128xf32, #tpu.memory_space<vmem>>, %arg26: memref<40x128xf32, #tpu.memory_space<vmem>>, %arg27: memref<40x128xf32, #tpu.memory_space<vmem>>, %arg28: memref<40x128xf32, #tpu.memory_space<vmem>>, %arg29: memref<144xf32, #tpu.memory_space<vmem>>, %arg30: memref<10000x128xf32, #tpu.memory_space<vmem_shared>>, %arg31: memref<!tpu.dma_semaphore, #tpu.memory_space<semaphore_mem>>, %arg32: memref<!tpu.dma_semaphore, #tpu.memory_space<semaphore_mem>>, %arg33: memref<!tpu.dma_semaphore, #tpu.memory_space<semaphore_mem>>, %arg34: memref<!tpu.dma_semaphore, #tpu.memory_space<semaphore_mem>>, %arg35: memref<!tpu.dma_semaphore, #tpu.memory_space<semaphore_mem>>, %arg36: memref<!tpu.dma_semaphore, #tpu.memory_space<semaphore_mem>>, %arg37: memref<!tpu.dma_semaphore, #tpu.memory_space<semaphore_mem>>, %arg38: memref<!tpu.dma_semaphore, #tpu.memory_space<semaphore_mem>>, %arg39: memref<!tpu.dma_semaphore, #tpu.memory_space<semaphore_mem>>, %arg40: memref<!tpu.dma_semaphore, #tpu.memory_space<semaphore_mem>>) attributes {dimension_semantics = [#tpu.dimension_semantics<core_parallel>, #tpu.dimension_semantics<subcore_parallel>], iteration_bounds = array<i64: 2, 16>, scalar_prefetch = 0 : i64, scratch_operands = 30 : i64, tpu.core_type = #tpu.core_type<sc_vector_subcore>, window_params = [{transform_indices = #map}, {transform_indices = #map}, {transform_indices = #map}, {transform_indices = #map}, {transform_indices = #map1}, {transform_indices = #map1}, {transform_indices = #map1}, {transform_indices = #map}, {transform_indices = #map2}]} {
    %mul3A = arith.constant 2 : i32
    %mul3A_0 = arith.muli %arg1, %mul3A : i32
    %add3A = arith.addi %mul3A_0, %arg0 : i32
    %mul3A_1 = arith.constant 10000 : i32
    %mul3A_2 = arith.muli %add3A, %mul3A_1 : i32
    "tpu.region"() ({
      %run_scoped3A = tpu.sem_alloc : memref<!tpu.dma_semaphore, #tpu.memory_space<semaphore_mem>>
      tpu.enqueue_dma source(%arg9 : memref<144xf32, #tpu.memory_space<hbm>>) target(%arg29 : memref<144xf32, #tpu.memory_space<vmem>>) target_semaphore(%run_scoped3A : memref<!tpu.dma_semaphore, #tpu.memory_space<semaphore_mem>>)
      tpu.wait_dma2 semaphore(%run_scoped3A : memref<!tpu.dma_semaphore, #tpu.memory_space<semaphore_mem>>) src(%arg9 : memref<144xf32, #tpu.memory_space<hbm>>) dst(%arg29 : memref<144xf32, #tpu.memory_space<vmem>>)
      tpu.yield
    }) : () -> ()
    %get3A = arith.constant 0 : index
    %get3A_3 = tpu.vector_load %arg29[%get3A] {strides = array<i32>} : memref<144xf32, #tpu.memory_space<vmem>>, vector<16xf32>,
    %get3A_4 = arith.constant 16 : index
    %get3A_5 = tpu.vector_load %arg29[%get3A_4] {strides = array<i32>} : memref<144xf32, #tpu.memory_space<vmem>>, vector<16xf32>,
    %get3A_6 = arith.constant 32 : index
    %get3A_7 = tpu.vector_load %arg29[%get3A_6] {strides = array<i32>} : memref<144xf32, #tpu.memory_space<vmem>>, vector<16xf32>,
    %get3A_8 = arith.constant 48 : index
    %get3A_9 = tpu.vector_load %arg29[%get3A_8] {strides = array<i32>} : memref<144xf32, #tpu.memory_space<vmem>>, vector<16xf32>,
    %get3A_10 = arith.constant 64 : index
    %get3A_11 = tpu.vector_load %arg29[%get3A_10] {strides = array<i32>} : memref<144xf32, #tpu.memory_space<vmem>>, vector<16xf32>,
    %get3A_12 = arith.constant 80 : index
    %get3A_13 = tpu.vector_load %arg29[%get3A_12] {strides = array<i32>} : memref<144xf32, #tpu.memory_space<vmem>>, vector<16xf32>,
    %get3A_14 = arith.constant 96 : index
    %get3A_15 = tpu.vector_load %arg29[%get3A_14] {strides = array<i32>} : memref<144xf32, #tpu.memory_space<vmem>>, vector<16xf32>,
    %get3A_16 = arith.constant 112 : index
    %get3A_17 = tpu.vector_load %arg29[%get3A_16] {strides = array<i32>} : memref<144xf32, #tpu.memory_space<vmem>>, vector<16xf32>,
    %get3A_18 = arith.constant 128 : index
    %get3A_19 = tpu.vector_load %arg29[%get3A_18] {strides = array<i32>} : memref<144xf32, #tpu.memory_space<vmem>>, vector<16xf32>,
    %add3A_20 = arith.constant 0 : i32
    %add3A_21 = arith.addi %mul3A_2, %add3A_20 : i32
    %dma_start3A = tpu.memref_slice %arg2[%add3A_21] : memref<320000xi32, #tpu.memory_space<hbm>> -> memref<40xi32, #tpu.memory_space<hbm>>
    %dma_start3A_22 = tpu.memref_slice %arg2[%add3A_21] : memref<320000xi32, #tpu.memory_space<hbm>> -> memref<40xi32, #tpu.memory_space<hbm>>
    tpu.enqueue_dma source(%dma_start3A_22 : memref<40xi32, #tpu.memory_space<hbm>>) target(%arg11 : memref<40xi32, #tpu.memory_space<vmem>>) target_semaphore(%arg31 : memref<!tpu.dma_semaphore, #tpu.memory_space<semaphore_mem>>)
    %dma_start3A_23 = tpu.memref_slice %arg3[%add3A_21] : memref<320000xi32, #tpu.memory_space<hbm>> -> memref<40xi32, #tpu.memory_space<hbm>>
    %dma_start3A_24 = tpu.memref_slice %arg3[%add3A_21] : memref<320000xi32, #tpu.memory_space<hbm>> -> memref<40xi32, #tpu.memory_space<hbm>>
    tpu.enqueue_dma source(%dma_start3A_24 : memref<40xi32, #tpu.memory_space<hbm>>) target(%arg13 : memref<40xi32, #tpu.memory_space<vmem>>) target_semaphore(%arg31 : memref<!tpu.dma_semaphore, #tpu.memory_space<semaphore_mem>>)
    %dma_start3A_25 = tpu.memref_slice %arg4[%add3A_21] : memref<320000xi32, #tpu.memory_space<hbm>> -> memref<40xi32, #tpu.memory_space<hbm>>
    %dma_start3A_26 = tpu.memref_slice %arg4[%add3A_21] : memref<320000xi32, #tpu.memory_space<hbm>> -> memref<40xi32, #tpu.memory_space<hbm>>
    tpu.enqueue_dma source(%dma_start3A_26 : memref<40xi32, #tpu.memory_space<hbm>>) target(%arg15 : memref<40xi32, #tpu.memory_space<vmem>>) target_semaphore(%arg31 : memref<!tpu.dma_semaphore, #tpu.memory_space<semaphore_mem>>)
    %dma_start3A_27 = tpu.memref_slice %arg5[%add3A_21] : memref<320000xi32, #tpu.memory_space<hbm>> -> memref<40xi32, #tpu.memory_space<hbm>>
    %dma_start3A_28 = tpu.memref_slice %arg5[%add3A_21] : memref<320000xi32, #tpu.memory_space<hbm>> -> memref<40xi32, #tpu.memory_space<hbm>>
    tpu.enqueue_dma source(%dma_start3A_28 : memref<40xi32, #tpu.memory_space<hbm>>) target(%arg17 : memref<40xi32, #tpu.memory_space<vmem>>) target_semaphore(%arg31 : memref<!tpu.dma_semaphore, #tpu.memory_space<semaphore_mem>>)
    %broadcast_in_dim3A = arith.constant 0.000000e+00 : f32
    %broadcast_in_dim3A_29 = vector.broadcast %broadcast_in_dim3A : f32 to vector<16xf32>
    %swap3A = arith.constant 0 : i32
    %swap3A_30 = arith.index_cast %swap3A : i32 to index
    %swap3A_31 = arith.constant 0 : index
    %swap3A_32 = tpu.vector_load %arg27[%swap3A_30, %swap3A_31] {strides = array<i32>} : memref<40x128xf32, #tpu.memory_space<vmem>>, vector<16xf32>,
    tpu.vector_store %arg27[%swap3A_30, %swap3A_31], %broadcast_in_dim3A_29 {strides = array<i32>} : memref<40x128xf32, #tpu.memory_space<vmem>>, vector<16xf32>,
    %swap3A_33 = arith.constant 0 : i32
    %swap3A_34 = arith.index_cast %swap3A_33 : i32 to index
    %swap3A_35 = arith.constant 16 : index
    %swap3A_36 = tpu.vector_load %arg27[%swap3A_34, %swap3A_35] {strides = array<i32>} : memref<40x128xf32, #tpu.memory_space<vmem>>, vector<16xf32>,
    tpu.vector_store %arg27[%swap3A_34, %swap3A_35], %broadcast_in_dim3A_29 {strides = array<i32>} : memref<40x128xf32, #tpu.memory_space<vmem>>, vector<16xf32>,
    %swap3A_37 = arith.constant 0 : i32
    %swap3A_38 = arith.index_cast %swap3A_37 : i32 to index
    %swap3A_39 = arith.constant 32 : index
    %swap3A_40 = tpu.vector_load %arg27[%swap3A_38, %swap3A_39] {strides = array<i32>} : memref<40x128xf32, #tpu.memory_space<vmem>>, vector<16xf32>,
    tpu.vector_store %arg27[%swap3A_38, %swap3A_39], %broadcast_in_dim3A_29 {strides = array<i32>} : memref<40x128xf32, #tpu.memory_space<vmem>>, vector<16xf32>,
    %swap3A_41 = arith.constant 0 : i32
    %swap3A_42 = arith.index_cast %swap3A_41 : i32 to index
    %swap3A_43 = arith.constant 48 : index
    %swap3A_44 = tpu.vector_load %arg27[%swap3A_42, %swap3A_43] {strides = array<i32>} : memref<40x128xf32, #tpu.memory_space<vmem>>, vector<16xf32>,
    tpu.vector_store %arg27[%swap3A_42, %swap3A_43], %broadcast_in_dim3A_29 {strides = array<i32>} : memref<40x128xf32, #tpu.memory_space<vmem>>, vector<16xf32>,
    %swap3A_45 = arith.constant 0 : i32
    %swap3A_46 = arith.index_cast %swap3A_45 : i32 to index
    %swap3A_47 = arith.constant 64 : index
    %swap3A_48 = tpu.vector_load %arg27[%swap3A_46, %swap3A_47] {strides = array<i32>} : memref<40x128xf32, #tpu.memory_space<vmem>>, vector<16xf32>,
    tpu.vector_store %arg27[%swap3A_46, %swap3A_47], %broadcast_in_dim3A_29 {strides = array<i32>} : memref<40x128xf32, #tpu.memory_space<vmem>>, vector<16xf32>,
    %swap3A_49 = arith.constant 0 : i32
    %swap3A_50 = arith.index_cast %swap3A_49 : i32 to index
    %swap3A_51 = arith.constant 80 : index
    %swap3A_52 = tpu.vector_load %arg27[%swap3A_50, %swap3A_51] {strides = array<i32>} : memref<40x128xf32, #tpu.memory_space<vmem>>, vector<16xf32>,
    tpu.vector_store %arg27[%swap3A_50, %swap3A_51], %broadcast_in_dim3A_29 {strides = array<i32>} : memref<40x128xf32, #tpu.memory_space<vmem>>, vector<16xf32>,
    %swap3A_53 = arith.constant 0 : i32
    %swap3A_54 = arith.index_cast %swap3A_53 : i32 to index
    %swap3A_55 = arith.constant 96 : index
    %swap3A_56 = tpu.vector_load %arg27[%swap3A_54, %swap3A_55] {strides = array<i32>} : memref<40x128xf32, #tpu.memory_space<vmem>>, vector<16xf32>,
    tpu.vector_store %arg27[%swap3A_54, %swap3A_55], %broadcast_in_dim3A_29 {strides = array<i32>} : memref<40x128xf32, #tpu.memory_space<vmem>>, vector<16xf32>,
    %swap3A_57 = arith.constant 0 : i32
    %swap3A_58 = arith.index_cast %swap3A_57 : i32 to index
    %swap3A_59 = arith.constant 112 : index
    %swap3A_60 = tpu.vector_load %arg27[%swap3A_58, %swap3A_59] {strides = array<i32>} : memref<40x128xf32, #tpu.memory_space<vmem>>, vector<16xf32>,
    tpu.vector_store %arg27[%swap3A_58, %swap3A_59], %broadcast_in_dim3A_29 {strides = array<i32>} : memref<40x128xf32, #tpu.memory_space<vmem>>, vector<16xf32>,
    %swap3A_61 = arith.constant 1 : i32
    %swap3A_62 = arith.index_cast %swap3A_61 : i32 to index
    %swap3A_63 = arith.constant 0 : index
    %swap3A_64 = tpu.vector_load %arg27[%swap3A_62, %swap3A_63] {strides = array<i32>} : memref<40x128xf32, #tpu.memory_space<vmem>>, vector<16xf32>,
    tpu.vector_store %arg27[%swap3A_62, %swap3A_63], %broadcast_in_dim3A_29 {strides = array<i32>} : memref<40x128xf32, #tpu.memory_space<vmem>>, vector<16xf32>,
    %swap3A_65 = arith.constant 1 : i32
    %swap3A_66 = arith.index_cast %swap3A_65 : i32 to index
    %swap3A_67 = arith.constant 16 : index
    %swap3A_68 = tpu.vector_load %arg27[%swap3A_66, %swap3A_67] {strides = array<i32>} : memref<40x128xf32, #tpu.memory_space<vmem>>, vector<16xf32>,
    tpu.vector_store %arg27[%swap3A_66, %swap3A_67], %broadcast_in_dim3A_29 {strides = array<i32>} : memref<40x128xf32, #tpu.memory_space<vmem>>, vector<16xf32>,
    %swap3A_69 = arith.constant 1 : i32
    %swap3A_70 = arith.index_cast %swap3A_69 : i32 to index
    %swap3A_71 = arith.constant 32 : index
    %swap3A_72 = tpu.vector_load %arg27[%swap3A_70, %swap3A_71] {strides = array<i32>} : memref<40x128xf32, #tpu.memory_space<vmem>>, vector<16xf32>,
    tpu.vector_store %arg27[%swap3A_70, %swap3A_71], %broadcast_in_dim3A_29 {strides = array<i32>} : memref<40x128xf32, #tpu.memory_space<vmem>>, vector<16xf32>,
    %swap3A_73 = arith.constant 1 : i32
    %swap3A_74 = arith.index_cast %swap3A_73 : i32 to index
    %swap3A_75 = arith.constant 48 : index
    %swap3A_76 = tpu.vector_load %arg27[%swap3A_74, %swap3A_75] {strides = array<i32>} : memref<40x128xf32, #tpu.memory_space<vmem>>, vector<16xf32>,
    tpu.vector_store %arg27[%swap3A_74, %swap3A_75], %broadcast_in_dim3A_29 {strides = array<i32>} : memref<40x128xf32, #tpu.memory_space<vmem>>, vector<16xf32>,
    %swap3A_77 = arith.constant 1 : i32
    %swap3A_78 = arith.index_cast %swap3A_77 : i32 to index
    %swap3A_79 = arith.constant 64 : index
    %swap3A_80 = tpu.vector_load %arg27[%swap3A_78, %swap3A_79] {strides = array<i32>} : memref<40x128xf32, #tpu.memory_space<vmem>>, vector<16xf32>,
    tpu.vector_store %arg27[%swap3A_78, %swap3A_79], %broadcast_in_dim3A_29 {strides = array<i32>} : memref<40x128xf32, #tpu.memory_space<vmem>>, vector<16xf32>,
    %swap3A_81 = arith.constant 1 : i32
    %swap3A_82 = arith.index_cast %swap3A_81 : i32 to index
    %swap3A_83 = arith.constant 80 : index
    %swap3A_84 = tpu.vector_load %arg27[%swap3A_82, %swap3A_83] {strides = array<i32>} : memref<40x128xf32, #tpu.memory_space<vmem>>, vector<16xf32>,
    tpu.vector_store %arg27[%swap3A_82, %swap3A_83], %broadcast_in_dim3A_29 {strides = array<i32>} : memref<40x128xf32, #tpu.memory_space<vmem>>, vector<16xf32>,
    %swap3A_85 = arith.constant 1 : i32
    %swap3A_86 = arith.index_cast %swap3A_85 : i32 to index
    %swap3A_87 = arith.constant 96 : index
    %swap3A_88 = tpu.vector_load %arg27[%swap3A_86, %swap3A_87] {strides = array<i32>} : memref<40x128xf32, #tpu.memory_space<vmem>>, vector<16xf32>,
    tpu.vector_store %arg27[%swap3A_86, %swap3A_87], %broadcast_in_dim3A_29 {strides = array<i32>} : memref<40x128xf32, #tpu.memory_space<vmem>>, vector<16xf32>,
    %swap3A_89 = arith.constant 1 : i32
    %swap3A_90 = arith.index_cast %swap3A_89 : i32 to index
    %swap3A_91 = arith.constant 112 : index
    %swap3A_92 = tpu.vector_load %arg27[%swap3A_90, %swap3A_91] {strides = array<i32>} : memref<40x128xf32, #tpu.memory_space<vmem>>, vector<16xf32>,
    tpu.vector_store %arg27[%swap3A_90, %swap3A_91], %broadcast_in_dim3A_29 {strides = array<i32>} : memref<40x128xf32, #tpu.memory_space<vmem>>, vector<16xf32>,
    %swap3A_93 = arith.constant 2 : i32
    %swap3A_94 = arith.index_cast %swap3A_93 : i32 to index
    %swap3A_95 = arith.constant 0 : index
    %swap3A_96 = tpu.vector_load %arg27[%swap3A_94, %swap3A_95] {strides = array<i32>} : memref<40x128xf32, #tpu.memory_space<vmem>>, vector<16xf32>,
    tpu.vector_store %arg27[%swap3A_94, %swap3A_95], %broadcast_in_dim3A_29 {strides = array<i32>} : memref<40x128xf32, #tpu.memory_space<vmem>>, vector<16xf32>,
    %swap3A_97 = arith.constant 2 : i32
    %swap3A_98 = arith.index_cast %swap3A_97 : i32 to index
    %swap3A_99 = arith.constant 16 : index
    %swap3A_100 = tpu.vector_load %arg27[%swap3A_98, %swap3A_99] {strides = array<i32>} : memref<40x128xf32, #tpu.memory_space<vmem>>, vector<16xf32>,
    tpu.vector_store %arg27[%swap3A_98, %swap3A_99], %broadcast_in_dim3A_29 {strides = array<i32>} : memref<40x128xf32, #tpu.memory_space<vmem>>, vector<16xf32>,
    %swap3A_101 = arith.constant 2 : i32
    %swap3A_102 = arith.index_cast %swap3A_101 : i32 to index
    %swap3A_103 = arith.constant 32 : index
    %swap3A_104 = tpu.vector_load %arg27[%swap3A_102, %swap3A_103] {strides = array<i32>} : memref<40x128xf32, #tpu.memory_space<vmem>>, vector<16xf32>,
    tpu.vector_store %arg27[%swap3A_102, %swap3A_103], %broadcast_in_dim3A_29 {strides = array<i32>} : memref<40x128xf32, #tpu.memory_space<vmem>>, vector<16xf32>,
    %swap3A_105 = arith.constant 2 : i32
    %swap3A_106 = arith.index_cast %swap3A_105 : i32 to index
    %swap3A_107 = arith.constant 48 : index
    %swap3A_108 = tpu.vector_load %arg27[%swap3A_106, %swap3A_107] {strides = array<i32>} : memref<40x128xf32, #tpu.memory_space<vmem>>, vector<16xf32>,
    tpu.vector_store %arg27[%swap3A_106, %swap3A_107], %broadcast_in_dim3A_29 {strides = array<i32>} : memref<40x128xf32, #tpu.memory_space<vmem>>, vector<16xf32>,
    %swap3A_109 = arith.constant 2 : i32
    %swap3A_110 = arith.index_cast %swap3A_109 : i32 to index
    %swap3A_111 = arith.constant 64 : index
    %swap3A_112 = tpu.vector_load %arg27[%swap3A_110, %swap3A_111] {strides = array<i32>} : memref<40x128xf32, #tpu.memory_space<vmem>>, vector<16xf32>,
    tpu.vector_store %arg27[%swap3A_110, %swap3A_111], %broadcast_in_dim3A_29 {strides = array<i32>} : memref<40x128xf32, #tpu.memory_space<vmem>>, vector<16xf32>,
    %swap3A_113 = arith.constant 2 : i32
    %swap3A_114 = arith.index_cast %swap3A_113 : i32 to index
    %swap3A_115 = arith.constant 80 : index
    %swap3A_116 = tpu.vector_load %arg27[%swap3A_114, %swap3A_115] {strides = array<i32>} : memref<40x128xf32, #tpu.memory_space<vmem>>, vector<16xf32>,
    tpu.vector_store %arg27[%swap3A_114, %swap3A_115], %broadcast_in_dim3A_29 {strides = array<i32>} : memref<40x128xf32, #tpu.memory_space<vmem>>, vector<16xf32>,
    %swap3A_117 = arith.constant 2 : i32
    %swap3A_118 = arith.index_cast %swap3A_117 : i32 to index
    %swap3A_119 = arith.constant 96 : index
    %swap3A_120 = tpu.vector_load %arg27[%swap3A_118, %swap3A_119] {strides = array<i32>} : memref<40x128xf32, #tpu.memory_space<vmem>>, vector<16xf32>,
    tpu.vector_store %arg27[%swap3A_118, %swap3A_119], %broadcast_in_dim3A_29 {strides = array<i32>} : memref<40x128xf32, #tpu.memory_space<vmem>>, vector<16xf32>,
    %swap3A_121 = arith.constant 2 : i32
    %swap3A_122 = arith.index_cast %swap3A_121 : i32 to index
    %swap3A_123 = arith.constant 112 : index
    %swap3A_124 = tpu.vector_load %arg27[%swap3A_122, %swap3A_123] {strides = array<i32>} : memref<40x128xf32, #tpu.memory_space<vmem>>, vector<16xf32>,
    tpu.vector_store %arg27[%swap3A_122, %swap3A_123], %broadcast_in_dim3A_29 {strides = array<i32>} : memref<40x128xf32, #tpu.memory_space<vmem>>, vector<16xf32>,
    %swap3A_125 = arith.constant 3 : i32
    %swap3A_126 = arith.index_cast %swap3A_125 : i32 to index
    %swap3A_127 = arith.constant 0 : index
    %swap3A_128 = tpu.vector_load %arg27[%swap3A_126, %swap3A_127] {strides = array<i32>} : memref<40x128xf32, #tpu.memory_space<vmem>>, vector<16xf32>,
    tpu.vector_store %arg27[%swap3A_126, %swap3A_127], %broadcast_in_dim3A_29 {strides = array<i32>} : memref<40x128xf32, #tpu.memory_space<vmem>>, vector<16xf32>,
    %swap3A_129 = arith.constant 3 : i32
    %swap3A_130 = arith.index_cast %swap3A_129 : i32 to index
    %swap3A_131 = arith.constant 16 : index
    %swap3A_132 = tpu.vector_load %arg27[%swap3A_130, %swap3A_131] {strides = array<i32>} : memref<40x128xf32, #tpu.memory_space<vmem>>, vector<16xf32>,
    tpu.vector_store %arg27[%swap3A_130, %swap3A_131], %broadcast_in_dim3A_29 {strides = array<i32>} : memref<40x128xf32, #tpu.memory_space<vmem>>, vector<16xf32>,
    %swap3A_133 = arith.constant 3 : i32
    %swap3A_134 = arith.index_cast %swap3A_133 : i32 to index
    %swap3A_135 = arith.constant 32 : index
    %swap3A_136 = tpu.vector_load %arg27[%swap3A_134, %swap3A_135] {strides = array<i32>} : memref<40x128xf32, #tpu.memory_space<vmem>>, vector<16xf32>,
    tpu.vector_store %arg27[%swap3A_134, %swap3A_135], %broadcast_in_dim3A_29 {strides = array<i32>} : memref<40x128xf32, #tpu.memory_space<vmem>>, vector<16xf32>,
    %swap3A_137 = arith.constant 3 : i32
    %swap3A_138 = arith.index_cast %swap3A_137 : i32 to index
    %swap3A_139 = arith.constant 48 : index
    %swap3A_140 = tpu.vector_load %arg27[%swap3A_138, %swap3A_139] {strides = array<i32>} : memref<40x128xf32, #tpu.memory_space<vmem>>, vector<16xf32>,
    tpu.vector_store %arg27[%swap3A_138, %swap3A_139], %broadcast_in_dim3A_29 {strides = array<i32>} : memref<40x128xf32, #tpu.memory_space<vmem>>, vector<16xf32>,
    %swap3A_141 = arith.constant 3 : i32
    %swap3A_142 = arith.index_cast %swap3A_141 : i32 to index
    %swap3A_143 = arith.constant 64 : index
    %swap3A_144 = tpu.vector_load %arg27[%swap3A_142, %swap3A_143] {strides = array<i32>} : memref<40x128xf32, #tpu.memory_space<vmem>>, vector<16xf32>,
    tpu.vector_store %arg27[%swap3A_142, %swap3A_143], %broadcast_in_dim3A_29 {strides = array<i32>} : memref<40x128xf32, #tpu.memory_space<vmem>>, vector<16xf32>,
    %swap3A_145 = arith.constant 3 : i32
    %swap3A_146 = arith.index_cast %swap3A_145 : i32 to index
    %swap3A_147 = arith.constant 80 : index
    %swap3A_148 = tpu.vector_load %arg27[%swap3A_146, %swap3A_147] {strides = array<i32>} : memref<40x128xf32, #tpu.memory_space<vmem>>, vector<16xf32>,
    tpu.vector_store %arg27[%swap3A_146, %swap3A_147], %broadcast_in_dim3A_29 {strides = array<i32>} : memref<40x128xf32, #tpu.memory_space<vmem>>, vector<16xf32>,
    %swap3A_149 = arith.constant 3 : i32
    %swap3A_150 = arith.index_cast %swap3A_149 : i32 to index
    %swap3A_151 = arith.constant 96 : index
    %swap3A_152 = tpu.vector_load %arg27[%swap3A_150, %swap3A_151] {strides = array<i32>} : memref<40x128xf32, #tpu.memory_space<vmem>>, vector<16xf32>,
    tpu.vector_store %arg27[%swap3A_150, %swap3A_151], %broadcast_in_dim3A_29 {strides = array<i32>} : memref<40x128xf32, #tpu.memory_space<vmem>>, vector<16xf32>,
    %swap3A_153 = arith.constant 3 : i32
    %swap3A_154 = arith.index_cast %swap3A_153 : i32 to index
    %swap3A_155 = arith.constant 112 : index
    %swap3A_156 = tpu.vector_load %arg27[%swap3A_154, %swap3A_155] {strides = array<i32>} : memref<40x128xf32, #tpu.memory_space<vmem>>, vector<16xf32>,
    tpu.vector_store %arg27[%swap3A_154, %swap3A_155], %broadcast_in_dim3A_29 {strides = array<i32>} : memref<40x128xf32, #tpu.memory_space<vmem>>, vector<16xf32>,
    %swap3A_157 = arith.constant 4 : i32
    %swap3A_158 = arith.index_cast %swap3A_157 : i32 to index
    %swap3A_159 = arith.constant 0 : index
    %swap3A_160 = tpu.vector_load %arg27[%swap3A_158, %swap3A_159] {strides = array<i32>} : memref<40x128xf32, #tpu.memory_space<vmem>>, vector<16xf32>,
    tpu.vector_store %arg27[%swap3A_158, %swap3A_159], %broadcast_in_dim3A_29 {strides = array<i32>} : memref<40x128xf32, #tpu.memory_space<vmem>>, vector<16xf32>,
    %swap3A_161 = arith.constant 4 : i32
    %swap3A_162 = arith.index_cast %swap3A_161 : i32 to index
    %swap3A_163 = arith.constant 16 : index
    %swap3A_164 = tpu.vector_load %arg27[%swap3A_162, %swap3A_163] {strides = array<i32>} : memref<40x128xf32, #tpu.memory_space<vmem>>, vector<16xf32>,
    tpu.vector_store %arg27[%swap3A_162, %swap3A_163], %broadcast_in_dim3A_29 {strides = array<i32>} : memref<40x128xf32, #tpu.memory_space<vmem>>, vector<16xf32>,
    %swap3A_165 = arith.constant 4 : i32
    %swap3A_166 = arith.index_cast %swap3A_165 : i32 to index
    %swap3A_167 = arith.constant 32 : index
    %swap3A_168 = tpu.vector_load %arg27[%swap3A_166, %swap3A_167] {strides = array<i32>} : memref<40x128xf32, #tpu.memory_space<vmem>>, vector<16xf32>,
    tpu.vector_store %arg27[%swap3A_166, %swap3A_167], %broadcast_in_dim3A_29 {strides = array<i32>} : memref<40x128xf32, #tpu.memory_space<vmem>>, vector<16xf32>,
    %swap3A_169 = arith.constant 4 : i32
    %swap3A_170 = arith.index_cast %swap3A_169 : i32 to index
    %swap3A_171 = arith.constant 48 : index
    %swap3A_172 = tpu.vector_load %arg27[%swap3A_170, %swap3A_171] {strides = array<i32>} : memref<40x128xf32, #tpu.memory_space<vmem>>, vector<16xf32>,
    tpu.vector_store %arg27[%swap3A_170, %swap3A_171], %broadcast_in_dim3A_29 {strides = array<i32>} : memref<40x128xf32, #tpu.memory_space<vmem>>, vector<16xf32>,
    %swap3A_173 = arith.constant 4 : i32
    %swap3A_174 = arith.index_cast %swap3A_173 : i32 to index
    %swap3A_175 = arith.constant 64 : index
    %swap3A_176 = tpu.vector_load %arg27[%swap3A_174, %swap3A_175] {strides = array<i32>} : memref<40x128xf32, #tpu.memory_space<vmem>>, vector<16xf32>,
    tpu.vector_store %arg27[%swap3A_174, %swap3A_175], %broadcast_in_dim3A_29 {strides = array<i32>} : memref<40x128xf32, #tpu.memory_space<vmem>>, vector<16xf32>,
    %swap3A_177 = arith.constant 4 : i32
    %swap3A_178 = arith.index_cast %swap3A_177 : i32 to index
    %swap3A_179 = arith.constant 80 : index
    %swap3A_180 = tpu.vector_load %arg27[%swap3A_178, %swap3A_179] {strides = array<i32>} : memref<40x128xf32, #tpu.memory_space<vmem>>, vector<16xf32>,
    tpu.vector_store %arg27[%swap3A_178, %swap3A_179], %broadcast_in_dim3A_29 {strides = array<i32>} : memref<40x128xf32, #tpu.memory_space<vmem>>, vector<16xf32>,
    %swap3A_181 = arith.constant 4 : i32
    %swap3A_182 = arith.index_cast %swap3A_181 : i32 to index
    %swap3A_183 = arith.constant 96 : index
    %swap3A_184 = tpu.vector_load %arg27[%swap3A_182, %swap3A_183] {strides = array<i32>} : memref<40x128xf32, #tpu.memory_space<vmem>>, vector<16xf32>,
    tpu.vector_store %arg27[%swap3A_182, %swap3A_183], %broadcast_in_dim3A_29 {strides = array<i32>} : memref<40x128xf32, #tpu.memory_space<vmem>>, vector<16xf32>,
    %swap3A_185 = arith.constant 4 : i32
    %swap3A_186 = arith.index_cast %swap3A_185 : i32 to index
    %swap3A_187 = arith.constant 112 : index
    %swap3A_188 = tpu.vector_load %arg27[%swap3A_186, %swap3A_187] {strides = array<i32>} : memref<40x128xf32, #tpu.memory_space<vmem>>, vector<16xf32>,
    tpu.vector_store %arg27[%swap3A_186, %swap3A_187], %broadcast_in_dim3A_29 {strides = array<i32>} : memref<40x128xf32, #tpu.memory_space<vmem>>, vector<16xf32>,
    %swap3A_189 = arith.constant 5 : i32
    %swap3A_190 = arith.index_cast %swap3A_189 : i32 to index
    %swap3A_191 = arith.constant 0 : index
    %swap3A_192 = tpu.vector_load %arg27[%swap3A_190, %swap3A_191] {strides = array<i32>} : memref<40x128xf32, #tpu.memory_space<vmem>>, vector<16xf32>,
    tpu.vector_store %arg27[%swap3A_190, %swap3A_191], %broadcast_in_dim3A_29 {strides = array<i32>} : memref<40x128xf32, #tpu.memory_space<vmem>>, vector<16xf32>,
    %swap3A_193 = arith.constant 5 : i32
    %swap3A_194 = arith.index_cast %swap3A_193 : i32 to index
    %swap3A_195 = arith.constant 16 : index
    %swap3A_196 = tpu.vector_load %arg27[%swap3A_194, %swap3A_195] {strides = array<i32>} : memref<40x128xf32, #tpu.memory_space<vmem>>, vector<16xf32>,
    tpu.vector_store %arg27[%swap3A_194, %swap3A_195], %broadcast_in_dim3A_29 {strides = array<i32>} : memref<40x128xf32, #tpu.memory_space<vmem>>, vector<16xf32>,
    %swap3A_197 = arith.constant 5 : i32
    %swap3A_198 = arith.index_cast %swap3A_197 : i32 to index
    %swap3A_199 = arith.constant 32 : index
    %swap3A_200 = tpu.vector_load %arg27[%swap3A_198, %swap3A_199] {strides = array<i32>} : memref<40x128xf32, #tpu.memory_space<vmem>>, vector<16xf32>,
    tpu.vector_store %arg27[%swap3A_198, %swap3A_199], %broadcast_in_dim3A_29 {strides = array<i32>} : memref<40x128xf32, #tpu.memory_space<vmem>>, vector<16xf32>,
    %swap3A_201 = arith.constant 5 : i32
    %swap3A_202 = arith.index_cast %swap3A_201 : i32 to index
    %swap3A_203 = arith.constant 48 : index
    %swap3A_204 = tpu.vector_load %arg27[%swap3A_202, %swap3A_203] {strides = array<i32>} : memref<40x128xf32, #tpu.memory_space<vmem>>, vector<16xf32>,
    tpu.vector_store %arg27[%swap3A_202, %swap3A_203], %broadcast_in_dim3A_29 {strides = array<i32>} : memref<40x128xf32, #tpu.memory_space<vmem>>, vector<16xf32>,
    %swap3A_205 = arith.constant 5 : i32
    %swap3A_206 = arith.index_cast %swap3A_205 : i32 to index
    %swap3A_207 = arith.constant 64 : index
    %swap3A_208 = tpu.vector_load %arg27[%swap3A_206, %swap3A_207] {strides = array<i32>} : memref<40x128xf32, #tpu.memory_space<vmem>>, vector<16xf32>,
    tpu.vector_store %arg27[%swap3A_206, %swap3A_207], %broadcast_in_dim3A_29 {strides = array<i32>} : memref<40x128xf32, #tpu.memory_space<vmem>>, vector<16xf32>,
    %swap3A_209 = arith.constant 5 : i32
    %swap3A_210 = arith.index_cast %swap3A_209 : i32 to index
    %swap3A_211 = arith.constant 80 : index
    %swap3A_212 = tpu.vector_load %arg27[%swap3A_210, %swap3A_211] {strides = array<i32>} : memref<40x128xf32, #tpu.memory_space<vmem>>, vector<16xf32>,
    tpu.vector_store %arg27[%swap3A_210, %swap3A_211], %broadcast_in_dim3A_29 {strides = array<i32>} : memref<40x128xf32, #tpu.memory_space<vmem>>, vector<16xf32>,
    %swap3A_213 = arith.constant 5 : i32
    %swap3A_214 = arith.index_cast %swap3A_213 : i32 to index
    %swap3A_215 = arith.constant 96 : index
    %swap3A_216 = tpu.vector_load %arg27[%swap3A_214, %swap3A_215] {strides = array<i32>} : memref<40x128xf32, #tpu.memory_space<vmem>>, vector<16xf32>,
    tpu.vector_store %arg27[%swap3A_214, %swap3A_215], %broadcast_in_dim3A_29 {strides = array<i32>} : memref<40x128xf32, #tpu.memory_space<vmem>>, vector<16xf32>,
    %swap3A_217 = arith.constant 5 : i32
    %swap3A_218 = arith.index_cast %swap3A_217 : i32 to index
    %swap3A_219 = arith.constant 112 : index
    %swap3A_220 = tpu.vector_load %arg27[%swap3A_218, %swap3A_219] {strides = array<i32>} : memref<40x128xf32, #tpu.memory_space<vmem>>, vector<16xf32>,
    tpu.vector_store %arg27[%swap3A_218, %swap3A_219], %broadcast_in_dim3A_29 {strides = array<i32>} : memref<40x128xf32, #tpu.memory_space<vmem>>, vector<16xf32>,
    %swap3A_221 = arith.constant 6 : i32
    %swap3A_222 = arith.index_cast %swap3A_221 : i32 to index
    %swap3A_223 = arith.constant 0 : index
    %swap3A_224 = tpu.vector_load %arg27[%swap3A_222, %swap3A_223] {strides = array<i32>} : memref<40x128xf32, #tpu.memory_space<vmem>>, vector<16xf32>,
    tpu.vector_store %arg27[%swap3A_222, %swap3A_223], %broadcast_in_dim3A_29 {strides = array<i32>} : memref<40x128xf32, #tpu.memory_space<vmem>>, vector<16xf32>,
    %swap3A_225 = arith.constant 6 : i32
    %swap3A_226 = arith.index_cast %swap3A_225 : i32 to index
    %swap3A_227 = arith.constant 16 : index
    %swap3A_228 = tpu.vector_load %arg27[%swap3A_226, %swap3A_227] {strides = array<i32>} : memref<40x128xf32, #tpu.memory_space<vmem>>, vector<16xf32>,
    tpu.vector_store %arg27[%swap3A_226, %swap3A_227], %broadcast_in_dim3A_29 {strides = array<i32>} : memref<40x128xf32, #tpu.memory_space<vmem>>, vector<16xf32>,
    %swap3A_229 = arith.constant 6 : i32
    %swap3A_230 = arith.index_cast %swap3A_229 : i32 to index
    %swap3A_231 = arith.constant 32 : index
    %swap3A_232 = tpu.vector_load %arg27[%swap3A_230, %swap3A_231] {strides = array<i32>} : memref<40x128xf32, #tpu.memory_space<vmem>>, vector<16xf32>,
    tpu.vector_store %arg27[%swap3A_230, %swap3A_231], %broadcast_in_dim3A_29 {strides = array<i32>} : memref<40x128xf32, #tpu.memory_space<vmem>>, vector<16xf32>,
    %swap3A_233 = arith.constant 6 : i32
    %swap3A_234 = arith.index_cast %swap3A_233 : i32 to index
    %swap3A_235 = arith.constant 48 : index
    %swap3A_236 = tpu.vector_load %arg27[%swap3A_234, %swap3A_235] {strides = array<i32>} : memref<40x128xf32, #tpu.memory_space<vmem>>, vector<16xf32>,
    tpu.vector_store %arg27[%swap3A_234, %swap3A_235], %broadcast_in_dim3A_29 {strides = array<i32>} : memref<40x128xf32, #tpu.memory_space<vmem>>, vector<16xf32>,
    %swap3A_237 = arith.constant 6 : i32
    %swap3A_238 = arith.index_cast %swap3A_237 : i32 to index
    %swap3A_239 = arith.constant 64 : index
    %swap3A_240 = tpu.vector_load %arg27[%swap3A_238, %swap3A_239] {strides = array<i32>} : memref<40x128xf32, #tpu.memory_space<vmem>>, vector<16xf32>,
    tpu.vector_store %arg27[%swap3A_238, %swap3A_239], %broadcast_in_dim3A_29 {strides = array<i32>} : memref<40x128xf32, #tpu.memory_space<vmem>>, vector<16xf32>,
    %swap3A_241 = arith.constant 6 : i32
    %swap3A_242 = arith.index_cast %swap3A_241 : i32 to index
    %swap3A_243 = arith.constant 80 : index
    %swap3A_244 = tpu.vector_load %arg27[%swap3A_242, %swap3A_243] {strides = array<i32>} : memref<40x128xf32, #tpu.memory_space<vmem>>, vector<16xf32>,
    tpu.vector_store %arg27[%swap3A_242, %swap3A_243], %broadcast_in_dim3A_29 {strides = array<i32>} : memref<40x128xf32, #tpu.memory_space<vmem>>, vector<16xf32>,
    %swap3A_245 = arith.constant 6 : i32
    %swap3A_246 = arith.index_cast %swap3A_245 : i32 to index
    %swap3A_247 = arith.constant 96 : index
    %swap3A_248 = tpu.vector_load %arg27[%swap3A_246, %swap3A_247] {strides = array<i32>} : memref<40x128xf32, #tpu.memory_space<vmem>>, vector<16xf32>,
    tpu.vector_store %arg27[%swap3A_246, %swap3A_247], %broadcast_in_dim3A_29 {strides = array<i32>} : memref<40x128xf32, #tpu.memory_space<vmem>>, vector<16xf32>,
    %swap3A_249 = arith.constant 6 : i32
    %swap3A_250 = arith.index_cast %swap3A_249 : i32 to index
    %swap3A_251 = arith.constant 112 : index
    %swap3A_252 = tpu.vector_load %arg27[%swap3A_250, %swap3A_251] {strides = array<i32>} : memref<40x128xf32, #tpu.memory_space<vmem>>, vector<16xf32>,
    tpu.vector_store %arg27[%swap3A_250, %swap3A_251], %broadcast_in_dim3A_29 {strides = array<i32>} : memref<40x128xf32, #tpu.memory_space<vmem>>, vector<16xf32>,
    %swap3A_253 = arith.constant 7 : i32
    %swap3A_254 = arith.index_cast %swap3A_253 : i32 to index
    %swap3A_255 = arith.constant 0 : index
    %swap3A_256 = tpu.vector_load %arg27[%swap3A_254, %swap3A_255] {strides = array<i32>} : memref<40x128xf32, #tpu.memory_space<vmem>>, vector<16xf32>,
    tpu.vector_store %arg27[%swap3A_254, %swap3A_255], %broadcast_in_dim3A_29 {strides = array<i32>} : memref<40x128xf32, #tpu.memory_space<vmem>>, vector<16xf32>,
    %swap3A_257 = arith.constant 7 : i32
    %swap3A_258 = arith.index_cast %swap3A_257 : i32 to index
    %swap3A_259 = arith.constant 16 : index
    %swap3A_260 = tpu.vector_load %arg27[%swap3A_258, %swap3A_259] {strides = array<i32>} : memref<40x128xf32, #tpu.memory_space<vmem>>, vector<16xf32>,
    tpu.vector_store %arg27[%swap3A_258, %swap3A_259], %broadcast_in_dim3A_29 {strides = array<i32>} : memref<40x128xf32, #tpu.memory_space<vmem>>, vector<16xf32>,
    %swap3A_261 = arith.constant 7 : i32
    %swap3A_262 = arith.index_cast %swap3A_261 : i32 to index
    %swap3A_263 = arith.constant 32 : index
    %swap3A_264 = tpu.vector_load %arg27[%swap3A_262, %swap3A_263] {strides = array<i32>} : memref<40x128xf32, #tpu.memory_space<vmem>>, vector<16xf32>,
    tpu.vector_store %arg27[%swap3A_262, %swap3A_263], %broadcast_in_dim3A_29 {strides = array<i32>} : memref<40x128xf32, #tpu.memory_space<vmem>>, vector<16xf32>,
    %swap3A_265 = arith.constant 7 : i32
    %swap3A_266 = arith.index_cast %swap3A_265 : i32 to index
    %swap3A_267 = arith.constant 48 : index
    %swap3A_268 = tpu.vector_load %arg27[%swap3A_266, %swap3A_267] {strides = array<i32>} : memref<40x128xf32, #tpu.memory_space<vmem>>, vector<16xf32>,
    tpu.vector_store %arg27[%swap3A_266, %swap3A_267], %broadcast_in_dim3A_29 {strides = array<i32>} : memref<40x128xf32, #tpu.memory_space<vmem>>, vector<16xf32>,
    %swap3A_269 = arith.constant 7 : i32
    %swap3A_270 = arith.index_cast %swap3A_269 : i32 to index
    %swap3A_271 = arith.constant 64 : index
    %swap3A_272 = tpu.vector_load %arg27[%swap3A_270, %swap3A_271] {strides = array<i32>} : memref<40x128xf32, #tpu.memory_space<vmem>>, vector<16xf32>,
    tpu.vector_store %arg27[%swap3A_270, %swap3A_271], %broadcast_in_dim3A_29 {strides = array<i32>} : memref<40x128xf32, #tpu.memory_space<vmem>>, vector<16xf32>,
    %swap3A_273 = arith.constant 7 : i32
    %swap3A_274 = arith.index_cast %swap3A_273 : i32 to index
    %swap3A_275 = arith.constant 80 : index
    %swap3A_276 = tpu.vector_load %arg27[%swap3A_274, %swap3A_275] {strides = array<i32>} : memref<40x128xf32, #tpu.memory_space<vmem>>, vector<16xf32>,
    tpu.vector_store %arg27[%swap3A_274, %swap3A_275], %broadcast_in_dim3A_29 {strides = array<i32>} : memref<40x128xf32, #tpu.memory_space<vmem>>, vector<16xf32>,
    %swap3A_277 = arith.constant 7 : i32
    %swap3A_278 = arith.index_cast %swap3A_277 : i32 to index
    %swap3A_279 = arith.constant 96 : index
    %swap3A_280 = tpu.vector_load %arg27[%swap3A_278, %swap3A_279] {strides = array<i32>} : memref<40x128xf32, #tpu.memory_space<vmem>>, vector<16xf32>,
    tpu.vector_store %arg27[%swap3A_278, %swap3A_279], %broadcast_in_dim3A_29 {strides = array<i32>} : memref<40x128xf32, #tpu.memory_space<vmem>>, vector<16xf32>,
    %swap3A_281 = arith.constant 7 : i32
    %swap3A_282 = arith.index_cast %swap3A_281 : i32 to index
    %swap3A_283 = arith.constant 112 : index
    %swap3A_284 = tpu.vector_load %arg27[%swap3A_282, %swap3A_283] {strides = array<i32>} : memref<40x128xf32, #tpu.memory_space<vmem>>, vector<16xf32>,
    tpu.vector_store %arg27[%swap3A_282, %swap3A_283], %broadcast_in_dim3A_29 {strides = array<i32>} : memref<40x128xf32, #tpu.memory_space<vmem>>, vector<16xf32>,
    %swap3A_285 = arith.constant 8 : i32
    %swap3A_286 = arith.index_cast %swap3A_285 : i32 to index
    %swap3A_287 = arith.constant 0 : index
    %swap3A_288 = tpu.vector_load %arg27[%swap3A_286, %swap3A_287] {strides = array<i32>} : memref<40x128xf32, #tpu.memory_space<vmem>>, vector<16xf32>,
    tpu.vector_store %arg27[%swap3A_286, %swap3A_287], %broadcast_in_dim3A_29 {strides = array<i32>} : memref<40x128xf32, #tpu.memory_space<vmem>>, vector<16xf32>,
    %swap3A_289 = arith.constant 8 : i32
    %swap3A_290 = arith.index_cast %swap3A_289 : i32 to index
    %swap3A_291 = arith.constant 16 : index
    %swap3A_292 = tpu.vector_load %arg27[%swap3A_290, %swap3A_291] {strides = array<i32>} : memref<40x128xf32, #tpu.memory_space<vmem>>, vector<16xf32>,
    tpu.vector_store %arg27[%swap3A_290, %swap3A_291], %broadcast_in_dim3A_29 {strides = array<i32>} : memref<40x128xf32, #tpu.memory_space<vmem>>, vector<16xf32>,
    %swap3A_293 = arith.constant 8 : i32
    %swap3A_294 = arith.index_cast %swap3A_293 : i32 to index
    %swap3A_295 = arith.constant 32 : index
    %swap3A_296 = tpu.vector_load %arg27[%swap3A_294, %swap3A_295] {strides = array<i32>} : memref<40x128xf32, #tpu.memory_space<vmem>>, vector<16xf32>,
    tpu.vector_store %arg27[%swap3A_294, %swap3A_295], %broadcast_in_dim3A_29 {strides = array<i32>} : memref<40x128xf32, #tpu.memory_space<vmem>>, vector<16xf32>,
    %swap3A_297 = arith.constant 8 : i32
    %swap3A_298 = arith.index_cast %swap3A_297 : i32 to index
    %swap3A_299 = arith.constant 48 : index
    %swap3A_300 = tpu.vector_load %arg27[%swap3A_298, %swap3A_299] {strides = array<i32>} : memref<40x128xf32, #tpu.memory_space<vmem>>, vector<16xf32>,
    tpu.vector_store %arg27[%swap3A_298, %swap3A_299], %broadcast_in_dim3A_29 {strides = array<i32>} : memref<40x128xf32, #tpu.memory_space<vmem>>, vector<16xf32>,
    %swap3A_301 = arith.constant 8 : i32
    %swap3A_302 = arith.index_cast %swap3A_301 : i32 to index
    %swap3A_303 = arith.constant 64 : index
    %swap3A_304 = tpu.vector_load %arg27[%swap3A_302, %swap3A_303] {strides = array<i32>} : memref<40x128xf32, #tpu.memory_space<vmem>>, vector<16xf32>,
    tpu.vector_store %arg27[%swap3A_302, %swap3A_303], %broadcast_in_dim3A_29 {strides = array<i32>} : memref<40x128xf32, #tpu.memory_space<vmem>>, vector<16xf32>,
    %swap3A_305 = arith.constant 8 : i32
    %swap3A_306 = arith.index_cast %swap3A_305 : i32 to index
    %swap3A_307 = arith.constant 80 : index
    %swap3A_308 = tpu.vector_load %arg27[%swap3A_306, %swap3A_307] {strides = array<i32>} : memref<40x128xf32, #tpu.memory_space<vmem>>, vector<16xf32>,
    tpu.vector_store %arg27[%swap3A_306, %swap3A_307], %broadcast_in_dim3A_29 {strides = array<i32>} : memref<40x128xf32, #tpu.memory_space<vmem>>, vector<16xf32>,
    %swap3A_309 = arith.constant 8 : i32
    %swap3A_310 = arith.index_cast %swap3A_309 : i32 to index
    %swap3A_311 = arith.constant 96 : index
    %swap3A_312 = tpu.vector_load %arg27[%swap3A_310, %swap3A_311] {strides = array<i32>} : memref<40x128xf32, #tpu.memory_space<vmem>>, vector<16xf32>,
    tpu.vector_store %arg27[%swap3A_310, %swap3A_311], %broadcast_in_dim3A_29 {strides = array<i32>} : memref<40x128xf32, #tpu.memory_space<vmem>>, vector<16xf32>,
    %swap3A_313 = arith.constant 8 : i32
    %swap3A_314 = arith.index_cast %swap3A_313 : i32 to index
    %swap3A_315 = arith.constant 112 : index
    %swap3A_316 = tpu.vector_load %arg27[%swap3A_314, %swap3A_315] {strides = array<i32>} : memref<40x128xf32, #tpu.memory_space<vmem>>, vector<16xf32>,
    tpu.vector_store %arg27[%swap3A_314, %swap3A_315], %broadcast_in_dim3A_29 {strides = array<i32>} : memref<40x128xf32, #tpu.memory_space<vmem>>, vector<16xf32>,
    %swap3A_317 = arith.constant 9 : i32
    %swap3A_318 = arith.index_cast %swap3A_317 : i32 to index
    %swap3A_319 = arith.constant 0 : index
    %swap3A_320 = tpu.vector_load %arg27[%swap3A_318, %swap3A_319] {strides = array<i32>} : memref<40x128xf32, #tpu.memory_space<vmem>>, vector<16xf32>,
    tpu.vector_store %arg27[%swap3A_318, %swap3A_319], %broadcast_in_dim3A_29 {strides = array<i32>} : memref<40x128xf32, #tpu.memory_space<vmem>>, vector<16xf32>,
    %swap3A_321 = arith.constant 9 : i32
    %swap3A_322 = arith.index_cast %swap3A_321 : i32 to index
    %swap3A_323 = arith.constant 16 : index
    %swap3A_324 = tpu.vector_load %arg27[%swap3A_322, %swap3A_323] {strides = array<i32>} : memref<40x128xf32, #tpu.memory_space<vmem>>, vector<16xf32>,
    tpu.vector_store %arg27[%swap3A_322, %swap3A_323], %broadcast_in_dim3A_29 {strides = array<i32>} : memref<40x128xf32, #tpu.memory_space<vmem>>, vector<16xf32>,
    %swap3A_325 = arith.constant 9 : i32
    %swap3A_326 = arith.index_cast %swap3A_325 : i32 to index
    %swap3A_327 = arith.constant 32 : index
    %swap3A_328 = tpu.vector_load %arg27[%swap3A_326, %swap3A_327] {strides = array<i32>} : memref<40x128xf32, #tpu.memory_space<vmem>>, vector<16xf32>,
    tpu.vector_store %arg27[%swap3A_326, %swap3A_327], %broadcast_in_dim3A_29 {strides = array<i32>} : memref<40x128xf32, #tpu.memory_space<vmem>>, vector<16xf32>,
    %swap3A_329 = arith.constant 9 : i32
    %swap3A_330 = arith.index_cast %swap3A_329 : i32 to index
    %swap3A_331 = arith.constant 48 : index
    %swap3A_332 = tpu.vector_load %arg27[%swap3A_330, %swap3A_331] {strides = array<i32>} : memref<40x128xf32, #tpu.memory_space<vmem>>, vector<16xf32>,
    tpu.vector_store %arg27[%swap3A_330, %swap3A_331], %broadcast_in_dim3A_29 {strides = array<i32>} : memref<40x128xf32, #tpu.memory_space<vmem>>, vector<16xf32>,
    %swap3A_333 = arith.constant 9 : i32
    %swap3A_334 = arith.index_cast %swap3A_333 : i32 to index
    %swap3A_335 = arith.constant 64 : index
    %swap3A_336 = tpu.vector_load %arg27[%swap3A_334, %swap3A_335] {strides = array<i32>} : memref<40x128xf32, #tpu.memory_space<vmem>>, vector<16xf32>,
    tpu.vector_store %arg27[%swap3A_334, %swap3A_335], %broadcast_in_dim3A_29 {strides = array<i32>} : memref<40x128xf32, #tpu.memory_space<vmem>>, vector<16xf32>,
    %swap3A_337 = arith.constant 9 : i32
    %swap3A_338 = arith.index_cast %swap3A_337 : i32 to index
    %swap3A_339 = arith.constant 80 : index
    %swap3A_340 = tpu.vector_load %arg27[%swap3A_338, %swap3A_339] {strides = array<i32>} : memref<40x128xf32, #tpu.memory_space<vmem>>, vector<16xf32>,
    tpu.vector_store %arg27[%swap3A_338, %swap3A_339], %broadcast_in_dim3A_29 {strides = array<i32>} : memref<40x128xf32, #tpu.memory_space<vmem>>, vector<16xf32>,
    %swap3A_341 = arith.constant 9 : i32
    %swap3A_342 = arith.index_cast %swap3A_341 : i32 to index
    %swap3A_343 = arith.constant 96 : index
    %swap3A_344 = tpu.vector_load %arg27[%swap3A_342, %swap3A_343] {strides = array<i32>} : memref<40x128xf32, #tpu.memory_space<vmem>>, vector<16xf32>,
    tpu.vector_store %arg27[%swap3A_342, %swap3A_343], %broadcast_in_dim3A_29 {strides = array<i32>} : memref<40x128xf32, #tpu.memory_space<vmem>>, vector<16xf32>,
    %swap3A_345 = arith.constant 9 : i32
    %swap3A_346 = arith.index_cast %swap3A_345 : i32 to index
    %swap3A_347 = arith.constant 112 : index
    %swap3A_348 = tpu.vector_load %arg27[%swap3A_346, %swap3A_347] {strides = array<i32>} : memref<40x128xf32, #tpu.memory_space<vmem>>, vector<16xf32>,
    tpu.vector_store %arg27[%swap3A_346, %swap3A_347], %broadcast_in_dim3A_29 {strides = array<i32>} : memref<40x128xf32, #tpu.memory_space<vmem>>, vector<16xf32>,
    %swap3A_349 = arith.constant 10 : i32
    %swap3A_350 = arith.index_cast %swap3A_349 : i32 to index
    %swap3A_351 = arith.constant 0 : index
    %swap3A_352 = tpu.vector_load %arg27[%swap3A_350, %swap3A_351] {strides = array<i32>} : memref<40x128xf32, #tpu.memory_space<vmem>>, vector<16xf32>,
    tpu.vector_store %arg27[%swap3A_350, %swap3A_351], %broadcast_in_dim3A_29 {strides = array<i32>} : memref<40x128xf32, #tpu.memory_space<vmem>>, vector<16xf32>,
    %swap3A_353 = arith.constant 10 : i32
    %swap3A_354 = arith.index_cast %swap3A_353 : i32 to index
    %swap3A_355 = arith.constant 16 : index
    %swap3A_356 = tpu.vector_load %arg27[%swap3A_354, %swap3A_355] {strides = array<i32>} : memref<40x128xf32, #tpu.memory_space<vmem>>, vector<16xf32>,
    tpu.vector_store %arg27[%swap3A_354, %swap3A_355], %broadcast_in_dim3A_29 {strides = array<i32>} : memref<40x128xf32, #tpu.memory_space<vmem>>, vector<16xf32>,
    %swap3A_357 = arith.constant 10 : i32
    %swap3A_358 = arith.index_cast %swap3A_357 : i32 to index
    %swap3A_359 = arith.constant 32 : index
    %swap3A_360 = tpu.vector_load %arg27[%swap3A_358, %swap3A_359] {strides = array<i32>} : memref<40x128xf32, #tpu.memory_space<vmem>>, vector<16xf32>,
    tpu.vector_store %arg27[%swap3A_358, %swap3A_359], %broadcast_in_dim3A_29 {strides = array<i32>} : memref<40x128xf32, #tpu.memory_space<vmem>>, vector<16xf32>,
    %swap3A_361 = arith.constant 10 : i32
    %swap3A_362 = arith.index_cast %swap3A_361 : i32 to index
    %swap3A_363 = arith.constant 48 : index
    %swap3A_364 = tpu.vector_load %arg27[%swap3A_362, %swap3A_363] {strides = array<i32>} : memref<40x128xf32, #tpu.memory_space<vmem>>, vector<16xf32>,
    tpu.vector_store %arg27[%swap3A_362, %swap3A_363], %broadcast_in_dim3A_29 {strides = array<i32>} : memref<40x128xf32, #tpu.memory_space<vmem>>, vector<16xf32>,
    %swap3A_365 = arith.constant 10 : i32
    %swap3A_366 = arith.index_cast %swap3A_365 : i32 to index
    %swap3A_367 = arith.constant 64 : index
    %swap3A_368 = tpu.vector_load %arg27[%swap3A_366, %swap3A_367] {strides = array<i32>} : memref<40x128xf32, #tpu.memory_space<vmem>>, vector<16xf32>,
    tpu.vector_store %arg27[%swap3A_366, %swap3A_367], %broadcast_in_dim3A_29 {strides = array<i32>} : memref<40x128xf32, #tpu.memory_space<vmem>>, vector<16xf32>,
    %swap3A_369 = arith.constant 10 : i32
    %swap3A_370 = arith.index_cast %swap3A_369 : i32 to index
    %swap3A_371 = arith.constant 80 : index
    %swap3A_372 = tpu.vector_load %arg27[%swap3A_370, %swap3A_371] {strides = array<i32>} : memref<40x128xf32, #tpu.memory_space<vmem>>, vector<16xf32>,
    tpu.vector_store %arg27[%swap3A_370, %swap3A_371], %broadcast_in_dim3A_29 {strides = array<i32>} : memref<40x128xf32, #tpu.memory_space<vmem>>, vector<16xf32>,
    %swap3A_373 = arith.constant 10 : i32
    %swap3A_374 = arith.index_cast %swap3A_373 : i32 to index
    %swap3A_375 = arith.constant 96 : index
    %swap3A_376 = tpu.vector_load %arg27[%swap3A_374, %swap3A_375] {strides = array<i32>} : memref<40x128xf32, #tpu.memory_space<vmem>>, vector<16xf32>,
    tpu.vector_store %arg27[%swap3A_374, %swap3A_375], %broadcast_in_dim3A_29 {strides = array<i32>} : memref<40x128xf32, #tpu.memory_space<vmem>>, vector<16xf32>,
    %swap3A_377 = arith.constant 10 : i32
    %swap3A_378 = arith.index_cast %swap3A_377 : i32 to index
    %swap3A_379 = arith.constant 112 : index
    %swap3A_380 = tpu.vector_load %arg27[%swap3A_378, %swap3A_379] {strides = array<i32>} : memref<40x128xf32, #tpu.memory_space<vmem>>, vector<16xf32>,
    tpu.vector_store %arg27[%swap3A_378, %swap3A_379], %broadcast_in_dim3A_29 {strides = array<i32>} : memref<40x128xf32, #tpu.memory_space<vmem>>, vector<16xf32>,
    %swap3A_381 = arith.constant 11 : i32
    %swap3A_382 = arith.index_cast %swap3A_381 : i32 to index
    %swap3A_383 = arith.constant 0 : index
    %swap3A_384 = tpu.vector_load %arg27[%swap3A_382, %swap3A_383] {strides = array<i32>} : memref<40x128xf32, #tpu.memory_space<vmem>>, vector<16xf32>,
    tpu.vector_store %arg27[%swap3A_382, %swap3A_383], %broadcast_in_dim3A_29 {strides = array<i32>} : memref<40x128xf32, #tpu.memory_space<vmem>>, vector<16xf32>,
    %swap3A_385 = arith.constant 11 : i32
    %swap3A_386 = arith.index_cast %swap3A_385 : i32 to index
    %swap3A_387 = arith.constant 16 : index
    %swap3A_388 = tpu.vector_load %arg27[%swap3A_386, %swap3A_387] {strides = array<i32>} : memref<40x128xf32, #tpu.memory_space<vmem>>, vector<16xf32>,
    tpu.vector_store %arg27[%swap3A_386, %swap3A_387], %broadcast_in_dim3A_29 {strides = array<i32>} : memref<40x128xf32, #tpu.memory_space<vmem>>, vector<16xf32>,
    %swap3A_389 = arith.constant 11 : i32
    %swap3A_390 = arith.index_cast %swap3A_389 : i32 to index
    %swap3A_391 = arith.constant 32 : index
    %swap3A_392 = tpu.vector_load %arg27[%swap3A_390, %swap3A_391] {strides = array<i32>} : memref<40x128xf32, #tpu.memory_space<vmem>>, vector<16xf32>,
    tpu.vector_store %arg27[%swap3A_390, %swap3A_391], %broadcast_in_dim3A_29 {strides = array<i32>} : memref<40x128xf32, #tpu.memory_space<vmem>>, vector<16xf32>,
    %swap3A_393 = arith.constant 11 : i32
    %swap3A_394 = arith.index_cast %swap3A_393 : i32 to index
    %swap3A_395 = arith.constant 48 : index
    %swap3A_396 = tpu.vector_load %arg27[%swap3A_394, %swap3A_395] {strides = array<i32>} : memref<40x128xf32, #tpu.memory_space<vmem>>, vector<16xf32>,
    tpu.vector_store %arg27[%swap3A_394, %swap3A_395], %broadcast_in_dim3A_29 {strides = array<i32>} : memref<40x128xf32, #tpu.memory_space<vmem>>, vector<16xf32>,
    %swap3A_397 = arith.constant 11 : i32
    %swap3A_398 = arith.index_cast %swap3A_397 : i32 to index
    %swap3A_399 = arith.constant 64 : index
    %swap3A_400 = tpu.vector_load %arg27[%swap3A_398, %swap3A_399] {strides = array<i32>} : memref<40x128xf32, #tpu.memory_space<vmem>>, vector<16xf32>,
    tpu.vector_store %arg27[%swap3A_398, %swap3A_399], %broadcast_in_dim3A_29 {strides = array<i32>} : memref<40x128xf32, #tpu.memory_space<vmem>>, vector<16xf32>,
    %swap3A_401 = arith.constant 11 : i32
    %swap3A_402 = arith.index_cast %swap3A_401 : i32 to index
    %swap3A_403 = arith.constant 80 : index
    %swap3A_404 = tpu.vector_load %arg27[%swap3A_402, %swap3A_403] {strides = array<i32>} : memref<40x128xf32, #tpu.memory_space<vmem>>, vector<16xf32>,
    tpu.vector_store %arg27[%swap3A_402, %swap3A_403], %broadcast_in_dim3A_29 {strides = array<i32>} : memref<40x128xf32, #tpu.memory_space<vmem>>, vector<16xf32>,
    %swap3A_405 = arith.constant 11 : i32
    %swap3A_406 = arith.index_cast %swap3A_405 : i32 to index
    %swap3A_407 = arith.constant 96 : index
    %swap3A_408 = tpu.vector_load %arg27[%swap3A_406, %swap3A_407] {strides = array<i32>} : memref<40x128xf32, #tpu.memory_space<vmem>>, vector<16xf32>,
    tpu.vector_store %arg27[%swap3A_406, %swap3A_407], %broadcast_in_dim3A_29 {strides = array<i32>} : memref<40x128xf32, #tpu.memory_space<vmem>>, vector<16xf32>,
    %swap3A_409 = arith.constant 11 : i32
    %swap3A_410 = arith.index_cast %swap3A_409 : i32 to index
    %swap3A_411 = arith.constant 112 : index
    %swap3A_412 = tpu.vector_load %arg27[%swap3A_410, %swap3A_411] {strides = array<i32>} : memref<40x128xf32, #tpu.memory_space<vmem>>, vector<16xf32>,
    tpu.vector_store %arg27[%swap3A_410, %swap3A_411], %broadcast_in_dim3A_29 {strides = array<i32>} : memref<40x128xf32, #tpu.memory_space<vmem>>, vector<16xf32>,
    %swap3A_413 = arith.constant 12 : i32
    %swap3A_414 = arith.index_cast %swap3A_413 : i32 to index
    %swap3A_415 = arith.constant 0 : index
    %swap3A_416 = tpu.vector_load %arg27[%swap3A_414, %swap3A_415] {strides = array<i32>} : memref<40x128xf32, #tpu.memory_space<vmem>>, vector<16xf32>,
    tpu.vector_store %arg27[%swap3A_414, %swap3A_415], %broadcast_in_dim3A_29 {strides = array<i32>} : memref<40x128xf32, #tpu.memory_space<vmem>>, vector<16xf32>,
    %swap3A_417 = arith.constant 12 : i32
    %swap3A_418 = arith.index_cast %swap3A_417 : i32 to index
    %swap3A_419 = arith.constant 16 : index
    %swap3A_420 = tpu.vector_load %arg27[%swap3A_418, %swap3A_419] {strides = array<i32>} : memref<40x128xf32, #tpu.memory_space<vmem>>, vector<16xf32>,
    tpu.vector_store %arg27[%swap3A_418, %swap3A_419], %broadcast_in_dim3A_29 {strides = array<i32>} : memref<40x128xf32, #tpu.memory_space<vmem>>, vector<16xf32>,
    %swap3A_421 = arith.constant 12 : i32
    %swap3A_422 = arith.index_cast %swap3A_421 : i32 to index
    %swap3A_423 = arith.constant 32 : index
    %swap3A_424 = tpu.vector_load %arg27[%swap3A_422, %swap3A_423] {strides = array<i32>} : memref<40x128xf32, #tpu.memory_space<vmem>>, vector<16xf32>,
    tpu.vector_store %arg27[%swap3A_422, %swap3A_423], %broadcast_in_dim3A_29 {strides = array<i32>} : memref<40x128xf32, #tpu.memory_space<vmem>>, vector<16xf32>,
    %swap3A_425 = arith.constant 12 : i32
    %swap3A_426 = arith.index_cast %swap3A_425 : i32 to index
    %swap3A_427 = arith.constant 48 : index
    %swap3A_428 = tpu.vector_load %arg27[%swap3A_426, %swap3A_427] {strides = array<i32>} : memref<40x128xf32, #tpu.memory_space<vmem>>, vector<16xf32>,
    tpu.vector_store %arg27[%swap3A_426, %swap3A_427], %broadcast_in_dim3A_29 {strides = array<i32>} : memref<40x128xf32, #tpu.memory_space<vmem>>, vector<16xf32>,
    %swap3A_429 = arith.constant 12 : i32
    %swap3A_430 = arith.index_cast %swap3A_429 : i32 to index
    %swap3A_431 = arith.constant 64 : index
    %swap3A_432 = tpu.vector_load %arg27[%swap3A_430, %swap3A_431] {strides = array<i32>} : memref<40x128xf32, #tpu.memory_space<vmem>>, vector<16xf32>,
    tpu.vector_store %arg27[%swap3A_430, %swap3A_431], %broadcast_in_dim3A_29 {strides = array<i32>} : memref<40x128xf32, #tpu.memory_space<vmem>>, vector<16xf32>,
    %swap3A_433 = arith.constant 12 : i32
    %swap3A_434 = arith.index_cast %swap3A_433 : i32 to index
    %swap3A_435 = arith.constant 80 : index
    %swap3A_436 = tpu.vector_load %arg27[%swap3A_434, %swap3A_435] {strides = array<i32>} : memref<40x128xf32, #tpu.memory_space<vmem>>, vector<16xf32>,
    tpu.vector_store %arg27[%swap3A_434, %swap3A_435], %broadcast_in_dim3A_29 {strides = array<i32>} : memref<40x128xf32, #tpu.memory_space<vmem>>, vector<16xf32>,
    %swap3A_437 = arith.constant 12 : i32
    %swap3A_438 = arith.index_cast %swap3A_437 : i32 to index
    %swap3A_439 = arith.constant 96 : index
    %swap3A_440 = tpu.vector_load %arg27[%swap3A_438, %swap3A_439] {strides = array<i32>} : memref<40x128xf32, #tpu.memory_space<vmem>>, vector<16xf32>,
    tpu.vector_store %arg27[%swap3A_438, %swap3A_439], %broadcast_in_dim3A_29 {strides = array<i32>} : memref<40x128xf32, #tpu.memory_space<vmem>>, vector<16xf32>,
    %swap3A_441 = arith.constant 12 : i32
    %swap3A_442 = arith.index_cast %swap3A_441 : i32 to index
    %swap3A_443 = arith.constant 112 : index
    %swap3A_444 = tpu.vector_load %arg27[%swap3A_442, %swap3A_443] {strides = array<i32>} : memref<40x128xf32, #tpu.memory_space<vmem>>, vector<16xf32>,
    tpu.vector_store %arg27[%swap3A_442, %swap3A_443], %broadcast_in_dim3A_29 {strides = array<i32>} : memref<40x128xf32, #tpu.memory_space<vmem>>, vector<16xf32>,
    %swap3A_445 = arith.constant 13 : i32
    %swap3A_446 = arith.index_cast %swap3A_445 : i32 to index
    %swap3A_447 = arith.constant 0 : index
    %swap3A_448 = tpu.vector_load %arg27[%swap3A_446, %swap3A_447] {strides = array<i32>} : memref<40x128xf32, #tpu.memory_space<vmem>>, vector<16xf32>,
    tpu.vector_store %arg27[%swap3A_446, %swap3A_447], %broadcast_in_dim3A_29 {strides = array<i32>} : memref<40x128xf32, #tpu.memory_space<vmem>>, vector<16xf32>,
    %swap3A_449 = arith.constant 13 : i32
    %swap3A_450 = arith.index_cast %swap3A_449 : i32 to index
    %swap3A_451 = arith.constant 16 : index
    %swap3A_452 = tpu.vector_load %arg27[%swap3A_450, %swap3A_451] {strides = array<i32>} : memref<40x128xf32, #tpu.memory_space<vmem>>, vector<16xf32>,
    tpu.vector_store %arg27[%swap3A_450, %swap3A_451], %broadcast_in_dim3A_29 {strides = array<i32>} : memref<40x128xf32, #tpu.memory_space<vmem>>, vector<16xf32>,
    %swap3A_453 = arith.constant 13 : i32
    %swap3A_454 = arith.index_cast %swap3A_453 : i32 to index
    %swap3A_455 = arith.constant 32 : index
    %swap3A_456 = tpu.vector_load %arg27[%swap3A_454, %swap3A_455] {strides = array<i32>} : memref<40x128xf32, #tpu.memory_space<vmem>>, vector<16xf32>,
    tpu.vector_store %arg27[%swap3A_454, %swap3A_455], %broadcast_in_dim3A_29 {strides = array<i32>} : memref<40x128xf32, #tpu.memory_space<vmem>>, vector<16xf32>,
    %swap3A_457 = arith.constant 13 : i32
    %swap3A_458 = arith.index_cast %swap3A_457 : i32 to index
    %swap3A_459 = arith.constant 48 : index
    %swap3A_460 = tpu.vector_load %arg27[%swap3A_458, %swap3A_459] {strides = array<i32>} : memref<40x128xf32, #tpu.memory_space<vmem>>, vector<16xf32>,
    tpu.vector_store %arg27[%swap3A_458, %swap3A_459], %broadcast_in_dim3A_29 {strides = array<i32>} : memref<40x128xf32, #tpu.memory_space<vmem>>, vector<16xf32>,
    %swap3A_461 = arith.constant 13 : i32
    %swap3A_462 = arith.index_cast %swap3A_461 : i32 to index
    %swap3A_463 = arith.constant 64 : index
    %swap3A_464 = tpu.vector_load %arg27[%swap3A_462, %swap3A_463] {strides = array<i32>} : memref<40x128xf32, #tpu.memory_space<vmem>>, vector<16xf32>,
    tpu.vector_store %arg27[%swap3A_462, %swap3A_463], %broadcast_in_dim3A_29 {strides = array<i32>} : memref<40x128xf32, #tpu.memory_space<vmem>>, vector<16xf32>,
    %swap3A_465 = arith.constant 13 : i32
    %swap3A_466 = arith.index_cast %swap3A_465 : i32 to index
    %swap3A_467 = arith.constant 80 : index
    %swap3A_468 = tpu.vector_load %arg27[%swap3A_466, %swap3A_467] {strides = array<i32>} : memref<40x128xf32, #tpu.memory_space<vmem>>, vector<16xf32>,
    tpu.vector_store %arg27[%swap3A_466, %swap3A_467], %broadcast_in_dim3A_29 {strides = array<i32>} : memref<40x128xf32, #tpu.memory_space<vmem>>, vector<16xf32>,
    %swap3A_469 = arith.constant 13 : i32
    %swap3A_470 = arith.index_cast %swap3A_469 : i32 to index
    %swap3A_471 = arith.constant 96 : index
    %swap3A_472 = tpu.vector_load %arg27[%swap3A_470, %swap3A_471] {strides = array<i32>} : memref<40x128xf32, #tpu.memory_space<vmem>>, vector<16xf32>,
    tpu.vector_store %arg27[%swap3A_470, %swap3A_471], %broadcast_in_dim3A_29 {strides = array<i32>} : memref<40x128xf32, #tpu.memory_space<vmem>>, vector<16xf32>,
    %swap3A_473 = arith.constant 13 : i32
    %swap3A_474 = arith.index_cast %swap3A_473 : i32 to index
    %swap3A_475 = arith.constant 112 : index
    %swap3A_476 = tpu.vector_load %arg27[%swap3A_474, %swap3A_475] {strides = array<i32>} : memref<40x128xf32, #tpu.memory_space<vmem>>, vector<16xf32>,
    tpu.vector_store %arg27[%swap3A_474, %swap3A_475], %broadcast_in_dim3A_29 {strides = array<i32>} : memref<40x128xf32, #tpu.memory_space<vmem>>, vector<16xf32>,
    %swap3A_477 = arith.constant 14 : i32
    %swap3A_478 = arith.index_cast %swap3A_477 : i32 to index
    %swap3A_479 = arith.constant 0 : index
    %swap3A_480 = tpu.vector_load %arg27[%swap3A_478, %swap3A_479] {strides = array<i32>} : memref<40x128xf32, #tpu.memory_space<vmem>>, vector<16xf32>,
    tpu.vector_store %arg27[%swap3A_478, %swap3A_479], %broadcast_in_dim3A_29 {strides = array<i32>} : memref<40x128xf32, #tpu.memory_space<vmem>>, vector<16xf32>,
    %swap3A_481 = arith.constant 14 : i32
    %swap3A_482 = arith.index_cast %swap3A_481 : i32 to index
    %swap3A_483 = arith.constant 16 : index
    %swap3A_484 = tpu.vector_load %arg27[%swap3A_482, %swap3A_483] {strides = array<i32>} : memref<40x128xf32, #tpu.memory_space<vmem>>, vector<16xf32>,
    tpu.vector_store %arg27[%swap3A_482, %swap3A_483], %broadcast_in_dim3A_29 {strides = array<i32>} : memref<40x128xf32, #tpu.memory_space<vmem>>, vector<16xf32>,
    %swap3A_485 = arith.constant 14 : i32
    %swap3A_486 = arith.index_cast %swap3A_485 : i32 to index
    %swap3A_487 = arith.constant 32 : index
    %swap3A_488 = tpu.vector_load %arg27[%swap3A_486, %swap3A_487] {strides = array<i32>} : memref<40x128xf32, #tpu.memory_space<vmem>>, vector<16xf32>,
    tpu.vector_store %arg27[%swap3A_486, %swap3A_487], %broadcast_in_dim3A_29 {strides = array<i32>} : memref<40x128xf32, #tpu.memory_space<vmem>>, vector<16xf32>,
    %swap3A_489 = arith.constant 14 : i32
    %swap3A_490 = arith.index_cast %swap3A_489 : i32 to index
    %swap3A_491 = arith.constant 48 : index
    %swap3A_492 = tpu.vector_load %arg27[%swap3A_490, %swap3A_491] {strides = array<i32>} : memref<40x128xf32, #tpu.memory_space<vmem>>, vector<16xf32>,
    tpu.vector_store %arg27[%swap3A_490, %swap3A_491], %broadcast_in_dim3A_29 {strides = array<i32>} : memref<40x128xf32, #tpu.memory_space<vmem>>, vector<16xf32>,
    %swap3A_493 = arith.constant 14 : i32
    %swap3A_494 = arith.index_cast %swap3A_493 : i32 to index
    %swap3A_495 = arith.constant 64 : index
    %swap3A_496 = tpu.vector_load %arg27[%swap3A_494, %swap3A_495] {strides = array<i32>} : memref<40x128xf32, #tpu.memory_space<vmem>>, vector<16xf32>,
    tpu.vector_store %arg27[%swap3A_494, %swap3A_495], %broadcast_in_dim3A_29 {strides = array<i32>} : memref<40x128xf32, #tpu.memory_space<vmem>>, vector<16xf32>,
    %swap3A_497 = arith.constant 14 : i32
    %swap3A_498 = arith.index_cast %swap3A_497 : i32 to index
    %swap3A_499 = arith.constant 80 : index
    %swap3A_500 = tpu.vector_load %arg27[%swap3A_498, %swap3A_499] {strides = array<i32>} : memref<40x128xf32, #tpu.memory_space<vmem>>, vector<16xf32>,
    tpu.vector_store %arg27[%swap3A_498, %swap3A_499], %broadcast_in_dim3A_29 {strides = array<i32>} : memref<40x128xf32, #tpu.memory_space<vmem>>, vector<16xf32>,
    %swap3A_501 = arith.constant 14 : i32
    %swap3A_502 = arith.index_cast %swap3A_501 : i32 to index
    %swap3A_503 = arith.constant 96 : index
    %swap3A_504 = tpu.vector_load %arg27[%swap3A_502, %swap3A_503] {strides = array<i32>} : memref<40x128xf32, #tpu.memory_space<vmem>>, vector<16xf32>,
    tpu.vector_store %arg27[%swap3A_502, %swap3A_503], %broadcast_in_dim3A_29 {strides = array<i32>} : memref<40x128xf32, #tpu.memory_space<vmem>>, vector<16xf32>,
    %swap3A_505 = arith.constant 14 : i32
    %swap3A_506 = arith.index_cast %swap3A_505 : i32 to index
    %swap3A_507 = arith.constant 112 : index
    %swap3A_508 = tpu.vector_load %arg27[%swap3A_506, %swap3A_507] {strides = array<i32>} : memref<40x128xf32, #tpu.memory_space<vmem>>, vector<16xf32>,
    tpu.vector_store %arg27[%swap3A_506, %swap3A_507], %broadcast_in_dim3A_29 {strides = array<i32>} : memref<40x128xf32, #tpu.memory_space<vmem>>, vector<16xf32>,
    %swap3A_509 = arith.constant 15 : i32
    %swap3A_510 = arith.index_cast %swap3A_509 : i32 to index
    %swap3A_511 = arith.constant 0 : index
    %swap3A_512 = tpu.vector_load %arg27[%swap3A_510, %swap3A_511] {strides = array<i32>} : memref<40x128xf32, #tpu.memory_space<vmem>>, vector<16xf32>,
    tpu.vector_store %arg27[%swap3A_510, %swap3A_511], %broadcast_in_dim3A_29 {strides = array<i32>} : memref<40x128xf32, #tpu.memory_space<vmem>>, vector<16xf32>,
    %swap3A_513 = arith.constant 15 : i32
    %swap3A_514 = arith.index_cast %swap3A_513 : i32 to index
    %swap3A_515 = arith.constant 16 : index
    %swap3A_516 = tpu.vector_load %arg27[%swap3A_514, %swap3A_515] {strides = array<i32>} : memref<40x128xf32, #tpu.memory_space<vmem>>, vector<16xf32>,
    tpu.vector_store %arg27[%swap3A_514, %swap3A_515], %broadcast_in_dim3A_29 {strides = array<i32>} : memref<40x128xf32, #tpu.memory_space<vmem>>, vector<16xf32>,
    %swap3A_517 = arith.constant 15 : i32
    %swap3A_518 = arith.index_cast %swap3A_517 : i32 to index
    %swap3A_519 = arith.constant 32 : index
    %swap3A_520 = tpu.vector_load %arg27[%swap3A_518, %swap3A_519] {strides = array<i32>} : memref<40x128xf32, #tpu.memory_space<vmem>>, vector<16xf32>,
    tpu.vector_store %arg27[%swap3A_518, %swap3A_519], %broadcast_in_dim3A_29 {strides = array<i32>} : memref<40x128xf32, #tpu.memory_space<vmem>>, vector<16xf32>,
    %swap3A_521 = arith.constant 15 : i32
    %swap3A_522 = arith.index_cast %swap3A_521 : i32 to index
    %swap3A_523 = arith.constant 48 : index
    %swap3A_524 = tpu.vector_load %arg27[%swap3A_522, %swap3A_523] {strides = array<i32>} : memref<40x128xf32, #tpu.memory_space<vmem>>, vector<16xf32>,
    tpu.vector_store %arg27[%swap3A_522, %swap3A_523], %broadcast_in_dim3A_29 {strides = array<i32>} : memref<40x128xf32, #tpu.memory_space<vmem>>, vector<16xf32>,
    %swap3A_525 = arith.constant 15 : i32
    %swap3A_526 = arith.index_cast %swap3A_525 : i32 to index
    %swap3A_527 = arith.constant 64 : index
    %swap3A_528 = tpu.vector_load %arg27[%swap3A_526, %swap3A_527] {strides = array<i32>} : memref<40x128xf32, #tpu.memory_space<vmem>>, vector<16xf32>,
    tpu.vector_store %arg27[%swap3A_526, %swap3A_527], %broadcast_in_dim3A_29 {strides = array<i32>} : memref<40x128xf32, #tpu.memory_space<vmem>>, vector<16xf32>,
    %swap3A_529 = arith.constant 15 : i32
    %swap3A_530 = arith.index_cast %swap3A_529 : i32 to index
    %swap3A_531 = arith.constant 80 : index
    %swap3A_532 = tpu.vector_load %arg27[%swap3A_530, %swap3A_531] {strides = array<i32>} : memref<40x128xf32, #tpu.memory_space<vmem>>, vector<16xf32>,
    tpu.vector_store %arg27[%swap3A_530, %swap3A_531], %broadcast_in_dim3A_29 {strides = array<i32>} : memref<40x128xf32, #tpu.memory_space<vmem>>, vector<16xf32>,
    %swap3A_533 = arith.constant 15 : i32
    %swap3A_534 = arith.index_cast %swap3A_533 : i32 to index
    %swap3A_535 = arith.constant 96 : index
    %swap3A_536 = tpu.vector_load %arg27[%swap3A_534, %swap3A_535] {strides = array<i32>} : memref<40x128xf32, #tpu.memory_space<vmem>>, vector<16xf32>,
    tpu.vector_store %arg27[%swap3A_534, %swap3A_535], %broadcast_in_dim3A_29 {strides = array<i32>} : memref<40x128xf32, #tpu.memory_space<vmem>>, vector<16xf32>,
    %swap3A_537 = arith.constant 15 : i32
    %swap3A_538 = arith.index_cast %swap3A_537 : i32 to index
    %swap3A_539 = arith.constant 112 : index
    %swap3A_540 = tpu.vector_load %arg27[%swap3A_538, %swap3A_539] {strides = array<i32>} : memref<40x128xf32, #tpu.memory_space<vmem>>, vector<16xf32>,
    tpu.vector_store %arg27[%swap3A_538, %swap3A_539], %broadcast_in_dim3A_29 {strides = array<i32>} : memref<40x128xf32, #tpu.memory_space<vmem>>, vector<16xf32>,
    %swap3A_541 = arith.constant 16 : i32
    %swap3A_542 = arith.index_cast %swap3A_541 : i32 to index
    %swap3A_543 = arith.constant 0 : index
    %swap3A_544 = tpu.vector_load %arg27[%swap3A_542, %swap3A_543] {strides = array<i32>} : memref<40x128xf32, #tpu.memory_space<vmem>>, vector<16xf32>,
    tpu.vector_store %arg27[%swap3A_542, %swap3A_543], %broadcast_in_dim3A_29 {strides = array<i32>} : memref<40x128xf32, #tpu.memory_space<vmem>>, vector<16xf32>,
    %swap3A_545 = arith.constant 16 : i32
    %swap3A_546 = arith.index_cast %swap3A_545 : i32 to index
    %swap3A_547 = arith.constant 16 : index
    %swap3A_548 = tpu.vector_load %arg27[%swap3A_546, %swap3A_547] {strides = array<i32>} : memref<40x128xf32, #tpu.memory_space<vmem>>, vector<16xf32>,
    tpu.vector_store %arg27[%swap3A_546, %swap3A_547], %broadcast_in_dim3A_29 {strides = array<i32>} : memref<40x128xf32, #tpu.memory_space<vmem>>, vector<16xf32>,
    %swap3A_549 = arith.constant 16 : i32
    %swap3A_550 = arith.index_cast %swap3A_549 : i32 to index
    %swap3A_551 = arith.constant 32 : index
    %swap3A_552 = tpu.vector_load %arg27[%swap3A_550, %swap3A_551] {strides = array<i32>} : memref<40x128xf32, #tpu.memory_space<vmem>>, vector<16xf32>,
    tpu.vector_store %arg27[%swap3A_550, %swap3A_551], %broadcast_in_dim3A_29 {strides = array<i32>} : memref<40x128xf32, #tpu.memory_space<vmem>>, vector<16xf32>,
    %swap3A_553 = arith.constant 16 : i32
    %swap3A_554 = arith.index_cast %swap3A_553 : i32 to index
    %swap3A_555 = arith.constant 48 : index
    %swap3A_556 = tpu.vector_load %arg27[%swap3A_554, %swap3A_555] {strides = array<i32>} : memref<40x128xf32, #tpu.memory_space<vmem>>, vector<16xf32>,
    tpu.vector_store %arg27[%swap3A_554, %swap3A_555], %broadcast_in_dim3A_29 {strides = array<i32>} : memref<40x128xf32, #tpu.memory_space<vmem>>, vector<16xf32>,
    %swap3A_557 = arith.constant 16 : i32
    %swap3A_558 = arith.index_cast %swap3A_557 : i32 to index
    %swap3A_559 = arith.constant 64 : index
    %swap3A_560 = tpu.vector_load %arg27[%swap3A_558, %swap3A_559] {strides = array<i32>} : memref<40x128xf32, #tpu.memory_space<vmem>>, vector<16xf32>,
    tpu.vector_store %arg27[%swap3A_558, %swap3A_559], %broadcast_in_dim3A_29 {strides = array<i32>} : memref<40x128xf32, #tpu.memory_space<vmem>>, vector<16xf32>,
    %swap3A_561 = arith.constant 16 : i32
    %swap3A_562 = arith.index_cast %swap3A_561 : i32 to index
    %swap3A_563 = arith.constant 80 : index
    %swap3A_564 = tpu.vector_load %arg27[%swap3A_562, %swap3A_563] {strides = array<i32>} : memref<40x128xf32, #tpu.memory_space<vmem>>, vector<16xf32>,
    tpu.vector_store %arg27[%swap3A_562, %swap3A_563], %broadcast_in_dim3A_29 {strides = array<i32>} : memref<40x128xf32, #tpu.memory_space<vmem>>, vector<16xf32>,
    %swap3A_565 = arith.constant 16 : i32
    %swap3A_566 = arith.index_cast %swap3A_565 : i32 to index
    %swap3A_567 = arith.constant 96 : index
    %swap3A_568 = tpu.vector_load %arg27[%swap3A_566, %swap3A_567] {strides = array<i32>} : memref<40x128xf32, #tpu.memory_space<vmem>>, vector<16xf32>,
    tpu.vector_store %arg27[%swap3A_566, %swap3A_567], %broadcast_in_dim3A_29 {strides = array<i32>} : memref<40x128xf32, #tpu.memory_space<vmem>>, vector<16xf32>,
    %swap3A_569 = arith.constant 16 : i32
    %swap3A_570 = arith.index_cast %swap3A_569 : i32 to index
    %swap3A_571 = arith.constant 112 : index
    %swap3A_572 = tpu.vector_load %arg27[%swap3A_570, %swap3A_571] {strides = array<i32>} : memref<40x128xf32, #tpu.memory_space<vmem>>, vector<16xf32>,
    tpu.vector_store %arg27[%swap3A_570, %swap3A_571], %broadcast_in_dim3A_29 {strides = array<i32>} : memref<40x128xf32, #tpu.memory_space<vmem>>, vector<16xf32>,
    %swap3A_573 = arith.constant 17 : i32
    %swap3A_574 = arith.index_cast %swap3A_573 : i32 to index
    %swap3A_575 = arith.constant 0 : index
    %swap3A_576 = tpu.vector_load %arg27[%swap3A_574, %swap3A_575] {strides = array<i32>} : memref<40x128xf32, #tpu.memory_space<vmem>>, vector<16xf32>,
    tpu.vector_store %arg27[%swap3A_574, %swap3A_575], %broadcast_in_dim3A_29 {strides = array<i32>} : memref<40x128xf32, #tpu.memory_space<vmem>>, vector<16xf32>,
    %swap3A_577 = arith.constant 17 : i32
    %swap3A_578 = arith.index_cast %swap3A_577 : i32 to index
    %swap3A_579 = arith.constant 16 : index
    %swap3A_580 = tpu.vector_load %arg27[%swap3A_578, %swap3A_579] {strides = array<i32>} : memref<40x128xf32, #tpu.memory_space<vmem>>, vector<16xf32>,
    tpu.vector_store %arg27[%swap3A_578, %swap3A_579], %broadcast_in_dim3A_29 {strides = array<i32>} : memref<40x128xf32, #tpu.memory_space<vmem>>, vector<16xf32>,
    %swap3A_581 = arith.constant 17 : i32
    %swap3A_582 = arith.index_cast %swap3A_581 : i32 to index
    %swap3A_583 = arith.constant 32 : index
    %swap3A_584 = tpu.vector_load %arg27[%swap3A_582, %swap3A_583] {strides = array<i32>} : memref<40x128xf32, #tpu.memory_space<vmem>>, vector<16xf32>,
    tpu.vector_store %arg27[%swap3A_582, %swap3A_583], %broadcast_in_dim3A_29 {strides = array<i32>} : memref<40x128xf32, #tpu.memory_space<vmem>>, vector<16xf32>,
    %swap3A_585 = arith.constant 17 : i32
    %swap3A_586 = arith.index_cast %swap3A_585 : i32 to index
    %swap3A_587 = arith.constant 48 : index
    %swap3A_588 = tpu.vector_load %arg27[%swap3A_586, %swap3A_587] {strides = array<i32>} : memref<40x128xf32, #tpu.memory_space<vmem>>, vector<16xf32>,
    tpu.vector_store %arg27[%swap3A_586, %swap3A_587], %broadcast_in_dim3A_29 {strides = array<i32>} : memref<40x128xf32, #tpu.memory_space<vmem>>, vector<16xf32>,
    %swap3A_589 = arith.constant 17 : i32
    %swap3A_590 = arith.index_cast %swap3A_589 : i32 to index
    %swap3A_591 = arith.constant 64 : index
    %swap3A_592 = tpu.vector_load %arg27[%swap3A_590, %swap3A_591] {strides = array<i32>} : memref<40x128xf32, #tpu.memory_space<vmem>>, vector<16xf32>,
    tpu.vector_store %arg27[%swap3A_590, %swap3A_591], %broadcast_in_dim3A_29 {strides = array<i32>} : memref<40x128xf32, #tpu.memory_space<vmem>>, vector<16xf32>,
    %swap3A_593 = arith.constant 17 : i32
    %swap3A_594 = arith.index_cast %swap3A_593 : i32 to index
    %swap3A_595 = arith.constant 80 : index
    %swap3A_596 = tpu.vector_load %arg27[%swap3A_594, %swap3A_595] {strides = array<i32>} : memref<40x128xf32, #tpu.memory_space<vmem>>, vector<16xf32>,
    tpu.vector_store %arg27[%swap3A_594, %swap3A_595], %broadcast_in_dim3A_29 {strides = array<i32>} : memref<40x128xf32, #tpu.memory_space<vmem>>, vector<16xf32>,
    %swap3A_597 = arith.constant 17 : i32
    %swap3A_598 = arith.index_cast %swap3A_597 : i32 to index
    %swap3A_599 = arith.constant 96 : index
    %swap3A_600 = tpu.vector_load %arg27[%swap3A_598, %swap3A_599] {strides = array<i32>} : memref<40x128xf32, #tpu.memory_space<vmem>>, vector<16xf32>,
    tpu.vector_store %arg27[%swap3A_598, %swap3A_599], %broadcast_in_dim3A_29 {strides = array<i32>} : memref<40x128xf32, #tpu.memory_space<vmem>>, vector<16xf32>,
    %swap3A_601 = arith.constant 17 : i32
    %swap3A_602 = arith.index_cast %swap3A_601 : i32 to index
    %swap3A_603 = arith.constant 112 : index
    %swap3A_604 = tpu.vector_load %arg27[%swap3A_602, %swap3A_603] {strides = array<i32>} : memref<40x128xf32, #tpu.memory_space<vmem>>, vector<16xf32>,
    tpu.vector_store %arg27[%swap3A_602, %swap3A_603], %broadcast_in_dim3A_29 {strides = array<i32>} : memref<40x128xf32, #tpu.memory_space<vmem>>, vector<16xf32>,
    %swap3A_605 = arith.constant 18 : i32
    %swap3A_606 = arith.index_cast %swap3A_605 : i32 to index
    %swap3A_607 = arith.constant 0 : index
    %swap3A_608 = tpu.vector_load %arg27[%swap3A_606, %swap3A_607] {strides = array<i32>} : memref<40x128xf32, #tpu.memory_space<vmem>>, vector<16xf32>,
    tpu.vector_store %arg27[%swap3A_606, %swap3A_607], %broadcast_in_dim3A_29 {strides = array<i32>} : memref<40x128xf32, #tpu.memory_space<vmem>>, vector<16xf32>,
    %swap3A_609 = arith.constant 18 : i32
    %swap3A_610 = arith.index_cast %swap3A_609 : i32 to index
    %swap3A_611 = arith.constant 16 : index
    %swap3A_612 = tpu.vector_load %arg27[%swap3A_610, %swap3A_611] {strides = array<i32>} : memref<40x128xf32, #tpu.memory_space<vmem>>, vector<16xf32>,
    tpu.vector_store %arg27[%swap3A_610, %swap3A_611], %broadcast_in_dim3A_29 {strides = array<i32>} : memref<40x128xf32, #tpu.memory_space<vmem>>, vector<16xf32>,
    %swap3A_613 = arith.constant 18 : i32
    %swap3A_614 = arith.index_cast %swap3A_613 : i32 to index
    %swap3A_615 = arith.constant 32 : index
    %swap3A_616 = tpu.vector_load %arg27[%swap3A_614, %swap3A_615] {strides = array<i32>} : memref<40x128xf32, #tpu.memory_space<vmem>>, vector<16xf32>,
    tpu.vector_store %arg27[%swap3A_614, %swap3A_615], %broadcast_in_dim3A_29 {strides = array<i32>} : memref<40x128xf32, #tpu.memory_space<vmem>>, vector<16xf32>,
    %swap3A_617 = arith.constant 18 : i32
    %swap3A_618 = arith.index_cast %swap3A_617 : i32 to index
    %swap3A_619 = arith.constant 48 : index
    %swap3A_620 = tpu.vector_load %arg27[%swap3A_618, %swap3A_619] {strides = array<i32>} : memref<40x128xf32, #tpu.memory_space<vmem>>, vector<16xf32>,
    tpu.vector_store %arg27[%swap3A_618, %swap3A_619], %broadcast_in_dim3A_29 {strides = array<i32>} : memref<40x128xf32, #tpu.memory_space<vmem>>, vector<16xf32>,
    %swap3A_621 = arith.constant 18 : i32
    %swap3A_622 = arith.index_cast %swap3A_621 : i32 to index
    %swap3A_623 = arith.constant 64 : index
    %swap3A_624 = tpu.vector_load %arg27[%swap3A_622, %swap3A_623] {strides = array<i32>} : memref<40x128xf32, #tpu.memory_space<vmem>>, vector<16xf32>,
    tpu.vector_store %arg27[%swap3A_622, %swap3A_623], %broadcast_in_dim3A_29 {strides = array<i32>} : memref<40x128xf32, #tpu.memory_space<vmem>>, vector<16xf32>,
    %swap3A_625 = arith.constant 18 : i32
    %swap3A_626 = arith.index_cast %swap3A_625 : i32 to index
    %swap3A_627 = arith.constant 80 : index
    %swap3A_628 = tpu.vector_load %arg27[%swap3A_626, %swap3A_627] {strides = array<i32>} : memref<40x128xf32, #tpu.memory_space<vmem>>, vector<16xf32>,
    tpu.vector_store %arg27[%swap3A_626, %swap3A_627], %broadcast_in_dim3A_29 {strides = array<i32>} : memref<40x128xf32, #tpu.memory_space<vmem>>, vector<16xf32>,
    %swap3A_629 = arith.constant 18 : i32
    %swap3A_630 = arith.index_cast %swap3A_629 : i32 to index
    %swap3A_631 = arith.constant 96 : index
    %swap3A_632 = tpu.vector_load %arg27[%swap3A_630, %swap3A_631] {strides = array<i32>} : memref<40x128xf32, #tpu.memory_space<vmem>>, vector<16xf32>,
    tpu.vector_store %arg27[%swap3A_630, %swap3A_631], %broadcast_in_dim3A_29 {strides = array<i32>} : memref<40x128xf32, #tpu.memory_space<vmem>>, vector<16xf32>,
    %swap3A_633 = arith.constant 18 : i32
    %swap3A_634 = arith.index_cast %swap3A_633 : i32 to index
    %swap3A_635 = arith.constant 112 : index
    %swap3A_636 = tpu.vector_load %arg27[%swap3A_634, %swap3A_635] {strides = array<i32>} : memref<40x128xf32, #tpu.memory_space<vmem>>, vector<16xf32>,
    tpu.vector_store %arg27[%swap3A_634, %swap3A_635], %broadcast_in_dim3A_29 {strides = array<i32>} : memref<40x128xf32, #tpu.memory_space<vmem>>, vector<16xf32>,
    %swap3A_637 = arith.constant 19 : i32
    %swap3A_638 = arith.index_cast %swap3A_637 : i32 to index
    %swap3A_639 = arith.constant 0 : index
    %swap3A_640 = tpu.vector_load %arg27[%swap3A_638, %swap3A_639] {strides = array<i32>} : memref<40x128xf32, #tpu.memory_space<vmem>>, vector<16xf32>,
    tpu.vector_store %arg27[%swap3A_638, %swap3A_639], %broadcast_in_dim3A_29 {strides = array<i32>} : memref<40x128xf32, #tpu.memory_space<vmem>>, vector<16xf32>,
    %swap3A_641 = arith.constant 19 : i32
    %swap3A_642 = arith.index_cast %swap3A_641 : i32 to index
    %swap3A_643 = arith.constant 16 : index
    %swap3A_644 = tpu.vector_load %arg27[%swap3A_642, %swap3A_643] {strides = array<i32>} : memref<40x128xf32, #tpu.memory_space<vmem>>, vector<16xf32>,
    tpu.vector_store %arg27[%swap3A_642, %swap3A_643], %broadcast_in_dim3A_29 {strides = array<i32>} : memref<40x128xf32, #tpu.memory_space<vmem>>, vector<16xf32>,
    %swap3A_645 = arith.constant 19 : i32
    %swap3A_646 = arith.index_cast %swap3A_645 : i32 to index
    %swap3A_647 = arith.constant 32 : index
    %swap3A_648 = tpu.vector_load %arg27[%swap3A_646, %swap3A_647] {strides = array<i32>} : memref<40x128xf32, #tpu.memory_space<vmem>>, vector<16xf32>,
    tpu.vector_store %arg27[%swap3A_646, %swap3A_647], %broadcast_in_dim3A_29 {strides = array<i32>} : memref<40x128xf32, #tpu.memory_space<vmem>>, vector<16xf32>,
    %swap3A_649 = arith.constant 19 : i32
    %swap3A_650 = arith.index_cast %swap3A_649 : i32 to index
    %swap3A_651 = arith.constant 48 : index
    %swap3A_652 = tpu.vector_load %arg27[%swap3A_650, %swap3A_651] {strides = array<i32>} : memref<40x128xf32, #tpu.memory_space<vmem>>, vector<16xf32>,
    tpu.vector_store %arg27[%swap3A_650, %swap3A_651], %broadcast_in_dim3A_29 {strides = array<i32>} : memref<40x128xf32, #tpu.memory_space<vmem>>, vector<16xf32>,
    %swap3A_653 = arith.constant 19 : i32
    %swap3A_654 = arith.index_cast %swap3A_653 : i32 to index
    %swap3A_655 = arith.constant 64 : index
    %swap3A_656 = tpu.vector_load %arg27[%swap3A_654, %swap3A_655] {strides = array<i32>} : memref<40x128xf32, #tpu.memory_space<vmem>>, vector<16xf32>,
    tpu.vector_store %arg27[%swap3A_654, %swap3A_655], %broadcast_in_dim3A_29 {strides = array<i32>} : memref<40x128xf32, #tpu.memory_space<vmem>>, vector<16xf32>,
    %swap3A_657 = arith.constant 19 : i32
    %swap3A_658 = arith.index_cast %swap3A_657 : i32 to index
    %swap3A_659 = arith.constant 80 : index
    %swap3A_660 = tpu.vector_load %arg27[%swap3A_658, %swap3A_659] {strides = array<i32>} : memref<40x128xf32, #tpu.memory_space<vmem>>, vector<16xf32>,
    tpu.vector_store %arg27[%swap3A_658, %swap3A_659], %broadcast_in_dim3A_29 {strides = array<i32>} : memref<40x128xf32, #tpu.memory_space<vmem>>, vector<16xf32>,
    %swap3A_661 = arith.constant 19 : i32
    %swap3A_662 = arith.index_cast %swap3A_661 : i32 to index
    %swap3A_663 = arith.constant 96 : index
    %swap3A_664 = tpu.vector_load %arg27[%swap3A_662, %swap3A_663] {strides = array<i32>} : memref<40x128xf32, #tpu.memory_space<vmem>>, vector<16xf32>,
    tpu.vector_store %arg27[%swap3A_662, %swap3A_663], %broadcast_in_dim3A_29 {strides = array<i32>} : memref<40x128xf32, #tpu.memory_space<vmem>>, vector<16xf32>,
    %swap3A_665 = arith.constant 19 : i32
    %swap3A_666 = arith.index_cast %swap3A_665 : i32 to index
    %swap3A_667 = arith.constant 112 : index
    %swap3A_668 = tpu.vector_load %arg27[%swap3A_666, %swap3A_667] {strides = array<i32>} : memref<40x128xf32, #tpu.memory_space<vmem>>, vector<16xf32>,
    tpu.vector_store %arg27[%swap3A_666, %swap3A_667], %broadcast_in_dim3A_29 {strides = array<i32>} : memref<40x128xf32, #tpu.memory_space<vmem>>, vector<16xf32>,
    %swap3A_669 = arith.constant 20 : i32
    %swap3A_670 = arith.index_cast %swap3A_669 : i32 to index
    %swap3A_671 = arith.constant 0 : index
    %swap3A_672 = tpu.vector_load %arg27[%swap3A_670, %swap3A_671] {strides = array<i32>} : memref<40x128xf32, #tpu.memory_space<vmem>>, vector<16xf32>,
    tpu.vector_store %arg27[%swap3A_670, %swap3A_671], %broadcast_in_dim3A_29 {strides = array<i32>} : memref<40x128xf32, #tpu.memory_space<vmem>>, vector<16xf32>,
    %swap3A_673 = arith.constant 20 : i32
    %swap3A_674 = arith.index_cast %swap3A_673 : i32 to index
    %swap3A_675 = arith.constant 16 : index
    %swap3A_676 = tpu.vector_load %arg27[%swap3A_674, %swap3A_675] {strides = array<i32>} : memref<40x128xf32, #tpu.memory_space<vmem>>, vector<16xf32>,
    tpu.vector_store %arg27[%swap3A_674, %swap3A_675], %broadcast_in_dim3A_29 {strides = array<i32>} : memref<40x128xf32, #tpu.memory_space<vmem>>, vector<16xf32>,
    %swap3A_677 = arith.constant 20 : i32
    %swap3A_678 = arith.index_cast %swap3A_677 : i32 to index
    %swap3A_679 = arith.constant 32 : index
    %swap3A_680 = tpu.vector_load %arg27[%swap3A_678, %swap3A_679] {strides = array<i32>} : memref<40x128xf32, #tpu.memory_space<vmem>>, vector<16xf32>,
    tpu.vector_store %arg27[%swap3A_678, %swap3A_679], %broadcast_in_dim3A_29 {strides = array<i32>} : memref<40x128xf32, #tpu.memory_space<vmem>>, vector<16xf32>,
    %swap3A_681 = arith.constant 20 : i32
    %swap3A_682 = arith.index_cast %swap3A_681 : i32 to index
    %swap3A_683 = arith.constant 48 : index
    %swap3A_684 = tpu.vector_load %arg27[%swap3A_682, %swap3A_683] {strides = array<i32>} : memref<40x128xf32, #tpu.memory_space<vmem>>, vector<16xf32>,
    tpu.vector_store %arg27[%swap3A_682, %swap3A_683], %broadcast_in_dim3A_29 {strides = array<i32>} : memref<40x128xf32, #tpu.memory_space<vmem>>, vector<16xf32>,
    %swap3A_685 = arith.constant 20 : i32
    %swap3A_686 = arith.index_cast %swap3A_685 : i32 to index
    %swap3A_687 = arith.constant 64 : index
    %swap3A_688 = tpu.vector_load %arg27[%swap3A_686, %swap3A_687] {strides = array<i32>} : memref<40x128xf32, #tpu.memory_space<vmem>>, vector<16xf32>,
    tpu.vector_store %arg27[%swap3A_686, %swap3A_687], %broadcast_in_dim3A_29 {strides = array<i32>} : memref<40x128xf32, #tpu.memory_space<vmem>>, vector<16xf32>,
    %swap3A_689 = arith.constant 20 : i32
    %swap3A_690 = arith.index_cast %swap3A_689 : i32 to index
    %swap3A_691 = arith.constant 80 : index
    %swap3A_692 = tpu.vector_load %arg27[%swap3A_690, %swap3A_691] {strides = array<i32>} : memref<40x128xf32, #tpu.memory_space<vmem>>, vector<16xf32>,
    tpu.vector_store %arg27[%swap3A_690, %swap3A_691], %broadcast_in_dim3A_29 {strides = array<i32>} : memref<40x128xf32, #tpu.memory_space<vmem>>, vector<16xf32>,
    %swap3A_693 = arith.constant 20 : i32
    %swap3A_694 = arith.index_cast %swap3A_693 : i32 to index
    %swap3A_695 = arith.constant 96 : index
    %swap3A_696 = tpu.vector_load %arg27[%swap3A_694, %swap3A_695] {strides = array<i32>} : memref<40x128xf32, #tpu.memory_space<vmem>>, vector<16xf32>,
    tpu.vector_store %arg27[%swap3A_694, %swap3A_695], %broadcast_in_dim3A_29 {strides = array<i32>} : memref<40x128xf32, #tpu.memory_space<vmem>>, vector<16xf32>,
    %swap3A_697 = arith.constant 20 : i32
    %swap3A_698 = arith.index_cast %swap3A_697 : i32 to index
    %swap3A_699 = arith.constant 112 : index
    %swap3A_700 = tpu.vector_load %arg27[%swap3A_698, %swap3A_699] {strides = array<i32>} : memref<40x128xf32, #tpu.memory_space<vmem>>, vector<16xf32>,
    tpu.vector_store %arg27[%swap3A_698, %swap3A_699], %broadcast_in_dim3A_29 {strides = array<i32>} : memref<40x128xf32, #tpu.memory_space<vmem>>, vector<16xf32>,
    %swap3A_701 = arith.constant 21 : i32
    %swap3A_702 = arith.index_cast %swap3A_701 : i32 to index
    %swap3A_703 = arith.constant 0 : index
    %swap3A_704 = tpu.vector_load %arg27[%swap3A_702, %swap3A_703] {strides = array<i32>} : memref<40x128xf32, #tpu.memory_space<vmem>>, vector<16xf32>,
    tpu.vector_store %arg27[%swap3A_702, %swap3A_703], %broadcast_in_dim3A_29 {strides = array<i32>} : memref<40x128xf32, #tpu.memory_space<vmem>>, vector<16xf32>,
    %swap3A_705 = arith.constant 21 : i32
    %swap3A_706 = arith.index_cast %swap3A_705 : i32 to index
    %swap3A_707 = arith.constant 16 : index
    %swap3A_708 = tpu.vector_load %arg27[%swap3A_706, %swap3A_707] {strides = array<i32>} : memref<40x128xf32, #tpu.memory_space<vmem>>, vector<16xf32>,
    tpu.vector_store %arg27[%swap3A_706, %swap3A_707], %broadcast_in_dim3A_29 {strides = array<i32>} : memref<40x128xf32, #tpu.memory_space<vmem>>, vector<16xf32>,
    %swap3A_709 = arith.constant 21 : i32
    %swap3A_710 = arith.index_cast %swap3A_709 : i32 to index
    %swap3A_711 = arith.constant 32 : index
    %swap3A_712 = tpu.vector_load %arg27[%swap3A_710, %swap3A_711] {strides = array<i32>} : memref<40x128xf32, #tpu.memory_space<vmem>>, vector<16xf32>,
    tpu.vector_store %arg27[%swap3A_710, %swap3A_711], %broadcast_in_dim3A_29 {strides = array<i32>} : memref<40x128xf32, #tpu.memory_space<vmem>>, vector<16xf32>,
    %swap3A_713 = arith.constant 21 : i32
    %swap3A_714 = arith.index_cast %swap3A_713 : i32 to index
    %swap3A_715 = arith.constant 48 : index
    %swap3A_716 = tpu.vector_load %arg27[%swap3A_714, %swap3A_715] {strides = array<i32>} : memref<40x128xf32, #tpu.memory_space<vmem>>, vector<16xf32>,
    tpu.vector_store %arg27[%swap3A_714, %swap3A_715], %broadcast_in_dim3A_29 {strides = array<i32>} : memref<40x128xf32, #tpu.memory_space<vmem>>, vector<16xf32>,
    %swap3A_717 = arith.constant 21 : i32
    %swap3A_718 = arith.index_cast %swap3A_717 : i32 to index
    %swap3A_719 = arith.constant 64 : index
    %swap3A_720 = tpu.vector_load %arg27[%swap3A_718, %swap3A_719] {strides = array<i32>} : memref<40x128xf32, #tpu.memory_space<vmem>>, vector<16xf32>,
    tpu.vector_store %arg27[%swap3A_718, %swap3A_719], %broadcast_in_dim3A_29 {strides = array<i32>} : memref<40x128xf32, #tpu.memory_space<vmem>>, vector<16xf32>,
    %swap3A_721 = arith.constant 21 : i32
    %swap3A_722 = arith.index_cast %swap3A_721 : i32 to index
    %swap3A_723 = arith.constant 80 : index
    %swap3A_724 = tpu.vector_load %arg27[%swap3A_722, %swap3A_723] {strides = array<i32>} : memref<40x128xf32, #tpu.memory_space<vmem>>, vector<16xf32>,
    tpu.vector_store %arg27[%swap3A_722, %swap3A_723], %broadcast_in_dim3A_29 {strides = array<i32>} : memref<40x128xf32, #tpu.memory_space<vmem>>, vector<16xf32>,
    %swap3A_725 = arith.constant 21 : i32
    %swap3A_726 = arith.index_cast %swap3A_725 : i32 to index
    %swap3A_727 = arith.constant 96 : index
    %swap3A_728 = tpu.vector_load %arg27[%swap3A_726, %swap3A_727] {strides = array<i32>} : memref<40x128xf32, #tpu.memory_space<vmem>>, vector<16xf32>,
    tpu.vector_store %arg27[%swap3A_726, %swap3A_727], %broadcast_in_dim3A_29 {strides = array<i32>} : memref<40x128xf32, #tpu.memory_space<vmem>>, vector<16xf32>,
    %swap3A_729 = arith.constant 21 : i32
    %swap3A_730 = arith.index_cast %swap3A_729 : i32 to index
    %swap3A_731 = arith.constant 112 : index
    %swap3A_732 = tpu.vector_load %arg27[%swap3A_730, %swap3A_731] {strides = array<i32>} : memref<40x128xf32, #tpu.memory_space<vmem>>, vector<16xf32>,
    tpu.vector_store %arg27[%swap3A_730, %swap3A_731], %broadcast_in_dim3A_29 {strides = array<i32>} : memref<40x128xf32, #tpu.memory_space<vmem>>, vector<16xf32>,
    %swap3A_733 = arith.constant 22 : i32
    %swap3A_734 = arith.index_cast %swap3A_733 : i32 to index
    %swap3A_735 = arith.constant 0 : index
    %swap3A_736 = tpu.vector_load %arg27[%swap3A_734, %swap3A_735] {strides = array<i32>} : memref<40x128xf32, #tpu.memory_space<vmem>>, vector<16xf32>,
    tpu.vector_store %arg27[%swap3A_734, %swap3A_735], %broadcast_in_dim3A_29 {strides = array<i32>} : memref<40x128xf32, #tpu.memory_space<vmem>>, vector<16xf32>,
    %swap3A_737 = arith.constant 22 : i32
    %swap3A_738 = arith.index_cast %swap3A_737 : i32 to index
    %swap3A_739 = arith.constant 16 : index
    %swap3A_740 = tpu.vector_load %arg27[%swap3A_738, %swap3A_739] {strides = array<i32>} : memref<40x128xf32, #tpu.memory_space<vmem>>, vector<16xf32>,
    tpu.vector_store %arg27[%swap3A_738, %swap3A_739], %broadcast_in_dim3A_29 {strides = array<i32>} : memref<40x128xf32, #tpu.memory_space<vmem>>, vector<16xf32>,
    %swap3A_741 = arith.constant 22 : i32
    %swap3A_742 = arith.index_cast %swap3A_741 : i32 to index
    %swap3A_743 = arith.constant 32 : index
    %swap3A_744 = tpu.vector_load %arg27[%swap3A_742, %swap3A_743] {strides = array<i32>} : memref<40x128xf32, #tpu.memory_space<vmem>>, vector<16xf32>,
    tpu.vector_store %arg27[%swap3A_742, %swap3A_743], %broadcast_in_dim3A_29 {strides = array<i32>} : memref<40x128xf32, #tpu.memory_space<vmem>>, vector<16xf32>,
    %swap3A_745 = arith.constant 22 : i32
    %swap3A_746 = arith.index_cast %swap3A_745 : i32 to index
    %swap3A_747 = arith.constant 48 : index
    %swap3A_748 = tpu.vector_load %arg27[%swap3A_746, %swap3A_747] {strides = array<i32>} : memref<40x128xf32, #tpu.memory_space<vmem>>, vector<16xf32>,
    tpu.vector_store %arg27[%swap3A_746, %swap3A_747], %broadcast_in_dim3A_29 {strides = array<i32>} : memref<40x128xf32, #tpu.memory_space<vmem>>, vector<16xf32>,
    %swap3A_749 = arith.constant 22 : i32
    %swap3A_750 = arith.index_cast %swap3A_749 : i32 to index
    %swap3A_751 = arith.constant 64 : index
    %swap3A_752 = tpu.vector_load %arg27[%swap3A_750, %swap3A_751] {strides = array<i32>} : memref<40x128xf32, #tpu.memory_space<vmem>>, vector<16xf32>,
    tpu.vector_store %arg27[%swap3A_750, %swap3A_751], %broadcast_in_dim3A_29 {strides = array<i32>} : memref<40x128xf32, #tpu.memory_space<vmem>>, vector<16xf32>,
    %swap3A_753 = arith.constant 22 : i32
    %swap3A_754 = arith.index_cast %swap3A_753 : i32 to index
    %swap3A_755 = arith.constant 80 : index
    %swap3A_756 = tpu.vector_load %arg27[%swap3A_754, %swap3A_755] {strides = array<i32>} : memref<40x128xf32, #tpu.memory_space<vmem>>, vector<16xf32>,
    tpu.vector_store %arg27[%swap3A_754, %swap3A_755], %broadcast_in_dim3A_29 {strides = array<i32>} : memref<40x128xf32, #tpu.memory_space<vmem>>, vector<16xf32>,
    %swap3A_757 = arith.constant 22 : i32
    %swap3A_758 = arith.index_cast %swap3A_757 : i32 to index
    %swap3A_759 = arith.constant 96 : index
    %swap3A_760 = tpu.vector_load %arg27[%swap3A_758, %swap3A_759] {strides = array<i32>} : memref<40x128xf32, #tpu.memory_space<vmem>>, vector<16xf32>,
    tpu.vector_store %arg27[%swap3A_758, %swap3A_759], %broadcast_in_dim3A_29 {strides = array<i32>} : memref<40x128xf32, #tpu.memory_space<vmem>>, vector<16xf32>,
    %swap3A_761 = arith.constant 22 : i32
    %swap3A_762 = arith.index_cast %swap3A_761 : i32 to index
    %swap3A_763 = arith.constant 112 : index
    %swap3A_764 = tpu.vector_load %arg27[%swap3A_762, %swap3A_763] {strides = array<i32>} : memref<40x128xf32, #tpu.memory_space<vmem>>, vector<16xf32>,
    tpu.vector_store %arg27[%swap3A_762, %swap3A_763], %broadcast_in_dim3A_29 {strides = array<i32>} : memref<40x128xf32, #tpu.memory_space<vmem>>, vector<16xf32>,
    %swap3A_765 = arith.constant 23 : i32
    %swap3A_766 = arith.index_cast %swap3A_765 : i32 to index
    %swap3A_767 = arith.constant 0 : index
    %swap3A_768 = tpu.vector_load %arg27[%swap3A_766, %swap3A_767] {strides = array<i32>} : memref<40x128xf32, #tpu.memory_space<vmem>>, vector<16xf32>,
    tpu.vector_store %arg27[%swap3A_766, %swap3A_767], %broadcast_in_dim3A_29 {strides = array<i32>} : memref<40x128xf32, #tpu.memory_space<vmem>>, vector<16xf32>,
    %swap3A_769 = arith.constant 23 : i32
    %swap3A_770 = arith.index_cast %swap3A_769 : i32 to index
    %swap3A_771 = arith.constant 16 : index
    %swap3A_772 = tpu.vector_load %arg27[%swap3A_770, %swap3A_771] {strides = array<i32>} : memref<40x128xf32, #tpu.memory_space<vmem>>, vector<16xf32>,
    tpu.vector_store %arg27[%swap3A_770, %swap3A_771], %broadcast_in_dim3A_29 {strides = array<i32>} : memref<40x128xf32, #tpu.memory_space<vmem>>, vector<16xf32>,
    %swap3A_773 = arith.constant 23 : i32
    %swap3A_774 = arith.index_cast %swap3A_773 : i32 to index
    %swap3A_775 = arith.constant 32 : index
    %swap3A_776 = tpu.vector_load %arg27[%swap3A_774, %swap3A_775] {strides = array<i32>} : memref<40x128xf32, #tpu.memory_space<vmem>>, vector<16xf32>,
    tpu.vector_store %arg27[%swap3A_774, %swap3A_775], %broadcast_in_dim3A_29 {strides = array<i32>} : memref<40x128xf32, #tpu.memory_space<vmem>>, vector<16xf32>,
    %swap3A_777 = arith.constant 23 : i32
    %swap3A_778 = arith.index_cast %swap3A_777 : i32 to index
    %swap3A_779 = arith.constant 48 : index
    %swap3A_780 = tpu.vector_load %arg27[%swap3A_778, %swap3A_779] {strides = array<i32>} : memref<40x128xf32, #tpu.memory_space<vmem>>, vector<16xf32>,
    tpu.vector_store %arg27[%swap3A_778, %swap3A_779], %broadcast_in_dim3A_29 {strides = array<i32>} : memref<40x128xf32, #tpu.memory_space<vmem>>, vector<16xf32>,
    %swap3A_781 = arith.constant 23 : i32
    %swap3A_782 = arith.index_cast %swap3A_781 : i32 to index
    %swap3A_783 = arith.constant 64 : index
    %swap3A_784 = tpu.vector_load %arg27[%swap3A_782, %swap3A_783] {strides = array<i32>} : memref<40x128xf32, #tpu.memory_space<vmem>>, vector<16xf32>,
    tpu.vector_store %arg27[%swap3A_782, %swap3A_783], %broadcast_in_dim3A_29 {strides = array<i32>} : memref<40x128xf32, #tpu.memory_space<vmem>>, vector<16xf32>,
    %swap3A_785 = arith.constant 23 : i32
    %swap3A_786 = arith.index_cast %swap3A_785 : i32 to index
    %swap3A_787 = arith.constant 80 : index
    %swap3A_788 = tpu.vector_load %arg27[%swap3A_786, %swap3A_787] {strides = array<i32>} : memref<40x128xf32, #tpu.memory_space<vmem>>, vector<16xf32>,
    tpu.vector_store %arg27[%swap3A_786, %swap3A_787], %broadcast_in_dim3A_29 {strides = array<i32>} : memref<40x128xf32, #tpu.memory_space<vmem>>, vector<16xf32>,
    %swap3A_789 = arith.constant 23 : i32
    %swap3A_790 = arith.index_cast %swap3A_789 : i32 to index
    %swap3A_791 = arith.constant 96 : index
    %swap3A_792 = tpu.vector_load %arg27[%swap3A_790, %swap3A_791] {strides = array<i32>} : memref<40x128xf32, #tpu.memory_space<vmem>>, vector<16xf32>,
    tpu.vector_store %arg27[%swap3A_790, %swap3A_791], %broadcast_in_dim3A_29 {strides = array<i32>} : memref<40x128xf32, #tpu.memory_space<vmem>>, vector<16xf32>,
    %swap3A_793 = arith.constant 23 : i32
    %swap3A_794 = arith.index_cast %swap3A_793 : i32 to index
    %swap3A_795 = arith.constant 112 : index
    %swap3A_796 = tpu.vector_load %arg27[%swap3A_794, %swap3A_795] {strides = array<i32>} : memref<40x128xf32, #tpu.memory_space<vmem>>, vector<16xf32>,
    tpu.vector_store %arg27[%swap3A_794, %swap3A_795], %broadcast_in_dim3A_29 {strides = array<i32>} : memref<40x128xf32, #tpu.memory_space<vmem>>, vector<16xf32>,
    %swap3A_797 = arith.constant 24 : i32
    %swap3A_798 = arith.index_cast %swap3A_797 : i32 to index
    %swap3A_799 = arith.constant 0 : index
    %swap3A_800 = tpu.vector_load %arg27[%swap3A_798, %swap3A_799] {strides = array<i32>} : memref<40x128xf32, #tpu.memory_space<vmem>>, vector<16xf32>,
    tpu.vector_store %arg27[%swap3A_798, %swap3A_799], %broadcast_in_dim3A_29 {strides = array<i32>} : memref<40x128xf32, #tpu.memory_space<vmem>>, vector<16xf32>,
    %swap3A_801 = arith.constant 24 : i32
    %swap3A_802 = arith.index_cast %swap3A_801 : i32 to index
    %swap3A_803 = arith.constant 16 : index
    %swap3A_804 = tpu.vector_load %arg27[%swap3A_802, %swap3A_803] {strides = array<i32>} : memref<40x128xf32, #tpu.memory_space<vmem>>, vector<16xf32>,
    tpu.vector_store %arg27[%swap3A_802, %swap3A_803], %broadcast_in_dim3A_29 {strides = array<i32>} : memref<40x128xf32, #tpu.memory_space<vmem>>, vector<16xf32>,
    %swap3A_805 = arith.constant 24 : i32
    %swap3A_806 = arith.index_cast %swap3A_805 : i32 to index
    %swap3A_807 = arith.constant 32 : index
    %swap3A_808 = tpu.vector_load %arg27[%swap3A_806, %swap3A_807] {strides = array<i32>} : memref<40x128xf32, #tpu.memory_space<vmem>>, vector<16xf32>,
    tpu.vector_store %arg27[%swap3A_806, %swap3A_807], %broadcast_in_dim3A_29 {strides = array<i32>} : memref<40x128xf32, #tpu.memory_space<vmem>>, vector<16xf32>,
    %swap3A_809 = arith.constant 24 : i32
    %swap3A_810 = arith.index_cast %swap3A_809 : i32 to index
    %swap3A_811 = arith.constant 48 : index
    %swap3A_812 = tpu.vector_load %arg27[%swap3A_810, %swap3A_811] {strides = array<i32>} : memref<40x128xf32, #tpu.memory_space<vmem>>, vector<16xf32>,
    tpu.vector_store %arg27[%swap3A_810, %swap3A_811], %broadcast_in_dim3A_29 {strides = array<i32>} : memref<40x128xf32, #tpu.memory_space<vmem>>, vector<16xf32>,
    %swap3A_813 = arith.constant 24 : i32
    %swap3A_814 = arith.index_cast %swap3A_813 : i32 to index
    %swap3A_815 = arith.constant 64 : index
    %swap3A_816 = tpu.vector_load %arg27[%swap3A_814, %swap3A_815] {strides = array<i32>} : memref<40x128xf32, #tpu.memory_space<vmem>>, vector<16xf32>,
    tpu.vector_store %arg27[%swap3A_814, %swap3A_815], %broadcast_in_dim3A_29 {strides = array<i32>} : memref<40x128xf32, #tpu.memory_space<vmem>>, vector<16xf32>,
    %swap3A_817 = arith.constant 24 : i32
    %swap3A_818 = arith.index_cast %swap3A_817 : i32 to index
    %swap3A_819 = arith.constant 80 : index
    %swap3A_820 = tpu.vector_load %arg27[%swap3A_818, %swap3A_819] {strides = array<i32>} : memref<40x128xf32, #tpu.memory_space<vmem>>, vector<16xf32>,
    tpu.vector_store %arg27[%swap3A_818, %swap3A_819], %broadcast_in_dim3A_29 {strides = array<i32>} : memref<40x128xf32, #tpu.memory_space<vmem>>, vector<16xf32>,
    %swap3A_821 = arith.constant 24 : i32
    %swap3A_822 = arith.index_cast %swap3A_821 : i32 to index
    %swap3A_823 = arith.constant 96 : index
    %swap3A_824 = tpu.vector_load %arg27[%swap3A_822, %swap3A_823] {strides = array<i32>} : memref<40x128xf32, #tpu.memory_space<vmem>>, vector<16xf32>,
    tpu.vector_store %arg27[%swap3A_822, %swap3A_823], %broadcast_in_dim3A_29 {strides = array<i32>} : memref<40x128xf32, #tpu.memory_space<vmem>>, vector<16xf32>,
    %swap3A_825 = arith.constant 24 : i32
    %swap3A_826 = arith.index_cast %swap3A_825 : i32 to index
    %swap3A_827 = arith.constant 112 : index
    %swap3A_828 = tpu.vector_load %arg27[%swap3A_826, %swap3A_827] {strides = array<i32>} : memref<40x128xf32, #tpu.memory_space<vmem>>, vector<16xf32>,
    tpu.vector_store %arg27[%swap3A_826, %swap3A_827], %broadcast_in_dim3A_29 {strides = array<i32>} : memref<40x128xf32, #tpu.memory_space<vmem>>, vector<16xf32>,
    %swap3A_829 = arith.constant 25 : i32
    %swap3A_830 = arith.index_cast %swap3A_829 : i32 to index
    %swap3A_831 = arith.constant 0 : index
    %swap3A_832 = tpu.vector_load %arg27[%swap3A_830, %swap3A_831] {strides = array<i32>} : memref<40x128xf32, #tpu.memory_space<vmem>>, vector<16xf32>,
    tpu.vector_store %arg27[%swap3A_830, %swap3A_831], %broadcast_in_dim3A_29 {strides = array<i32>} : memref<40x128xf32, #tpu.memory_space<vmem>>, vector<16xf32>,
    %swap3A_833 = arith.constant 25 : i32
    %swap3A_834 = arith.index_cast %swap3A_833 : i32 to index
    %swap3A_835 = arith.constant 16 : index
    %swap3A_836 = tpu.vector_load %arg27[%swap3A_834, %swap3A_835] {strides = array<i32>} : memref<40x128xf32, #tpu.memory_space<vmem>>, vector<16xf32>,
    tpu.vector_store %arg27[%swap3A_834, %swap3A_835], %broadcast_in_dim3A_29 {strides = array<i32>} : memref<40x128xf32, #tpu.memory_space<vmem>>, vector<16xf32>,
    %swap3A_837 = arith.constant 25 : i32
    %swap3A_838 = arith.index_cast %swap3A_837 : i32 to index
    %swap3A_839 = arith.constant 32 : index
    %swap3A_840 = tpu.vector_load %arg27[%swap3A_838, %swap3A_839] {strides = array<i32>} : memref<40x128xf32, #tpu.memory_space<vmem>>, vector<16xf32>,
    tpu.vector_store %arg27[%swap3A_838, %swap3A_839], %broadcast_in_dim3A_29 {strides = array<i32>} : memref<40x128xf32, #tpu.memory_space<vmem>>, vector<16xf32>,
    %swap3A_841 = arith.constant 25 : i32
    %swap3A_842 = arith.index_cast %swap3A_841 : i32 to index
    %swap3A_843 = arith.constant 48 : index
    %swap3A_844 = tpu.vector_load %arg27[%swap3A_842, %swap3A_843] {strides = array<i32>} : memref<40x128xf32, #tpu.memory_space<vmem>>, vector<16xf32>,
    tpu.vector_store %arg27[%swap3A_842, %swap3A_843], %broadcast_in_dim3A_29 {strides = array<i32>} : memref<40x128xf32, #tpu.memory_space<vmem>>, vector<16xf32>,
    %swap3A_845 = arith.constant 25 : i32
    %swap3A_846 = arith.index_cast %swap3A_845 : i32 to index
    %swap3A_847 = arith.constant 64 : index
    %swap3A_848 = tpu.vector_load %arg27[%swap3A_846, %swap3A_847] {strides = array<i32>} : memref<40x128xf32, #tpu.memory_space<vmem>>, vector<16xf32>,
    tpu.vector_store %arg27[%swap3A_846, %swap3A_847], %broadcast_in_dim3A_29 {strides = array<i32>} : memref<40x128xf32, #tpu.memory_space<vmem>>, vector<16xf32>,
    %swap3A_849 = arith.constant 25 : i32
    %swap3A_850 = arith.index_cast %swap3A_849 : i32 to index
    %swap3A_851 = arith.constant 80 : index
    %swap3A_852 = tpu.vector_load %arg27[%swap3A_850, %swap3A_851] {strides = array<i32>} : memref<40x128xf32, #tpu.memory_space<vmem>>, vector<16xf32>,
    tpu.vector_store %arg27[%swap3A_850, %swap3A_851], %broadcast_in_dim3A_29 {strides = array<i32>} : memref<40x128xf32, #tpu.memory_space<vmem>>, vector<16xf32>,
    %swap3A_853 = arith.constant 25 : i32
    %swap3A_854 = arith.index_cast %swap3A_853 : i32 to index
    %swap3A_855 = arith.constant 96 : index
    %swap3A_856 = tpu.vector_load %arg27[%swap3A_854, %swap3A_855] {strides = array<i32>} : memref<40x128xf32, #tpu.memory_space<vmem>>, vector<16xf32>,
    tpu.vector_store %arg27[%swap3A_854, %swap3A_855], %broadcast_in_dim3A_29 {strides = array<i32>} : memref<40x128xf32, #tpu.memory_space<vmem>>, vector<16xf32>,
    %swap3A_857 = arith.constant 25 : i32
    %swap3A_858 = arith.index_cast %swap3A_857 : i32 to index
    %swap3A_859 = arith.constant 112 : index
    %swap3A_860 = tpu.vector_load %arg27[%swap3A_858, %swap3A_859] {strides = array<i32>} : memref<40x128xf32, #tpu.memory_space<vmem>>, vector<16xf32>,
    tpu.vector_store %arg27[%swap3A_858, %swap3A_859], %broadcast_in_dim3A_29 {strides = array<i32>} : memref<40x128xf32, #tpu.memory_space<vmem>>, vector<16xf32>,
    %swap3A_861 = arith.constant 26 : i32
    %swap3A_862 = arith.index_cast %swap3A_861 : i32 to index
    %swap3A_863 = arith.constant 0 : index
    %swap3A_864 = tpu.vector_load %arg27[%swap3A_862, %swap3A_863] {strides = array<i32>} : memref<40x128xf32, #tpu.memory_space<vmem>>, vector<16xf32>,
    tpu.vector_store %arg27[%swap3A_862, %swap3A_863], %broadcast_in_dim3A_29 {strides = array<i32>} : memref<40x128xf32, #tpu.memory_space<vmem>>, vector<16xf32>,
    %swap3A_865 = arith.constant 26 : i32
    %swap3A_866 = arith.index_cast %swap3A_865 : i32 to index
    %swap3A_867 = arith.constant 16 : index
    %swap3A_868 = tpu.vector_load %arg27[%swap3A_866, %swap3A_867] {strides = array<i32>} : memref<40x128xf32, #tpu.memory_space<vmem>>, vector<16xf32>,
    tpu.vector_store %arg27[%swap3A_866, %swap3A_867], %broadcast_in_dim3A_29 {strides = array<i32>} : memref<40x128xf32, #tpu.memory_space<vmem>>, vector<16xf32>,
    %swap3A_869 = arith.constant 26 : i32
    %swap3A_870 = arith.index_cast %swap3A_869 : i32 to index
    %swap3A_871 = arith.constant 32 : index
    %swap3A_872 = tpu.vector_load %arg27[%swap3A_870, %swap3A_871] {strides = array<i32>} : memref<40x128xf32, #tpu.memory_space<vmem>>, vector<16xf32>,
    tpu.vector_store %arg27[%swap3A_870, %swap3A_871], %broadcast_in_dim3A_29 {strides = array<i32>} : memref<40x128xf32, #tpu.memory_space<vmem>>, vector<16xf32>,
    %swap3A_873 = arith.constant 26 : i32
    %swap3A_874 = arith.index_cast %swap3A_873 : i32 to index
    %swap3A_875 = arith.constant 48 : index
    %swap3A_876 = tpu.vector_load %arg27[%swap3A_874, %swap3A_875] {strides = array<i32>} : memref<40x128xf32, #tpu.memory_space<vmem>>, vector<16xf32>,
    tpu.vector_store %arg27[%swap3A_874, %swap3A_875], %broadcast_in_dim3A_29 {strides = array<i32>} : memref<40x128xf32, #tpu.memory_space<vmem>>, vector<16xf32>,
    %swap3A_877 = arith.constant 26 : i32
    %swap3A_878 = arith.index_cast %swap3A_877 : i32 to index
    %swap3A_879 = arith.constant 64 : index
    %swap3A_880 = tpu.vector_load %arg27[%swap3A_878, %swap3A_879] {strides = array<i32>} : memref<40x128xf32, #tpu.memory_space<vmem>>, vector<16xf32>,
    tpu.vector_store %arg27[%swap3A_878, %swap3A_879], %broadcast_in_dim3A_29 {strides = array<i32>} : memref<40x128xf32, #tpu.memory_space<vmem>>, vector<16xf32>,
    %swap3A_881 = arith.constant 26 : i32
    %swap3A_882 = arith.index_cast %swap3A_881 : i32 to index
    %swap3A_883 = arith.constant 80 : index
    %swap3A_884 = tpu.vector_load %arg27[%swap3A_882, %swap3A_883] {strides = array<i32>} : memref<40x128xf32, #tpu.memory_space<vmem>>, vector<16xf32>,
    tpu.vector_store %arg27[%swap3A_882, %swap3A_883], %broadcast_in_dim3A_29 {strides = array<i32>} : memref<40x128xf32, #tpu.memory_space<vmem>>, vector<16xf32>,
    %swap3A_885 = arith.constant 26 : i32
    %swap3A_886 = arith.index_cast %swap3A_885 : i32 to index
    %swap3A_887 = arith.constant 96 : index
    %swap3A_888 = tpu.vector_load %arg27[%swap3A_886, %swap3A_887] {strides = array<i32>} : memref<40x128xf32, #tpu.memory_space<vmem>>, vector<16xf32>,
    tpu.vector_store %arg27[%swap3A_886, %swap3A_887], %broadcast_in_dim3A_29 {strides = array<i32>} : memref<40x128xf32, #tpu.memory_space<vmem>>, vector<16xf32>,
    %swap3A_889 = arith.constant 26 : i32
    %swap3A_890 = arith.index_cast %swap3A_889 : i32 to index
    %swap3A_891 = arith.constant 112 : index
    %swap3A_892 = tpu.vector_load %arg27[%swap3A_890, %swap3A_891] {strides = array<i32>} : memref<40x128xf32, #tpu.memory_space<vmem>>, vector<16xf32>,
    tpu.vector_store %arg27[%swap3A_890, %swap3A_891], %broadcast_in_dim3A_29 {strides = array<i32>} : memref<40x128xf32, #tpu.memory_space<vmem>>, vector<16xf32>,
    %swap3A_893 = arith.constant 27 : i32
    %swap3A_894 = arith.index_cast %swap3A_893 : i32 to index
    %swap3A_895 = arith.constant 0 : index
    %swap3A_896 = tpu.vector_load %arg27[%swap3A_894, %swap3A_895] {strides = array<i32>} : memref<40x128xf32, #tpu.memory_space<vmem>>, vector<16xf32>,
    tpu.vector_store %arg27[%swap3A_894, %swap3A_895], %broadcast_in_dim3A_29 {strides = array<i32>} : memref<40x128xf32, #tpu.memory_space<vmem>>, vector<16xf32>,
    %swap3A_897 = arith.constant 27 : i32
    %swap3A_898 = arith.index_cast %swap3A_897 : i32 to index
    %swap3A_899 = arith.constant 16 : index
    %swap3A_900 = tpu.vector_load %arg27[%swap3A_898, %swap3A_899] {strides = array<i32>} : memref<40x128xf32, #tpu.memory_space<vmem>>, vector<16xf32>,
    tpu.vector_store %arg27[%swap3A_898, %swap3A_899], %broadcast_in_dim3A_29 {strides = array<i32>} : memref<40x128xf32, #tpu.memory_space<vmem>>, vector<16xf32>,
    %swap3A_901 = arith.constant 27 : i32
    %swap3A_902 = arith.index_cast %swap3A_901 : i32 to index
    %swap3A_903 = arith.constant 32 : index
    %swap3A_904 = tpu.vector_load %arg27[%swap3A_902, %swap3A_903] {strides = array<i32>} : memref<40x128xf32, #tpu.memory_space<vmem>>, vector<16xf32>,
    tpu.vector_store %arg27[%swap3A_902, %swap3A_903], %broadcast_in_dim3A_29 {strides = array<i32>} : memref<40x128xf32, #tpu.memory_space<vmem>>, vector<16xf32>,
    %swap3A_905 = arith.constant 27 : i32
    %swap3A_906 = arith.index_cast %swap3A_905 : i32 to index
    %swap3A_907 = arith.constant 48 : index
    %swap3A_908 = tpu.vector_load %arg27[%swap3A_906, %swap3A_907] {strides = array<i32>} : memref<40x128xf32, #tpu.memory_space<vmem>>, vector<16xf32>,
    tpu.vector_store %arg27[%swap3A_906, %swap3A_907], %broadcast_in_dim3A_29 {strides = array<i32>} : memref<40x128xf32, #tpu.memory_space<vmem>>, vector<16xf32>,
    %swap3A_909 = arith.constant 27 : i32
    %swap3A_910 = arith.index_cast %swap3A_909 : i32 to index
    %swap3A_911 = arith.constant 64 : index
    %swap3A_912 = tpu.vector_load %arg27[%swap3A_910, %swap3A_911] {strides = array<i32>} : memref<40x128xf32, #tpu.memory_space<vmem>>, vector<16xf32>,
    tpu.vector_store %arg27[%swap3A_910, %swap3A_911], %broadcast_in_dim3A_29 {strides = array<i32>} : memref<40x128xf32, #tpu.memory_space<vmem>>, vector<16xf32>,
    %swap3A_913 = arith.constant 27 : i32
    %swap3A_914 = arith.index_cast %swap3A_913 : i32 to index
    %swap3A_915 = arith.constant 80 : index
    %swap3A_916 = tpu.vector_load %arg27[%swap3A_914, %swap3A_915] {strides = array<i32>} : memref<40x128xf32, #tpu.memory_space<vmem>>, vector<16xf32>,
    tpu.vector_store %arg27[%swap3A_914, %swap3A_915], %broadcast_in_dim3A_29 {strides = array<i32>} : memref<40x128xf32, #tpu.memory_space<vmem>>, vector<16xf32>,
    %swap3A_917 = arith.constant 27 : i32
    %swap3A_918 = arith.index_cast %swap3A_917 : i32 to index
    %swap3A_919 = arith.constant 96 : index
    %swap3A_920 = tpu.vector_load %arg27[%swap3A_918, %swap3A_919] {strides = array<i32>} : memref<40x128xf32, #tpu.memory_space<vmem>>, vector<16xf32>,
    tpu.vector_store %arg27[%swap3A_918, %swap3A_919], %broadcast_in_dim3A_29 {strides = array<i32>} : memref<40x128xf32, #tpu.memory_space<vmem>>, vector<16xf32>,
    %swap3A_921 = arith.constant 27 : i32
    %swap3A_922 = arith.index_cast %swap3A_921 : i32 to index
    %swap3A_923 = arith.constant 112 : index
    %swap3A_924 = tpu.vector_load %arg27[%swap3A_922, %swap3A_923] {strides = array<i32>} : memref<40x128xf32, #tpu.memory_space<vmem>>, vector<16xf32>,
    tpu.vector_store %arg27[%swap3A_922, %swap3A_923], %broadcast_in_dim3A_29 {strides = array<i32>} : memref<40x128xf32, #tpu.memory_space<vmem>>, vector<16xf32>,
    %swap3A_925 = arith.constant 28 : i32
    %swap3A_926 = arith.index_cast %swap3A_925 : i32 to index
    %swap3A_927 = arith.constant 0 : index
    %swap3A_928 = tpu.vector_load %arg27[%swap3A_926, %swap3A_927] {strides = array<i32>} : memref<40x128xf32, #tpu.memory_space<vmem>>, vector<16xf32>,
    tpu.vector_store %arg27[%swap3A_926, %swap3A_927], %broadcast_in_dim3A_29 {strides = array<i32>} : memref<40x128xf32, #tpu.memory_space<vmem>>, vector<16xf32>,
    %swap3A_929 = arith.constant 28 : i32
    %swap3A_930 = arith.index_cast %swap3A_929 : i32 to index
    %swap3A_931 = arith.constant 16 : index
    %swap3A_932 = tpu.vector_load %arg27[%swap3A_930, %swap3A_931] {strides = array<i32>} : memref<40x128xf32, #tpu.memory_space<vmem>>, vector<16xf32>,
    tpu.vector_store %arg27[%swap3A_930, %swap3A_931], %broadcast_in_dim3A_29 {strides = array<i32>} : memref<40x128xf32, #tpu.memory_space<vmem>>, vector<16xf32>,
    %swap3A_933 = arith.constant 28 : i32
    %swap3A_934 = arith.index_cast %swap3A_933 : i32 to index
    %swap3A_935 = arith.constant 32 : index
    %swap3A_936 = tpu.vector_load %arg27[%swap3A_934, %swap3A_935] {strides = array<i32>} : memref<40x128xf32, #tpu.memory_space<vmem>>, vector<16xf32>,
    tpu.vector_store %arg27[%swap3A_934, %swap3A_935], %broadcast_in_dim3A_29 {strides = array<i32>} : memref<40x128xf32, #tpu.memory_space<vmem>>, vector<16xf32>,
    %swap3A_937 = arith.constant 28 : i32
    %swap3A_938 = arith.index_cast %swap3A_937 : i32 to index
    %swap3A_939 = arith.constant 48 : index
    %swap3A_940 = tpu.vector_load %arg27[%swap3A_938, %swap3A_939] {strides = array<i32>} : memref<40x128xf32, #tpu.memory_space<vmem>>, vector<16xf32>,
    tpu.vector_store %arg27[%swap3A_938, %swap3A_939], %broadcast_in_dim3A_29 {strides = array<i32>} : memref<40x128xf32, #tpu.memory_space<vmem>>, vector<16xf32>,
    %swap3A_941 = arith.constant 28 : i32
    %swap3A_942 = arith.index_cast %swap3A_941 : i32 to index
    %swap3A_943 = arith.constant 64 : index
    %swap3A_944 = tpu.vector_load %arg27[%swap3A_942, %swap3A_943] {strides = array<i32>} : memref<40x128xf32, #tpu.memory_space<vmem>>, vector<16xf32>,
    tpu.vector_store %arg27[%swap3A_942, %swap3A_943], %broadcast_in_dim3A_29 {strides = array<i32>} : memref<40x128xf32, #tpu.memory_space<vmem>>, vector<16xf32>,
    %swap3A_945 = arith.constant 28 : i32
    %swap3A_946 = arith.index_cast %swap3A_945 : i32 to index
    %swap3A_947 = arith.constant 80 : index
    %swap3A_948 = tpu.vector_load %arg27[%swap3A_946, %swap3A_947] {strides = array<i32>} : memref<40x128xf32, #tpu.memory_space<vmem>>, vector<16xf32>,
    tpu.vector_store %arg27[%swap3A_946, %swap3A_947], %broadcast_in_dim3A_29 {strides = array<i32>} : memref<40x128xf32, #tpu.memory_space<vmem>>, vector<16xf32>,
    %swap3A_949 = arith.constant 28 : i32
    %swap3A_950 = arith.index_cast %swap3A_949 : i32 to index
    %swap3A_951 = arith.constant 96 : index
    %swap3A_952 = tpu.vector_load %arg27[%swap3A_950, %swap3A_951] {strides = array<i32>} : memref<40x128xf32, #tpu.memory_space<vmem>>, vector<16xf32>,
    tpu.vector_store %arg27[%swap3A_950, %swap3A_951], %broadcast_in_dim3A_29 {strides = array<i32>} : memref<40x128xf32, #tpu.memory_space<vmem>>, vector<16xf32>,
    %swap3A_953 = arith.constant 28 : i32
    %swap3A_954 = arith.index_cast %swap3A_953 : i32 to index
    %swap3A_955 = arith.constant 112 : index
    %swap3A_956 = tpu.vector_load %arg27[%swap3A_954, %swap3A_955] {strides = array<i32>} : memref<40x128xf32, #tpu.memory_space<vmem>>, vector<16xf32>,
    tpu.vector_store %arg27[%swap3A_954, %swap3A_955], %broadcast_in_dim3A_29 {strides = array<i32>} : memref<40x128xf32, #tpu.memory_space<vmem>>, vector<16xf32>,
    %swap3A_957 = arith.constant 29 : i32
    %swap3A_958 = arith.index_cast %swap3A_957 : i32 to index
    %swap3A_959 = arith.constant 0 : index
    %swap3A_960 = tpu.vector_load %arg27[%swap3A_958, %swap3A_959] {strides = array<i32>} : memref<40x128xf32, #tpu.memory_space<vmem>>, vector<16xf32>,
    tpu.vector_store %arg27[%swap3A_958, %swap3A_959], %broadcast_in_dim3A_29 {strides = array<i32>} : memref<40x128xf32, #tpu.memory_space<vmem>>, vector<16xf32>,
    %swap3A_961 = arith.constant 29 : i32
    %swap3A_962 = arith.index_cast %swap3A_961 : i32 to index
    %swap3A_963 = arith.constant 16 : index
    %swap3A_964 = tpu.vector_load %arg27[%swap3A_962, %swap3A_963] {strides = array<i32>} : memref<40x128xf32, #tpu.memory_space<vmem>>, vector<16xf32>,
    tpu.vector_store %arg27[%swap3A_962, %swap3A_963], %broadcast_in_dim3A_29 {strides = array<i32>} : memref<40x128xf32, #tpu.memory_space<vmem>>, vector<16xf32>,
    %swap3A_965 = arith.constant 29 : i32
    %swap3A_966 = arith.index_cast %swap3A_965 : i32 to index
    %swap3A_967 = arith.constant 32 : index
    %swap3A_968 = tpu.vector_load %arg27[%swap3A_966, %swap3A_967] {strides = array<i32>} : memref<40x128xf32, #tpu.memory_space<vmem>>, vector<16xf32>,
    tpu.vector_store %arg27[%swap3A_966, %swap3A_967], %broadcast_in_dim3A_29 {strides = array<i32>} : memref<40x128xf32, #tpu.memory_space<vmem>>, vector<16xf32>,
    %swap3A_969 = arith.constant 29 : i32
    %swap3A_970 = arith.index_cast %swap3A_969 : i32 to index
    %swap3A_971 = arith.constant 48 : index
    %swap3A_972 = tpu.vector_load %arg27[%swap3A_970, %swap3A_971] {strides = array<i32>} : memref<40x128xf32, #tpu.memory_space<vmem>>, vector<16xf32>,
    tpu.vector_store %arg27[%swap3A_970, %swap3A_971], %broadcast_in_dim3A_29 {strides = array<i32>} : memref<40x128xf32, #tpu.memory_space<vmem>>, vector<16xf32>,
    %swap3A_973 = arith.constant 29 : i32
    %swap3A_974 = arith.index_cast %swap3A_973 : i32 to index
    %swap3A_975 = arith.constant 64 : index
    %swap3A_976 = tpu.vector_load %arg27[%swap3A_974, %swap3A_975] {strides = array<i32>} : memref<40x128xf32, #tpu.memory_space<vmem>>, vector<16xf32>,
    tpu.vector_store %arg27[%swap3A_974, %swap3A_975], %broadcast_in_dim3A_29 {strides = array<i32>} : memref<40x128xf32, #tpu.memory_space<vmem>>, vector<16xf32>,
    %swap3A_977 = arith.constant 29 : i32
    %swap3A_978 = arith.index_cast %swap3A_977 : i32 to index
    %swap3A_979 = arith.constant 80 : index
    %swap3A_980 = tpu.vector_load %arg27[%swap3A_978, %swap3A_979] {strides = array<i32>} : memref<40x128xf32, #tpu.memory_space<vmem>>, vector<16xf32>,
    tpu.vector_store %arg27[%swap3A_978, %swap3A_979], %broadcast_in_dim3A_29 {strides = array<i32>} : memref<40x128xf32, #tpu.memory_space<vmem>>, vector<16xf32>,
    %swap3A_981 = arith.constant 29 : i32
    %swap3A_982 = arith.index_cast %swap3A_981 : i32 to index
    %swap3A_983 = arith.constant 96 : index
    %swap3A_984 = tpu.vector_load %arg27[%swap3A_982, %swap3A_983] {strides = array<i32>} : memref<40x128xf32, #tpu.memory_space<vmem>>, vector<16xf32>,
    tpu.vector_store %arg27[%swap3A_982, %swap3A_983], %broadcast_in_dim3A_29 {strides = array<i32>} : memref<40x128xf32, #tpu.memory_space<vmem>>, vector<16xf32>,
    %swap3A_985 = arith.constant 29 : i32
    %swap3A_986 = arith.index_cast %swap3A_985 : i32 to index
    %swap3A_987 = arith.constant 112 : index
    %swap3A_988 = tpu.vector_load %arg27[%swap3A_986, %swap3A_987] {strides = array<i32>} : memref<40x128xf32, #tpu.memory_space<vmem>>, vector<16xf32>,
    tpu.vector_store %arg27[%swap3A_986, %swap3A_987], %broadcast_in_dim3A_29 {strides = array<i32>} : memref<40x128xf32, #tpu.memory_space<vmem>>, vector<16xf32>,
    %swap3A_989 = arith.constant 30 : i32
    %swap3A_990 = arith.index_cast %swap3A_989 : i32 to index
    %swap3A_991 = arith.constant 0 : index
    %swap3A_992 = tpu.vector_load %arg27[%swap3A_990, %swap3A_991] {strides = array<i32>} : memref<40x128xf32, #tpu.memory_space<vmem>>, vector<16xf32>,
    tpu.vector_store %arg27[%swap3A_990, %swap3A_991], %broadcast_in_dim3A_29 {strides = array<i32>} : memref<40x128xf32, #tpu.memory_space<vmem>>, vector<16xf32>,
    %swap3A_993 = arith.constant 30 : i32
    %swap3A_994 = arith.index_cast %swap3A_993 : i32 to index
    %swap3A_995 = arith.constant 16 : index
    %swap3A_996 = tpu.vector_load %arg27[%swap3A_994, %swap3A_995] {strides = array<i32>} : memref<40x128xf32, #tpu.memory_space<vmem>>, vector<16xf32>,
    tpu.vector_store %arg27[%swap3A_994, %swap3A_995], %broadcast_in_dim3A_29 {strides = array<i32>} : memref<40x128xf32, #tpu.memory_space<vmem>>, vector<16xf32>,
    %swap3A_997 = arith.constant 30 : i32
    %swap3A_998 = arith.index_cast %swap3A_997 : i32 to index
    %swap3A_999 = arith.constant 32 : index
    %swap3A_1000 = tpu.vector_load %arg27[%swap3A_998, %swap3A_999] {strides = array<i32>} : memref<40x128xf32, #tpu.memory_space<vmem>>, vector<16xf32>,
    tpu.vector_store %arg27[%swap3A_998, %swap3A_999], %broadcast_in_dim3A_29 {strides = array<i32>} : memref<40x128xf32, #tpu.memory_space<vmem>>, vector<16xf32>,
    %swap3A_1001 = arith.constant 30 : i32
    %swap3A_1002 = arith.index_cast %swap3A_1001 : i32 to index
    %swap3A_1003 = arith.constant 48 : index
    %swap3A_1004 = tpu.vector_load %arg27[%swap3A_1002, %swap3A_1003] {strides = array<i32>} : memref<40x128xf32, #tpu.memory_space<vmem>>, vector<16xf32>,
    tpu.vector_store %arg27[%swap3A_1002, %swap3A_1003], %broadcast_in_dim3A_29 {strides = array<i32>} : memref<40x128xf32, #tpu.memory_space<vmem>>, vector<16xf32>,
    %swap3A_1005 = arith.constant 30 : i32
    %swap3A_1006 = arith.index_cast %swap3A_1005 : i32 to index
    %swap3A_1007 = arith.constant 64 : index
    %swap3A_1008 = tpu.vector_load %arg27[%swap3A_1006, %swap3A_1007] {strides = array<i32>} : memref<40x128xf32, #tpu.memory_space<vmem>>, vector<16xf32>,
    tpu.vector_store %arg27[%swap3A_1006, %swap3A_1007], %broadcast_in_dim3A_29 {strides = array<i32>} : memref<40x128xf32, #tpu.memory_space<vmem>>, vector<16xf32>,
    %swap3A_1009 = arith.constant 30 : i32
    %swap3A_1010 = arith.index_cast %swap3A_1009 : i32 to index
    %swap3A_1011 = arith.constant 80 : index
    %swap3A_1012 = tpu.vector_load %arg27[%swap3A_1010, %swap3A_1011] {strides = array<i32>} : memref<40x128xf32, #tpu.memory_space<vmem>>, vector<16xf32>,
    tpu.vector_store %arg27[%swap3A_1010, %swap3A_1011], %broadcast_in_dim3A_29 {strides = array<i32>} : memref<40x128xf32, #tpu.memory_space<vmem>>, vector<16xf32>,
    %swap3A_1013 = arith.constant 30 : i32
    %swap3A_1014 = arith.index_cast %swap3A_1013 : i32 to index
    %swap3A_1015 = arith.constant 96 : index
    %swap3A_1016 = tpu.vector_load %arg27[%swap3A_1014, %swap3A_1015] {strides = array<i32>} : memref<40x128xf32, #tpu.memory_space<vmem>>, vector<16xf32>,
    tpu.vector_store %arg27[%swap3A_1014, %swap3A_1015], %broadcast_in_dim3A_29 {strides = array<i32>} : memref<40x128xf32, #tpu.memory_space<vmem>>, vector<16xf32>,
    %swap3A_1017 = arith.constant 30 : i32
    %swap3A_1018 = arith.index_cast %swap3A_1017 : i32 to index
    %swap3A_1019 = arith.constant 112 : index
    %swap3A_1020 = tpu.vector_load %arg27[%swap3A_1018, %swap3A_1019] {strides = array<i32>} : memref<40x128xf32, #tpu.memory_space<vmem>>, vector<16xf32>,
    tpu.vector_store %arg27[%swap3A_1018, %swap3A_1019], %broadcast_in_dim3A_29 {strides = array<i32>} : memref<40x128xf32, #tpu.memory_space<vmem>>, vector<16xf32>,
    %swap3A_1021 = arith.constant 31 : i32
    %swap3A_1022 = arith.index_cast %swap3A_1021 : i32 to index
    %swap3A_1023 = arith.constant 0 : index
    %swap3A_1024 = tpu.vector_load %arg27[%swap3A_1022, %swap3A_1023] {strides = array<i32>} : memref<40x128xf32, #tpu.memory_space<vmem>>, vector<16xf32>,
    tpu.vector_store %arg27[%swap3A_1022, %swap3A_1023], %broadcast_in_dim3A_29 {strides = array<i32>} : memref<40x128xf32, #tpu.memory_space<vmem>>, vector<16xf32>,
    %swap3A_1025 = arith.constant 31 : i32
    %swap3A_1026 = arith.index_cast %swap3A_1025 : i32 to index
    %swap3A_1027 = arith.constant 16 : index
    %swap3A_1028 = tpu.vector_load %arg27[%swap3A_1026, %swap3A_1027] {strides = array<i32>} : memref<40x128xf32, #tpu.memory_space<vmem>>, vector<16xf32>,
    tpu.vector_store %arg27[%swap3A_1026, %swap3A_1027], %broadcast_in_dim3A_29 {strides = array<i32>} : memref<40x128xf32, #tpu.memory_space<vmem>>, vector<16xf32>,
    %swap3A_1029 = arith.constant 31 : i32
    %swap3A_1030 = arith.index_cast %swap3A_1029 : i32 to index
    %swap3A_1031 = arith.constant 32 : index
    %swap3A_1032 = tpu.vector_load %arg27[%swap3A_1030, %swap3A_1031] {strides = array<i32>} : memref<40x128xf32, #tpu.memory_space<vmem>>, vector<16xf32>,
    tpu.vector_store %arg27[%swap3A_1030, %swap3A_1031], %broadcast_in_dim3A_29 {strides = array<i32>} : memref<40x128xf32, #tpu.memory_space<vmem>>, vector<16xf32>,
    %swap3A_1033 = arith.constant 31 : i32
    %swap3A_1034 = arith.index_cast %swap3A_1033 : i32 to index
    %swap3A_1035 = arith.constant 48 : index
    %swap3A_1036 = tpu.vector_load %arg27[%swap3A_1034, %swap3A_1035] {strides = array<i32>} : memref<40x128xf32, #tpu.memory_space<vmem>>, vector<16xf32>,
    tpu.vector_store %arg27[%swap3A_1034, %swap3A_1035], %broadcast_in_dim3A_29 {strides = array<i32>} : memref<40x128xf32, #tpu.memory_space<vmem>>, vector<16xf32>,
    %swap3A_1037 = arith.constant 31 : i32
    %swap3A_1038 = arith.index_cast %swap3A_1037 : i32 to index
    %swap3A_1039 = arith.constant 64 : index
    %swap3A_1040 = tpu.vector_load %arg27[%swap3A_1038, %swap3A_1039] {strides = array<i32>} : memref<40x128xf32, #tpu.memory_space<vmem>>, vector<16xf32>,
    tpu.vector_store %arg27[%swap3A_1038, %swap3A_1039], %broadcast_in_dim3A_29 {strides = array<i32>} : memref<40x128xf32, #tpu.memory_space<vmem>>, vector<16xf32>,
    %swap3A_1041 = arith.constant 31 : i32
    %swap3A_1042 = arith.index_cast %swap3A_1041 : i32 to index
    %swap3A_1043 = arith.constant 80 : index
    %swap3A_1044 = tpu.vector_load %arg27[%swap3A_1042, %swap3A_1043] {strides = array<i32>} : memref<40x128xf32, #tpu.memory_space<vmem>>, vector<16xf32>,
    tpu.vector_store %arg27[%swap3A_1042, %swap3A_1043], %broadcast_in_dim3A_29 {strides = array<i32>} : memref<40x128xf32, #tpu.memory_space<vmem>>, vector<16xf32>,
    %swap3A_1045 = arith.constant 31 : i32
    %swap3A_1046 = arith.index_cast %swap3A_1045 : i32 to index
    %swap3A_1047 = arith.constant 96 : index
    %swap3A_1048 = tpu.vector_load %arg27[%swap3A_1046, %swap3A_1047] {strides = array<i32>} : memref<40x128xf32, #tpu.memory_space<vmem>>, vector<16xf32>,
    tpu.vector_store %arg27[%swap3A_1046, %swap3A_1047], %broadcast_in_dim3A_29 {strides = array<i32>} : memref<40x128xf32, #tpu.memory_space<vmem>>, vector<16xf32>,
    %swap3A_1049 = arith.constant 31 : i32
    %swap3A_1050 = arith.index_cast %swap3A_1049 : i32 to index
    %swap3A_1051 = arith.constant 112 : index
    %swap3A_1052 = tpu.vector_load %arg27[%swap3A_1050, %swap3A_1051] {strides = array<i32>} : memref<40x128xf32, #tpu.memory_space<vmem>>, vector<16xf32>,
    tpu.vector_store %arg27[%swap3A_1050, %swap3A_1051], %broadcast_in_dim3A_29 {strides = array<i32>} : memref<40x128xf32, #tpu.memory_space<vmem>>, vector<16xf32>,
    %swap3A_1053 = arith.constant 32 : i32
    %swap3A_1054 = arith.index_cast %swap3A_1053 : i32 to index
    %swap3A_1055 = arith.constant 0 : index
    %swap3A_1056 = tpu.vector_load %arg27[%swap3A_1054, %swap3A_1055] {strides = array<i32>} : memref<40x128xf32, #tpu.memory_space<vmem>>, vector<16xf32>,
    tpu.vector_store %arg27[%swap3A_1054, %swap3A_1055], %broadcast_in_dim3A_29 {strides = array<i32>} : memref<40x128xf32, #tpu.memory_space<vmem>>, vector<16xf32>,
    %swap3A_1057 = arith.constant 32 : i32
    %swap3A_1058 = arith.index_cast %swap3A_1057 : i32 to index
    %swap3A_1059 = arith.constant 16 : index
    %swap3A_1060 = tpu.vector_load %arg27[%swap3A_1058, %swap3A_1059] {strides = array<i32>} : memref<40x128xf32, #tpu.memory_space<vmem>>, vector<16xf32>,
    tpu.vector_store %arg27[%swap3A_1058, %swap3A_1059], %broadcast_in_dim3A_29 {strides = array<i32>} : memref<40x128xf32, #tpu.memory_space<vmem>>, vector<16xf32>,
    %swap3A_1061 = arith.constant 32 : i32
    %swap3A_1062 = arith.index_cast %swap3A_1061 : i32 to index
    %swap3A_1063 = arith.constant 32 : index
    %swap3A_1064 = tpu.vector_load %arg27[%swap3A_1062, %swap3A_1063] {strides = array<i32>} : memref<40x128xf32, #tpu.memory_space<vmem>>, vector<16xf32>,
    tpu.vector_store %arg27[%swap3A_1062, %swap3A_1063], %broadcast_in_dim3A_29 {strides = array<i32>} : memref<40x128xf32, #tpu.memory_space<vmem>>, vector<16xf32>,
    %swap3A_1065 = arith.constant 32 : i32
    %swap3A_1066 = arith.index_cast %swap3A_1065 : i32 to index
    %swap3A_1067 = arith.constant 48 : index
    %swap3A_1068 = tpu.vector_load %arg27[%swap3A_1066, %swap3A_1067] {strides = array<i32>} : memref<40x128xf32, #tpu.memory_space<vmem>>, vector<16xf32>,
    tpu.vector_store %arg27[%swap3A_1066, %swap3A_1067], %broadcast_in_dim3A_29 {strides = array<i32>} : memref<40x128xf32, #tpu.memory_space<vmem>>, vector<16xf32>,
    %swap3A_1069 = arith.constant 32 : i32
    %swap3A_1070 = arith.index_cast %swap3A_1069 : i32 to index
    %swap3A_1071 = arith.constant 64 : index
    %swap3A_1072 = tpu.vector_load %arg27[%swap3A_1070, %swap3A_1071] {strides = array<i32>} : memref<40x128xf32, #tpu.memory_space<vmem>>, vector<16xf32>,
    tpu.vector_store %arg27[%swap3A_1070, %swap3A_1071], %broadcast_in_dim3A_29 {strides = array<i32>} : memref<40x128xf32, #tpu.memory_space<vmem>>, vector<16xf32>,
    %swap3A_1073 = arith.constant 32 : i32
    %swap3A_1074 = arith.index_cast %swap3A_1073 : i32 to index
    %swap3A_1075 = arith.constant 80 : index
    %swap3A_1076 = tpu.vector_load %arg27[%swap3A_1074, %swap3A_1075] {strides = array<i32>} : memref<40x128xf32, #tpu.memory_space<vmem>>, vector<16xf32>,
    tpu.vector_store %arg27[%swap3A_1074, %swap3A_1075], %broadcast_in_dim3A_29 {strides = array<i32>} : memref<40x128xf32, #tpu.memory_space<vmem>>, vector<16xf32>,
    %swap3A_1077 = arith.constant 32 : i32
    %swap3A_1078 = arith.index_cast %swap3A_1077 : i32 to index
    %swap3A_1079 = arith.constant 96 : index
    %swap3A_1080 = tpu.vector_load %arg27[%swap3A_1078, %swap3A_1079] {strides = array<i32>} : memref<40x128xf32, #tpu.memory_space<vmem>>, vector<16xf32>,
    tpu.vector_store %arg27[%swap3A_1078, %swap3A_1079], %broadcast_in_dim3A_29 {strides = array<i32>} : memref<40x128xf32, #tpu.memory_space<vmem>>, vector<16xf32>,
    %swap3A_1081 = arith.constant 32 : i32
    %swap3A_1082 = arith.index_cast %swap3A_1081 : i32 to index
    %swap3A_1083 = arith.constant 112 : index
    %swap3A_1084 = tpu.vector_load %arg27[%swap3A_1082, %swap3A_1083] {strides = array<i32>} : memref<40x128xf32, #tpu.memory_space<vmem>>, vector<16xf32>,
    tpu.vector_store %arg27[%swap3A_1082, %swap3A_1083], %broadcast_in_dim3A_29 {strides = array<i32>} : memref<40x128xf32, #tpu.memory_space<vmem>>, vector<16xf32>,
    %swap3A_1085 = arith.constant 33 : i32
    %swap3A_1086 = arith.index_cast %swap3A_1085 : i32 to index
    %swap3A_1087 = arith.constant 0 : index
    %swap3A_1088 = tpu.vector_load %arg27[%swap3A_1086, %swap3A_1087] {strides = array<i32>} : memref<40x128xf32, #tpu.memory_space<vmem>>, vector<16xf32>,
    tpu.vector_store %arg27[%swap3A_1086, %swap3A_1087], %broadcast_in_dim3A_29 {strides = array<i32>} : memref<40x128xf32, #tpu.memory_space<vmem>>, vector<16xf32>,
    %swap3A_1089 = arith.constant 33 : i32
    %swap3A_1090 = arith.index_cast %swap3A_1089 : i32 to index
    %swap3A_1091 = arith.constant 16 : index
    %swap3A_1092 = tpu.vector_load %arg27[%swap3A_1090, %swap3A_1091] {strides = array<i32>} : memref<40x128xf32, #tpu.memory_space<vmem>>, vector<16xf32>,
    tpu.vector_store %arg27[%swap3A_1090, %swap3A_1091], %broadcast_in_dim3A_29 {strides = array<i32>} : memref<40x128xf32, #tpu.memory_space<vmem>>, vector<16xf32>,
    %swap3A_1093 = arith.constant 33 : i32
    %swap3A_1094 = arith.index_cast %swap3A_1093 : i32 to index
    %swap3A_1095 = arith.constant 32 : index
    %swap3A_1096 = tpu.vector_load %arg27[%swap3A_1094, %swap3A_1095] {strides = array<i32>} : memref<40x128xf32, #tpu.memory_space<vmem>>, vector<16xf32>,
    tpu.vector_store %arg27[%swap3A_1094, %swap3A_1095], %broadcast_in_dim3A_29 {strides = array<i32>} : memref<40x128xf32, #tpu.memory_space<vmem>>, vector<16xf32>,
    %swap3A_1097 = arith.constant 33 : i32
    %swap3A_1098 = arith.index_cast %swap3A_1097 : i32 to index
    %swap3A_1099 = arith.constant 48 : index
    %swap3A_1100 = tpu.vector_load %arg27[%swap3A_1098, %swap3A_1099] {strides = array<i32>} : memref<40x128xf32, #tpu.memory_space<vmem>>, vector<16xf32>,
    tpu.vector_store %arg27[%swap3A_1098, %swap3A_1099], %broadcast_in_dim3A_29 {strides = array<i32>} : memref<40x128xf32, #tpu.memory_space<vmem>>, vector<16xf32>,
    %swap3A_1101 = arith.constant 33 : i32
    %swap3A_1102 = arith.index_cast %swap3A_1101 : i32 to index
    %swap3A_1103 = arith.constant 64 : index
    %swap3A_1104 = tpu.vector_load %arg27[%swap3A_1102, %swap3A_1103] {strides = array<i32>} : memref<40x128xf32, #tpu.memory_space<vmem>>, vector<16xf32>,
    tpu.vector_store %arg27[%swap3A_1102, %swap3A_1103], %broadcast_in_dim3A_29 {strides = array<i32>} : memref<40x128xf32, #tpu.memory_space<vmem>>, vector<16xf32>,
    %swap3A_1105 = arith.constant 33 : i32
    %swap3A_1106 = arith.index_cast %swap3A_1105 : i32 to index
    %swap3A_1107 = arith.constant 80 : index
    %swap3A_1108 = tpu.vector_load %arg27[%swap3A_1106, %swap3A_1107] {strides = array<i32>} : memref<40x128xf32, #tpu.memory_space<vmem>>, vector<16xf32>,
    tpu.vector_store %arg27[%swap3A_1106, %swap3A_1107], %broadcast_in_dim3A_29 {strides = array<i32>} : memref<40x128xf32, #tpu.memory_space<vmem>>, vector<16xf32>,
    %swap3A_1109 = arith.constant 33 : i32
    %swap3A_1110 = arith.index_cast %swap3A_1109 : i32 to index
    %swap3A_1111 = arith.constant 96 : index
    %swap3A_1112 = tpu.vector_load %arg27[%swap3A_1110, %swap3A_1111] {strides = array<i32>} : memref<40x128xf32, #tpu.memory_space<vmem>>, vector<16xf32>,
    tpu.vector_store %arg27[%swap3A_1110, %swap3A_1111], %broadcast_in_dim3A_29 {strides = array<i32>} : memref<40x128xf32, #tpu.memory_space<vmem>>, vector<16xf32>,
    %swap3A_1113 = arith.constant 33 : i32
    %swap3A_1114 = arith.index_cast %swap3A_1113 : i32 to index
    %swap3A_1115 = arith.constant 112 : index
    %swap3A_1116 = tpu.vector_load %arg27[%swap3A_1114, %swap3A_1115] {strides = array<i32>} : memref<40x128xf32, #tpu.memory_space<vmem>>, vector<16xf32>,
    tpu.vector_store %arg27[%swap3A_1114, %swap3A_1115], %broadcast_in_dim3A_29 {strides = array<i32>} : memref<40x128xf32, #tpu.memory_space<vmem>>, vector<16xf32>,
    %swap3A_1117 = arith.constant 34 : i32
    %swap3A_1118 = arith.index_cast %swap3A_1117 : i32 to index
    %swap3A_1119 = arith.constant 0 : index
    %swap3A_1120 = tpu.vector_load %arg27[%swap3A_1118, %swap3A_1119] {strides = array<i32>} : memref<40x128xf32, #tpu.memory_space<vmem>>, vector<16xf32>,
    tpu.vector_store %arg27[%swap3A_1118, %swap3A_1119], %broadcast_in_dim3A_29 {strides = array<i32>} : memref<40x128xf32, #tpu.memory_space<vmem>>, vector<16xf32>,
    %swap3A_1121 = arith.constant 34 : i32
    %swap3A_1122 = arith.index_cast %swap3A_1121 : i32 to index
    %swap3A_1123 = arith.constant 16 : index
    %swap3A_1124 = tpu.vector_load %arg27[%swap3A_1122, %swap3A_1123] {strides = array<i32>} : memref<40x128xf32, #tpu.memory_space<vmem>>, vector<16xf32>,
    tpu.vector_store %arg27[%swap3A_1122, %swap3A_1123], %broadcast_in_dim3A_29 {strides = array<i32>} : memref<40x128xf32, #tpu.memory_space<vmem>>, vector<16xf32>,
    %swap3A_1125 = arith.constant 34 : i32
    %swap3A_1126 = arith.index_cast %swap3A_1125 : i32 to index
    %swap3A_1127 = arith.constant 32 : index
    %swap3A_1128 = tpu.vector_load %arg27[%swap3A_1126, %swap3A_1127] {strides = array<i32>} : memref<40x128xf32, #tpu.memory_space<vmem>>, vector<16xf32>,
    tpu.vector_store %arg27[%swap3A_1126, %swap3A_1127], %broadcast_in_dim3A_29 {strides = array<i32>} : memref<40x128xf32, #tpu.memory_space<vmem>>, vector<16xf32>,
    %swap3A_1129 = arith.constant 34 : i32
    %swap3A_1130 = arith.index_cast %swap3A_1129 : i32 to index
    %swap3A_1131 = arith.constant 48 : index
    %swap3A_1132 = tpu.vector_load %arg27[%swap3A_1130, %swap3A_1131] {strides = array<i32>} : memref<40x128xf32, #tpu.memory_space<vmem>>, vector<16xf32>,
    tpu.vector_store %arg27[%swap3A_1130, %swap3A_1131], %broadcast_in_dim3A_29 {strides = array<i32>} : memref<40x128xf32, #tpu.memory_space<vmem>>, vector<16xf32>,
    %swap3A_1133 = arith.constant 34 : i32
    %swap3A_1134 = arith.index_cast %swap3A_1133 : i32 to index
    %swap3A_1135 = arith.constant 64 : index
    %swap3A_1136 = tpu.vector_load %arg27[%swap3A_1134, %swap3A_1135] {strides = array<i32>} : memref<40x128xf32, #tpu.memory_space<vmem>>, vector<16xf32>,
    tpu.vector_store %arg27[%swap3A_1134, %swap3A_1135], %broadcast_in_dim3A_29 {strides = array<i32>} : memref<40x128xf32, #tpu.memory_space<vmem>>, vector<16xf32>,
    %swap3A_1137 = arith.constant 34 : i32
    %swap3A_1138 = arith.index_cast %swap3A_1137 : i32 to index
    %swap3A_1139 = arith.constant 80 : index
    %swap3A_1140 = tpu.vector_load %arg27[%swap3A_1138, %swap3A_1139] {strides = array<i32>} : memref<40x128xf32, #tpu.memory_space<vmem>>, vector<16xf32>,
    tpu.vector_store %arg27[%swap3A_1138, %swap3A_1139], %broadcast_in_dim3A_29 {strides = array<i32>} : memref<40x128xf32, #tpu.memory_space<vmem>>, vector<16xf32>,
    %swap3A_1141 = arith.constant 34 : i32
    %swap3A_1142 = arith.index_cast %swap3A_1141 : i32 to index
    %swap3A_1143 = arith.constant 96 : index
    %swap3A_1144 = tpu.vector_load %arg27[%swap3A_1142, %swap3A_1143] {strides = array<i32>} : memref<40x128xf32, #tpu.memory_space<vmem>>, vector<16xf32>,
    tpu.vector_store %arg27[%swap3A_1142, %swap3A_1143], %broadcast_in_dim3A_29 {strides = array<i32>} : memref<40x128xf32, #tpu.memory_space<vmem>>, vector<16xf32>,
    %swap3A_1145 = arith.constant 34 : i32
    %swap3A_1146 = arith.index_cast %swap3A_1145 : i32 to index
    %swap3A_1147 = arith.constant 112 : index
    %swap3A_1148 = tpu.vector_load %arg27[%swap3A_1146, %swap3A_1147] {strides = array<i32>} : memref<40x128xf32, #tpu.memory_space<vmem>>, vector<16xf32>,
    tpu.vector_store %arg27[%swap3A_1146, %swap3A_1147], %broadcast_in_dim3A_29 {strides = array<i32>} : memref<40x128xf32, #tpu.memory_space<vmem>>, vector<16xf32>,
    %swap3A_1149 = arith.constant 35 : i32
    %swap3A_1150 = arith.index_cast %swap3A_1149 : i32 to index
    %swap3A_1151 = arith.constant 0 : index
    %swap3A_1152 = tpu.vector_load %arg27[%swap3A_1150, %swap3A_1151] {strides = array<i32>} : memref<40x128xf32, #tpu.memory_space<vmem>>, vector<16xf32>,
    tpu.vector_store %arg27[%swap3A_1150, %swap3A_1151], %broadcast_in_dim3A_29 {strides = array<i32>} : memref<40x128xf32, #tpu.memory_space<vmem>>, vector<16xf32>,
    %swap3A_1153 = arith.constant 35 : i32
    %swap3A_1154 = arith.index_cast %swap3A_1153 : i32 to index
    %swap3A_1155 = arith.constant 16 : index
    %swap3A_1156 = tpu.vector_load %arg27[%swap3A_1154, %swap3A_1155] {strides = array<i32>} : memref<40x128xf32, #tpu.memory_space<vmem>>, vector<16xf32>,
    tpu.vector_store %arg27[%swap3A_1154, %swap3A_1155], %broadcast_in_dim3A_29 {strides = array<i32>} : memref<40x128xf32, #tpu.memory_space<vmem>>, vector<16xf32>,
    %swap3A_1157 = arith.constant 35 : i32
    %swap3A_1158 = arith.index_cast %swap3A_1157 : i32 to index
    %swap3A_1159 = arith.constant 32 : index
    %swap3A_1160 = tpu.vector_load %arg27[%swap3A_1158, %swap3A_1159] {strides = array<i32>} : memref<40x128xf32, #tpu.memory_space<vmem>>, vector<16xf32>,
    tpu.vector_store %arg27[%swap3A_1158, %swap3A_1159], %broadcast_in_dim3A_29 {strides = array<i32>} : memref<40x128xf32, #tpu.memory_space<vmem>>, vector<16xf32>,
    %swap3A_1161 = arith.constant 35 : i32
    %swap3A_1162 = arith.index_cast %swap3A_1161 : i32 to index
    %swap3A_1163 = arith.constant 48 : index
    %swap3A_1164 = tpu.vector_load %arg27[%swap3A_1162, %swap3A_1163] {strides = array<i32>} : memref<40x128xf32, #tpu.memory_space<vmem>>, vector<16xf32>,
    tpu.vector_store %arg27[%swap3A_1162, %swap3A_1163], %broadcast_in_dim3A_29 {strides = array<i32>} : memref<40x128xf32, #tpu.memory_space<vmem>>, vector<16xf32>,
    %swap3A_1165 = arith.constant 35 : i32
    %swap3A_1166 = arith.index_cast %swap3A_1165 : i32 to index
    %swap3A_1167 = arith.constant 64 : index
    %swap3A_1168 = tpu.vector_load %arg27[%swap3A_1166, %swap3A_1167] {strides = array<i32>} : memref<40x128xf32, #tpu.memory_space<vmem>>, vector<16xf32>,
    tpu.vector_store %arg27[%swap3A_1166, %swap3A_1167], %broadcast_in_dim3A_29 {strides = array<i32>} : memref<40x128xf32, #tpu.memory_space<vmem>>, vector<16xf32>,
    %swap3A_1169 = arith.constant 35 : i32
    %swap3A_1170 = arith.index_cast %swap3A_1169 : i32 to index
    %swap3A_1171 = arith.constant 80 : index
    %swap3A_1172 = tpu.vector_load %arg27[%swap3A_1170, %swap3A_1171] {strides = array<i32>} : memref<40x128xf32, #tpu.memory_space<vmem>>, vector<16xf32>,
    tpu.vector_store %arg27[%swap3A_1170, %swap3A_1171], %broadcast_in_dim3A_29 {strides = array<i32>} : memref<40x128xf32, #tpu.memory_space<vmem>>, vector<16xf32>,
    %swap3A_1173 = arith.constant 35 : i32
    %swap3A_1174 = arith.index_cast %swap3A_1173 : i32 to index
    %swap3A_1175 = arith.constant 96 : index
    %swap3A_1176 = tpu.vector_load %arg27[%swap3A_1174, %swap3A_1175] {strides = array<i32>} : memref<40x128xf32, #tpu.memory_space<vmem>>, vector<16xf32>,
    tpu.vector_store %arg27[%swap3A_1174, %swap3A_1175], %broadcast_in_dim3A_29 {strides = array<i32>} : memref<40x128xf32, #tpu.memory_space<vmem>>, vector<16xf32>,
    %swap3A_1177 = arith.constant 35 : i32
    %swap3A_1178 = arith.index_cast %swap3A_1177 : i32 to index
    %swap3A_1179 = arith.constant 112 : index
    %swap3A_1180 = tpu.vector_load %arg27[%swap3A_1178, %swap3A_1179] {strides = array<i32>} : memref<40x128xf32, #tpu.memory_space<vmem>>, vector<16xf32>,
    tpu.vector_store %arg27[%swap3A_1178, %swap3A_1179], %broadcast_in_dim3A_29 {strides = array<i32>} : memref<40x128xf32, #tpu.memory_space<vmem>>, vector<16xf32>,
    %swap3A_1181 = arith.constant 36 : i32
    %swap3A_1182 = arith.index_cast %swap3A_1181 : i32 to index
    %swap3A_1183 = arith.constant 0 : index
    %swap3A_1184 = tpu.vector_load %arg27[%swap3A_1182, %swap3A_1183] {strides = array<i32>} : memref<40x128xf32, #tpu.memory_space<vmem>>, vector<16xf32>,
    tpu.vector_store %arg27[%swap3A_1182, %swap3A_1183], %broadcast_in_dim3A_29 {strides = array<i32>} : memref<40x128xf32, #tpu.memory_space<vmem>>, vector<16xf32>,
    %swap3A_1185 = arith.constant 36 : i32
    %swap3A_1186 = arith.index_cast %swap3A_1185 : i32 to index
    %swap3A_1187 = arith.constant 16 : index
    %swap3A_1188 = tpu.vector_load %arg27[%swap3A_1186, %swap3A_1187] {strides = array<i32>} : memref<40x128xf32, #tpu.memory_space<vmem>>, vector<16xf32>,
    tpu.vector_store %arg27[%swap3A_1186, %swap3A_1187], %broadcast_in_dim3A_29 {strides = array<i32>} : memref<40x128xf32, #tpu.memory_space<vmem>>, vector<16xf32>,
    %swap3A_1189 = arith.constant 36 : i32
    %swap3A_1190 = arith.index_cast %swap3A_1189 : i32 to index
    %swap3A_1191 = arith.constant 32 : index
    %swap3A_1192 = tpu.vector_load %arg27[%swap3A_1190, %swap3A_1191] {strides = array<i32>} : memref<40x128xf32, #tpu.memory_space<vmem>>, vector<16xf32>,
    tpu.vector_store %arg27[%swap3A_1190, %swap3A_1191], %broadcast_in_dim3A_29 {strides = array<i32>} : memref<40x128xf32, #tpu.memory_space<vmem>>, vector<16xf32>,
    %swap3A_1193 = arith.constant 36 : i32
    %swap3A_1194 = arith.index_cast %swap3A_1193 : i32 to index
    %swap3A_1195 = arith.constant 48 : index
    %swap3A_1196 = tpu.vector_load %arg27[%swap3A_1194, %swap3A_1195] {strides = array<i32>} : memref<40x128xf32, #tpu.memory_space<vmem>>, vector<16xf32>,
    tpu.vector_store %arg27[%swap3A_1194, %swap3A_1195], %broadcast_in_dim3A_29 {strides = array<i32>} : memref<40x128xf32, #tpu.memory_space<vmem>>, vector<16xf32>,
    %swap3A_1197 = arith.constant 36 : i32
    %swap3A_1198 = arith.index_cast %swap3A_1197 : i32 to index
    %swap3A_1199 = arith.constant 64 : index
    %swap3A_1200 = tpu.vector_load %arg27[%swap3A_1198, %swap3A_1199] {strides = array<i32>} : memref<40x128xf32, #tpu.memory_space<vmem>>, vector<16xf32>,
    tpu.vector_store %arg27[%swap3A_1198, %swap3A_1199], %broadcast_in_dim3A_29 {strides = array<i32>} : memref<40x128xf32, #tpu.memory_space<vmem>>, vector<16xf32>,
    %swap3A_1201 = arith.constant 36 : i32
    %swap3A_1202 = arith.index_cast %swap3A_1201 : i32 to index
    %swap3A_1203 = arith.constant 80 : index
    %swap3A_1204 = tpu.vector_load %arg27[%swap3A_1202, %swap3A_1203] {strides = array<i32>} : memref<40x128xf32, #tpu.memory_space<vmem>>, vector<16xf32>,
    tpu.vector_store %arg27[%swap3A_1202, %swap3A_1203], %broadcast_in_dim3A_29 {strides = array<i32>} : memref<40x128xf32, #tpu.memory_space<vmem>>, vector<16xf32>,
    %swap3A_1205 = arith.constant 36 : i32
    %swap3A_1206 = arith.index_cast %swap3A_1205 : i32 to index
    %swap3A_1207 = arith.constant 96 : index
    %swap3A_1208 = tpu.vector_load %arg27[%swap3A_1206, %swap3A_1207] {strides = array<i32>} : memref<40x128xf32, #tpu.memory_space<vmem>>, vector<16xf32>,
    tpu.vector_store %arg27[%swap3A_1206, %swap3A_1207], %broadcast_in_dim3A_29 {strides = array<i32>} : memref<40x128xf32, #tpu.memory_space<vmem>>, vector<16xf32>,
    %swap3A_1209 = arith.constant 36 : i32
    %swap3A_1210 = arith.index_cast %swap3A_1209 : i32 to index
    %swap3A_1211 = arith.constant 112 : index
    %swap3A_1212 = tpu.vector_load %arg27[%swap3A_1210, %swap3A_1211] {strides = array<i32>} : memref<40x128xf32, #tpu.memory_space<vmem>>, vector<16xf32>,
    tpu.vector_store %arg27[%swap3A_1210, %swap3A_1211], %broadcast_in_dim3A_29 {strides = array<i32>} : memref<40x128xf32, #tpu.memory_space<vmem>>, vector<16xf32>,
    %swap3A_1213 = arith.constant 37 : i32
    %swap3A_1214 = arith.index_cast %swap3A_1213 : i32 to index
    %swap3A_1215 = arith.constant 0 : index
    %swap3A_1216 = tpu.vector_load %arg27[%swap3A_1214, %swap3A_1215] {strides = array<i32>} : memref<40x128xf32, #tpu.memory_space<vmem>>, vector<16xf32>,
    tpu.vector_store %arg27[%swap3A_1214, %swap3A_1215], %broadcast_in_dim3A_29 {strides = array<i32>} : memref<40x128xf32, #tpu.memory_space<vmem>>, vector<16xf32>,
    %swap3A_1217 = arith.constant 37 : i32
    %swap3A_1218 = arith.index_cast %swap3A_1217 : i32 to index
    %swap3A_1219 = arith.constant 16 : index
    %swap3A_1220 = tpu.vector_load %arg27[%swap3A_1218, %swap3A_1219] {strides = array<i32>} : memref<40x128xf32, #tpu.memory_space<vmem>>, vector<16xf32>,
    tpu.vector_store %arg27[%swap3A_1218, %swap3A_1219], %broadcast_in_dim3A_29 {strides = array<i32>} : memref<40x128xf32, #tpu.memory_space<vmem>>, vector<16xf32>,
    %swap3A_1221 = arith.constant 37 : i32
    %swap3A_1222 = arith.index_cast %swap3A_1221 : i32 to index
    %swap3A_1223 = arith.constant 32 : index
    %swap3A_1224 = tpu.vector_load %arg27[%swap3A_1222, %swap3A_1223] {strides = array<i32>} : memref<40x128xf32, #tpu.memory_space<vmem>>, vector<16xf32>,
    tpu.vector_store %arg27[%swap3A_1222, %swap3A_1223], %broadcast_in_dim3A_29 {strides = array<i32>} : memref<40x128xf32, #tpu.memory_space<vmem>>, vector<16xf32>,
    %swap3A_1225 = arith.constant 37 : i32
    %swap3A_1226 = arith.index_cast %swap3A_1225 : i32 to index
    %swap3A_1227 = arith.constant 48 : index
    %swap3A_1228 = tpu.vector_load %arg27[%swap3A_1226, %swap3A_1227] {strides = array<i32>} : memref<40x128xf32, #tpu.memory_space<vmem>>, vector<16xf32>,
    tpu.vector_store %arg27[%swap3A_1226, %swap3A_1227], %broadcast_in_dim3A_29 {strides = array<i32>} : memref<40x128xf32, #tpu.memory_space<vmem>>, vector<16xf32>,
    %swap3A_1229 = arith.constant 37 : i32
    %swap3A_1230 = arith.index_cast %swap3A_1229 : i32 to index
    %swap3A_1231 = arith.constant 64 : index
    %swap3A_1232 = tpu.vector_load %arg27[%swap3A_1230, %swap3A_1231] {strides = array<i32>} : memref<40x128xf32, #tpu.memory_space<vmem>>, vector<16xf32>,
    tpu.vector_store %arg27[%swap3A_1230, %swap3A_1231], %broadcast_in_dim3A_29 {strides = array<i32>} : memref<40x128xf32, #tpu.memory_space<vmem>>, vector<16xf32>,
    %swap3A_1233 = arith.constant 37 : i32
    %swap3A_1234 = arith.index_cast %swap3A_1233 : i32 to index
    %swap3A_1235 = arith.constant 80 : index
    %swap3A_1236 = tpu.vector_load %arg27[%swap3A_1234, %swap3A_1235] {strides = array<i32>} : memref<40x128xf32, #tpu.memory_space<vmem>>, vector<16xf32>,
    tpu.vector_store %arg27[%swap3A_1234, %swap3A_1235], %broadcast_in_dim3A_29 {strides = array<i32>} : memref<40x128xf32, #tpu.memory_space<vmem>>, vector<16xf32>,
    %swap3A_1237 = arith.constant 37 : i32
    %swap3A_1238 = arith.index_cast %swap3A_1237 : i32 to index
    %swap3A_1239 = arith.constant 96 : index
    %swap3A_1240 = tpu.vector_load %arg27[%swap3A_1238, %swap3A_1239] {strides = array<i32>} : memref<40x128xf32, #tpu.memory_space<vmem>>, vector<16xf32>,
    tpu.vector_store %arg27[%swap3A_1238, %swap3A_1239], %broadcast_in_dim3A_29 {strides = array<i32>} : memref<40x128xf32, #tpu.memory_space<vmem>>, vector<16xf32>,
    %swap3A_1241 = arith.constant 37 : i32
    %swap3A_1242 = arith.index_cast %swap3A_1241 : i32 to index
    %swap3A_1243 = arith.constant 112 : index
    %swap3A_1244 = tpu.vector_load %arg27[%swap3A_1242, %swap3A_1243] {strides = array<i32>} : memref<40x128xf32, #tpu.memory_space<vmem>>, vector<16xf32>,
    tpu.vector_store %arg27[%swap3A_1242, %swap3A_1243], %broadcast_in_dim3A_29 {strides = array<i32>} : memref<40x128xf32, #tpu.memory_space<vmem>>, vector<16xf32>,
    %swap3A_1245 = arith.constant 38 : i32
    %swap3A_1246 = arith.index_cast %swap3A_1245 : i32 to index
    %swap3A_1247 = arith.constant 0 : index
    %swap3A_1248 = tpu.vector_load %arg27[%swap3A_1246, %swap3A_1247] {strides = array<i32>} : memref<40x128xf32, #tpu.memory_space<vmem>>, vector<16xf32>,
    tpu.vector_store %arg27[%swap3A_1246, %swap3A_1247], %broadcast_in_dim3A_29 {strides = array<i32>} : memref<40x128xf32, #tpu.memory_space<vmem>>, vector<16xf32>,
    %swap3A_1249 = arith.constant 38 : i32
    %swap3A_1250 = arith.index_cast %swap3A_1249 : i32 to index
    %swap3A_1251 = arith.constant 16 : index
    %swap3A_1252 = tpu.vector_load %arg27[%swap3A_1250, %swap3A_1251] {strides = array<i32>} : memref<40x128xf32, #tpu.memory_space<vmem>>, vector<16xf32>,
    tpu.vector_store %arg27[%swap3A_1250, %swap3A_1251], %broadcast_in_dim3A_29 {strides = array<i32>} : memref<40x128xf32, #tpu.memory_space<vmem>>, vector<16xf32>,
    %swap3A_1253 = arith.constant 38 : i32
    %swap3A_1254 = arith.index_cast %swap3A_1253 : i32 to index
    %swap3A_1255 = arith.constant 32 : index
    %swap3A_1256 = tpu.vector_load %arg27[%swap3A_1254, %swap3A_1255] {strides = array<i32>} : memref<40x128xf32, #tpu.memory_space<vmem>>, vector<16xf32>,
    tpu.vector_store %arg27[%swap3A_1254, %swap3A_1255], %broadcast_in_dim3A_29 {strides = array<i32>} : memref<40x128xf32, #tpu.memory_space<vmem>>, vector<16xf32>,
    %swap3A_1257 = arith.constant 38 : i32
    %swap3A_1258 = arith.index_cast %swap3A_1257 : i32 to index
    %swap3A_1259 = arith.constant 48 : index
    %swap3A_1260 = tpu.vector_load %arg27[%swap3A_1258, %swap3A_1259] {strides = array<i32>} : memref<40x128xf32, #tpu.memory_space<vmem>>, vector<16xf32>,
    tpu.vector_store %arg27[%swap3A_1258, %swap3A_1259], %broadcast_in_dim3A_29 {strides = array<i32>} : memref<40x128xf32, #tpu.memory_space<vmem>>, vector<16xf32>,
    %swap3A_1261 = arith.constant 38 : i32
    %swap3A_1262 = arith.index_cast %swap3A_1261 : i32 to index
    %swap3A_1263 = arith.constant 64 : index
    %swap3A_1264 = tpu.vector_load %arg27[%swap3A_1262, %swap3A_1263] {strides = array<i32>} : memref<40x128xf32, #tpu.memory_space<vmem>>, vector<16xf32>,
    tpu.vector_store %arg27[%swap3A_1262, %swap3A_1263], %broadcast_in_dim3A_29 {strides = array<i32>} : memref<40x128xf32, #tpu.memory_space<vmem>>, vector<16xf32>,
    %swap3A_1265 = arith.constant 38 : i32
    %swap3A_1266 = arith.index_cast %swap3A_1265 : i32 to index
    %swap3A_1267 = arith.constant 80 : index
    %swap3A_1268 = tpu.vector_load %arg27[%swap3A_1266, %swap3A_1267] {strides = array<i32>} : memref<40x128xf32, #tpu.memory_space<vmem>>, vector<16xf32>,
    tpu.vector_store %arg27[%swap3A_1266, %swap3A_1267], %broadcast_in_dim3A_29 {strides = array<i32>} : memref<40x128xf32, #tpu.memory_space<vmem>>, vector<16xf32>,
    %swap3A_1269 = arith.constant 38 : i32
    %swap3A_1270 = arith.index_cast %swap3A_1269 : i32 to index
    %swap3A_1271 = arith.constant 96 : index
    %swap3A_1272 = tpu.vector_load %arg27[%swap3A_1270, %swap3A_1271] {strides = array<i32>} : memref<40x128xf32, #tpu.memory_space<vmem>>, vector<16xf32>,
    tpu.vector_store %arg27[%swap3A_1270, %swap3A_1271], %broadcast_in_dim3A_29 {strides = array<i32>} : memref<40x128xf32, #tpu.memory_space<vmem>>, vector<16xf32>,
    %swap3A_1273 = arith.constant 38 : i32
    %swap3A_1274 = arith.index_cast %swap3A_1273 : i32 to index
    %swap3A_1275 = arith.constant 112 : index
    %swap3A_1276 = tpu.vector_load %arg27[%swap3A_1274, %swap3A_1275] {strides = array<i32>} : memref<40x128xf32, #tpu.memory_space<vmem>>, vector<16xf32>,
    tpu.vector_store %arg27[%swap3A_1274, %swap3A_1275], %broadcast_in_dim3A_29 {strides = array<i32>} : memref<40x128xf32, #tpu.memory_space<vmem>>, vector<16xf32>,
    %swap3A_1277 = arith.constant 39 : i32
    %swap3A_1278 = arith.index_cast %swap3A_1277 : i32 to index
    %swap3A_1279 = arith.constant 0 : index
    %swap3A_1280 = tpu.vector_load %arg27[%swap3A_1278, %swap3A_1279] {strides = array<i32>} : memref<40x128xf32, #tpu.memory_space<vmem>>, vector<16xf32>,
    tpu.vector_store %arg27[%swap3A_1278, %swap3A_1279], %broadcast_in_dim3A_29 {strides = array<i32>} : memref<40x128xf32, #tpu.memory_space<vmem>>, vector<16xf32>,
    %swap3A_1281 = arith.constant 39 : i32
    %swap3A_1282 = arith.index_cast %swap3A_1281 : i32 to index
    %swap3A_1283 = arith.constant 16 : index
    %swap3A_1284 = tpu.vector_load %arg27[%swap3A_1282, %swap3A_1283] {strides = array<i32>} : memref<40x128xf32, #tpu.memory_space<vmem>>, vector<16xf32>,
    tpu.vector_store %arg27[%swap3A_1282, %swap3A_1283], %broadcast_in_dim3A_29 {strides = array<i32>} : memref<40x128xf32, #tpu.memory_space<vmem>>, vector<16xf32>,
    %swap3A_1285 = arith.constant 39 : i32
    %swap3A_1286 = arith.index_cast %swap3A_1285 : i32 to index
    %swap3A_1287 = arith.constant 32 : index
    %swap3A_1288 = tpu.vector_load %arg27[%swap3A_1286, %swap3A_1287] {strides = array<i32>} : memref<40x128xf32, #tpu.memory_space<vmem>>, vector<16xf32>,
    tpu.vector_store %arg27[%swap3A_1286, %swap3A_1287], %broadcast_in_dim3A_29 {strides = array<i32>} : memref<40x128xf32, #tpu.memory_space<vmem>>, vector<16xf32>,
    %swap3A_1289 = arith.constant 39 : i32
    %swap3A_1290 = arith.index_cast %swap3A_1289 : i32 to index
    %swap3A_1291 = arith.constant 48 : index
    %swap3A_1292 = tpu.vector_load %arg27[%swap3A_1290, %swap3A_1291] {strides = array<i32>} : memref<40x128xf32, #tpu.memory_space<vmem>>, vector<16xf32>,
    tpu.vector_store %arg27[%swap3A_1290, %swap3A_1291], %broadcast_in_dim3A_29 {strides = array<i32>} : memref<40x128xf32, #tpu.memory_space<vmem>>, vector<16xf32>,
    %swap3A_1293 = arith.constant 39 : i32
    %swap3A_1294 = arith.index_cast %swap3A_1293 : i32 to index
    %swap3A_1295 = arith.constant 64 : index
    %swap3A_1296 = tpu.vector_load %arg27[%swap3A_1294, %swap3A_1295] {strides = array<i32>} : memref<40x128xf32, #tpu.memory_space<vmem>>, vector<16xf32>,
    tpu.vector_store %arg27[%swap3A_1294, %swap3A_1295], %broadcast_in_dim3A_29 {strides = array<i32>} : memref<40x128xf32, #tpu.memory_space<vmem>>, vector<16xf32>,
    %swap3A_1297 = arith.constant 39 : i32
    %swap3A_1298 = arith.index_cast %swap3A_1297 : i32 to index
    %swap3A_1299 = arith.constant 80 : index
    %swap3A_1300 = tpu.vector_load %arg27[%swap3A_1298, %swap3A_1299] {strides = array<i32>} : memref<40x128xf32, #tpu.memory_space<vmem>>, vector<16xf32>,
    tpu.vector_store %arg27[%swap3A_1298, %swap3A_1299], %broadcast_in_dim3A_29 {strides = array<i32>} : memref<40x128xf32, #tpu.memory_space<vmem>>, vector<16xf32>,
    %swap3A_1301 = arith.constant 39 : i32
    %swap3A_1302 = arith.index_cast %swap3A_1301 : i32 to index
    %swap3A_1303 = arith.constant 96 : index
    %swap3A_1304 = tpu.vector_load %arg27[%swap3A_1302, %swap3A_1303] {strides = array<i32>} : memref<40x128xf32, #tpu.memory_space<vmem>>, vector<16xf32>,
    tpu.vector_store %arg27[%swap3A_1302, %swap3A_1303], %broadcast_in_dim3A_29 {strides = array<i32>} : memref<40x128xf32, #tpu.memory_space<vmem>>, vector<16xf32>,
    %swap3A_1305 = arith.constant 39 : i32
    %swap3A_1306 = arith.index_cast %swap3A_1305 : i32 to index
    %swap3A_1307 = arith.constant 112 : index
    %swap3A_1308 = tpu.vector_load %arg27[%swap3A_1306, %swap3A_1307] {strides = array<i32>} : memref<40x128xf32, #tpu.memory_space<vmem>>, vector<16xf32>,
    tpu.vector_store %arg27[%swap3A_1306, %swap3A_1307], %broadcast_in_dim3A_29 {strides = array<i32>} : memref<40x128xf32, #tpu.memory_space<vmem>>, vector<16xf32>,
    %mul3A_1309 = arith.constant 632 : i32
    %mul3A_1310 = arith.muli %arg1, %mul3A_1309 : i32
    %lt3A = arith.constant 15 : i32
    %lt3A_1311 = arith.cmpi slt, %arg1, %lt3A : i32
    %jit3A = arith.constant 15 : i32
    %jit3A_1312 = arith.constant 13 : i32
    %select_n3A = arith.select %lt3A_1311, %jit3A, %jit3A_1312 : i32
    %while3A = arith.constant 0 : i32
    %while3A_1313 = arith.constant 0 : i32
    %while3A_1314 = arith.subi %select_n3A, %while3A_1313 : i32
    %while3A_1315 = arith.addi %while3A_1313, %while3A_1314 : i32
    %while3A_1316 = arith.constant 1 : i32
    %while3A_1317 = arith.divsi %while3A_1314, %while3A_1316 : i32
    %while3A_1318 = arith.muli %while3A_1317, %while3A_1316 : i32
    %while3A_1319 = arith.addi %while3A_1313, %while3A_1318 : i32
    %while3A_1320 = arith.constant 1 : i32
    scf.for %while3A_1383 = %while3A_1313 to %while3A_1319 step %while3A_1320  : i32 {
      %mul3A_1384 = arith.constant 40 : i32
      %mul3A_1385 = arith.muli %while3A_1383, %mul3A_1384 : i32
      %add3A_1386 = arith.addi %mul3A_1310, %mul3A_1385 : i32
      "tpu.region"() ({
        %run_scoped3A = tpu.sem_alloc : memref<!tpu.dma_semaphore, #tpu.memory_space<semaphore_mem>>
        %dma_start3A_1387 = arith.constant 0 : i32
        %dma_start3A_1388 = tpu.memref_slice %arg30[%add3A_1386, %dma_start3A_1387] : memref<10000x128xf32, #tpu.memory_space<vmem_shared>> -> memref<40x128xf32, #tpu.memory_space<vmem_shared>>
        %dma_start3A_1389 = arith.constant 0 : i32
        %dma_start3A_1390 = tpu.memref_slice %arg30[%add3A_1386, %dma_start3A_1389] : memref<10000x128xf32, #tpu.memory_space<vmem_shared>> -> memref<40x128xf32, #tpu.memory_space<vmem_shared>>
        tpu.enqueue_dma source(%arg27 : memref<40x128xf32, #tpu.memory_space<vmem>>) target(%dma_start3A_1390 : memref<40x128xf32, #tpu.memory_space<vmem_shared>>) target_semaphore(%run_scoped3A : memref<!tpu.dma_semaphore, #tpu.memory_space<semaphore_mem>>)
        %dma_wait3A_1391 = arith.constant 0 : i32
        %dma_wait3A_1392 = tpu.memref_slice %arg30[%add3A_1386, %dma_wait3A_1391] : memref<10000x128xf32, #tpu.memory_space<vmem_shared>> -> memref<40x128xf32, #tpu.memory_space<vmem_shared>>
        %dma_wait3A_1393 = arith.constant 0 : i32
        %dma_wait3A_1394 = tpu.memref_slice %arg30[%add3A_1386, %dma_wait3A_1393] : memref<10000x128xf32, #tpu.memory_space<vmem_shared>> -> memref<40x128xf32, #tpu.memory_space<vmem_shared>>
        tpu.wait_dma2 semaphore(%run_scoped3A : memref<!tpu.dma_semaphore, #tpu.memory_space<semaphore_mem>>) src(%arg27 : memref<40x128xf32, #tpu.memory_space<vmem>>) dst(%dma_wait3A_1394 : memref<40x128xf32, #tpu.memory_space<vmem_shared>>)
        tpu.yield
      }) : () -> ()
    }
    %while3A_1321 = arith.constant 1 : i32
    scf.for %while3A_1383 = %while3A_1319 to %while3A_1315 step %while3A_1321  : i32 {
      %mul3A_1384 = arith.constant 40 : i32
      %mul3A_1385 = arith.muli %while3A_1383, %mul3A_1384 : i32
      %add3A_1386 = arith.addi %mul3A_1310, %mul3A_1385 : i32
      "tpu.region"() ({
        %run_scoped3A = tpu.sem_alloc : memref<!tpu.dma_semaphore, #tpu.memory_space<semaphore_mem>>
        %dma_start3A_1387 = arith.constant 0 : i32
        %dma_start3A_1388 = tpu.memref_slice %arg30[%add3A_1386, %dma_start3A_1387] : memref<10000x128xf32, #tpu.memory_space<vmem_shared>> -> memref<40x128xf32, #tpu.memory_space<vmem_shared>>
        %dma_start3A_1389 = arith.constant 0 : i32
        %dma_start3A_1390 = tpu.memref_slice %arg30[%add3A_1386, %dma_start3A_1389] : memref<10000x128xf32, #tpu.memory_space<vmem_shared>> -> memref<40x128xf32, #tpu.memory_space<vmem_shared>>
        tpu.enqueue_dma source(%arg27 : memref<40x128xf32, #tpu.memory_space<vmem>>) target(%dma_start3A_1390 : memref<40x128xf32, #tpu.memory_space<vmem_shared>>) target_semaphore(%run_scoped3A : memref<!tpu.dma_semaphore, #tpu.memory_space<semaphore_mem>>)
        %dma_wait3A_1391 = arith.constant 0 : i32
        %dma_wait3A_1392 = tpu.memref_slice %arg30[%add3A_1386, %dma_wait3A_1391] : memref<10000x128xf32, #tpu.memory_space<vmem_shared>> -> memref<40x128xf32, #tpu.memory_space<vmem_shared>>
        %dma_wait3A_1393 = arith.constant 0 : i32
        %dma_wait3A_1394 = tpu.memref_slice %arg30[%add3A_1386, %dma_wait3A_1393] : memref<10000x128xf32, #tpu.memory_space<vmem_shared>> -> memref<40x128xf32, #tpu.memory_space<vmem_shared>>
        tpu.wait_dma2 semaphore(%run_scoped3A : memref<!tpu.dma_semaphore, #tpu.memory_space<semaphore_mem>>) src(%arg27 : memref<40x128xf32, #tpu.memory_space<vmem>>) dst(%dma_wait3A_1394 : memref<40x128xf32, #tpu.memory_space<vmem_shared>>)
        tpu.yield
      }) : () -> ()
    }
    %lt3A_1322 = arith.constant 15 : i32
    %lt3A_1323 = arith.cmpi slt, %arg1, %lt3A_1322 : i32
    %convert_element_type3A = arith.extui %lt3A_1323 : i1 to i32
    %cond3A = arith.constant 0 : i32
    %cond3A_1324 = arith.cmpi ne, %convert_element_type3A, %cond3A : i32
    scf.if %cond3A_1324 {
      %add3A_1383 = arith.constant 600 : i32
      %add3A_1384 = arith.addi %mul3A_1310, %add3A_1383 : i32
      "tpu.region"() ({
        %run_scoped3A = tpu.sem_alloc : memref<!tpu.dma_semaphore, #tpu.memory_space<semaphore_mem>>
        %dma_start3A_1385 = arith.constant 0 : i32
        %dma_start3A_1386 = arith.constant 0 : i32
        %dma_start3A_1387 = tpu.memref_slice %arg27[%dma_start3A_1385, %dma_start3A_1386] : memref<40x128xf32, #tpu.memory_space<vmem>> -> memref<32x128xf32, #tpu.memory_space<vmem>>
        %dma_start3A_1388 = arith.constant 0 : i32
        %dma_start3A_1389 = tpu.memref_slice %arg30[%add3A_1384, %dma_start3A_1388] : memref<10000x128xf32, #tpu.memory_space<vmem_shared>> -> memref<32x128xf32, #tpu.memory_space<vmem_shared>>
        %dma_start3A_1390 = arith.constant 0 : i32
        %dma_start3A_1391 = tpu.memref_slice %arg30[%add3A_1384, %dma_start3A_1390] : memref<10000x128xf32, #tpu.memory_space<vmem_shared>> -> memref<32x128xf32, #tpu.memory_space<vmem_shared>>
        %dma_start3A_1392 = arith.constant 0 : i32
        %dma_start3A_1393 = arith.constant 0 : i32
        %dma_start3A_1394 = tpu.memref_slice %arg27[%dma_start3A_1392, %dma_start3A_1393] : memref<40x128xf32, #tpu.memory_space<vmem>> -> memref<32x128xf32, #tpu.memory_space<vmem>>
        tpu.enqueue_dma source(%dma_start3A_1394 : memref<32x128xf32, #tpu.memory_space<vmem>>) target(%dma_start3A_1391 : memref<32x128xf32, #tpu.memory_space<vmem_shared>>) target_semaphore(%run_scoped3A : memref<!tpu.dma_semaphore, #tpu.memory_space<semaphore_mem>>)
        %dma_wait3A_1395 = arith.constant 0 : i32
        %dma_wait3A_1396 = arith.constant 0 : i32
        %dma_wait3A_1397 = tpu.memref_slice %arg27[%dma_wait3A_1395, %dma_wait3A_1396] : memref<40x128xf32, #tpu.memory_space<vmem>> -> memref<32x128xf32, #tpu.memory_space<vmem>>
        %dma_wait3A_1398 = arith.constant 0 : i32
        %dma_wait3A_1399 = tpu.memref_slice %arg30[%add3A_1384, %dma_wait3A_1398] : memref<10000x128xf32, #tpu.memory_space<vmem_shared>> -> memref<32x128xf32, #tpu.memory_space<vmem_shared>>
        %dma_wait3A_1400 = arith.constant 0 : i32
        %dma_wait3A_1401 = tpu.memref_slice %arg30[%add3A_1384, %dma_wait3A_1400] : memref<10000x128xf32, #tpu.memory_space<vmem_shared>> -> memref<32x128xf32, #tpu.memory_space<vmem_shared>>
        %dma_wait3A_1402 = arith.constant 0 : i32
        %dma_wait3A_1403 = arith.constant 0 : i32
        %dma_wait3A_1404 = tpu.memref_slice %arg27[%dma_wait3A_1402, %dma_wait3A_1403] : memref<40x128xf32, #tpu.memory_space<vmem>> -> memref<32x128xf32, #tpu.memory_space<vmem>>
        tpu.wait_dma2 semaphore(%run_scoped3A : memref<!tpu.dma_semaphore, #tpu.memory_space<semaphore_mem>>) src(%dma_wait3A_1404 : memref<32x128xf32, #tpu.memory_space<vmem>>) dst(%dma_wait3A_1401 : memref<32x128xf32, #tpu.memory_space<vmem_shared>>)
        tpu.yield
      }) : () -> ()
    } else {
    }
    %add3A_1325 = arith.constant 0 : i32
    %add3A_1326 = arith.addi %mul3A_2, %add3A_1325 : i32
    %dma_wait3A = tpu.memref_slice %arg2[%add3A_1326] : memref<320000xi32, #tpu.memory_space<hbm>> -> memref<40xi32, #tpu.memory_space<hbm>>
    %dma_wait3A_1327 = tpu.memref_slice %arg2[%add3A_1326] : memref<320000xi32, #tpu.memory_space<hbm>> -> memref<40xi32, #tpu.memory_space<hbm>>
    tpu.wait_dma2 semaphore(%arg31 : memref<!tpu.dma_semaphore, #tpu.memory_space<semaphore_mem>>) src(%dma_wait3A_1327 : memref<40xi32, #tpu.memory_space<hbm>>) dst(%arg11 : memref<40xi32, #tpu.memory_space<vmem>>)
    %dma_wait3A_1328 = tpu.memref_slice %arg3[%add3A_1326] : memref<320000xi32, #tpu.memory_space<hbm>> -> memref<40xi32, #tpu.memory_space<hbm>>
    %dma_wait3A_1329 = tpu.memref_slice %arg3[%add3A_1326] : memref<320000xi32, #tpu.memory_space<hbm>> -> memref<40xi32, #tpu.memory_space<hbm>>
    tpu.wait_dma2 semaphore(%arg31 : memref<!tpu.dma_semaphore, #tpu.memory_space<semaphore_mem>>) src(%dma_wait3A_1329 : memref<40xi32, #tpu.memory_space<hbm>>) dst(%arg13 : memref<40xi32, #tpu.memory_space<vmem>>)
    %dma_wait3A_1330 = tpu.memref_slice %arg4[%add3A_1326] : memref<320000xi32, #tpu.memory_space<hbm>> -> memref<40xi32, #tpu.memory_space<hbm>>
    %dma_wait3A_1331 = tpu.memref_slice %arg4[%add3A_1326] : memref<320000xi32, #tpu.memory_space<hbm>> -> memref<40xi32, #tpu.memory_space<hbm>>
    tpu.wait_dma2 semaphore(%arg31 : memref<!tpu.dma_semaphore, #tpu.memory_space<semaphore_mem>>) src(%dma_wait3A_1331 : memref<40xi32, #tpu.memory_space<hbm>>) dst(%arg15 : memref<40xi32, #tpu.memory_space<vmem>>)
    %dma_wait3A_1332 = tpu.memref_slice %arg5[%add3A_1326] : memref<320000xi32, #tpu.memory_space<hbm>> -> memref<40xi32, #tpu.memory_space<hbm>>
    %dma_wait3A_1333 = tpu.memref_slice %arg5[%add3A_1326] : memref<320000xi32, #tpu.memory_space<hbm>> -> memref<40xi32, #tpu.memory_space<hbm>>
    tpu.wait_dma2 semaphore(%arg31 : memref<!tpu.dma_semaphore, #tpu.memory_space<semaphore_mem>>) src(%dma_wait3A_1333 : memref<40xi32, #tpu.memory_space<hbm>>) dst(%arg17 : memref<40xi32, #tpu.memory_space<vmem>>)
    %get3A_1334 = arith.constant 0 : index
    %get3A_1335 = tpu.vector_load %arg17[%get3A_1334] {strides = array<i32>} : memref<40xi32, #tpu.memory_space<vmem>>, vector<16xi32>,
    %swap3A_1336 = arith.constant 0 : index
    %swap3A_1337 = tpu.vector_load %arg19[%swap3A_1336] {strides = array<i32>} : memref<40xi32, #tpu.memory_space<vmem>>, vector<16xi32>,
    tpu.vector_store %arg19[%swap3A_1336], %get3A_1335 {strides = array<i32>} : memref<40xi32, #tpu.memory_space<vmem>>, vector<16xi32>,
    %get3A_1338 = arith.constant 16 : index
    %get3A_1339 = tpu.vector_load %arg17[%get3A_1338] {strides = array<i32>} : memref<40xi32, #tpu.memory_space<vmem>>, vector<16xi32>,
    %swap3A_1340 = arith.constant 16 : index
    %swap3A_1341 = tpu.vector_load %arg19[%swap3A_1340] {strides = array<i32>} : memref<40xi32, #tpu.memory_space<vmem>>, vector<16xi32>,
    tpu.vector_store %arg19[%swap3A_1340], %get3A_1339 {strides = array<i32>} : memref<40xi32, #tpu.memory_space<vmem>>, vector<16xi32>,
    %get3A_1342 = arith.constant 24 : index
    %get3A_1343 = tpu.vector_load %arg17[%get3A_1342] {strides = array<i32>} : memref<40xi32, #tpu.memory_space<vmem>>, vector<16xi32>,
    %swap3A_1344 = arith.constant 24 : index
    %swap3A_1345 = tpu.vector_load %arg19[%swap3A_1344] {strides = array<i32>} : memref<40xi32, #tpu.memory_space<vmem>>, vector<16xi32>,
    tpu.vector_store %arg19[%swap3A_1344], %get3A_1343 {strides = array<i32>} : memref<40xi32, #tpu.memory_space<vmem>>, vector<16xi32>,
    %dma_start3A_1346 = arith.constant 0 : i32
    %dma_start3A_1347 = arith.constant 0 : i32
    %dma_start3A_1348 = tpu.memref_slice %arg6[%dma_start3A_1346, %dma_start3A_1347] : memref<10000x128xi32, #tpu.memory_space<hbm>> -> memref<10000x128xi32, #tpu.memory_space<hbm>>
    tpu.enqueue_indirect_dma source(%dma_start3A_1348 : memref<10000x128xi32, #tpu.memory_space<hbm>>) target(%arg21 : memref<40x128xi32, #tpu.memory_space<vmem>>) offsets(%arg11 : memref<40xi32, #tpu.memory_space<vmem>>) semaphore(%arg35 : memref<!tpu.dma_semaphore, #tpu.memory_space<semaphore_mem>>)
    %dma_start3A_1349 = arith.constant 0 : i32
    %dma_start3A_1350 = arith.constant 0 : i32
    %dma_start3A_1351 = tpu.memref_slice %arg7[%dma_start3A_1349, %dma_start3A_1350] : memref<10001x128xi32, #tpu.memory_space<hbm>> -> memref<10001x128xi32, #tpu.memory_space<hbm>>
    tpu.enqueue_indirect_dma source(%dma_start3A_1351 : memref<10001x128xi32, #tpu.memory_space<hbm>>) target(%arg23 : memref<40x128xi32, #tpu.memory_space<vmem>>) offsets(%arg13 : memref<40xi32, #tpu.memory_space<vmem>>) semaphore(%arg36 : memref<!tpu.dma_semaphore, #tpu.memory_space<semaphore_mem>>)
    %dma_start3A_1352 = arith.constant 0 : i32
    %dma_start3A_1353 = arith.constant 0 : i32
    %dma_start3A_1354 = tpu.memref_slice %arg8[%dma_start3A_1352, %dma_start3A_1353] : memref<16384x128xf32, #tpu.memory_space<hbm>> -> memref<16384x128xf32, #tpu.memory_space<hbm>>
    tpu.enqueue_indirect_dma source(%dma_start3A_1354 : memref<16384x128xf32, #tpu.memory_space<hbm>>) target(%arg25 : memref<40x128xf32, #tpu.memory_space<vmem>>) offsets(%arg15 : memref<40xi32, #tpu.memory_space<vmem>>) semaphore(%arg37 : memref<!tpu.dma_semaphore, #tpu.memory_space<semaphore_mem>>)
    %add3A_1355 = arith.constant 40 : i32
    %add3A_1356 = arith.addi %mul3A_2, %add3A_1355 : i32
    %dma_start3A_1357 = tpu.memref_slice %arg2[%add3A_1356] : memref<320000xi32, #tpu.memory_space<hbm>> -> memref<40xi32, #tpu.memory_space<hbm>>
    %dma_start3A_1358 = tpu.memref_slice %arg2[%add3A_1356] : memref<320000xi32, #tpu.memory_space<hbm>> -> memref<40xi32, #tpu.memory_space<hbm>>
    tpu.enqueue_dma source(%dma_start3A_1358 : memref<40xi32, #tpu.memory_space<hbm>>) target(%arg12 : memref<40xi32, #tpu.memory_space<vmem>>) target_semaphore(%arg32 : memref<!tpu.dma_semaphore, #tpu.memory_space<semaphore_mem>>)
    %dma_start3A_1359 = tpu.memref_slice %arg3[%add3A_1356] : memref<320000xi32, #tpu.memory_space<hbm>> -> memref<40xi32, #tpu.memory_space<hbm>>
    %dma_start3A_1360 = tpu.memref_slice %arg3[%add3A_1356] : memref<320000xi32, #tpu.memory_space<hbm>> -> memref<40xi32, #tpu.memory_space<hbm>>
    tpu.enqueue_dma source(%dma_start3A_1360 : memref<40xi32, #tpu.memory_space<hbm>>) target(%arg14 : memref<40xi32, #tpu.memory_space<vmem>>) target_semaphore(%arg32 : memref<!tpu.dma_semaphore, #tpu.memory_space<semaphore_mem>>)
    %dma_start3A_1361 = tpu.memref_slice %arg4[%add3A_1356] : memref<320000xi32, #tpu.memory_space<hbm>> -> memref<40xi32, #tpu.memory_space<hbm>>
    %dma_start3A_1362 = tpu.memref_slice %arg4[%add3A_1356] : memref<320000xi32, #tpu.memory_space<hbm>> -> memref<40xi32, #tpu.memory_space<hbm>>
    tpu.enqueue_dma source(%dma_start3A_1362 : memref<40xi32, #tpu.memory_space<hbm>>) target(%arg16 : memref<40xi32, #tpu.memory_space<vmem>>) target_semaphore(%arg32 : memref<!tpu.dma_semaphore, #tpu.memory_space<semaphore_mem>>)
    %dma_start3A_1363 = tpu.memref_slice %arg5[%add3A_1356] : memref<320000xi32, #tpu.memory_space<hbm>> -> memref<40xi32, #tpu.memory_space<hbm>>
    %dma_start3A_1364 = tpu.memref_slice %arg5[%add3A_1356] : memref<320000xi32, #tpu.memory_space<hbm>> -> memref<40xi32, #tpu.memory_space<hbm>>
    tpu.enqueue_dma source(%dma_start3A_1364 : memref<40xi32, #tpu.memory_space<hbm>>) target(%arg18 : memref<40xi32, #tpu.memory_space<vmem>>) target_semaphore(%arg32 : memref<!tpu.dma_semaphore, #tpu.memory_space<semaphore_mem>>)
    %barrier3A = arith.constant 0 : index
    tpu.barrier barrier_id(%barrier3A)
    %scan3A = arith.constant 0 : i32
    %scan3A_1365 = arith.constant 0 : i32
    %scan3A_1366 = arith.constant 125 : i32
    %scan3A_1367 = arith.addi %scan3A_1365, %scan3A_1366 : i32
    %scan3A_1368 = arith.constant 1 : i32
    scf.for %scan3A_1383 = %scan3A_1365 to %scan3A_1367 step %scan3A_1368  : i32 {
      %mul3A_1384 = arith.constant 2 : i32
      %mul3A_1385 = arith.muli %mul3A_1384, %scan3A_1383 : i32
      %add3A_1386 = arith.constant 1 : i32
      %add3A_1387 = arith.addi %mul3A_1385, %add3A_1386 : i32
      %lt3A_1388 = arith.constant 250 : i32
      %lt3A_1389 = arith.cmpi slt, %add3A_1387, %lt3A_1388 : i32
      %convert_element_type3A_1390 = arith.extui %lt3A_1389 : i1 to i32
      %cond3A_1391 = arith.constant 0 : i32
      %cond3A_1392 = arith.cmpi ne, %convert_element_type3A_1390, %cond3A_1391 : i32
      scf.if %cond3A_1392 {
        %add3A_1477 = arith.constant 1 : i32
        %add3A_1478 = arith.addi %mul3A_1385, %add3A_1477 : i32
        %mul3A_1479 = arith.constant 40 : i32
        %mul3A_1480 = arith.muli %add3A_1478, %mul3A_1479 : i32
        %add3A_1481 = arith.addi %mul3A_2, %mul3A_1480 : i32
        %dma_wait3A_1482 = tpu.memref_slice %arg2[%add3A_1481] : memref<320000xi32, #tpu.memory_space<hbm>> -> memref<40xi32, #tpu.memory_space<hbm>>
        %dma_wait3A_1483 = tpu.memref_slice %arg2[%add3A_1481] : memref<320000xi32, #tpu.memory_space<hbm>> -> memref<40xi32, #tpu.memory_space<hbm>>
        tpu.wait_dma2 semaphore(%arg32 : memref<!tpu.dma_semaphore, #tpu.memory_space<semaphore_mem>>) src(%dma_wait3A_1483 : memref<40xi32, #tpu.memory_space<hbm>>) dst(%arg12 : memref<40xi32, #tpu.memory_space<vmem>>)
        %dma_wait3A_1484 = tpu.memref_slice %arg3[%add3A_1481] : memref<320000xi32, #tpu.memory_space<hbm>> -> memref<40xi32, #tpu.memory_space<hbm>>
        %dma_wait3A_1485 = tpu.memref_slice %arg3[%add3A_1481] : memref<320000xi32, #tpu.memory_space<hbm>> -> memref<40xi32, #tpu.memory_space<hbm>>
        tpu.wait_dma2 semaphore(%arg32 : memref<!tpu.dma_semaphore, #tpu.memory_space<semaphore_mem>>) src(%dma_wait3A_1485 : memref<40xi32, #tpu.memory_space<hbm>>) dst(%arg14 : memref<40xi32, #tpu.memory_space<vmem>>)
        %dma_wait3A_1486 = tpu.memref_slice %arg4[%add3A_1481] : memref<320000xi32, #tpu.memory_space<hbm>> -> memref<40xi32, #tpu.memory_space<hbm>>
        %dma_wait3A_1487 = tpu.memref_slice %arg4[%add3A_1481] : memref<320000xi32, #tpu.memory_space<hbm>> -> memref<40xi32, #tpu.memory_space<hbm>>
        tpu.wait_dma2 semaphore(%arg32 : memref<!tpu.dma_semaphore, #tpu.memory_space<semaphore_mem>>) src(%dma_wait3A_1487 : memref<40xi32, #tpu.memory_space<hbm>>) dst(%arg16 : memref<40xi32, #tpu.memory_space<vmem>>)
        %dma_wait3A_1488 = tpu.memref_slice %arg5[%add3A_1481] : memref<320000xi32, #tpu.memory_space<hbm>> -> memref<40xi32, #tpu.memory_space<hbm>>
        %dma_wait3A_1489 = tpu.memref_slice %arg5[%add3A_1481] : memref<320000xi32, #tpu.memory_space<hbm>> -> memref<40xi32, #tpu.memory_space<hbm>>
        tpu.wait_dma2 semaphore(%arg32 : memref<!tpu.dma_semaphore, #tpu.memory_space<semaphore_mem>>) src(%dma_wait3A_1489 : memref<40xi32, #tpu.memory_space<hbm>>) dst(%arg18 : memref<40xi32, #tpu.memory_space<vmem>>)
      } else {
      }
      %ge3A = arith.constant 1 : i32
      %ge3A_1393 = arith.cmpi sge, %mul3A_1385, %ge3A : i32
      %convert_element_type3A_1394 = arith.extui %ge3A_1393 : i1 to i32
      %cond3A_1395 = arith.constant 0 : i32
      %cond3A_1396 = arith.cmpi ne, %convert_element_type3A_1394, %cond3A_1395 : i32
      scf.if %cond3A_1396 {
        %dma_wait3A_1477 = arith.constant 0 : i32
        %dma_wait3A_1478 = arith.constant 0 : i32
        %dma_wait3A_1479 = tpu.memref_slice %arg30[%dma_wait3A_1477, %dma_wait3A_1478] : memref<10000x128xf32, #tpu.memory_space<vmem_shared>> -> memref<10000x128xf32, #tpu.memory_space<vmem_shared>>
        tpu.wait_indirect_dma semaphore(%arg34 : memref<!tpu.dma_semaphore, #tpu.memory_space<semaphore_mem>>) src(%arg28 : memref<40x128xf32, #tpu.memory_space<vmem>>) dst(%dma_wait3A_1479 : memref<10000x128xf32, #tpu.memory_space<vmem_shared>>)
      } else {
      }
      %add3A_1397 = arith.constant 1 : i32
      %add3A_1398 = arith.addi %mul3A_1385, %add3A_1397 : i32
      %lt3A_1399 = arith.constant 250 : i32
      %lt3A_1400 = arith.cmpi slt, %add3A_1398, %lt3A_1399 : i32
      %convert_element_type3A_1401 = arith.extui %lt3A_1400 : i1 to i32
      %cond3A_1402 = arith.constant 0 : i32
      %cond3A_1403 = arith.cmpi ne, %convert_element_type3A_1401, %cond3A_1402 : i32
      scf.if %cond3A_1403 {
        %get3A_1477 = arith.constant 0 : index
        %get3A_1478 = tpu.vector_load %arg18[%get3A_1477] {strides = array<i32>} : memref<40xi32, #tpu.memory_space<vmem>>, vector<16xi32>,
        %swap3A_1479 = arith.constant 0 : index
        %swap3A_1480 = tpu.vector_load %arg20[%swap3A_1479] {strides = array<i32>} : memref<40xi32, #tpu.memory_space<vmem>>, vector<16xi32>,
        tpu.vector_store %arg20[%swap3A_1479], %get3A_1478 {strides = array<i32>} : memref<40xi32, #tpu.memory_space<vmem>>, vector<16xi32>,
        %get3A_1481 = arith.constant 16 : index
        %get3A_1482 = tpu.vector_load %arg18[%get3A_1481] {strides = array<i32>} : memref<40xi32, #tpu.memory_space<vmem>>, vector<16xi32>,
        %swap3A_1483 = arith.constant 16 : index
        %swap3A_1484 = tpu.vector_load %arg20[%swap3A_1483] {strides = array<i32>} : memref<40xi32, #tpu.memory_space<vmem>>, vector<16xi32>,
        tpu.vector_store %arg20[%swap3A_1483], %get3A_1482 {strides = array<i32>} : memref<40xi32, #tpu.memory_space<vmem>>, vector<16xi32>,
        %get3A_1485 = arith.constant 24 : index
        %get3A_1486 = tpu.vector_load %arg18[%get3A_1485] {strides = array<i32>} : memref<40xi32, #tpu.memory_space<vmem>>, vector<16xi32>,
        %swap3A_1487 = arith.constant 24 : index
        %swap3A_1488 = tpu.vector_load %arg20[%swap3A_1487] {strides = array<i32>} : memref<40xi32, #tpu.memory_space<vmem>>, vector<16xi32>,
        tpu.vector_store %arg20[%swap3A_1487], %get3A_1486 {strides = array<i32>} : memref<40xi32, #tpu.memory_space<vmem>>, vector<16xi32>,
        %dma_start3A_1489 = arith.constant 0 : i32
        %dma_start3A_1490 = arith.constant 0 : i32
        %dma_start3A_1491 = tpu.memref_slice %arg6[%dma_start3A_1489, %dma_start3A_1490] : memref<10000x128xi32, #tpu.memory_space<hbm>> -> memref<10000x128xi32, #tpu.memory_space<hbm>>
        tpu.enqueue_indirect_dma source(%dma_start3A_1491 : memref<10000x128xi32, #tpu.memory_space<hbm>>) target(%arg22 : memref<40x128xi32, #tpu.memory_space<vmem>>) offsets(%arg12 : memref<40xi32, #tpu.memory_space<vmem>>) semaphore(%arg38 : memref<!tpu.dma_semaphore, #tpu.memory_space<semaphore_mem>>)
        %dma_start3A_1492 = arith.constant 0 : i32
        %dma_start3A_1493 = arith.constant 0 : i32
        %dma_start3A_1494 = tpu.memref_slice %arg7[%dma_start3A_1492, %dma_start3A_1493] : memref<10001x128xi32, #tpu.memory_space<hbm>> -> memref<10001x128xi32, #tpu.memory_space<hbm>>
        tpu.enqueue_indirect_dma source(%dma_start3A_1494 : memref<10001x128xi32, #tpu.memory_space<hbm>>) target(%arg24 : memref<40x128xi32, #tpu.memory_space<vmem>>) offsets(%arg14 : memref<40xi32, #tpu.memory_space<vmem>>) semaphore(%arg39 : memref<!tpu.dma_semaphore, #tpu.memory_space<semaphore_mem>>)
        %dma_start3A_1495 = arith.constant 0 : i32
        %dma_start3A_1496 = arith.constant 0 : i32
        %dma_start3A_1497 = tpu.memref_slice %arg8[%dma_start3A_1495, %dma_start3A_1496] : memref<16384x128xf32, #tpu.memory_space<hbm>> -> memref<16384x128xf32, #tpu.memory_space<hbm>>
        tpu.enqueue_indirect_dma source(%dma_start3A_1497 : memref<16384x128xf32, #tpu.memory_space<hbm>>) target(%arg26 : memref<40x128xf32, #tpu.memory_space<vmem>>) offsets(%arg16 : memref<40xi32, #tpu.memory_space<vmem>>) semaphore(%arg40 : memref<!tpu.dma_semaphore, #tpu.memory_space<semaphore_mem>>)
      } else {
      }
      %dma_wait3A_1404 = arith.constant 0 : i32
      %dma_wait3A_1405 = arith.constant 0 : i32
      %dma_wait3A_1406 = tpu.memref_slice %arg6[%dma_wait3A_1404, %dma_wait3A_1405] : memref<10000x128xi32, #tpu.memory_space<hbm>> -> memref<10000x128xi32, #tpu.memory_space<hbm>>
      tpu.wait_indirect_dma semaphore(%arg35 : memref<!tpu.dma_semaphore, #tpu.memory_space<semaphore_mem>>) src(%dma_wait3A_1406 : memref<10000x128xi32, #tpu.memory_space<hbm>>) dst(%arg21 : memref<40x128xi32, #tpu.memory_space<vmem>>)
      %dma_wait3A_1407 = arith.constant 0 : i32
      %dma_wait3A_1408 = arith.constant 0 : i32
      %dma_wait3A_1409 = tpu.memref_slice %arg7[%dma_wait3A_1407, %dma_wait3A_1408] : memref<10001x128xi32, #tpu.memory_space<hbm>> -> memref<10001x128xi32, #tpu.memory_space<hbm>>
      tpu.wait_indirect_dma semaphore(%arg36 : memref<!tpu.dma_semaphore, #tpu.memory_space<semaphore_mem>>) src(%dma_wait3A_1409 : memref<10001x128xi32, #tpu.memory_space<hbm>>) dst(%arg23 : memref<40x128xi32, #tpu.memory_space<vmem>>)
      %dma_wait3A_1410 = arith.constant 0 : i32
      %dma_wait3A_1411 = arith.constant 0 : i32
      %dma_wait3A_1412 = tpu.memref_slice %arg8[%dma_wait3A_1410, %dma_wait3A_1411] : memref<16384x128xf32, #tpu.memory_space<hbm>> -> memref<16384x128xf32, #tpu.memory_space<hbm>>
      tpu.wait_indirect_dma semaphore(%arg37 : memref<!tpu.dma_semaphore, #tpu.memory_space<semaphore_mem>>) src(%dma_wait3A_1412 : memref<16384x128xf32, #tpu.memory_space<hbm>>) dst(%arg25 : memref<40x128xf32, #tpu.memory_space<vmem>>)
      %add3A_1413 = arith.constant 2 : i32
      %add3A_1414 = arith.addi %mul3A_1385, %add3A_1413 : i32
      %lt3A_1415 = arith.constant 250 : i32
      %lt3A_1416 = arith.cmpi slt, %add3A_1414, %lt3A_1415 : i32
      %convert_element_type3A_1417 = arith.extui %lt3A_1416 : i1 to i32
      %cond3A_1418 = arith.constant 0 : i32
      %cond3A_1419 = arith.cmpi ne, %convert_element_type3A_1417, %cond3A_1418 : i32
      scf.if %cond3A_1419 {
        %add3A_1477 = arith.constant 2 : i32
        %add3A_1478 = arith.addi %mul3A_1385, %add3A_1477 : i32
        %mul3A_1479 = arith.constant 40 : i32
        %mul3A_1480 = arith.muli %add3A_1478, %mul3A_1479 : i32
        %add3A_1481 = arith.addi %mul3A_2, %mul3A_1480 : i32
        %dma_start3A_1482 = tpu.memref_slice %arg2[%add3A_1481] : memref<320000xi32, #tpu.memory_space<hbm>> -> memref<40xi32, #tpu.memory_space<hbm>>
        %dma_start3A_1483 = tpu.memref_slice %arg2[%add3A_1481] : memref<320000xi32, #tpu.memory_space<hbm>> -> memref<40xi32, #tpu.memory_space<hbm>>
        tpu.enqueue_dma source(%dma_start3A_1483 : memref<40xi32, #tpu.memory_space<hbm>>) target(%arg11 : memref<40xi32, #tpu.memory_space<vmem>>) target_semaphore(%arg31 : memref<!tpu.dma_semaphore, #tpu.memory_space<semaphore_mem>>)
        %dma_start3A_1484 = tpu.memref_slice %arg3[%add3A_1481] : memref<320000xi32, #tpu.memory_space<hbm>> -> memref<40xi32, #tpu.memory_space<hbm>>
        %dma_start3A_1485 = tpu.memref_slice %arg3[%add3A_1481] : memref<320000xi32, #tpu.memory_space<hbm>> -> memref<40xi32, #tpu.memory_space<hbm>>
        tpu.enqueue_dma source(%dma_start3A_1485 : memref<40xi32, #tpu.memory_space<hbm>>) target(%arg13 : memref<40xi32, #tpu.memory_space<vmem>>) target_semaphore(%arg31 : memref<!tpu.dma_semaphore, #tpu.memory_space<semaphore_mem>>)
        %dma_start3A_1486 = tpu.memref_slice %arg4[%add3A_1481] : memref<320000xi32, #tpu.memory_space<hbm>> -> memref<40xi32, #tpu.memory_space<hbm>>
        %dma_start3A_1487 = tpu.memref_slice %arg4[%add3A_1481] : memref<320000xi32, #tpu.memory_space<hbm>> -> memref<40xi32, #tpu.memory_space<hbm>>
        tpu.enqueue_dma source(%dma_start3A_1487 : memref<40xi32, #tpu.memory_space<hbm>>) target(%arg15 : memref<40xi32, #tpu.memory_space<vmem>>) target_semaphore(%arg31 : memref<!tpu.dma_semaphore, #tpu.memory_space<semaphore_mem>>)
        %dma_start3A_1488 = tpu.memref_slice %arg5[%add3A_1481] : memref<320000xi32, #tpu.memory_space<hbm>> -> memref<40xi32, #tpu.memory_space<hbm>>
        %dma_start3A_1489 = tpu.memref_slice %arg5[%add3A_1481] : memref<320000xi32, #tpu.memory_space<hbm>> -> memref<40xi32, #tpu.memory_space<hbm>>
        tpu.enqueue_dma source(%dma_start3A_1489 : memref<40xi32, #tpu.memory_space<hbm>>) target(%arg17 : memref<40xi32, #tpu.memory_space<vmem>>) target_semaphore(%arg31 : memref<!tpu.dma_semaphore, #tpu.memory_space<semaphore_mem>>)
      } else {
      }
      %scan3A_1420 = arith.constant 0 : i32
      %scan3A_1421 = arith.constant 0 : i32
      %scan3A_1422 = arith.constant 40 : i32
      %scan3A_1423 = arith.addi %scan3A_1421, %scan3A_1422 : i32
      %scan3A_1424 = arith.constant 1 : i32
      scf.for %scan3A_1477 = %scan3A_1421 to %scan3A_1423 step %scan3A_1424  : i32 {
        %get3A_1478 = arith.index_cast %scan3A_1477 : i32 to index
        %get3A_1479 = arith.constant 0 : index
        %get3A_1480 = tpu.vector_load %arg21[%get3A_1478, %get3A_1479] {strides = array<i32>} : memref<40x128xi32, #tpu.memory_space<vmem>>, vector<16xi32>,
        %bitcast3A = vector.bitcast %get3A_1480 : vector<16xi32> to vector<32xbf16>
        %get3A_1481 = arith.index_cast %scan3A_1477 : i32 to index
        %get3A_1482 = arith.constant 0 : index
        %get3A_1483 = tpu.vector_load %arg23[%get3A_1481, %get3A_1482] {strides = array<i32>} : memref<40x128xi32, #tpu.memory_space<vmem>>, vector<16xi32>,
        %bitcast3A_1484 = vector.bitcast %get3A_1483 : vector<16xi32> to vector<32xbf16>
        %add3A_1485 = arith.addf %bitcast3A, %bitcast3A_1484 : vector<32xbf16>
        %bitcast3A_1486 = vector.bitcast %add3A_1485 : vector<32xbf16> to vector<16xi32>
        %shift_left3A = arith.constant 16 : i32
        %shift_left3A_1487 = vector.broadcast %shift_left3A : i32 to vector<16xi32>
        %shift_left3A_1488 = arith.shli %bitcast3A_1486, %shift_left3A_1487 : vector<16xi32>
        %bitcast3A_1489 = vector.bitcast %shift_left3A_1488 : vector<16xi32> to vector<16xf32>
        %and3A = arith.constant -65536 : i32
        %and3A_1490 = vector.broadcast %and3A : i32 to vector<16xi32>
        %and3A_1491 = arith.andi %bitcast3A_1486, %and3A_1490 : vector<16xi32>
        %bitcast3A_1492 = vector.bitcast %and3A_1491 : vector<16xi32> to vector<16xf32>
        %get3A_1493 = arith.index_cast %scan3A_1477 : i32 to index
        %get3A_1494 = arith.constant 0 : index
        %get3A_1495 = tpu.vector_load %arg25[%get3A_1493, %get3A_1494] {strides = array<i32>} : memref<40x128xf32, #tpu.memory_space<vmem>>, vector<16xf32>,
        %add3A_1496 = arith.addf %bitcast3A_1489, %get3A_1495 : vector<16xf32>
        %max3A = arith.constant 0.000000e+00 : f32
        %max3A_1497 = vector.broadcast %max3A : f32 to vector<16xf32>
        %max3A_1498 = arith.maximumf %add3A_1496, %max3A_1497 : vector<16xf32>
        %get3A_1499 = arith.index_cast %scan3A_1477 : i32 to index
        %get3A_1500 = arith.constant 16 : index
        %get3A_1501 = tpu.vector_load %arg25[%get3A_1499, %get3A_1500] {strides = array<i32>} : memref<40x128xf32, #tpu.memory_space<vmem>>, vector<16xf32>,
        %add3A_1502 = arith.addf %bitcast3A_1492, %get3A_1501 : vector<16xf32>
        %max3A_1503 = arith.constant 0.000000e+00 : f32
        %max3A_1504 = vector.broadcast %max3A_1503 : f32 to vector<16xf32>
        %max3A_1505 = arith.maximumf %add3A_1502, %max3A_1504 : vector<16xf32>
        %mul3A_1506 = arith.mulf %max3A_1498, %get3A_3 : vector<16xf32>
        %add3A_1507 = arith.addf %get3A_19, %mul3A_1506 : vector<16xf32>
        %mul3A_1508 = arith.mulf %max3A_1505, %get3A_5 : vector<16xf32>
        %add3A_1509 = arith.addf %add3A_1507, %mul3A_1508 : vector<16xf32>
        %get3A_1510 = arith.index_cast %scan3A_1477 : i32 to index
        %get3A_1511 = arith.constant 16 : index
        %get3A_1512 = tpu.vector_load %arg21[%get3A_1510, %get3A_1511] {strides = array<i32>} : memref<40x128xi32, #tpu.memory_space<vmem>>, vector<16xi32>,
        %bitcast3A_1513 = vector.bitcast %get3A_1512 : vector<16xi32> to vector<32xbf16>
        %get3A_1514 = arith.index_cast %scan3A_1477 : i32 to index
        %get3A_1515 = arith.constant 16 : index
        %get3A_1516 = tpu.vector_load %arg23[%get3A_1514, %get3A_1515] {strides = array<i32>} : memref<40x128xi32, #tpu.memory_space<vmem>>, vector<16xi32>,
        %bitcast3A_1517 = vector.bitcast %get3A_1516 : vector<16xi32> to vector<32xbf16>
        %add3A_1518 = arith.addf %bitcast3A_1513, %bitcast3A_1517 : vector<32xbf16>
        %bitcast3A_1519 = vector.bitcast %add3A_1518 : vector<32xbf16> to vector<16xi32>
        %shift_left3A_1520 = arith.constant 16 : i32
        %shift_left3A_1521 = vector.broadcast %shift_left3A_1520 : i32 to vector<16xi32>
        %shift_left3A_1522 = arith.shli %bitcast3A_1519, %shift_left3A_1521 : vector<16xi32>
        %bitcast3A_1523 = vector.bitcast %shift_left3A_1522 : vector<16xi32> to vector<16xf32>
        %and3A_1524 = arith.constant -65536 : i32
        %and3A_1525 = vector.broadcast %and3A_1524 : i32 to vector<16xi32>
        %and3A_1526 = arith.andi %bitcast3A_1519, %and3A_1525 : vector<16xi32>
        %bitcast3A_1527 = vector.bitcast %and3A_1526 : vector<16xi32> to vector<16xf32>
        %get3A_1528 = arith.index_cast %scan3A_1477 : i32 to index
        %get3A_1529 = arith.constant 32 : index
        %get3A_1530 = tpu.vector_load %arg25[%get3A_1528, %get3A_1529] {strides = array<i32>} : memref<40x128xf32, #tpu.memory_space<vmem>>, vector<16xf32>,
        %add3A_1531 = arith.addf %bitcast3A_1523, %get3A_1530 : vector<16xf32>
        %max3A_1532 = arith.constant 0.000000e+00 : f32
        %max3A_1533 = vector.broadcast %max3A_1532 : f32 to vector<16xf32>
        %max3A_1534 = arith.maximumf %add3A_1531, %max3A_1533 : vector<16xf32>
        %get3A_1535 = arith.index_cast %scan3A_1477 : i32 to index
        %get3A_1536 = arith.constant 48 : index
        %get3A_1537 = tpu.vector_load %arg25[%get3A_1535, %get3A_1536] {strides = array<i32>} : memref<40x128xf32, #tpu.memory_space<vmem>>, vector<16xf32>,
        %add3A_1538 = arith.addf %bitcast3A_1527, %get3A_1537 : vector<16xf32>
        %max3A_1539 = arith.constant 0.000000e+00 : f32
        %max3A_1540 = vector.broadcast %max3A_1539 : f32 to vector<16xf32>
        %max3A_1541 = arith.maximumf %add3A_1538, %max3A_1540 : vector<16xf32>
        %mul3A_1542 = arith.mulf %max3A_1534, %get3A_7 : vector<16xf32>
        %add3A_1543 = arith.addf %add3A_1509, %mul3A_1542 : vector<16xf32>
        %mul3A_1544 = arith.mulf %max3A_1541, %get3A_9 : vector<16xf32>
        %add3A_1545 = arith.addf %add3A_1543, %mul3A_1544 : vector<16xf32>
        %get3A_1546 = arith.index_cast %scan3A_1477 : i32 to index
        %get3A_1547 = arith.constant 32 : index
        %get3A_1548 = tpu.vector_load %arg21[%get3A_1546, %get3A_1547] {strides = array<i32>} : memref<40x128xi32, #tpu.memory_space<vmem>>, vector<16xi32>,
        %bitcast3A_1549 = vector.bitcast %get3A_1548 : vector<16xi32> to vector<32xbf16>
        %get3A_1550 = arith.index_cast %scan3A_1477 : i32 to index
        %get3A_1551 = arith.constant 32 : index
        %get3A_1552 = tpu.vector_load %arg23[%get3A_1550, %get3A_1551] {strides = array<i32>} : memref<40x128xi32, #tpu.memory_space<vmem>>, vector<16xi32>,
        %bitcast3A_1553 = vector.bitcast %get3A_1552 : vector<16xi32> to vector<32xbf16>
        %add3A_1554 = arith.addf %bitcast3A_1549, %bitcast3A_1553 : vector<32xbf16>
        %bitcast3A_1555 = vector.bitcast %add3A_1554 : vector<32xbf16> to vector<16xi32>
        %shift_left3A_1556 = arith.constant 16 : i32
        %shift_left3A_1557 = vector.broadcast %shift_left3A_1556 : i32 to vector<16xi32>
        %shift_left3A_1558 = arith.shli %bitcast3A_1555, %shift_left3A_1557 : vector<16xi32>
        %bitcast3A_1559 = vector.bitcast %shift_left3A_1558 : vector<16xi32> to vector<16xf32>
        %and3A_1560 = arith.constant -65536 : i32
        %and3A_1561 = vector.broadcast %and3A_1560 : i32 to vector<16xi32>
        %and3A_1562 = arith.andi %bitcast3A_1555, %and3A_1561 : vector<16xi32>
        %bitcast3A_1563 = vector.bitcast %and3A_1562 : vector<16xi32> to vector<16xf32>
        %get3A_1564 = arith.index_cast %scan3A_1477 : i32 to index
        %get3A_1565 = arith.constant 64 : index
        %get3A_1566 = tpu.vector_load %arg25[%get3A_1564, %get3A_1565] {strides = array<i32>} : memref<40x128xf32, #tpu.memory_space<vmem>>, vector<16xf32>,
        %add3A_1567 = arith.addf %bitcast3A_1559, %get3A_1566 : vector<16xf32>
        %max3A_1568 = arith.constant 0.000000e+00 : f32
        %max3A_1569 = vector.broadcast %max3A_1568 : f32 to vector<16xf32>
        %max3A_1570 = arith.maximumf %add3A_1567, %max3A_1569 : vector<16xf32>
        %get3A_1571 = arith.index_cast %scan3A_1477 : i32 to index
        %get3A_1572 = arith.constant 80 : index
        %get3A_1573 = tpu.vector_load %arg25[%get3A_1571, %get3A_1572] {strides = array<i32>} : memref<40x128xf32, #tpu.memory_space<vmem>>, vector<16xf32>,
        %add3A_1574 = arith.addf %bitcast3A_1563, %get3A_1573 : vector<16xf32>
        %max3A_1575 = arith.constant 0.000000e+00 : f32
        %max3A_1576 = vector.broadcast %max3A_1575 : f32 to vector<16xf32>
        %max3A_1577 = arith.maximumf %add3A_1574, %max3A_1576 : vector<16xf32>
        %mul3A_1578 = arith.mulf %max3A_1570, %get3A_11 : vector<16xf32>
        %add3A_1579 = arith.addf %add3A_1545, %mul3A_1578 : vector<16xf32>
        %mul3A_1580 = arith.mulf %max3A_1577, %get3A_13 : vector<16xf32>
        %add3A_1581 = arith.addf %add3A_1579, %mul3A_1580 : vector<16xf32>
        %get3A_1582 = arith.index_cast %scan3A_1477 : i32 to index
        %get3A_1583 = arith.constant 48 : index
        %get3A_1584 = tpu.vector_load %arg21[%get3A_1582, %get3A_1583] {strides = array<i32>} : memref<40x128xi32, #tpu.memory_space<vmem>>, vector<16xi32>,
        %bitcast3A_1585 = vector.bitcast %get3A_1584 : vector<16xi32> to vector<32xbf16>
        %get3A_1586 = arith.index_cast %scan3A_1477 : i32 to index
        %get3A_1587 = arith.constant 48 : index
        %get3A_1588 = tpu.vector_load %arg23[%get3A_1586, %get3A_1587] {strides = array<i32>} : memref<40x128xi32, #tpu.memory_space<vmem>>, vector<16xi32>,
        %bitcast3A_1589 = vector.bitcast %get3A_1588 : vector<16xi32> to vector<32xbf16>
        %add3A_1590 = arith.addf %bitcast3A_1585, %bitcast3A_1589 : vector<32xbf16>
        %bitcast3A_1591 = vector.bitcast %add3A_1590 : vector<32xbf16> to vector<16xi32>
        %shift_left3A_1592 = arith.constant 16 : i32
        %shift_left3A_1593 = vector.broadcast %shift_left3A_1592 : i32 to vector<16xi32>
        %shift_left3A_1594 = arith.shli %bitcast3A_1591, %shift_left3A_1593 : vector<16xi32>
        %bitcast3A_1595 = vector.bitcast %shift_left3A_1594 : vector<16xi32> to vector<16xf32>
        %and3A_1596 = arith.constant -65536 : i32
        %and3A_1597 = vector.broadcast %and3A_1596 : i32 to vector<16xi32>
        %and3A_1598 = arith.andi %bitcast3A_1591, %and3A_1597 : vector<16xi32>
        %bitcast3A_1599 = vector.bitcast %and3A_1598 : vector<16xi32> to vector<16xf32>
        %get3A_1600 = arith.index_cast %scan3A_1477 : i32 to index
        %get3A_1601 = arith.constant 96 : index
        %get3A_1602 = tpu.vector_load %arg25[%get3A_1600, %get3A_1601] {strides = array<i32>} : memref<40x128xf32, #tpu.memory_space<vmem>>, vector<16xf32>,
        %add3A_1603 = arith.addf %bitcast3A_1595, %get3A_1602 : vector<16xf32>
        %max3A_1604 = arith.constant 0.000000e+00 : f32
        %max3A_1605 = vector.broadcast %max3A_1604 : f32 to vector<16xf32>
        %max3A_1606 = arith.maximumf %add3A_1603, %max3A_1605 : vector<16xf32>
        %get3A_1607 = arith.index_cast %scan3A_1477 : i32 to index
        %get3A_1608 = arith.constant 112 : index
        %get3A_1609 = tpu.vector_load %arg25[%get3A_1607, %get3A_1608] {strides = array<i32>} : memref<40x128xf32, #tpu.memory_space<vmem>>, vector<16xf32>,
        %add3A_1610 = arith.addf %bitcast3A_1599, %get3A_1609 : vector<16xf32>
        %max3A_1611 = arith.constant 0.000000e+00 : f32
        %max3A_1612 = vector.broadcast %max3A_1611 : f32 to vector<16xf32>
        %max3A_1613 = arith.maximumf %add3A_1610, %max3A_1612 : vector<16xf32>
        %mul3A_1614 = arith.mulf %max3A_1606, %get3A_15 : vector<16xf32>
        %add3A_1615 = arith.addf %add3A_1581, %mul3A_1614 : vector<16xf32>
        %mul3A_1616 = arith.mulf %max3A_1613, %get3A_17 : vector<16xf32>
        %add3A_1617 = arith.addf %add3A_1615, %mul3A_1616 : vector<16xf32>
        %reduce_sum3A = arith.constant true
        %reduce_sum3A_1618 = vector.broadcast %reduce_sum3A : i1 to vector<16xi1>
        %reduce_sum3A_1619 = tpu.scan <sum>, %add3A_1617 masked %reduce_sum3A_1618 : vector<16xf32>, vector<16xi1> -> vector<16xf32>
        %reduce_sum3A_1620 = vector.extract %reduce_sum3A_1619[15] : f32 from vector<16xf32>
        %broadcast_in_dim3A_1621 = vector.broadcast %reduce_sum3A_1620 : f32 to vector<16xf32>
        %neg3A = arith.constant 0.000000e+00 : f32
        %neg3A_1622 = vector.broadcast %neg3A : f32 to vector<16xf32>
        %neg3A_1623 = arith.subf %neg3A_1622, %broadcast_in_dim3A_1621 : vector<16xf32>
        %exp3A = math.exp %neg3A_1623 : vector<16xf32>
        %add3A_1624 = arith.constant 1.000000e+00 : f32
        %add3A_1625 = vector.broadcast %add3A_1624 : f32 to vector<16xf32>
        %add3A_1626 = arith.addf %add3A_1625, %exp3A : vector<16xf32>
        %div3A = arith.constant 1.000000e+00 : f32
        %div3A_1627 = vector.broadcast %div3A : f32 to vector<16xf32>
        %div3A_1628 = arith.divf %div3A_1627, %add3A_1626 : vector<16xf32>
        %get3A_1629 = arith.index_cast %scan3A_1477 : i32 to index
        %get3A_1630 = arith.constant 64 : index
        %get3A_1631 = tpu.vector_load %arg21[%get3A_1629, %get3A_1630] {strides = array<i32>} : memref<40x128xi32, #tpu.memory_space<vmem>>, vector<16xi32>,
        %bitcast3A_1632 = vector.bitcast %get3A_1631 : vector<16xi32> to vector<32xbf16>
        %get3A_1633 = arith.index_cast %scan3A_1477 : i32 to index
        %get3A_1634 = arith.constant 64 : index
        %get3A_1635 = tpu.vector_load %arg23[%get3A_1633, %get3A_1634] {strides = array<i32>} : memref<40x128xi32, #tpu.memory_space<vmem>>, vector<16xi32>,
        %bitcast3A_1636 = vector.bitcast %get3A_1635 : vector<16xi32> to vector<32xbf16>
        %add3A_1637 = arith.addf %bitcast3A_1632, %bitcast3A_1636 : vector<32xbf16>
        %bitcast3A_1638 = vector.bitcast %add3A_1637 : vector<32xbf16> to vector<16xi32>
        %shift_left3A_1639 = arith.constant 16 : i32
        %shift_left3A_1640 = vector.broadcast %shift_left3A_1639 : i32 to vector<16xi32>
        %shift_left3A_1641 = arith.shli %bitcast3A_1638, %shift_left3A_1640 : vector<16xi32>
        %bitcast3A_1642 = vector.bitcast %shift_left3A_1641 : vector<16xi32> to vector<16xf32>
        %and3A_1643 = arith.constant -65536 : i32
        %and3A_1644 = vector.broadcast %and3A_1643 : i32 to vector<16xi32>
        %and3A_1645 = arith.andi %bitcast3A_1638, %and3A_1644 : vector<16xi32>
        %bitcast3A_1646 = vector.bitcast %and3A_1645 : vector<16xi32> to vector<16xf32>
        %mul3A_1647 = arith.mulf %bitcast3A_1642, %div3A_1628 : vector<16xf32>
        %swap3A_1648 = arith.index_cast %scan3A_1477 : i32 to index
        %swap3A_1649 = arith.constant 0 : index
        %swap3A_1650 = tpu.vector_load %arg27[%swap3A_1648, %swap3A_1649] {strides = array<i32>} : memref<40x128xf32, #tpu.memory_space<vmem>>, vector<16xf32>,
        tpu.vector_store %arg27[%swap3A_1648, %swap3A_1649], %mul3A_1647 {strides = array<i32>} : memref<40x128xf32, #tpu.memory_space<vmem>>, vector<16xf32>,
        %mul3A_1651 = arith.mulf %bitcast3A_1646, %div3A_1628 : vector<16xf32>
        %swap3A_1652 = arith.index_cast %scan3A_1477 : i32 to index
        %swap3A_1653 = arith.constant 16 : index
        %swap3A_1654 = tpu.vector_load %arg27[%swap3A_1652, %swap3A_1653] {strides = array<i32>} : memref<40x128xf32, #tpu.memory_space<vmem>>, vector<16xf32>,
        tpu.vector_store %arg27[%swap3A_1652, %swap3A_1653], %mul3A_1651 {strides = array<i32>} : memref<40x128xf32, #tpu.memory_space<vmem>>, vector<16xf32>,
        %get3A_1655 = arith.index_cast %scan3A_1477 : i32 to index
        %get3A_1656 = arith.constant 80 : index
        %get3A_1657 = tpu.vector_load %arg21[%get3A_1655, %get3A_1656] {strides = array<i32>} : memref<40x128xi32, #tpu.memory_space<vmem>>, vector<16xi32>,
        %bitcast3A_1658 = vector.bitcast %get3A_1657 : vector<16xi32> to vector<32xbf16>
        %get3A_1659 = arith.index_cast %scan3A_1477 : i32 to index
        %get3A_1660 = arith.constant 80 : index
        %get3A_1661 = tpu.vector_load %arg23[%get3A_1659, %get3A_1660] {strides = array<i32>} : memref<40x128xi32, #tpu.memory_space<vmem>>, vector<16xi32>,
        %bitcast3A_1662 = vector.bitcast %get3A_1661 : vector<16xi32> to vector<32xbf16>
        %add3A_1663 = arith.addf %bitcast3A_1658, %bitcast3A_1662 : vector<32xbf16>
        %bitcast3A_1664 = vector.bitcast %add3A_1663 : vector<32xbf16> to vector<16xi32>
        %shift_left3A_1665 = arith.constant 16 : i32
        %shift_left3A_1666 = vector.broadcast %shift_left3A_1665 : i32 to vector<16xi32>
        %shift_left3A_1667 = arith.shli %bitcast3A_1664, %shift_left3A_1666 : vector<16xi32>
        %bitcast3A_1668 = vector.bitcast %shift_left3A_1667 : vector<16xi32> to vector<16xf32>
        %and3A_1669 = arith.constant -65536 : i32
        %and3A_1670 = vector.broadcast %and3A_1669 : i32 to vector<16xi32>
        %and3A_1671 = arith.andi %bitcast3A_1664, %and3A_1670 : vector<16xi32>
        %bitcast3A_1672 = vector.bitcast %and3A_1671 : vector<16xi32> to vector<16xf32>
        %mul3A_1673 = arith.mulf %bitcast3A_1668, %div3A_1628 : vector<16xf32>
        %swap3A_1674 = arith.index_cast %scan3A_1477 : i32 to index
        %swap3A_1675 = arith.constant 32 : index
        %swap3A_1676 = tpu.vector_load %arg27[%swap3A_1674, %swap3A_1675] {strides = array<i32>} : memref<40x128xf32, #tpu.memory_space<vmem>>, vector<16xf32>,
        tpu.vector_store %arg27[%swap3A_1674, %swap3A_1675], %mul3A_1673 {strides = array<i32>} : memref<40x128xf32, #tpu.memory_space<vmem>>, vector<16xf32>,
        %mul3A_1677 = arith.mulf %bitcast3A_1672, %div3A_1628 : vector<16xf32>
        %swap3A_1678 = arith.index_cast %scan3A_1477 : i32 to index
        %swap3A_1679 = arith.constant 48 : index
        %swap3A_1680 = tpu.vector_load %arg27[%swap3A_1678, %swap3A_1679] {strides = array<i32>} : memref<40x128xf32, #tpu.memory_space<vmem>>, vector<16xf32>,
        tpu.vector_store %arg27[%swap3A_1678, %swap3A_1679], %mul3A_1677 {strides = array<i32>} : memref<40x128xf32, #tpu.memory_space<vmem>>, vector<16xf32>,
        %get3A_1681 = arith.index_cast %scan3A_1477 : i32 to index
        %get3A_1682 = arith.constant 96 : index
        %get3A_1683 = tpu.vector_load %arg21[%get3A_1681, %get3A_1682] {strides = array<i32>} : memref<40x128xi32, #tpu.memory_space<vmem>>, vector<16xi32>,
        %bitcast3A_1684 = vector.bitcast %get3A_1683 : vector<16xi32> to vector<32xbf16>
        %get3A_1685 = arith.index_cast %scan3A_1477 : i32 to index
        %get3A_1686 = arith.constant 96 : index
        %get3A_1687 = tpu.vector_load %arg23[%get3A_1685, %get3A_1686] {strides = array<i32>} : memref<40x128xi32, #tpu.memory_space<vmem>>, vector<16xi32>,
        %bitcast3A_1688 = vector.bitcast %get3A_1687 : vector<16xi32> to vector<32xbf16>
        %add3A_1689 = arith.addf %bitcast3A_1684, %bitcast3A_1688 : vector<32xbf16>
        %bitcast3A_1690 = vector.bitcast %add3A_1689 : vector<32xbf16> to vector<16xi32>
        %shift_left3A_1691 = arith.constant 16 : i32
        %shift_left3A_1692 = vector.broadcast %shift_left3A_1691 : i32 to vector<16xi32>
        %shift_left3A_1693 = arith.shli %bitcast3A_1690, %shift_left3A_1692 : vector<16xi32>
        %bitcast3A_1694 = vector.bitcast %shift_left3A_1693 : vector<16xi32> to vector<16xf32>
        %and3A_1695 = arith.constant -65536 : i32
        %and3A_1696 = vector.broadcast %and3A_1695 : i32 to vector<16xi32>
        %and3A_1697 = arith.andi %bitcast3A_1690, %and3A_1696 : vector<16xi32>
        %bitcast3A_1698 = vector.bitcast %and3A_1697 : vector<16xi32> to vector<16xf32>
        %mul3A_1699 = arith.mulf %bitcast3A_1694, %div3A_1628 : vector<16xf32>
        %swap3A_1700 = arith.index_cast %scan3A_1477 : i32 to index
        %swap3A_1701 = arith.constant 64 : index
        %swap3A_1702 = tpu.vector_load %arg27[%swap3A_1700, %swap3A_1701] {strides = array<i32>} : memref<40x128xf32, #tpu.memory_space<vmem>>, vector<16xf32>,
        tpu.vector_store %arg27[%swap3A_1700, %swap3A_1701], %mul3A_1699 {strides = array<i32>} : memref<40x128xf32, #tpu.memory_space<vmem>>, vector<16xf32>,
        %mul3A_1703 = arith.mulf %bitcast3A_1698, %div3A_1628 : vector<16xf32>
        %swap3A_1704 = arith.index_cast %scan3A_1477 : i32 to index
        %swap3A_1705 = arith.constant 80 : index
        %swap3A_1706 = tpu.vector_load %arg27[%swap3A_1704, %swap3A_1705] {strides = array<i32>} : memref<40x128xf32, #tpu.memory_space<vmem>>, vector<16xf32>,
        tpu.vector_store %arg27[%swap3A_1704, %swap3A_1705], %mul3A_1703 {strides = array<i32>} : memref<40x128xf32, #tpu.memory_space<vmem>>, vector<16xf32>,
        %get3A_1707 = arith.index_cast %scan3A_1477 : i32 to index
        %get3A_1708 = arith.constant 112 : index
        %get3A_1709 = tpu.vector_load %arg21[%get3A_1707, %get3A_1708] {strides = array<i32>} : memref<40x128xi32, #tpu.memory_space<vmem>>, vector<16xi32>,
        %bitcast3A_1710 = vector.bitcast %get3A_1709 : vector<16xi32> to vector<32xbf16>
        %get3A_1711 = arith.index_cast %scan3A_1477 : i32 to index
        %get3A_1712 = arith.constant 112 : index
        %get3A_1713 = tpu.vector_load %arg23[%get3A_1711, %get3A_1712] {strides = array<i32>} : memref<40x128xi32, #tpu.memory_space<vmem>>, vector<16xi32>,
        %bitcast3A_1714 = vector.bitcast %get3A_1713 : vector<16xi32> to vector<32xbf16>
        %add3A_1715 = arith.addf %bitcast3A_1710, %bitcast3A_1714 : vector<32xbf16>
        %bitcast3A_1716 = vector.bitcast %add3A_1715 : vector<32xbf16> to vector<16xi32>
        %shift_left3A_1717 = arith.constant 16 : i32
        %shift_left3A_1718 = vector.broadcast %shift_left3A_1717 : i32 to vector<16xi32>
        %shift_left3A_1719 = arith.shli %bitcast3A_1716, %shift_left3A_1718 : vector<16xi32>
        %bitcast3A_1720 = vector.bitcast %shift_left3A_1719 : vector<16xi32> to vector<16xf32>
        %and3A_1721 = arith.constant -65536 : i32
        %and3A_1722 = vector.broadcast %and3A_1721 : i32 to vector<16xi32>
        %and3A_1723 = arith.andi %bitcast3A_1716, %and3A_1722 : vector<16xi32>
        %bitcast3A_1724 = vector.bitcast %and3A_1723 : vector<16xi32> to vector<16xf32>
        %mul3A_1725 = arith.mulf %bitcast3A_1720, %div3A_1628 : vector<16xf32>
        %swap3A_1726 = arith.index_cast %scan3A_1477 : i32 to index
        %swap3A_1727 = arith.constant 96 : index
        %swap3A_1728 = tpu.vector_load %arg27[%swap3A_1726, %swap3A_1727] {strides = array<i32>} : memref<40x128xf32, #tpu.memory_space<vmem>>, vector<16xf32>,
        tpu.vector_store %arg27[%swap3A_1726, %swap3A_1727], %mul3A_1725 {strides = array<i32>} : memref<40x128xf32, #tpu.memory_space<vmem>>, vector<16xf32>,
        %mul3A_1729 = arith.mulf %bitcast3A_1724, %div3A_1628 : vector<16xf32>
        %swap3A_1730 = arith.index_cast %scan3A_1477 : i32 to index
        %swap3A_1731 = arith.constant 112 : index
        %swap3A_1732 = tpu.vector_load %arg27[%swap3A_1730, %swap3A_1731] {strides = array<i32>} : memref<40x128xf32, #tpu.memory_space<vmem>>, vector<16xf32>,
        tpu.vector_store %arg27[%swap3A_1730, %swap3A_1731], %mul3A_1729 {strides = array<i32>} : memref<40x128xf32, #tpu.memory_space<vmem>>, vector<16xf32>,
      }
      %scan3A_1425 = arith.constant 40 : i32
      %dma_start3A_1426 = arith.constant 0 : i32
      %dma_start3A_1427 = arith.constant 0 : i32
      %dma_start3A_1428 = tpu.memref_slice %arg30[%dma_start3A_1426, %dma_start3A_1427] : memref<10000x128xf32, #tpu.memory_space<vmem_shared>> -> memref<10000x128xf32, #tpu.memory_space<vmem_shared>>
      tpu.enqueue_indirect_dma source(%arg27 : memref<40x128xf32, #tpu.memory_space<vmem>>) target(%dma_start3A_1428 : memref<10000x128xf32, #tpu.memory_space<vmem_shared>>) offsets(%arg19 : memref<40xi32, #tpu.memory_space<vmem>>) semaphore(%arg33 : memref<!tpu.dma_semaphore, #tpu.memory_space<semaphore_mem>>) {add = true}
      %mul3A_1429 = arith.constant 2 : i32
      %mul3A_1430 = arith.muli %mul3A_1429, %scan3A_1383 : i32
      %add3A_1431 = arith.constant 1 : i32
      %add3A_1432 = arith.addi %mul3A_1430, %add3A_1431 : i32
      %add3A_1433 = arith.constant 1 : i32
      %add3A_1434 = arith.addi %add3A_1432, %add3A_1433 : i32
      %lt3A_1435 = arith.constant 250 : i32
      %lt3A_1436 = arith.cmpi slt, %add3A_1434, %lt3A_1435 : i32
      %convert_element_type3A_1437 = arith.extui %lt3A_1436 : i1 to i32
      %cond3A_1438 = arith.constant 0 : i32
      %cond3A_1439 = arith.cmpi ne, %convert_element_type3A_1437, %cond3A_1438 : i32
      scf.if %cond3A_1439 {
        %add3A_1477 = arith.constant 1 : i32
        %add3A_1478 = arith.addi %add3A_1432, %add3A_1477 : i32
        %mul3A_1479 = arith.constant 40 : i32
        %mul3A_1480 = arith.muli %add3A_1478, %mul3A_1479 : i32
        %add3A_1481 = arith.addi %mul3A_2, %mul3A_1480 : i32
        %dma_wait3A_1482 = tpu.memref_slice %arg2[%add3A_1481] : memref<320000xi32, #tpu.memory_space<hbm>> -> memref<40xi32, #tpu.memory_space<hbm>>
        %dma_wait3A_1483 = tpu.memref_slice %arg2[%add3A_1481] : memref<320000xi32, #tpu.memory_space<hbm>> -> memref<40xi32, #tpu.memory_space<hbm>>
        tpu.wait_dma2 semaphore(%arg31 : memref<!tpu.dma_semaphore, #tpu.memory_space<semaphore_mem>>) src(%dma_wait3A_1483 : memref<40xi32, #tpu.memory_space<hbm>>) dst(%arg11 : memref<40xi32, #tpu.memory_space<vmem>>)
        %dma_wait3A_1484 = tpu.memref_slice %arg3[%add3A_1481] : memref<320000xi32, #tpu.memory_space<hbm>> -> memref<40xi32, #tpu.memory_space<hbm>>
        %dma_wait3A_1485 = tpu.memref_slice %arg3[%add3A_1481] : memref<320000xi32, #tpu.memory_space<hbm>> -> memref<40xi32, #tpu.memory_space<hbm>>
        tpu.wait_dma2 semaphore(%arg31 : memref<!tpu.dma_semaphore, #tpu.memory_space<semaphore_mem>>) src(%dma_wait3A_1485 : memref<40xi32, #tpu.memory_space<hbm>>) dst(%arg13 : memref<40xi32, #tpu.memory_space<vmem>>)
        %dma_wait3A_1486 = tpu.memref_slice %arg4[%add3A_1481] : memref<320000xi32, #tpu.memory_space<hbm>> -> memref<40xi32, #tpu.memory_space<hbm>>
        %dma_wait3A_1487 = tpu.memref_slice %arg4[%add3A_1481] : memref<320000xi32, #tpu.memory_space<hbm>> -> memref<40xi32, #tpu.memory_space<hbm>>
        tpu.wait_dma2 semaphore(%arg31 : memref<!tpu.dma_semaphore, #tpu.memory_space<semaphore_mem>>) src(%dma_wait3A_1487 : memref<40xi32, #tpu.memory_space<hbm>>) dst(%arg15 : memref<40xi32, #tpu.memory_space<vmem>>)
        %dma_wait3A_1488 = tpu.memref_slice %arg5[%add3A_1481] : memref<320000xi32, #tpu.memory_space<hbm>> -> memref<40xi32, #tpu.memory_space<hbm>>
        %dma_wait3A_1489 = tpu.memref_slice %arg5[%add3A_1481] : memref<320000xi32, #tpu.memory_space<hbm>> -> memref<40xi32, #tpu.memory_space<hbm>>
        tpu.wait_dma2 semaphore(%arg31 : memref<!tpu.dma_semaphore, #tpu.memory_space<semaphore_mem>>) src(%dma_wait3A_1489 : memref<40xi32, #tpu.memory_space<hbm>>) dst(%arg17 : memref<40xi32, #tpu.memory_space<vmem>>)
      } else {
      }
      %ge3A_1440 = arith.constant 1 : i32
      %ge3A_1441 = arith.cmpi sge, %add3A_1432, %ge3A_1440 : i32
      %convert_element_type3A_1442 = arith.extui %ge3A_1441 : i1 to i32
      %cond3A_1443 = arith.constant 0 : i32
      %cond3A_1444 = arith.cmpi ne, %convert_element_type3A_1442, %cond3A_1443 : i32
      scf.if %cond3A_1444 {
        %dma_wait3A_1477 = arith.constant 0 : i32
        %dma_wait3A_1478 = arith.constant 0 : i32
        %dma_wait3A_1479 = tpu.memref_slice %arg30[%dma_wait3A_1477, %dma_wait3A_1478] : memref<10000x128xf32, #tpu.memory_space<vmem_shared>> -> memref<10000x128xf32, #tpu.memory_space<vmem_shared>>
        tpu.wait_indirect_dma semaphore(%arg33 : memref<!tpu.dma_semaphore, #tpu.memory_space<semaphore_mem>>) src(%arg27 : memref<40x128xf32, #tpu.memory_space<vmem>>) dst(%dma_wait3A_1479 : memref<10000x128xf32, #tpu.memory_space<vmem_shared>>)
      } else {
      }
      %add3A_1445 = arith.constant 1 : i32
      %add3A_1446 = arith.addi %add3A_1432, %add3A_1445 : i32
      %lt3A_1447 = arith.constant 250 : i32
      %lt3A_1448 = arith.cmpi slt, %add3A_1446, %lt3A_1447 : i32
      %convert_element_type3A_1449 = arith.extui %lt3A_1448 : i1 to i32
      %cond3A_1450 = arith.constant 0 : i32
      %cond3A_1451 = arith.cmpi ne, %convert_element_type3A_1449, %cond3A_1450 : i32
      scf.if %cond3A_1451 {
        %get3A_1477 = arith.constant 0 : index
        %get3A_1478 = tpu.vector_load %arg17[%get3A_1477] {strides = array<i32>} : memref<40xi32, #tpu.memory_space<vmem>>, vector<16xi32>,
        %swap3A_1479 = arith.constant 0 : index
        %swap3A_1480 = tpu.vector_load %arg19[%swap3A_1479] {strides = array<i32>} : memref<40xi32, #tpu.memory_space<vmem>>, vector<16xi32>,
        tpu.vector_store %arg19[%swap3A_1479], %get3A_1478 {strides = array<i32>} : memref<40xi32, #tpu.memory_space<vmem>>, vector<16xi32>,
        %get3A_1481 = arith.constant 16 : index
        %get3A_1482 = tpu.vector_load %arg17[%get3A_1481] {strides = array<i32>} : memref<40xi32, #tpu.memory_space<vmem>>, vector<16xi32>,
        %swap3A_1483 = arith.constant 16 : index
        %swap3A_1484 = tpu.vector_load %arg19[%swap3A_1483] {strides = array<i32>} : memref<40xi32, #tpu.memory_space<vmem>>, vector<16xi32>,
        tpu.vector_store %arg19[%swap3A_1483], %get3A_1482 {strides = array<i32>} : memref<40xi32, #tpu.memory_space<vmem>>, vector<16xi32>,
        %get3A_1485 = arith.constant 24 : index
        %get3A_1486 = tpu.vector_load %arg17[%get3A_1485] {strides = array<i32>} : memref<40xi32, #tpu.memory_space<vmem>>, vector<16xi32>,
        %swap3A_1487 = arith.constant 24 : index
        %swap3A_1488 = tpu.vector_load %arg19[%swap3A_1487] {strides = array<i32>} : memref<40xi32, #tpu.memory_space<vmem>>, vector<16xi32>,
        tpu.vector_store %arg19[%swap3A_1487], %get3A_1486 {strides = array<i32>} : memref<40xi32, #tpu.memory_space<vmem>>, vector<16xi32>,
        %dma_start3A_1489 = arith.constant 0 : i32
        %dma_start3A_1490 = arith.constant 0 : i32
        %dma_start3A_1491 = tpu.memref_slice %arg6[%dma_start3A_1489, %dma_start3A_1490] : memref<10000x128xi32, #tpu.memory_space<hbm>> -> memref<10000x128xi32, #tpu.memory_space<hbm>>
        tpu.enqueue_indirect_dma source(%dma_start3A_1491 : memref<10000x128xi32, #tpu.memory_space<hbm>>) target(%arg21 : memref<40x128xi32, #tpu.memory_space<vmem>>) offsets(%arg11 : memref<40xi32, #tpu.memory_space<vmem>>) semaphore(%arg35 : memref<!tpu.dma_semaphore, #tpu.memory_space<semaphore_mem>>)
        %dma_start3A_1492 = arith.constant 0 : i32
        %dma_start3A_1493 = arith.constant 0 : i32
        %dma_start3A_1494 = tpu.memref_slice %arg7[%dma_start3A_1492, %dma_start3A_1493] : memref<10001x128xi32, #tpu.memory_space<hbm>> -> memref<10001x128xi32, #tpu.memory_space<hbm>>
        tpu.enqueue_indirect_dma source(%dma_start3A_1494 : memref<10001x128xi32, #tpu.memory_space<hbm>>) target(%arg23 : memref<40x128xi32, #tpu.memory_space<vmem>>) offsets(%arg13 : memref<40xi32, #tpu.memory_space<vmem>>) semaphore(%arg36 : memref<!tpu.dma_semaphore, #tpu.memory_space<semaphore_mem>>)
        %dma_start3A_1495 = arith.constant 0 : i32
        %dma_start3A_1496 = arith.constant 0 : i32
        %dma_start3A_1497 = tpu.memref_slice %arg8[%dma_start3A_1495, %dma_start3A_1496] : memref<16384x128xf32, #tpu.memory_space<hbm>> -> memref<16384x128xf32, #tpu.memory_space<hbm>>
        tpu.enqueue_indirect_dma source(%dma_start3A_1497 : memref<16384x128xf32, #tpu.memory_space<hbm>>) target(%arg25 : memref<40x128xf32, #tpu.memory_space<vmem>>) offsets(%arg15 : memref<40xi32, #tpu.memory_space<vmem>>) semaphore(%arg37 : memref<!tpu.dma_semaphore, #tpu.memory_space<semaphore_mem>>)
      } else {
      }
      %dma_wait3A_1452 = arith.constant 0 : i32
      %dma_wait3A_1453 = arith.constant 0 : i32
      %dma_wait3A_1454 = tpu.memref_slice %arg6[%dma_wait3A_1452, %dma_wait3A_1453] : memref<10000x128xi32, #tpu.memory_space<hbm>> -> memref<10000x128xi32, #tpu.memory_space<hbm>>
      tpu.wait_indirect_dma semaphore(%arg38 : memref<!tpu.dma_semaphore, #tpu.memory_space<semaphore_mem>>) src(%dma_wait3A_1454 : memref<10000x128xi32, #tpu.memory_space<hbm>>) dst(%arg22 : memref<40x128xi32, #tpu.memory_space<vmem>>)
      %dma_wait3A_1455 = arith.constant 0 : i32
      %dma_wait3A_1456 = arith.constant 0 : i32
      %dma_wait3A_1457 = tpu.memref_slice %arg7[%dma_wait3A_1455, %dma_wait3A_1456] : memref<10001x128xi32, #tpu.memory_space<hbm>> -> memref<10001x128xi32, #tpu.memory_space<hbm>>
      tpu.wait_indirect_dma semaphore(%arg39 : memref<!tpu.dma_semaphore, #tpu.memory_space<semaphore_mem>>) src(%dma_wait3A_1457 : memref<10001x128xi32, #tpu.memory_space<hbm>>) dst(%arg24 : memref<40x128xi32, #tpu.memory_space<vmem>>)
      %dma_wait3A_1458 = arith.constant 0 : i32
      %dma_wait3A_1459 = arith.constant 0 : i32
      %dma_wait3A_1460 = tpu.memref_slice %arg8[%dma_wait3A_1458, %dma_wait3A_1459] : memref<16384x128xf32, #tpu.memory_space<hbm>> -> memref<16384x128xf32, #tpu.memory_space<hbm>>
      tpu.wait_indirect_dma semaphore(%arg40 : memref<!tpu.dma_semaphore, #tpu.memory_space<semaphore_mem>>) src(%dma_wait3A_1460 : memref<16384x128xf32, #tpu.memory_space<hbm>>) dst(%arg26 : memref<40x128xf32, #tpu.memory_space<vmem>>)
      %add3A_1461 = arith.constant 2 : i32
      %add3A_1462 = arith.addi %add3A_1432, %add3A_1461 : i32
      %lt3A_1463 = arith.constant 250 : i32
      %lt3A_1464 = arith.cmpi slt, %add3A_1462, %lt3A_1463 : i32
      %convert_element_type3A_1465 = arith.extui %lt3A_1464 : i1 to i32
      %cond3A_1466 = arith.constant 0 : i32
      %cond3A_1467 = arith.cmpi ne, %convert_element_type3A_1465, %cond3A_1466 : i32
      scf.if %cond3A_1467 {
        %add3A_1477 = arith.constant 2 : i32
        %add3A_1478 = arith.addi %add3A_1432, %add3A_1477 : i32
        %mul3A_1479 = arith.constant 40 : i32
        %mul3A_1480 = arith.muli %add3A_1478, %mul3A_1479 : i32
        %add3A_1481 = arith.addi %mul3A_2, %mul3A_1480 : i32
        %dma_start3A_1482 = tpu.memref_slice %arg2[%add3A_1481] : memref<320000xi32, #tpu.memory_space<hbm>> -> memref<40xi32, #tpu.memory_space<hbm>>
        %dma_start3A_1483 = tpu.memref_slice %arg2[%add3A_1481] : memref<320000xi32, #tpu.memory_space<hbm>> -> memref<40xi32, #tpu.memory_space<hbm>>
        tpu.enqueue_dma source(%dma_start3A_1483 : memref<40xi32, #tpu.memory_space<hbm>>) target(%arg12 : memref<40xi32, #tpu.memory_space<vmem>>) target_semaphore(%arg32 : memref<!tpu.dma_semaphore, #tpu.memory_space<semaphore_mem>>)
        %dma_start3A_1484 = tpu.memref_slice %arg3[%add3A_1481] : memref<320000xi32, #tpu.memory_space<hbm>> -> memref<40xi32, #tpu.memory_space<hbm>>
        %dma_start3A_1485 = tpu.memref_slice %arg3[%add3A_1481] : memref<320000xi32, #tpu.memory_space<hbm>> -> memref<40xi32, #tpu.memory_space<hbm>>
        tpu.enqueue_dma source(%dma_start3A_1485 : memref<40xi32, #tpu.memory_space<hbm>>) target(%arg14 : memref<40xi32, #tpu.memory_space<vmem>>) target_semaphore(%arg32 : memref<!tpu.dma_semaphore, #tpu.memory_space<semaphore_mem>>)
        %dma_start3A_1486 = tpu.memref_slice %arg4[%add3A_1481] : memref<320000xi32, #tpu.memory_space<hbm>> -> memref<40xi32, #tpu.memory_space<hbm>>
        %dma_start3A_1487 = tpu.memref_slice %arg4[%add3A_1481] : memref<320000xi32, #tpu.memory_space<hbm>> -> memref<40xi32, #tpu.memory_space<hbm>>
        tpu.enqueue_dma source(%dma_start3A_1487 : memref<40xi32, #tpu.memory_space<hbm>>) target(%arg16 : memref<40xi32, #tpu.memory_space<vmem>>) target_semaphore(%arg32 : memref<!tpu.dma_semaphore, #tpu.memory_space<semaphore_mem>>)
        %dma_start3A_1488 = tpu.memref_slice %arg5[%add3A_1481] : memref<320000xi32, #tpu.memory_space<hbm>> -> memref<40xi32, #tpu.memory_space<hbm>>
        %dma_start3A_1489 = tpu.memref_slice %arg5[%add3A_1481] : memref<320000xi32, #tpu.memory_space<hbm>> -> memref<40xi32, #tpu.memory_space<hbm>>
        tpu.enqueue_dma source(%dma_start3A_1489 : memref<40xi32, #tpu.memory_space<hbm>>) target(%arg18 : memref<40xi32, #tpu.memory_space<vmem>>) target_semaphore(%arg32 : memref<!tpu.dma_semaphore, #tpu.memory_space<semaphore_mem>>)
      } else {
      }
      %scan3A_1468 = arith.constant 0 : i32
      %scan3A_1469 = arith.constant 0 : i32
      %scan3A_1470 = arith.constant 40 : i32
      %scan3A_1471 = arith.addi %scan3A_1469, %scan3A_1470 : i32
      %scan3A_1472 = arith.constant 1 : i32
      scf.for %scan3A_1477 = %scan3A_1469 to %scan3A_1471 step %scan3A_1472  : i32 {
        %get3A_1478 = arith.index_cast %scan3A_1477 : i32 to index
        %get3A_1479 = arith.constant 0 : index
        %get3A_1480 = tpu.vector_load %arg22[%get3A_1478, %get3A_1479] {strides = array<i32>} : memref<40x128xi32, #tpu.memory_space<vmem>>, vector<16xi32>,
        %bitcast3A = vector.bitcast %get3A_1480 : vector<16xi32> to vector<32xbf16>
        %get3A_1481 = arith.index_cast %scan3A_1477 : i32 to index
        %get3A_1482 = arith.constant 0 : index
        %get3A_1483 = tpu.vector_load %arg24[%get3A_1481, %get3A_1482] {strides = array<i32>} : memref<40x128xi32, #tpu.memory_space<vmem>>, vector<16xi32>,
        %bitcast3A_1484 = vector.bitcast %get3A_1483 : vector<16xi32> to vector<32xbf16>
        %add3A_1485 = arith.addf %bitcast3A, %bitcast3A_1484 : vector<32xbf16>
        %bitcast3A_1486 = vector.bitcast %add3A_1485 : vector<32xbf16> to vector<16xi32>
        %shift_left3A = arith.constant 16 : i32
        %shift_left3A_1487 = vector.broadcast %shift_left3A : i32 to vector<16xi32>
        %shift_left3A_1488 = arith.shli %bitcast3A_1486, %shift_left3A_1487 : vector<16xi32>
        %bitcast3A_1489 = vector.bitcast %shift_left3A_1488 : vector<16xi32> to vector<16xf32>
        %and3A = arith.constant -65536 : i32
        %and3A_1490 = vector.broadcast %and3A : i32 to vector<16xi32>
        %and3A_1491 = arith.andi %bitcast3A_1486, %and3A_1490 : vector<16xi32>
        %bitcast3A_1492 = vector.bitcast %and3A_1491 : vector<16xi32> to vector<16xf32>
        %get3A_1493 = arith.index_cast %scan3A_1477 : i32 to index
        %get3A_1494 = arith.constant 0 : index
        %get3A_1495 = tpu.vector_load %arg26[%get3A_1493, %get3A_1494] {strides = array<i32>} : memref<40x128xf32, #tpu.memory_space<vmem>>, vector<16xf32>,
        %add3A_1496 = arith.addf %bitcast3A_1489, %get3A_1495 : vector<16xf32>
        %max3A = arith.constant 0.000000e+00 : f32
        %max3A_1497 = vector.broadcast %max3A : f32 to vector<16xf32>
        %max3A_1498 = arith.maximumf %add3A_1496, %max3A_1497 : vector<16xf32>
        %get3A_1499 = arith.index_cast %scan3A_1477 : i32 to index
        %get3A_1500 = arith.constant 16 : index
        %get3A_1501 = tpu.vector_load %arg26[%get3A_1499, %get3A_1500] {strides = array<i32>} : memref<40x128xf32, #tpu.memory_space<vmem>>, vector<16xf32>,
        %add3A_1502 = arith.addf %bitcast3A_1492, %get3A_1501 : vector<16xf32>
        %max3A_1503 = arith.constant 0.000000e+00 : f32
        %max3A_1504 = vector.broadcast %max3A_1503 : f32 to vector<16xf32>
        %max3A_1505 = arith.maximumf %add3A_1502, %max3A_1504 : vector<16xf32>
        %mul3A_1506 = arith.mulf %max3A_1498, %get3A_3 : vector<16xf32>
        %add3A_1507 = arith.addf %get3A_19, %mul3A_1506 : vector<16xf32>
        %mul3A_1508 = arith.mulf %max3A_1505, %get3A_5 : vector<16xf32>
        %add3A_1509 = arith.addf %add3A_1507, %mul3A_1508 : vector<16xf32>
        %get3A_1510 = arith.index_cast %scan3A_1477 : i32 to index
        %get3A_1511 = arith.constant 16 : index
        %get3A_1512 = tpu.vector_load %arg22[%get3A_1510, %get3A_1511] {strides = array<i32>} : memref<40x128xi32, #tpu.memory_space<vmem>>, vector<16xi32>,
        %bitcast3A_1513 = vector.bitcast %get3A_1512 : vector<16xi32> to vector<32xbf16>
        %get3A_1514 = arith.index_cast %scan3A_1477 : i32 to index
        %get3A_1515 = arith.constant 16 : index
        %get3A_1516 = tpu.vector_load %arg24[%get3A_1514, %get3A_1515] {strides = array<i32>} : memref<40x128xi32, #tpu.memory_space<vmem>>, vector<16xi32>,
        %bitcast3A_1517 = vector.bitcast %get3A_1516 : vector<16xi32> to vector<32xbf16>
        %add3A_1518 = arith.addf %bitcast3A_1513, %bitcast3A_1517 : vector<32xbf16>
        %bitcast3A_1519 = vector.bitcast %add3A_1518 : vector<32xbf16> to vector<16xi32>
        %shift_left3A_1520 = arith.constant 16 : i32
        %shift_left3A_1521 = vector.broadcast %shift_left3A_1520 : i32 to vector<16xi32>
        %shift_left3A_1522 = arith.shli %bitcast3A_1519, %shift_left3A_1521 : vector<16xi32>
        %bitcast3A_1523 = vector.bitcast %shift_left3A_1522 : vector<16xi32> to vector<16xf32>
        %and3A_1524 = arith.constant -65536 : i32
        %and3A_1525 = vector.broadcast %and3A_1524 : i32 to vector<16xi32>
        %and3A_1526 = arith.andi %bitcast3A_1519, %and3A_1525 : vector<16xi32>
        %bitcast3A_1527 = vector.bitcast %and3A_1526 : vector<16xi32> to vector<16xf32>
        %get3A_1528 = arith.index_cast %scan3A_1477 : i32 to index
        %get3A_1529 = arith.constant 32 : index
        %get3A_1530 = tpu.vector_load %arg26[%get3A_1528, %get3A_1529] {strides = array<i32>} : memref<40x128xf32, #tpu.memory_space<vmem>>, vector<16xf32>,
        %add3A_1531 = arith.addf %bitcast3A_1523, %get3A_1530 : vector<16xf32>
        %max3A_1532 = arith.constant 0.000000e+00 : f32
        %max3A_1533 = vector.broadcast %max3A_1532 : f32 to vector<16xf32>
        %max3A_1534 = arith.maximumf %add3A_1531, %max3A_1533 : vector<16xf32>
        %get3A_1535 = arith.index_cast %scan3A_1477 : i32 to index
        %get3A_1536 = arith.constant 48 : index
        %get3A_1537 = tpu.vector_load %arg26[%get3A_1535, %get3A_1536] {strides = array<i32>} : memref<40x128xf32, #tpu.memory_space<vmem>>, vector<16xf32>,
        %add3A_1538 = arith.addf %bitcast3A_1527, %get3A_1537 : vector<16xf32>
        %max3A_1539 = arith.constant 0.000000e+00 : f32
        %max3A_1540 = vector.broadcast %max3A_1539 : f32 to vector<16xf32>
        %max3A_1541 = arith.maximumf %add3A_1538, %max3A_1540 : vector<16xf32>
        %mul3A_1542 = arith.mulf %max3A_1534, %get3A_7 : vector<16xf32>
        %add3A_1543 = arith.addf %add3A_1509, %mul3A_1542 : vector<16xf32>
        %mul3A_1544 = arith.mulf %max3A_1541, %get3A_9 : vector<16xf32>
        %add3A_1545 = arith.addf %add3A_1543, %mul3A_1544 : vector<16xf32>
        %get3A_1546 = arith.index_cast %scan3A_1477 : i32 to index
        %get3A_1547 = arith.constant 32 : index
        %get3A_1548 = tpu.vector_load %arg22[%get3A_1546, %get3A_1547] {strides = array<i32>} : memref<40x128xi32, #tpu.memory_space<vmem>>, vector<16xi32>,
        %bitcast3A_1549 = vector.bitcast %get3A_1548 : vector<16xi32> to vector<32xbf16>
        %get3A_1550 = arith.index_cast %scan3A_1477 : i32 to index
        %get3A_1551 = arith.constant 32 : index
        %get3A_1552 = tpu.vector_load %arg24[%get3A_1550, %get3A_1551] {strides = array<i32>} : memref<40x128xi32, #tpu.memory_space<vmem>>, vector<16xi32>,
        %bitcast3A_1553 = vector.bitcast %get3A_1552 : vector<16xi32> to vector<32xbf16>
        %add3A_1554 = arith.addf %bitcast3A_1549, %bitcast3A_1553 : vector<32xbf16>
        %bitcast3A_1555 = vector.bitcast %add3A_1554 : vector<32xbf16> to vector<16xi32>
        %shift_left3A_1556 = arith.constant 16 : i32
        %shift_left3A_1557 = vector.broadcast %shift_left3A_1556 : i32 to vector<16xi32>
        %shift_left3A_1558 = arith.shli %bitcast3A_1555, %shift_left3A_1557 : vector<16xi32>
        %bitcast3A_1559 = vector.bitcast %shift_left3A_1558 : vector<16xi32> to vector<16xf32>
        %and3A_1560 = arith.constant -65536 : i32
        %and3A_1561 = vector.broadcast %and3A_1560 : i32 to vector<16xi32>
        %and3A_1562 = arith.andi %bitcast3A_1555, %and3A_1561 : vector<16xi32>
        %bitcast3A_1563 = vector.bitcast %and3A_1562 : vector<16xi32> to vector<16xf32>
        %get3A_1564 = arith.index_cast %scan3A_1477 : i32 to index
        %get3A_1565 = arith.constant 64 : index
        %get3A_1566 = tpu.vector_load %arg26[%get3A_1564, %get3A_1565] {strides = array<i32>} : memref<40x128xf32, #tpu.memory_space<vmem>>, vector<16xf32>,
        %add3A_1567 = arith.addf %bitcast3A_1559, %get3A_1566 : vector<16xf32>
        %max3A_1568 = arith.constant 0.000000e+00 : f32
        %max3A_1569 = vector.broadcast %max3A_1568 : f32 to vector<16xf32>
        %max3A_1570 = arith.maximumf %add3A_1567, %max3A_1569 : vector<16xf32>
        %get3A_1571 = arith.index_cast %scan3A_1477 : i32 to index
        %get3A_1572 = arith.constant 80 : index
        %get3A_1573 = tpu.vector_load %arg26[%get3A_1571, %get3A_1572] {strides = array<i32>} : memref<40x128xf32, #tpu.memory_space<vmem>>, vector<16xf32>,
        %add3A_1574 = arith.addf %bitcast3A_1563, %get3A_1573 : vector<16xf32>
        %max3A_1575 = arith.constant 0.000000e+00 : f32
        %max3A_1576 = vector.broadcast %max3A_1575 : f32 to vector<16xf32>
        %max3A_1577 = arith.maximumf %add3A_1574, %max3A_1576 : vector<16xf32>
        %mul3A_1578 = arith.mulf %max3A_1570, %get3A_11 : vector<16xf32>
        %add3A_1579 = arith.addf %add3A_1545, %mul3A_1578 : vector<16xf32>
        %mul3A_1580 = arith.mulf %max3A_1577, %get3A_13 : vector<16xf32>
        %add3A_1581 = arith.addf %add3A_1579, %mul3A_1580 : vector<16xf32>
        %get3A_1582 = arith.index_cast %scan3A_1477 : i32 to index
        %get3A_1583 = arith.constant 48 : index
        %get3A_1584 = tpu.vector_load %arg22[%get3A_1582, %get3A_1583] {strides = array<i32>} : memref<40x128xi32, #tpu.memory_space<vmem>>, vector<16xi32>,
        %bitcast3A_1585 = vector.bitcast %get3A_1584 : vector<16xi32> to vector<32xbf16>
        %get3A_1586 = arith.index_cast %scan3A_1477 : i32 to index
        %get3A_1587 = arith.constant 48 : index
        %get3A_1588 = tpu.vector_load %arg24[%get3A_1586, %get3A_1587] {strides = array<i32>} : memref<40x128xi32, #tpu.memory_space<vmem>>, vector<16xi32>,
        %bitcast3A_1589 = vector.bitcast %get3A_1588 : vector<16xi32> to vector<32xbf16>
        %add3A_1590 = arith.addf %bitcast3A_1585, %bitcast3A_1589 : vector<32xbf16>
        %bitcast3A_1591 = vector.bitcast %add3A_1590 : vector<32xbf16> to vector<16xi32>
        %shift_left3A_1592 = arith.constant 16 : i32
        %shift_left3A_1593 = vector.broadcast %shift_left3A_1592 : i32 to vector<16xi32>
        %shift_left3A_1594 = arith.shli %bitcast3A_1591, %shift_left3A_1593 : vector<16xi32>
        %bitcast3A_1595 = vector.bitcast %shift_left3A_1594 : vector<16xi32> to vector<16xf32>
        %and3A_1596 = arith.constant -65536 : i32
        %and3A_1597 = vector.broadcast %and3A_1596 : i32 to vector<16xi32>
        %and3A_1598 = arith.andi %bitcast3A_1591, %and3A_1597 : vector<16xi32>
        %bitcast3A_1599 = vector.bitcast %and3A_1598 : vector<16xi32> to vector<16xf32>
        %get3A_1600 = arith.index_cast %scan3A_1477 : i32 to index
        %get3A_1601 = arith.constant 96 : index
        %get3A_1602 = tpu.vector_load %arg26[%get3A_1600, %get3A_1601] {strides = array<i32>} : memref<40x128xf32, #tpu.memory_space<vmem>>, vector<16xf32>,
        %add3A_1603 = arith.addf %bitcast3A_1595, %get3A_1602 : vector<16xf32>
        %max3A_1604 = arith.constant 0.000000e+00 : f32
        %max3A_1605 = vector.broadcast %max3A_1604 : f32 to vector<16xf32>
        %max3A_1606 = arith.maximumf %add3A_1603, %max3A_1605 : vector<16xf32>
        %get3A_1607 = arith.index_cast %scan3A_1477 : i32 to index
        %get3A_1608 = arith.constant 112 : index
        %get3A_1609 = tpu.vector_load %arg26[%get3A_1607, %get3A_1608] {strides = array<i32>} : memref<40x128xf32, #tpu.memory_space<vmem>>, vector<16xf32>,
        %add3A_1610 = arith.addf %bitcast3A_1599, %get3A_1609 : vector<16xf32>
        %max3A_1611 = arith.constant 0.000000e+00 : f32
        %max3A_1612 = vector.broadcast %max3A_1611 : f32 to vector<16xf32>
        %max3A_1613 = arith.maximumf %add3A_1610, %max3A_1612 : vector<16xf32>
        %mul3A_1614 = arith.mulf %max3A_1606, %get3A_15 : vector<16xf32>
        %add3A_1615 = arith.addf %add3A_1581, %mul3A_1614 : vector<16xf32>
        %mul3A_1616 = arith.mulf %max3A_1613, %get3A_17 : vector<16xf32>
        %add3A_1617 = arith.addf %add3A_1615, %mul3A_1616 : vector<16xf32>
        %reduce_sum3A = arith.constant true
        %reduce_sum3A_1618 = vector.broadcast %reduce_sum3A : i1 to vector<16xi1>
        %reduce_sum3A_1619 = tpu.scan <sum>, %add3A_1617 masked %reduce_sum3A_1618 : vector<16xf32>, vector<16xi1> -> vector<16xf32>
        %reduce_sum3A_1620 = vector.extract %reduce_sum3A_1619[15] : f32 from vector<16xf32>
        %broadcast_in_dim3A_1621 = vector.broadcast %reduce_sum3A_1620 : f32 to vector<16xf32>
        %neg3A = arith.constant 0.000000e+00 : f32
        %neg3A_1622 = vector.broadcast %neg3A : f32 to vector<16xf32>
        %neg3A_1623 = arith.subf %neg3A_1622, %broadcast_in_dim3A_1621 : vector<16xf32>
        %exp3A = math.exp %neg3A_1623 : vector<16xf32>
        %add3A_1624 = arith.constant 1.000000e+00 : f32
        %add3A_1625 = vector.broadcast %add3A_1624 : f32 to vector<16xf32>
        %add3A_1626 = arith.addf %add3A_1625, %exp3A : vector<16xf32>
        %div3A = arith.constant 1.000000e+00 : f32
        %div3A_1627 = vector.broadcast %div3A : f32 to vector<16xf32>
        %div3A_1628 = arith.divf %div3A_1627, %add3A_1626 : vector<16xf32>
        %get3A_1629 = arith.index_cast %scan3A_1477 : i32 to index
        %get3A_1630 = arith.constant 64 : index
        %get3A_1631 = tpu.vector_load %arg22[%get3A_1629, %get3A_1630] {strides = array<i32>} : memref<40x128xi32, #tpu.memory_space<vmem>>, vector<16xi32>,
        %bitcast3A_1632 = vector.bitcast %get3A_1631 : vector<16xi32> to vector<32xbf16>
        %get3A_1633 = arith.index_cast %scan3A_1477 : i32 to index
        %get3A_1634 = arith.constant 64 : index
        %get3A_1635 = tpu.vector_load %arg24[%get3A_1633, %get3A_1634] {strides = array<i32>} : memref<40x128xi32, #tpu.memory_space<vmem>>, vector<16xi32>,
        %bitcast3A_1636 = vector.bitcast %get3A_1635 : vector<16xi32> to vector<32xbf16>
        %add3A_1637 = arith.addf %bitcast3A_1632, %bitcast3A_1636 : vector<32xbf16>
        %bitcast3A_1638 = vector.bitcast %add3A_1637 : vector<32xbf16> to vector<16xi32>
        %shift_left3A_1639 = arith.constant 16 : i32
        %shift_left3A_1640 = vector.broadcast %shift_left3A_1639 : i32 to vector<16xi32>
        %shift_left3A_1641 = arith.shli %bitcast3A_1638, %shift_left3A_1640 : vector<16xi32>
        %bitcast3A_1642 = vector.bitcast %shift_left3A_1641 : vector<16xi32> to vector<16xf32>
        %and3A_1643 = arith.constant -65536 : i32
        %and3A_1644 = vector.broadcast %and3A_1643 : i32 to vector<16xi32>
        %and3A_1645 = arith.andi %bitcast3A_1638, %and3A_1644 : vector<16xi32>
        %bitcast3A_1646 = vector.bitcast %and3A_1645 : vector<16xi32> to vector<16xf32>
        %mul3A_1647 = arith.mulf %bitcast3A_1642, %div3A_1628 : vector<16xf32>
        %swap3A_1648 = arith.index_cast %scan3A_1477 : i32 to index
        %swap3A_1649 = arith.constant 0 : index
        %swap3A_1650 = tpu.vector_load %arg28[%swap3A_1648, %swap3A_1649] {strides = array<i32>} : memref<40x128xf32, #tpu.memory_space<vmem>>, vector<16xf32>,
        tpu.vector_store %arg28[%swap3A_1648, %swap3A_1649], %mul3A_1647 {strides = array<i32>} : memref<40x128xf32, #tpu.memory_space<vmem>>, vector<16xf32>,
        %mul3A_1651 = arith.mulf %bitcast3A_1646, %div3A_1628 : vector<16xf32>
        %swap3A_1652 = arith.index_cast %scan3A_1477 : i32 to index
        %swap3A_1653 = arith.constant 16 : index
        %swap3A_1654 = tpu.vector_load %arg28[%swap3A_1652, %swap3A_1653] {strides = array<i32>} : memref<40x128xf32, #tpu.memory_space<vmem>>, vector<16xf32>,
        tpu.vector_store %arg28[%swap3A_1652, %swap3A_1653], %mul3A_1651 {strides = array<i32>} : memref<40x128xf32, #tpu.memory_space<vmem>>, vector<16xf32>,
        %get3A_1655 = arith.index_cast %scan3A_1477 : i32 to index
        %get3A_1656 = arith.constant 80 : index
        %get3A_1657 = tpu.vector_load %arg22[%get3A_1655, %get3A_1656] {strides = array<i32>} : memref<40x128xi32, #tpu.memory_space<vmem>>, vector<16xi32>,
        %bitcast3A_1658 = vector.bitcast %get3A_1657 : vector<16xi32> to vector<32xbf16>
        %get3A_1659 = arith.index_cast %scan3A_1477 : i32 to index
        %get3A_1660 = arith.constant 80 : index
        %get3A_1661 = tpu.vector_load %arg24[%get3A_1659, %get3A_1660] {strides = array<i32>} : memref<40x128xi32, #tpu.memory_space<vmem>>, vector<16xi32>,
        %bitcast3A_1662 = vector.bitcast %get3A_1661 : vector<16xi32> to vector<32xbf16>
        %add3A_1663 = arith.addf %bitcast3A_1658, %bitcast3A_1662 : vector<32xbf16>
        %bitcast3A_1664 = vector.bitcast %add3A_1663 : vector<32xbf16> to vector<16xi32>
        %shift_left3A_1665 = arith.constant 16 : i32
        %shift_left3A_1666 = vector.broadcast %shift_left3A_1665 : i32 to vector<16xi32>
        %shift_left3A_1667 = arith.shli %bitcast3A_1664, %shift_left3A_1666 : vector<16xi32>
        %bitcast3A_1668 = vector.bitcast %shift_left3A_1667 : vector<16xi32> to vector<16xf32>
        %and3A_1669 = arith.constant -65536 : i32
        %and3A_1670 = vector.broadcast %and3A_1669 : i32 to vector<16xi32>
        %and3A_1671 = arith.andi %bitcast3A_1664, %and3A_1670 : vector<16xi32>
        %bitcast3A_1672 = vector.bitcast %and3A_1671 : vector<16xi32> to vector<16xf32>
        %mul3A_1673 = arith.mulf %bitcast3A_1668, %div3A_1628 : vector<16xf32>
        %swap3A_1674 = arith.index_cast %scan3A_1477 : i32 to index
        %swap3A_1675 = arith.constant 32 : index
        %swap3A_1676 = tpu.vector_load %arg28[%swap3A_1674, %swap3A_1675] {strides = array<i32>} : memref<40x128xf32, #tpu.memory_space<vmem>>, vector<16xf32>,
        tpu.vector_store %arg28[%swap3A_1674, %swap3A_1675], %mul3A_1673 {strides = array<i32>} : memref<40x128xf32, #tpu.memory_space<vmem>>, vector<16xf32>,
        %mul3A_1677 = arith.mulf %bitcast3A_1672, %div3A_1628 : vector<16xf32>
        %swap3A_1678 = arith.index_cast %scan3A_1477 : i32 to index
        %swap3A_1679 = arith.constant 48 : index
        %swap3A_1680 = tpu.vector_load %arg28[%swap3A_1678, %swap3A_1679] {strides = array<i32>} : memref<40x128xf32, #tpu.memory_space<vmem>>, vector<16xf32>,
        tpu.vector_store %arg28[%swap3A_1678, %swap3A_1679], %mul3A_1677 {strides = array<i32>} : memref<40x128xf32, #tpu.memory_space<vmem>>, vector<16xf32>,
        %get3A_1681 = arith.index_cast %scan3A_1477 : i32 to index
        %get3A_1682 = arith.constant 96 : index
        %get3A_1683 = tpu.vector_load %arg22[%get3A_1681, %get3A_1682] {strides = array<i32>} : memref<40x128xi32, #tpu.memory_space<vmem>>, vector<16xi32>,
        %bitcast3A_1684 = vector.bitcast %get3A_1683 : vector<16xi32> to vector<32xbf16>
        %get3A_1685 = arith.index_cast %scan3A_1477 : i32 to index
        %get3A_1686 = arith.constant 96 : index
        %get3A_1687 = tpu.vector_load %arg24[%get3A_1685, %get3A_1686] {strides = array<i32>} : memref<40x128xi32, #tpu.memory_space<vmem>>, vector<16xi32>,
        %bitcast3A_1688 = vector.bitcast %get3A_1687 : vector<16xi32> to vector<32xbf16>
        %add3A_1689 = arith.addf %bitcast3A_1684, %bitcast3A_1688 : vector<32xbf16>
        %bitcast3A_1690 = vector.bitcast %add3A_1689 : vector<32xbf16> to vector<16xi32>
        %shift_left3A_1691 = arith.constant 16 : i32
        %shift_left3A_1692 = vector.broadcast %shift_left3A_1691 : i32 to vector<16xi32>
        %shift_left3A_1693 = arith.shli %bitcast3A_1690, %shift_left3A_1692 : vector<16xi32>
        %bitcast3A_1694 = vector.bitcast %shift_left3A_1693 : vector<16xi32> to vector<16xf32>
        %and3A_1695 = arith.constant -65536 : i32
        %and3A_1696 = vector.broadcast %and3A_1695 : i32 to vector<16xi32>
        %and3A_1697 = arith.andi %bitcast3A_1690, %and3A_1696 : vector<16xi32>
        %bitcast3A_1698 = vector.bitcast %and3A_1697 : vector<16xi32> to vector<16xf32>
        %mul3A_1699 = arith.mulf %bitcast3A_1694, %div3A_1628 : vector<16xf32>
        %swap3A_1700 = arith.index_cast %scan3A_1477 : i32 to index
        %swap3A_1701 = arith.constant 64 : index
        %swap3A_1702 = tpu.vector_load %arg28[%swap3A_1700, %swap3A_1701] {strides = array<i32>} : memref<40x128xf32, #tpu.memory_space<vmem>>, vector<16xf32>,
        tpu.vector_store %arg28[%swap3A_1700, %swap3A_1701], %mul3A_1699 {strides = array<i32>} : memref<40x128xf32, #tpu.memory_space<vmem>>, vector<16xf32>,
        %mul3A_1703 = arith.mulf %bitcast3A_1698, %div3A_1628 : vector<16xf32>
        %swap3A_1704 = arith.index_cast %scan3A_1477 : i32 to index
        %swap3A_1705 = arith.constant 80 : index
        %swap3A_1706 = tpu.vector_load %arg28[%swap3A_1704, %swap3A_1705] {strides = array<i32>} : memref<40x128xf32, #tpu.memory_space<vmem>>, vector<16xf32>,
        tpu.vector_store %arg28[%swap3A_1704, %swap3A_1705], %mul3A_1703 {strides = array<i32>} : memref<40x128xf32, #tpu.memory_space<vmem>>, vector<16xf32>,
        %get3A_1707 = arith.index_cast %scan3A_1477 : i32 to index
        %get3A_1708 = arith.constant 112 : index
        %get3A_1709 = tpu.vector_load %arg22[%get3A_1707, %get3A_1708] {strides = array<i32>} : memref<40x128xi32, #tpu.memory_space<vmem>>, vector<16xi32>,
        %bitcast3A_1710 = vector.bitcast %get3A_1709 : vector<16xi32> to vector<32xbf16>
        %get3A_1711 = arith.index_cast %scan3A_1477 : i32 to index
        %get3A_1712 = arith.constant 112 : index
        %get3A_1713 = tpu.vector_load %arg24[%get3A_1711, %get3A_1712] {strides = array<i32>} : memref<40x128xi32, #tpu.memory_space<vmem>>, vector<16xi32>,
        %bitcast3A_1714 = vector.bitcast %get3A_1713 : vector<16xi32> to vector<32xbf16>
        %add3A_1715 = arith.addf %bitcast3A_1710, %bitcast3A_1714 : vector<32xbf16>
        %bitcast3A_1716 = vector.bitcast %add3A_1715 : vector<32xbf16> to vector<16xi32>
        %shift_left3A_1717 = arith.constant 16 : i32
        %shift_left3A_1718 = vector.broadcast %shift_left3A_1717 : i32 to vector<16xi32>
        %shift_left3A_1719 = arith.shli %bitcast3A_1716, %shift_left3A_1718 : vector<16xi32>
        %bitcast3A_1720 = vector.bitcast %shift_left3A_1719 : vector<16xi32> to vector<16xf32>
        %and3A_1721 = arith.constant -65536 : i32
        %and3A_1722 = vector.broadcast %and3A_1721 : i32 to vector<16xi32>
        %and3A_1723 = arith.andi %bitcast3A_1716, %and3A_1722 : vector<16xi32>
        %bitcast3A_1724 = vector.bitcast %and3A_1723 : vector<16xi32> to vector<16xf32>
        %mul3A_1725 = arith.mulf %bitcast3A_1720, %div3A_1628 : vector<16xf32>
        %swap3A_1726 = arith.index_cast %scan3A_1477 : i32 to index
        %swap3A_1727 = arith.constant 96 : index
        %swap3A_1728 = tpu.vector_load %arg28[%swap3A_1726, %swap3A_1727] {strides = array<i32>} : memref<40x128xf32, #tpu.memory_space<vmem>>, vector<16xf32>,
        tpu.vector_store %arg28[%swap3A_1726, %swap3A_1727], %mul3A_1725 {strides = array<i32>} : memref<40x128xf32, #tpu.memory_space<vmem>>, vector<16xf32>,
        %mul3A_1729 = arith.mulf %bitcast3A_1724, %div3A_1628 : vector<16xf32>
        %swap3A_1730 = arith.index_cast %scan3A_1477 : i32 to index
        %swap3A_1731 = arith.constant 112 : index
        %swap3A_1732 = tpu.vector_load %arg28[%swap3A_1730, %swap3A_1731] {strides = array<i32>} : memref<40x128xf32, #tpu.memory_space<vmem>>, vector<16xf32>,
        tpu.vector_store %arg28[%swap3A_1730, %swap3A_1731], %mul3A_1729 {strides = array<i32>} : memref<40x128xf32, #tpu.memory_space<vmem>>, vector<16xf32>,
      }
      %scan3A_1473 = arith.constant 40 : i32
      %dma_start3A_1474 = arith.constant 0 : i32
      %dma_start3A_1475 = arith.constant 0 : i32
      %dma_start3A_1476 = tpu.memref_slice %arg30[%dma_start3A_1474, %dma_start3A_1475] : memref<10000x128xf32, #tpu.memory_space<vmem_shared>> -> memref<10000x128xf32, #tpu.memory_space<vmem_shared>>
      tpu.enqueue_indirect_dma source(%arg28 : memref<40x128xf32, #tpu.memory_space<vmem>>) target(%dma_start3A_1476 : memref<10000x128xf32, #tpu.memory_space<vmem_shared>>) offsets(%arg20 : memref<40xi32, #tpu.memory_space<vmem>>) semaphore(%arg34 : memref<!tpu.dma_semaphore, #tpu.memory_space<semaphore_mem>>) {add = true}
    }
    %scan3A_1369 = arith.constant 125 : i32
    %dma_wait3A_1370 = arith.constant 0 : i32
    %dma_wait3A_1371 = arith.constant 0 : i32
    %dma_wait3A_1372 = tpu.memref_slice %arg30[%dma_wait3A_1370, %dma_wait3A_1371] : memref<10000x128xf32, #tpu.memory_space<vmem_shared>> -> memref<10000x128xf32, #tpu.memory_space<vmem_shared>>
    tpu.wait_indirect_dma semaphore(%arg34 : memref<!tpu.dma_semaphore, #tpu.memory_space<semaphore_mem>>) src(%arg28 : memref<40x128xf32, #tpu.memory_space<vmem>>) dst(%dma_wait3A_1372 : memref<10000x128xf32, #tpu.memory_space<vmem_shared>>)
    %barrier3A_1373 = arith.constant 0 : index
    tpu.barrier barrier_id(%barrier3A_1373)
    %lt3A_1374 = arith.constant 15 : i32
    %lt3A_1375 = arith.cmpi slt, %arg1, %lt3A_1374 : i32
    %convert_element_type3A_1376 = arith.extui %lt3A_1375 : i1 to i32
    %cond3A_1377 = arith.constant 0 : i32
    %cond3A_1378 = arith.cmpi ne, %convert_element_type3A_1376, %cond3A_1377 : i32
    scf.if %cond3A_1378 {
      %mul3A_1383 = arith.constant 632 : i32
      %mul3A_1384 = arith.muli %arg1, %mul3A_1383 : i32
      %mul3A_1385 = arith.constant 632 : i32
      %mul3A_1386 = arith.muli %arg1, %mul3A_1385 : i32
      "tpu.region"() ({
        %run_scoped3A = tpu.sem_alloc : memref<!tpu.dma_semaphore, #tpu.memory_space<semaphore_mem>>
        %dma_start3A_1387 = arith.constant 0 : i32
        %dma_start3A_1388 = tpu.memref_slice %arg10[%arg0, %mul3A_1386, %dma_start3A_1387] : memref<2x10000x128xf32, #tpu.memory_space<hbm>> -> memref<1x632x128xf32, #tpu.memory_space<hbm>>
        %dma_start3A_1389 = tpu.memref_squeeze %dma_start3A_1388 : memref<1x632x128xf32, #tpu.memory_space<hbm>> -> memref<632x128xf32, #tpu.memory_space<hbm>>
        %dma_start3A_1390 = arith.constant 0 : i32
        %dma_start3A_1391 = tpu.memref_slice %arg30[%mul3A_1384, %dma_start3A_1390] : memref<10000x128xf32, #tpu.memory_space<vmem_shared>> -> memref<632x128xf32, #tpu.memory_space<vmem_shared>>
        tpu.enqueue_dma source(%dma_start3A_1391 : memref<632x128xf32, #tpu.memory_space<vmem_shared>>) target(%dma_start3A_1389 : memref<632x128xf32, #tpu.memory_space<hbm>>) target_semaphore(%run_scoped3A : memref<!tpu.dma_semaphore, #tpu.memory_space<semaphore_mem>>)
        %dma_wait3A_1392 = arith.constant 0 : i32
        %dma_wait3A_1393 = tpu.memref_slice %arg10[%arg0, %mul3A_1386, %dma_wait3A_1392] : memref<2x10000x128xf32, #tpu.memory_space<hbm>> -> memref<1x632x128xf32, #tpu.memory_space<hbm>>
        %dma_wait3A_1394 = tpu.memref_squeeze %dma_wait3A_1393 : memref<1x632x128xf32, #tpu.memory_space<hbm>> -> memref<632x128xf32, #tpu.memory_space<hbm>>
        %dma_wait3A_1395 = arith.constant 0 : i32
        %dma_wait3A_1396 = tpu.memref_slice %arg30[%mul3A_1384, %dma_wait3A_1395] : memref<10000x128xf32, #tpu.memory_space<vmem_shared>> -> memref<632x128xf32, #tpu.memory_space<vmem_shared>>
        tpu.wait_dma2 semaphore(%run_scoped3A : memref<!tpu.dma_semaphore, #tpu.memory_space<semaphore_mem>>) src(%dma_wait3A_1396 : memref<632x128xf32, #tpu.memory_space<vmem_shared>>) dst(%dma_wait3A_1394 : memref<632x128xf32, #tpu.memory_space<hbm>>)
        tpu.yield
      }) : () -> ()
    } else {
    }
    %eq3A = arith.constant 15 : i32
    %eq3A_1379 = arith.cmpi eq, %arg1, %eq3A : i32
    %convert_element_type3A_1380 = arith.extui %eq3A_1379 : i1 to i32
    %cond3A_1381 = arith.constant 0 : i32
    %cond3A_1382 = arith.cmpi ne, %convert_element_type3A_1380, %cond3A_1381 : i32
    scf.if %cond3A_1382 {
      "tpu.region"() ({
        %run_scoped3A = tpu.sem_alloc : memref<!tpu.dma_semaphore, #tpu.memory_space<semaphore_mem>>
        %dma_start3A_1383 = arith.constant 9480 : i32
        %dma_start3A_1384 = arith.constant 0 : i32
        %dma_start3A_1385 = tpu.memref_slice %arg10[%arg0, %dma_start3A_1383, %dma_start3A_1384] : memref<2x10000x128xf32, #tpu.memory_space<hbm>> -> memref<1x520x128xf32, #tpu.memory_space<hbm>>
        %dma_start3A_1386 = tpu.memref_squeeze %dma_start3A_1385 : memref<1x520x128xf32, #tpu.memory_space<hbm>> -> memref<520x128xf32, #tpu.memory_space<hbm>>
        %dma_start3A_1387 = arith.constant 9480 : i32
        %dma_start3A_1388 = arith.constant 0 : i32
        %dma_start3A_1389 = tpu.memref_slice %arg30[%dma_start3A_1387, %dma_start3A_1388] : memref<10000x128xf32, #tpu.memory_space<vmem_shared>> -> memref<520x128xf32, #tpu.memory_space<vmem_shared>>
        tpu.enqueue_dma source(%dma_start3A_1389 : memref<520x128xf32, #tpu.memory_space<vmem_shared>>) target(%dma_start3A_1386 : memref<520x128xf32, #tpu.memory_space<hbm>>) target_semaphore(%run_scoped3A : memref<!tpu.dma_semaphore, #tpu.memory_space<semaphore_mem>>)
        %dma_wait3A_1390 = arith.constant 9480 : i32
        %dma_wait3A_1391 = arith.constant 0 : i32
        %dma_wait3A_1392 = tpu.memref_slice %arg10[%arg0, %dma_wait3A_1390, %dma_wait3A_1391] : memref<2x10000x128xf32, #tpu.memory_space<hbm>> -> memref<1x520x128xf32, #tpu.memory_space<hbm>>
        %dma_wait3A_1393 = tpu.memref_squeeze %dma_wait3A_1392 : memref<1x520x128xf32, #tpu.memory_space<hbm>> -> memref<520x128xf32, #tpu.memory_space<hbm>>
        %dma_wait3A_1394 = arith.constant 9480 : i32
        %dma_wait3A_1395 = arith.constant 0 : i32
        %dma_wait3A_1396 = tpu.memref_slice %arg30[%dma_wait3A_1394, %dma_wait3A_1395] : memref<10000x128xf32, #tpu.memory_space<vmem_shared>> -> memref<520x128xf32, #tpu.memory_space<vmem_shared>>
        tpu.wait_dma2 semaphore(%run_scoped3A : memref<!tpu.dma_semaphore, #tpu.memory_space<semaphore_mem>>) src(%dma_wait3A_1396 : memref<520x128xf32, #tpu.memory_space<vmem_shared>>) dst(%dma_wait3A_1393 : memref<520x128xf32, #tpu.memory_space<hbm>>)
        tpu.yield
      }) : () -> ()
    } else {
    }
    return
  }
}

module attributes {stable_mosaic.version = 14 : i64} {
  func.func @_tabs_body(%arg0: i32, %arg1: memref<256x128xf32, #tpu.memory_space<vmem>>, %arg2: memref<256x128xf32, #tpu.memory_space<vmem>>, %arg3: memref<128x128xf32, #tpu.memory_space<vmem>>, %arg4: memref<128x128xf32, #tpu.memory_space<vmem>>, %arg5: memref<128x128xf32, #tpu.memory_space<vmem>>, %arg6: memref<1x128xf32, #tpu.memory_space<vmem>>, %arg7: memref<256x128xi32, #tpu.memory_space<vmem>>, %arg8: memref<256x128xi32, #tpu.memory_space<vmem>>, %arg9: memref<256x128xf32, #tpu.memory_space<vmem>>) attributes {dimension_semantics = [#tpu.dimension_semantics<arbitrary>], iteration_bounds = array<i64: 40>, scalar_prefetch = 0 : i64, scratch_operands = 0 : i64, tpu.core_type = #tpu.core_type<tc>, window_params = [{transform_indices = @transform_0, window_bounds = array<i64: 256, 128>}, {transform_indices = @transform_1, window_bounds = array<i64: 256, 128>}, {pipeline_mode = #tpu.pipeline_mode<synchronous>, transform_indices = @transform_2, window_bounds = array<i64: 128, 128>}, {pipeline_mode = #tpu.pipeline_mode<synchronous>, transform_indices = @transform_3, window_bounds = array<i64: 128, 128>}, {pipeline_mode = #tpu.pipeline_mode<synchronous>, transform_indices = @transform_4, window_bounds = array<i64: 128, 128>}, {pipeline_mode = #tpu.pipeline_mode<synchronous>, transform_indices = @transform_5, window_bounds = array<i64: 1, 128>}, {transform_indices = @transform_6, window_bounds = array<i64: 256, 128>}, {transform_indices = @transform_7, window_bounds = array<i64: 256, 128>}, {transform_indices = @transform_8, window_bounds = array<i64: 256, 128>}]} {
    %get3A = arith.constant 0 : index
    %get3A_0 = arith.constant 0 : index
    %get3A_1 = vector.load %arg1[%get3A, %get3A_0] : memref<256x128xf32, #tpu.memory_space<vmem>>, vector<256x128xf32>
    %get3A_2 = arith.constant 0 : index
    %get3A_3 = arith.constant 0 : index
    %get3A_4 = vector.load %arg3[%get3A_2, %get3A_3] : memref<128x128xf32, #tpu.memory_space<vmem>>, vector<128x128xf32>
    %dot_general3A = arith.constant dense<0.000000e+00> : vector<256x128xf32>
    %dot_general3A_5 = tpu.matmul %get3A_1, %get3A_4, %dot_general3A {dimension_numbers = #tpu.dot_dimension_numbers<[1], [1], [0], [0], [0, 0, 1, 0], [], []>, transpose_lhs_hint = false} : vector<256x128xf32>, vector<128x128xf32>, vector<256x128xf32> -> vector<256x128xf32>
    %convert_element_type3A = arith.truncf %dot_general3A_5 : vector<256x128xf32> to vector<256x128xbf16>
    %bitcast_convert_type3A = tpu.bitcast %convert_element_type3A : vector<256x128xbf16> -> vector<256x128xi16>
    %slice3A = vector.extract_strided_slice %bitcast_convert_type3A {offsets = [0, 64], sizes = [256, 64], strides = [1, 1]} : vector<256x128xi16> to vector<256x64xi16>
    %convert_element_type3A_6 = arith.extui %slice3A : vector<256x64xi16> to vector<256x64xi32>
    %shift_left3A = arith.constant 16 : i32
    %shift_left3A_7 = vector.broadcast %shift_left3A : i32 to vector<256x64xi32>
    %shift_left3A_8 = arith.shli %convert_element_type3A_6, %shift_left3A_7 : vector<256x64xi32>
    %slice3A_9 = vector.extract_strided_slice %bitcast_convert_type3A {offsets = [0, 0], sizes = [256, 64], strides = [1, 1]} : vector<256x128xi16> to vector<256x64xi16>
    %convert_element_type3A_10 = arith.extui %slice3A_9 : vector<256x64xi16> to vector<256x64xi32>
    %or3A = arith.ori %shift_left3A_8, %convert_element_type3A_10 : vector<256x64xi32>
    %bitcast_convert_type3A_11 = tpu.bitcast %or3A : vector<256x64xi32> -> vector<256x64xi32>
    %swap3A = arith.constant 0 : index
    %swap3A_12 = arith.constant 0 : index
    %swap3A_13 = vector.load %arg7[%swap3A, %swap3A_12] : memref<256x128xi32, #tpu.memory_space<vmem>>, vector<256x64xi32>
    tpu.vector_store %arg7[%swap3A, %swap3A_12], %bitcast_convert_type3A_11 {strides = array<i32>} : memref<256x128xi32, #tpu.memory_space<vmem>>, vector<256x64xi32>,
    %convert_element_type3A_14 = arith.truncf %get3A_1 : vector<256x128xf32> to vector<256x128xbf16>
    %bitcast_convert_type3A_15 = tpu.bitcast %convert_element_type3A_14 : vector<256x128xbf16> -> vector<256x128xi16>
    %slice3A_16 = vector.extract_strided_slice %bitcast_convert_type3A_15 {offsets = [0, 64], sizes = [256, 64], strides = [1, 1]} : vector<256x128xi16> to vector<256x64xi16>
    %convert_element_type3A_17 = arith.extui %slice3A_16 : vector<256x64xi16> to vector<256x64xi32>
    %shift_left3A_18 = arith.constant 16 : i32
    %shift_left3A_19 = vector.broadcast %shift_left3A_18 : i32 to vector<256x64xi32>
    %shift_left3A_20 = arith.shli %convert_element_type3A_17, %shift_left3A_19 : vector<256x64xi32>
    %slice3A_21 = vector.extract_strided_slice %bitcast_convert_type3A_15 {offsets = [0, 0], sizes = [256, 64], strides = [1, 1]} : vector<256x128xi16> to vector<256x64xi16>
    %convert_element_type3A_22 = arith.extui %slice3A_21 : vector<256x64xi16> to vector<256x64xi32>
    %or3A_23 = arith.ori %shift_left3A_20, %convert_element_type3A_22 : vector<256x64xi32>
    %bitcast_convert_type3A_24 = tpu.bitcast %or3A_23 : vector<256x64xi32> -> vector<256x64xi32>
    %swap3A_25 = arith.constant 0 : index
    %swap3A_26 = arith.constant 64 : index
    %swap3A_27 = vector.load %arg7[%swap3A_25, %swap3A_26] : memref<256x128xi32, #tpu.memory_space<vmem>>, vector<256x64xi32>
    tpu.vector_store %arg7[%swap3A_25, %swap3A_26], %bitcast_convert_type3A_24 {strides = array<i32>} : memref<256x128xi32, #tpu.memory_space<vmem>>, vector<256x64xi32>,
    %get3A_28 = arith.constant 0 : index
    %get3A_29 = arith.constant 0 : index
    %get3A_30 = vector.load %arg2[%get3A_28, %get3A_29] : memref<256x128xf32, #tpu.memory_space<vmem>>, vector<256x128xf32>
    %get3A_31 = arith.constant 0 : index
    %get3A_32 = arith.constant 0 : index
    %get3A_33 = vector.load %arg4[%get3A_31, %get3A_32] : memref<128x128xf32, #tpu.memory_space<vmem>>, vector<128x128xf32>
    %dot_general3A_34 = arith.constant dense<0.000000e+00> : vector<256x128xf32>
    %dot_general3A_35 = tpu.matmul %get3A_30, %get3A_33, %dot_general3A_34 {dimension_numbers = #tpu.dot_dimension_numbers<[1], [1], [0], [0], [0, 0, 1, 0], [], []>, transpose_lhs_hint = false} : vector<256x128xf32>, vector<128x128xf32>, vector<256x128xf32> -> vector<256x128xf32>
    %convert_element_type3A_36 = arith.truncf %dot_general3A_35 : vector<256x128xf32> to vector<256x128xbf16>
    %bitcast_convert_type3A_37 = tpu.bitcast %convert_element_type3A_36 : vector<256x128xbf16> -> vector<256x128xi16>
    %slice3A_38 = vector.extract_strided_slice %bitcast_convert_type3A_37 {offsets = [0, 64], sizes = [256, 64], strides = [1, 1]} : vector<256x128xi16> to vector<256x64xi16>
    %convert_element_type3A_39 = arith.extui %slice3A_38 : vector<256x64xi16> to vector<256x64xi32>
    %shift_left3A_40 = arith.constant 16 : i32
    %shift_left3A_41 = vector.broadcast %shift_left3A_40 : i32 to vector<256x64xi32>
    %shift_left3A_42 = arith.shli %convert_element_type3A_39, %shift_left3A_41 : vector<256x64xi32>
    %slice3A_43 = vector.extract_strided_slice %bitcast_convert_type3A_37 {offsets = [0, 0], sizes = [256, 64], strides = [1, 1]} : vector<256x128xi16> to vector<256x64xi16>
    %convert_element_type3A_44 = arith.extui %slice3A_43 : vector<256x64xi16> to vector<256x64xi32>
    %or3A_45 = arith.ori %shift_left3A_42, %convert_element_type3A_44 : vector<256x64xi32>
    %bitcast_convert_type3A_46 = tpu.bitcast %or3A_45 : vector<256x64xi32> -> vector<256x64xi32>
    %swap3A_47 = arith.constant 0 : index
    %swap3A_48 = arith.constant 0 : index
    %swap3A_49 = vector.load %arg8[%swap3A_47, %swap3A_48] : memref<256x128xi32, #tpu.memory_space<vmem>>, vector<256x64xi32>
    tpu.vector_store %arg8[%swap3A_47, %swap3A_48], %bitcast_convert_type3A_46 {strides = array<i32>} : memref<256x128xi32, #tpu.memory_space<vmem>>, vector<256x64xi32>,
    %convert_element_type3A_50 = arith.truncf %get3A_30 : vector<256x128xf32> to vector<256x128xbf16>
    %bitcast_convert_type3A_51 = tpu.bitcast %convert_element_type3A_50 : vector<256x128xbf16> -> vector<256x128xi16>
    %slice3A_52 = vector.extract_strided_slice %bitcast_convert_type3A_51 {offsets = [0, 64], sizes = [256, 64], strides = [1, 1]} : vector<256x128xi16> to vector<256x64xi16>
    %convert_element_type3A_53 = arith.extui %slice3A_52 : vector<256x64xi16> to vector<256x64xi32>
    %shift_left3A_54 = arith.constant 16 : i32
    %shift_left3A_55 = vector.broadcast %shift_left3A_54 : i32 to vector<256x64xi32>
    %shift_left3A_56 = arith.shli %convert_element_type3A_53, %shift_left3A_55 : vector<256x64xi32>
    %slice3A_57 = vector.extract_strided_slice %bitcast_convert_type3A_51 {offsets = [0, 0], sizes = [256, 64], strides = [1, 1]} : vector<256x128xi16> to vector<256x64xi16>
    %convert_element_type3A_58 = arith.extui %slice3A_57 : vector<256x64xi16> to vector<256x64xi32>
    %or3A_59 = arith.ori %shift_left3A_56, %convert_element_type3A_58 : vector<256x64xi32>
    %bitcast_convert_type3A_60 = tpu.bitcast %or3A_59 : vector<256x64xi32> -> vector<256x64xi32>
    %swap3A_61 = arith.constant 0 : index
    %swap3A_62 = arith.constant 64 : index
    %swap3A_63 = vector.load %arg8[%swap3A_61, %swap3A_62] : memref<256x128xi32, #tpu.memory_space<vmem>>, vector<256x64xi32>
    tpu.vector_store %arg8[%swap3A_61, %swap3A_62], %bitcast_convert_type3A_60 {strides = array<i32>} : memref<256x128xi32, #tpu.memory_space<vmem>>, vector<256x64xi32>,
    %get3A_64 = arith.constant 0 : index
    %get3A_65 = arith.constant 0 : index
    %get3A_66 = vector.load %arg5[%get3A_64, %get3A_65] : memref<128x128xf32, #tpu.memory_space<vmem>>, vector<128x128xf32>
    %dot_general3A_67 = arith.constant dense<0.000000e+00> : vector<256x128xf32>
    %dot_general3A_68 = tpu.matmul %get3A_30, %get3A_66, %dot_general3A_67 {dimension_numbers = #tpu.dot_dimension_numbers<[1], [1], [0], [0], [0, 0, 1, 0], [], []>, transpose_lhs_hint = false} : vector<256x128xf32>, vector<128x128xf32>, vector<256x128xf32> -> vector<256x128xf32>
    %get3A_69 = arith.constant 0 : index
    %get3A_70 = arith.constant 0 : index
    %get3A_71 = vector.load %arg6[%get3A_69, %get3A_70] : memref<1x128xf32, #tpu.memory_space<vmem>>, vector<1x128xf32>
    %add3A = vector.broadcast %get3A_71 : vector<1x128xf32> to vector<256x128xf32>
    %add3A_72 = arith.addf %dot_general3A_68, %add3A : vector<256x128xf32>
    %swap3A_73 = arith.constant 0 : index
    %swap3A_74 = arith.constant 0 : index
    %swap3A_75 = vector.load %arg9[%swap3A_73, %swap3A_74] : memref<256x128xf32, #tpu.memory_space<vmem>>, vector<256x128xf32>
    tpu.vector_store %arg9[%swap3A_73, %swap3A_74], %add3A_72 {strides = array<i32>} : memref<256x128xf32, #tpu.memory_space<vmem>>, vector<256x128xf32>,
    return
  }
  func.func @transform_0(%arg0: i32) -> (i32, i32) {
    %c0_i32 = arith.constant 0 : i32
    %c0_i32_0 = arith.constant 0 : i32
    return %arg0, %c0_i32 : i32, i32
  }
  func.func @transform_1(%arg0: i32) -> (i32, i32) {
    %c0_i32 = arith.constant 0 : i32
    %c0_i32_0 = arith.constant 0 : i32
    return %arg0, %c0_i32 : i32, i32
  }
  func.func @transform_2(%arg0: i32) -> (i32, i32) {
    %c0_i32 = arith.constant 0 : i32
    %c0_i32_0 = arith.constant 0 : i32
    %c0_i32_1 = arith.constant 0 : i32
    return %c0_i32, %c0_i32_0 : i32, i32
  }
  func.func @transform_3(%arg0: i32) -> (i32, i32) {
    %c0_i32 = arith.constant 0 : i32
    %c0_i32_0 = arith.constant 0 : i32
    %c0_i32_1 = arith.constant 0 : i32
    return %c0_i32, %c0_i32_0 : i32, i32
  }
  func.func @transform_4(%arg0: i32) -> (i32, i32) {
    %c0_i32 = arith.constant 0 : i32
    %c0_i32_0 = arith.constant 0 : i32
    %c0_i32_1 = arith.constant 0 : i32
    return %c0_i32, %c0_i32_0 : i32, i32
  }
  func.func @transform_5(%arg0: i32) -> (i32, i32) {
    %c0_i32 = arith.constant 0 : i32
    %c0_i32_0 = arith.constant 0 : i32
    %c0_i32_1 = arith.constant 0 : i32
    return %c0_i32, %c0_i32_0 : i32, i32
  }
  func.func @transform_6(%arg0: i32) -> (i32, i32) {
    %c0_i32 = arith.constant 0 : i32
    %c0_i32_0 = arith.constant 0 : i32
    return %arg0, %c0_i32 : i32, i32
  }
  func.func @transform_7(%arg0: i32) -> (i32, i32) {
    %c0_i32 = arith.constant 0 : i32
    %c0_i32_0 = arith.constant 0 : i32
    return %arg0, %c0_i32 : i32, i32
  }
  func.func @transform_8(%arg0: i32) -> (i32, i32) {
    %c0_i32 = arith.constant 0 : i32
    %c0_i32_0 = arith.constant 0 : i32
    return %arg0, %c0_i32 : i32, i32
  }
}

module attributes {stable_mosaic.version = 14 : i64} {
  func.func @_final_body(%arg0: i32, %arg1: memref<2x400x128xf32, #tpu.memory_space<vmem>>, %arg2: memref<128x128xf32, #tpu.memory_space<vmem>>, %arg3: memref<400x128xf32, #tpu.memory_space<vmem>>) attributes {dimension_semantics = [#tpu.dimension_semantics<arbitrary>], iteration_bounds = array<i64: 25>, scalar_prefetch = 0 : i64, scratch_operands = 0 : i64, tpu.core_type = #tpu.core_type<tc>, window_params = [{transform_indices = @transform_0, window_bounds = array<i64: 2, 400, 128>}, {pipeline_mode = #tpu.pipeline_mode<synchronous>, transform_indices = @transform_1, window_bounds = array<i64: 128, 128>}, {transform_indices = @transform_2, window_bounds = array<i64: 400, 128>}]} {
    %get3A = arith.constant 0 : index
    %get3A_0 = arith.constant 0 : index
    %get3A_1 = arith.constant 0 : index
    %get3A_2 = vector.load %arg1[%get3A, %get3A_0, %get3A_1] : memref<2x400x128xf32, #tpu.memory_space<vmem>>, vector<1x400x128xf32>
    %get3A_3 = vector.shape_cast %get3A_2 : vector<1x400x128xf32> to vector<400x128xf32>
    %get3A_4 = arith.constant 1 : index
    %get3A_5 = arith.constant 0 : index
    %get3A_6 = arith.constant 0 : index
    %get3A_7 = vector.load %arg1[%get3A_4, %get3A_5, %get3A_6] : memref<2x400x128xf32, #tpu.memory_space<vmem>>, vector<1x400x128xf32>
    %get3A_8 = vector.shape_cast %get3A_7 : vector<1x400x128xf32> to vector<400x128xf32>
    %add3A = arith.addf %get3A_3, %get3A_8 : vector<400x128xf32>
    %get3A_9 = arith.constant 0 : index
    %get3A_10 = arith.constant 0 : index
    %get3A_11 = vector.load %arg2[%get3A_9, %get3A_10] : memref<128x128xf32, #tpu.memory_space<vmem>>, vector<128x128xf32>
    %dot_general3A = arith.constant dense<0.000000e+00> : vector<400x128xf32>
    %dot_general3A_12 = tpu.matmul %add3A, %get3A_11, %dot_general3A {dimension_numbers = #tpu.dot_dimension_numbers<[1], [1], [0], [0], [0, 0, 1, 0], [], []>, transpose_lhs_hint = false} : vector<400x128xf32>, vector<128x128xf32>, vector<400x128xf32> -> vector<400x128xf32>
    %swap3A = arith.constant 0 : index
    %swap3A_13 = arith.constant 0 : index
    %swap3A_14 = vector.load %arg3[%swap3A, %swap3A_13] : memref<400x128xf32, #tpu.memory_space<vmem>>, vector<400x128xf32>
    tpu.vector_store %arg3[%swap3A, %swap3A_13], %dot_general3A_12 {strides = array<i32>} : memref<400x128xf32, #tpu.memory_space<vmem>>, vector<400x128xf32>,
    return
  }
  func.func @transform_0(%arg0: i32) -> (i32, i32, i32) {
    %c0_i32 = arith.constant 0 : i32
    %c0_i32_0 = arith.constant 0 : i32
    %c0_i32_1 = arith.constant 0 : i32
    return %c0_i32, %arg0, %c0_i32_0 : i32, i32, i32
  }
  func.func @transform_1(%arg0: i32) -> (i32, i32) {
    %c0_i32 = arith.constant 0 : i32
    %c0_i32_0 = arith.constant 0 : i32
    %c0_i32_1 = arith.constant 0 : i32
    return %c0_i32, %c0_i32_0 : i32, i32
  }
  func.func @transform_2(%arg0: i32) -> (i32, i32) {
    %c0_i32 = arith.constant 0 : i32
    %c0_i32_0 = arith.constant 0 : i32
    return %arg0, %c0_i32 : i32, i32
  }
}

</mosaic_0001>

<sc_bundles>
// kernel: kernel.6.cloned.1.call-start
scs
__scs_entry_jumppad:
0x0: {  	(pc) =	sbr.rel $0x88, $3  }
0x1: {  	(tag) =	ssettag $0x0;
	lr =	simm.s32 $0x1  }
0x2: {  	[smem:$0x3F96] =	sst lr;
	_ =	strace $0xD0000000  }
0x3: {  	_ = 	snop  }
0x4: {  	_ = 	snop  }
0x5: {  	_ = 	snop  }
0x6: {  	_ = 	snop  }
0x7: {  	_ = 	snop  }
__scs_overlays_trampoline_lowered:
0x8: {  	[smem:$0x3FA5] =	sst s0  }
0x9: {  	[smem:$0x3FA6] =	sst s1  }
0xa: {  	[smem:$0x3FA7] =	sst s2  }
0xb: {  	[smem:$0x3FA8] =	sst s3  }
0xc: {  	[smem:$0x3FA9] =	sst s4  }
0xd: {  	[smem:$0x3FAA] =	sst s5  }
0xe: {  	[smem:$0x3FAB] =	sst s6  }
0xf: {  	[smem:$0x3FAC] =	sst s7  }
0x10: {  	[smem:$0x3FAD] =	sst s8  }
0x11: {  	[smem:$0x3FAE] =	sst s9;
	s0 =	simm.s32 @!p0 $0x0  }
0x12: {  	s1 =	sld [smem:$0x3F94];
	s0 =	simm.s32 @p0 $0x1  }
0x13: {  	[smem:$0x3FAF] =	sst s0;
	s0 =	simm.s32 @!p1 $0x0  }
0x14: {  	s2 =	sld [smem:$0x3F93];
	s0 =	simm.s32 @p1 $0x1  }
0x15: {  	[smem:$0x3FB0] =	sst s0;
	s0 =	simm.s32 @!p2 $0x0  }
0x16: {  	s3 =	sld [smem:$0x3FDB];
	s0 =	simm.s32 @p2 $0x1  }
0x17: {  	s4 =	simm.s32 $0x1BF5;
	[smem:$0x3FB2] =	sst s0  }
0x18: {  	s0 =	sld [smem:$0x3F95];
	_ =	swait.ge [sflag:s4], $0x0  }
0x19: {  	s7 =	sld [smem:$0x3F96]  }
0x1a: {  	s8 =	sadd.s32 $0xFFFFE003, lr  }
0x1b: {  	s9 =	sadd.s32 $0xFFFFFEF7, lr;
	s5 =	simm.s32 $0xFFFFFFFF;
	p2 =	slt.u32 s8, $0xFFFFF086  }
0x1c: {  	p1 =	slt.u32 s9, $0xF7A;
	s5 =	simm.s32 @!p2 $0x0  }
0x1d: {  	s5 =	simm.s32 @p1 $0x1;
	p0 =	seq.s32 s7, s2  }
0x1e: {  	s7 =	smul.u32 @!p0 $0xF7A, s2;
	p2 =	seq.s32 @!p0 s5, $0x0  }
0x1f: {  	s9 =	smul.u32 $0xF7A, s1;
	s8 =	simm.s32 @!p0 $0x1BF5;
	p2 =	por !p2, p0  }
0x20: {  	[sflag:s8] =	ssyncset.s32 @!p0 $0xFFFFF086;
	s6 =	sadd.s32 @!p0 s3, s7;
	s7 =	simm.s32 @!p0 $0x108  }
0x21: {  	s3 =	sadd.s32 s3, s9;
	s6 =	sadd.s32 @!p0 $0x88, s6;
	s7 =	simm.s32 @p2 $0x1082  }
0x22: {  	[simem:s7], [sflag:s8] =	dma.local @!p0 [hbm:s6], $0xF7A  }
0x23: {  	s9 =	sor.u32 $0xD0000000, s2;
	s6 =	simm.s32 $0x108;
	_ =	swait.ge @!p0 [sflag:s8], $0x0  }
0x24: {  	s3 =	sadd.s32 $0x88, s3;
	s6 =	simm.s32 @!p1 $0x1082;
	[sflag:s4] =	ssyncset.s32 $0xFFFFF086  }
0x25: {  	[simem:s6], [sflag:s4] =	dma.local [hbm:s3], $0xF7A  }
0x26: {  	[smem:$0x3F96] =	sst s1;
	(tag) =	ssettag s2;
	_ =	strace s9  }
0x27: {  	s1 =	sld [smem:$0x3FA6]  }
0x28: {  	s2 =	sld [smem:$0x3FA7]  }
0x29: {  	s4 =	sld [smem:$0x3FA9]  }
0x2a: {  	p0 =	seq.s32 s5, $0x0;
	s5 =	sld [smem:$0x3FAA]  }
0x2b: {  	s6 =	sld [smem:$0x3FAB]  }
0x2c: {  	s7 =	sld [smem:$0x3FAC]  }
0x2d: {  	s3 =	simm.s32 $0x108;
	s8 =	sld [smem:$0x3FAD]  }
0x2e: {  	s3 =	simm.s32 @!p0 $0x1082;
	s9 =	sld [smem:$0x3FAE]  }
0x2f: {  	lr =	sadd.s32 s0, s3;
	s0 =	sld [smem:$0x3FA5]  }
0x30: {  	s3 =	sld [smem:$0x3FA8]  }
0x31: {  	[smem:$0x3FB1] =	sst s10  }
0x32: {  	s10 =	sld [smem:$0x3FAF];
	_ =	sdelay $0x3  }
0x33: {  	p0 =	seq.s32 s10, $0x1;
	s10 =	sld [smem:$0x3FB1];
	_ =	sdelay $0x3  }
0x34: {  	[smem:$0x3FB1] =	sst s10  }
0x35: {  	s10 =	sld [smem:$0x3FB0];
	_ =	sdelay $0x3  }
0x36: {  	p1 =	seq.s32 s10, $0x1;
	s10 =	sld [smem:$0x3FB1];
	_ =	sdelay $0x3  }
0x37: {  	[smem:$0x3FB1] =	sst s10  }
0x38: {  	s10 =	sld [smem:$0x3FB2]  }
0x39: {  	_ = 	snop;
	(pc) =	sbr.ind lr, $3  }
0x3a: {  	_ = 	snop  }
0x3b: {  	_ = 	snop  }
0x3c: {  	p2 =	seq.s32 s10, $0x1;
	s10 =	sld [smem:$0x3FB1]  }
0x3d: {  	_ =	shalt  }
0x3e: {  	_ =	shalt  }
0x3f: {  	_ =	shalt  }
0x40: {  	_ =	shalt  }
0x41: {  	_ =	shalt  }
0x42: {  	_ =	shalt  }
0x43: {  	_ =	shalt  }
0x44: {  	_ =	shalt  }
0x45: {  	_ =	shalt  }
0x46: {  	_ =	shalt  }
0x47: {  	_ =	shalt  }
0x48: {  	_ =	shalt  }
0x49: {  	_ =	shalt  }
0x4a: {  	_ =	shalt  }
0x4b: {  	_ =	shalt  }
0x4c: {  	_ =	shalt  }
0x4d: {  	_ =	shalt  }
0x4e: {  	_ =	shalt  }
0x4f: {  	_ =	shalt  }
0x50: {  	_ =	shalt  }
0x51: {  	_ =	shalt  }
0x52: {  	_ =	shalt  }
0x53: {  	_ =	shalt  }
0x54: {  	_ =	shalt  }
0x55: {  	_ =	shalt  }
0x56: {  	_ =	shalt  }
0x57: {  	_ =	shalt  }
0x58: {  	_ =	shalt  }
0x59: {  	_ =	shalt  }
0x5a: {  	_ =	shalt  }
0x5b: {  	_ =	shalt  }
0x5c: {  	_ =	shalt  }
0x5d: {  	_ =	shalt  }
0x5e: {  	_ =	shalt  }
0x5f: {  	_ =	shalt  }
0x60: {  	_ =	shalt  }
0x61: {  	_ =	shalt  }
0x62: {  	_ =	shalt  }
0x63: {  	_ =	shalt  }
0x64: {  	_ =	shalt  }
0x65: {  	_ =	shalt  }
0x66: {  	_ =	shalt  }
0x67: {  	_ =	shalt  }
0x68: {  	_ =	shalt  }
0x69: {  	_ =	shalt  }
0x6a: {  	_ =	shalt  }
0x6b: {  	_ =	shalt  }
0x6c: {  	_ =	shalt  }
0x6d: {  	_ =	shalt  }
0x6e: {  	_ =	shalt  }
0x6f: {  	_ =	shalt  }
0x70: {  	_ =	shalt  }
0x71: {  	_ =	shalt  }
0x72: {  	_ =	shalt  }
0x73: {  	_ =	shalt  }
0x74: {  	_ =	shalt  }
0x75: {  	_ =	shalt  }
0x76: {  	_ =	shalt  }
0x77: {  	_ =	shalt  }
0x78: {  	_ =	shalt  }
0x79: {  	_ =	shalt  }
0x7a: {  	_ =	shalt  }
0x7b: {  	_ =	shalt  }
0x7c: {  	_ =	shalt  }
0x7d: {  	_ =	shalt  }
0x7e: {  	_ =	shalt  }
0x7f: {  	_ =	shalt  }
0x80: {  	_ =	shalt  }
0x81: {  	_ =	shalt  }
0x82: {  	_ =	shalt  }
0x83: {  	_ =	shalt  }
0x84: {  	_ =	shalt  }
0x85: {  	_ =	shalt  }
0x86: {  	_ =	shalt  }
0x87: {  	_ =	shalt  }
.Lfunc_end0:
.L_simem_size_0:
called_computation_lowered:
.L_overlay_start_0:
0x88: {  	s2 =	sld [smem:$0x3FD9]  }
0x89: {  	s3 =	sld [smem:$0x3FFE];
	_ =	sdelay $0x1  }
0x8a: {  	s1 =	srdreg.scid  }
0x8b: {  	s0 =	sand.u32 $0x1, s1  }
0x8c: {  	s17 =	sshll.u32 s0, $0xA;
	s2 =	sadd.s32 s3, s2  }
0x8d: {  	s2 =	sadd.s32 s2, s17  }
0x8e: {  	[smem:$0x3FBD] =	sst s2  }
0x8f: {  	_ = 	snop  }
0x90: {  	s2 =	sld [smem:$0x3FC9];
	(tm) =	ssettm $0x1  }
0x91: {  	s18 =	sld [smem:$0x3FFB];
	_ =	sdelay $0x3  }
0x92: {  	_ =	strace s18  }
0x93: {  	s3 =	sld [smem:$0x3FFC];
	_ =	sdelay $0x3  }
0x94: {  	_ =	strace s3  }
0x95: {  	s3 =	sld [smem:$0x3FFD];
	_ =	sdelay $0x3  }
0x96: {  	_ =	strace s3  }
0x97: {  	_ =	strace $0x8FFFFFFF  }
0x98: {  	s19 =	sld [smem:$0x3FDB];
	_ =	sdelay $0x1  }
0x99: {  	s4 =	simm.s32 $_scs_section_size  }
0x9a: {  	s5 =	simm.s32 $_size__tile_overlayer_lowered;
	s6 =	simm.s32 $_tile_overlayer_lowered  }
0x9b: {  	s22 =	simm.s32 $0x1BFF;
	s21 =	sshll.u32 s6, $0x1;
	s3 =	sadd.s32 s4, s19  }
0x9c: {  	s7 =	simm.s32 $0x0;
	s20 =	sshll.u32 s5, $0x1;
	s5 =	sadd.s32 s21, s3  }
0x9d: {  	[timem:s7], [sflag:s22] =	dma.local [hbm:s5], s20  }
0x9e: {  	_ =	swait.ge [sflag:s22], s20  }
0x9f: {  	s4 =	ssub.s32 $0x0, s20;
	[sflag:s22] =	ssyncset.done $0x0  }
0xa0: {  	[sflag:s22] =	ssyncadd.s32 s4;
	_ =	sdelay $0x1  }
0xa1: {  	s23 =	simm.s32 $0x1B8B  }
0xa2: {  	_ =	swait.ge [sflag:s23], $0x1  }
0xa3: {  	[sflag:s23] =	ssyncset.done $0x0  }
0xa4: {  	s25 =	simm.s32 $0x1B8E;
	s24 =	sld [smem:$0x3FFE];
	[sflag:s23] =	ssyncadd.s32 $0xFFFFFFFF  }
0xa5: {  	s26 =	simm.s32 $execute0_lowered;
	[smem:$0x3FD2] =	sst s25  }
0xa6: {  	s5 =	sshll.u32 s26, $0x1;
	_ =	strace $0x80000046;
	[dreg:$0x1] =	wrdreg $0xFFFFFFFF  }
0xa7: {  	s28 =	simm.s32 $_size_execute0_lowered;
	s3 =	sadd.s32 s3, s5;
	[dreg:$0x0] =	wrdreg $0x0  }
0xa8: {  	s5 =	sshll.u32 s28, $0x1;
	[dreg:$0x2] =	wrdreg s3  }
0xa9: {  	[dreg:$0x3] =	wrdreg s5  }
0xaa: {  	[dreg:$0x4] =	wrdreg $0xC0  }
0xab: {  	_ =	task [dreg:s7], $0x5FFFF  }
0xac: {  	[dreg:$0x1] =	wrdreg $0xFFFFFFFF  }
0xad: {  	[dreg:$0x0] =	wrdreg $0x60  }
0xae: {  	[dreg:$0x2] =	wrdreg s24  }
0xaf: {  	[dreg:$0x3] =	wrdreg s2  }
0xb0: {  	[dreg:$0x4] =	wrdreg $0x9  }
0xb1: {  	_ =	task.clear_ibuf [dreg:s7], $0x5FFFF;
	_ =	strace $0x90000046  }
0xb2: {  	s29 =	simm.s32 $0x9;
	_ =	strace $0x80000048  }
0xb3: {  	_ =	swait.ge [sflag:s29], $0x1  }
0xb4: {  	[sflag:s29] =	ssyncadd.s32 $0xFFFFFFFF  }
0xb5: {  	_ =	strace $0x90000048  }
0xb6: {  	_ =	sfence  }
0xb7: {  	s30 =	sld [smem:$0x0];
	_ =	sdelay $0x2  }
0xb8: {  	s31 =	sshll.u32 s1, $0xD;
	s1 =	sshrl.u32 s1, $0x2  }
0xb9: {  	s3 =	sand.u32 $0x4000, s31;
	s1 =	sadd.s32 s1, s30  }
0xba: {  	s0 =	sor.u32 s3, s0;
	s1 =	sshll.u32 s1, $0x11  }
0xbb: {  	s0 =	sor.u32 s1, s0  }
0xbc: {  	s0 =	sadd.s32 $0x8F2B, s0  }
0xbd: {  	[sflag:s0] =	ssyncadd.remote.s32 $0x1  }
0xbe: {  	_ =	sfence.sel $0xFFFF  }
0xbf: {  	[dreg:$0x0] =	wrdreg $0xFFFFFFFF;
	(pc) =	sbr.abs _section_cstart, $3  }
0xc0: {  	[dreg:$0x1] =	wrdreg $0xFFFFFFFF  }
0xc1: {  	_ =	task.clear_ibuf [dreg:s7], $0x2FFFF;
	_ =	strace $0x9FFFFFFF  }
0xc2: {  	(tm) =	ssettm $0x7FFFFFFF  }
0xc3: {  	_ =	shalt  }
tec
execute0_lowered:
.L_overlay_start_1:
0x0: {  	(tag) =	ssettag $0x1  }
0x1: {  	s1 =	srdreg.scid  }
0x2: {  	s8 =	rddreg [dreg:$0x0];
	s0 =	stileid.u32;
	s14 =	sand.u32 $0x1, s1  }
0x3: {  	s13 =	rddreg [dreg:$0x1];
	s3 =	sshll.u32 s0, $0xA;
	s4 =	sshll.u32 s14, $0x9  }
0x4: {  	s2 =	simm.s32 $0x0;
	s1 =	rddreg [dreg:$0x2];
	s15 =	sor.u32 s4, s3  }
0x5: {  	[smem:$0x7FF] =	sst s2;
	s3 =	sshrl.u32 s15, $0x3  }
0x6: {  	_ =	strace $0x80000047;
	s4 =	sadd.s32 s13, s3;
	s3 =	simm.s32 $0x2  }
0x7: {  	[tilespmem:s2], [sflag:$0x2] =	stream.linear.gather [hbm4b:s4+s2], $0x80, $0x38;
	[tilespmem:$0x4080] =	vst v63  }
0x8: {  	_ =	swait.ge [sflag:s3], $0x80  }
0x9: {  	s6 =	simm.s32 $0x80;
	[sflag:s3] =	ssyncset.done $0x0  }
0xa: {  	s7 =	simm.s32 $0x1;
	s5 =	sadd.s32 $0x1600, s8;
	[sflag:s3] =	ssyncadd.s32 $0xFFFFFF80  }
0xb: {  	[tilespmem:s6], [sflag:$0x1] =	stream.indirect.gather [hbm4b:s5+s6], $0x80, s2, s6, $0xb8;
	[tilespmem:$0x4080] =	vst v63  }
0xc: {  	_ =	swait.ge [sflag:s7], $0x4000  }
0xd: {  	s16 =	sadd.s32 $0x4FA00, s8;
	s28 =	sshll.u32 s15, $0x4;
	[sflag:s7] =	ssyncset.done $0x0  }
0xe: {  	s8 =	sadd.s32 s16, s28;
	[sflag:s7] =	ssyncadd.s32 $0xFFFFC000  }
0xf: {  	[hbm4b:s8+s2] =	stream.linear.scatter [tilespmem:s6], [sflag:$0x2], $0x4000, $0x38;
	[tilespmem:$0x4080] =	vst v63  }
0x10: {  	s10 =	sor.u32 $0x80, s15;
	_ =	swait.ge [sflag:s3], $0x4000  }
0x11: {  	s9 =	sshrl.u32 s10, $0x3;
	[sflag:s3] =	ssyncset.done $0x0  }
0x12: {  	s9 =	sadd.s32 s13, s9;
	[sflag:s3] =	ssyncadd.s32 $0xFFFFC000  }
0x13: {  	[tilespmem:s2], [sflag:$0x2] =	stream.linear.gather [hbm4b:s9+s2], $0x80, $0x38;
	[tilespmem:$0x4080] =	vst v63  }
0x14: {  	_ =	swait.ge [sflag:s3], $0x80  }
0x15: {  	[sflag:s3] =	ssyncset.done $0x0  }
0x16: {  	[sflag:s3] =	ssyncadd.s32 $0xFFFFFF80  }
0x17: {  	[tilespmem:s6], [sflag:$0x1] =	stream.indirect.gather [hbm4b:s5+s6], $0x80, s2, s6, $0xb8;
	[tilespmem:$0x4080] =	vst v63  }
0x18: {  	_ =	swait.ge [sflag:s7], $0x4000  }
0x19: {  	s10 =	sshll.u32 s10, $0x4;
	[sflag:s7] =	ssyncset.done $0x0  }
0x1a: {  	s10 =	sadd.s32 s16, s10;
	[sflag:s7] =	ssyncadd.s32 $0xFFFFC000  }
0x1b: {  	[hbm4b:s10+s2] =	stream.linear.scatter [tilespmem:s6], [sflag:$0x2], $0x4000, $0x38;
	[tilespmem:$0x4080] =	vst v63  }
0x1c: {  	s12 =	sor.u32 $0x100, s15;
	_ =	swait.ge [sflag:s3], $0x4000  }
0x1d: {  	s11 =	sshrl.u32 s12, $0x3;
	[sflag:s3] =	ssyncset.done $0x0  }
0x1e: {  	s11 =	sadd.s32 s13, s11;
	[sflag:s3] =	ssyncadd.s32 $0xFFFFC000  }
0x1f: {  	[tilespmem:s2], [sflag:$0x2] =	stream.linear.gather [hbm4b:s11+s2], $0x80, $0x38;
	[tilespmem:$0x4080] =	vst v63  }
0x20: {  	_ =	swait.ge [sflag:s3], $0x80  }
0x21: {  	[sflag:s3] =	ssyncset.done $0x0  }
0x22: {  	[sflag:s3] =	ssyncadd.s32 $0xFFFFFF80  }
0x23: {  	[tilespmem:s6], [sflag:$0x1] =	stream.indirect.gather [hbm4b:s5+s6], $0x80, s2, s6, $0xb8;
	[tilespmem:$0x4080] =	vst v63  }
0x24: {  	_ =	swait.ge [sflag:s7], $0x4000  }
0x25: {  	s12 =	sshll.u32 s12, $0x4;
	[sflag:s7] =	ssyncset.done $0x0  }
0x26: {  	s12 =	sadd.s32 s16, s12;
	[sflag:s7] =	ssyncadd.s32 $0xFFFFC000  }
0x27: {  	[hbm4b:s12+s2] =	stream.linear.scatter [tilespmem:s6], [sflag:$0x2], $0x4000, $0x38;
	[tilespmem:$0x4080] =	vst v63  }
0x28: {  	s15 =	sor.u32 $0x180, s15;
	_ =	swait.ge [sflag:s3], $0x4000  }
0x29: {  	s17 =	sshrl.u32 s15, $0x3;
	[sflag:s3] =	ssyncset.done $0x0  }
0x2a: {  	s14 =	ssub.s32 $0x2, s14;
	s13 =	sadd.s32 s13, s17;
	[sflag:s3] =	ssyncadd.s32 $0xFFFFC000  }
0x2b: {  	[tilespmem:s2], [sflag:$0x2] =	stream.linear.gather [hbm4b:s13+s2], $0x80, $0x38;
	[tilespmem:$0x4080] =	vst v63  }
0x2c: {  	s29 =	sshrl.u32 s14, $0x1;
	_ =	swait.ge [sflag:s3], $0x80  }
0x2d: {  	s17 =	ssub.s32 s14, s29;
	[sflag:s3] =	ssyncset.done $0x0  }
0x2e: {  	s31 =	smax.u32 s17, $0x1;
	[sflag:s3] =	ssyncadd.s32 $0xFFFFFF80  }
0x2f: {  	[tilespmem:s6], [sflag:$0x1] =	stream.indirect.gather [hbm4b:s5+s6], $0x80, s2, s6, $0xb8;
	[tilespmem:$0x4080] =	vst v63  }
0x30: {  	p0 =	sne.s32 s31, $0x1;
	_ =	swait.ge [sflag:s7], $0x4000  }
.Ltmp0:
0x31: {  	s30 =	sshll.u32 s15, $0x4;
	[sflag:s7] =	ssyncset.done $0x0;
	(pc) =	sbr.rel @!p0 .LBB2_2-.Ltmp0, $4  }
0x32: {  	s14 =	sadd.s32 s16, s30;
	[sflag:s7] =	ssyncadd.s32 $0xFFFFC000  }
0x33: {  	[hbm4b:s14+s2] =	stream.linear.scatter [tilespmem:s6], [sflag:$0x2], $0x4000, $0x38;
	[tilespmem:$0x4080] =	vst v63  }
0x34: {  	_ =	swait.ge [sflag:s3], $0x4000  }
0x35: {  	s15 =	sadd.s32 $0xFFFFFFFF, s31;
	[sflag:s3] =	ssyncset.done $0x0  }
.LBB2_1:
0x36: {  	p0 =	sne.s32 s15, $0x1;
	s15 =	sadd.s32 $0xFFFFFFFF, s15;
	[sflag:s3] =	ssyncadd.s32 $0xFFFFC000  }
0x37: {  	[tilespmem:s2], [sflag:$0x2] =	stream.linear.gather [hbm4b:s4+s2], $0x80, $0x38;
	[tilespmem:$0x4080] =	vst v63  }
0x38: {  	_ =	swait.ge [sflag:s3], $0x80  }
0x39: {  	[sflag:s3] =	ssyncset.done $0x0  }
0x3a: {  	[sflag:s3] =	ssyncadd.s32 $0xFFFFFF80  }
0x3b: {  	[tilespmem:s6], [sflag:$0x1] =	stream.indirect.gather [hbm4b:s5+s6], $0x80, s2, s6, $0xb8;
	[tilespmem:$0x4080] =	vst v63  }
0x3c: {  	_ =	swait.ge [sflag:s7], $0x4000  }
0x3d: {  	[sflag:s7] =	ssyncset.done $0x0  }
0x3e: {  	[sflag:s7] =	ssyncadd.s32 $0xFFFFC000  }
0x3f: {  	[hbm4b:s8+s2] =	stream.linear.scatter [tilespmem:s6], [sflag:$0x2], $0x4000, $0x38;
	[tilespmem:$0x4080] =	vst v63  }
0x40: {  	_ =	swait.ge [sflag:s3], $0x4000  }
0x41: {  	[sflag:s3] =	ssyncset.done $0x0  }
0x42: {  	[sflag:s3] =	ssyncadd.s32 $0xFFFFC000  }
0x43: {  	[tilespmem:s2], [sflag:$0x2] =	stream.linear.gather [hbm4b:s9+s2], $0x80, $0x38;
	[tilespmem:$0x4080] =	vst v63  }
0x44: {  	_ =	swait.ge [sflag:s3], $0x80  }
0x45: {  	[sflag:s3] =	ssyncset.done $0x0  }
0x46: {  	[sflag:s3] =	ssyncadd.s32 $0xFFFFFF80  }
0x47: {  	[tilespmem:s6], [sflag:$0x1] =	stream.indirect.gather [hbm4b:s5+s6], $0x80, s2, s6, $0xb8;
	[tilespmem:$0x4080] =	vst v63  }
0x48: {  	_ =	swait.ge [sflag:s7], $0x4000  }
0x49: {  	[sflag:s7] =	ssyncset.done $0x0  }
0x4a: {  	[sflag:s7] =	ssyncadd.s32 $0xFFFFC000  }
0x4b: {  	[hbm4b:s10+s2] =	stream.linear.scatter [tilespmem:s6], [sflag:$0x2], $0x4000, $0x38;
	[tilespmem:$0x4080] =	vst v63  }
0x4c: {  	_ =	swait.ge [sflag:s3], $0x4000  }
0x4d: {  	[sflag:s3] =	ssyncset.done $0x0  }
0x4e: {  	[sflag:s3] =	ssyncadd.s32 $0xFFFFC000  }
0x4f: {  	[tilespmem:s2], [sflag:$0x2] =	stream.linear.gather [hbm4b:s11+s2], $0x80, $0x38;
	[tilespmem:$0x4080] =	vst v63  }
0x50: {  	_ =	swait.ge [sflag:s3], $0x80  }
0x51: {  	[sflag:s3] =	ssyncset.done $0x0  }
0x52: {  	[sflag:s3] =	ssyncadd.s32 $0xFFFFFF80  }
0x53: {  	[tilespmem:s6], [sflag:$0x1] =	stream.indirect.gather [hbm4b:s5+s6], $0x80, s2, s6, $0xb8;
	[tilespmem:$0x4080] =	vst v63  }
0x54: {  	_ =	swait.ge [sflag:s7], $0x4000  }
0x55: {  	[sflag:s7] =	ssyncset.done $0x0  }
0x56: {  	[sflag:s7] =	ssyncadd.s32 $0xFFFFC000  }
0x57: {  	[hbm4b:s12+s2] =	stream.linear.scatter [tilespmem:s6], [sflag:$0x2], $0x4000, $0x38;
	[tilespmem:$0x4080] =	vst v63  }
0x58: {  	_ =	swait.ge [sflag:s3], $0x4000  }
0x59: {  	[sflag:s3] =	ssyncset.done $0x0  }
0x5a: {  	[sflag:s3] =	ssyncadd.s32 $0xFFFFC000  }
0x5b: {  	[tilespmem:s2], [sflag:$0x2] =	stream.linear.gather [hbm4b:s13+s2], $0x80, $0x38;
	[tilespmem:$0x4080] =	vst v63  }
0x5c: {  	_ =	swait.ge [sflag:s3], $0x80  }
0x5d: {  	[sflag:s3] =	ssyncset.done $0x0  }
0x5e: {  	[sflag:s3] =	ssyncadd.s32 $0xFFFFFF80  }
0x5f: {  	[tilespmem:s6], [sflag:$0x1] =	stream.indirect.gather [hbm4b:s5+s6], $0x80, s2, s6, $0xb8;
	[tilespmem:$0x4080] =	vst v63  }
0x60: {  	_ =	swait.ge [sflag:s7], $0x4000  }
.Ltmp1:
0x61: {  	[sflag:s7] =	ssyncset.done $0x0;
	(pc) =	sbr.rel @p0 .LBB2_1-.Ltmp1, $4  }
0x62: {  	[sflag:s7] =	ssyncadd.s32 $0xFFFFC000  }
0x63: {  	[hbm4b:s14+s2] =	stream.linear.scatter [tilespmem:s6], [sflag:$0x2], $0x4000, $0x38;
	[tilespmem:$0x4080] =	vst v63  }
0x64: {  	_ =	swait.ge [sflag:s3], $0x4000  }
0x65: {  	[sflag:s3] =	ssyncset.done $0x0  }
.LBB2_2:
0x66: {  	[sflag:s3] =	ssyncadd.s32 $0xFFFFC000  }
0x67: {  	_ =	sfence.sel $0x180000  }
0x68: {  	[bflag:$0x0] =	sbarrier.arrive $0xFFFF  }
0x69: {  	p0 =	sne.s32 s0, $0x0;
	_ =	strace $0x90000047  }
0x6a: {  	s0 =	sadd.s32 @!p0 $0x100000, s1;
	[bflag:$0x2] =	sbarrier.arrive $0xFFFF  }
0x6b: {  	[sflag:s0] =	ssyncadd.tile.s32 @!p0 $0x1;
	_ =	shalt  }
.Lfunc_end2:
_tile_overlayer_lowered:
.L_overlay_start_2:
0x6c: {  	(tag) =	ssettag $0x2  }
0x6d: {  	s0 =	rddreg [dreg:$0x0];
	s2 =	stileid.u32  }
0x6e: {  	s1 =	rddreg [dreg:$0x1];
	p0 =	sne.s32 s2, $0x0  }
0x6f: {  	s3 =	rddreg [dreg:$0x2];
	[bflag:$0x3] =	sbarrier.arrive $0xFFFF;
	s2 =	simm.s32 @!p0 $0x1C02  }
0x70: {  	[timem:s3], [sflag:s2] =	dma.local @!p0 [hbm:s0], s1  }
0x71: {  	s0 =	simm.s32 @!p0 $0x2  }
0x72: {  	_ =	swait.ge @!p0 [sflag:s0], s1  }
0x73: {  	s1 =	ssub.s32 @!p0 $0x0, s1;
	[sflag:s0] =	ssyncset.done @!p0 $0x0  }
0x74: {  	[sflag:s0] =	ssyncadd.s32 @!p0 s1  }
0x75: {  	[bflag:$0x3] =	sbarrier.arrive $0xFFFF  }
0x76: {  	_ =	shalt  }

// kernel: kernel.9.cloned.1.call-start
scs
__scs_entry_jumppad:
0x0: {  	(pc) =	sbr.rel $0x88, $3  }
0x1: {  	(tag) =	ssettag $0x0;
	lr =	simm.s32 $0x1  }
0x2: {  	[smem:$0x3F96] =	sst lr;
	_ =	strace $0xD0000000  }
0x3: {  	_ = 	snop  }
0x4: {  	_ = 	snop  }
0x5: {  	_ = 	snop  }
0x6: {  	_ = 	snop  }
0x7: {  	_ = 	snop  }
__scs_overlays_trampoline_lowered:
0x8: {  	[smem:$0x3FA5] =	sst s0  }
0x9: {  	[smem:$0x3FA6] =	sst s1  }
0xa: {  	[smem:$0x3FA7] =	sst s2  }
0xb: {  	[smem:$0x3FA8] =	sst s3  }
0xc: {  	[smem:$0x3FA9] =	sst s4  }
0xd: {  	[smem:$0x3FAA] =	sst s5  }
0xe: {  	[smem:$0x3FAB] =	sst s6  }
0xf: {  	[smem:$0x3FAC] =	sst s7  }
0x10: {  	[smem:$0x3FAD] =	sst s8  }
0x11: {  	[smem:$0x3FAE] =	sst s9;
	s0 =	simm.s32 @!p0 $0x0  }
0x12: {  	s1 =	sld [smem:$0x3F94];
	s0 =	simm.s32 @p0 $0x1  }
0x13: {  	[smem:$0x3FAF] =	sst s0;
	s0 =	simm.s32 @!p1 $0x0  }
0x14: {  	s2 =	sld [smem:$0x3F93];
	s0 =	simm.s32 @p1 $0x1  }
0x15: {  	[smem:$0x3FB0] =	sst s0;
	s0 =	simm.s32 @!p2 $0x0  }
0x16: {  	s3 =	sld [smem:$0x3FDB];
	s0 =	simm.s32 @p2 $0x1  }
0x17: {  	s4 =	simm.s32 $0x1BF5;
	[smem:$0x3FB2] =	sst s0  }
0x18: {  	s0 =	sld [smem:$0x3F95];
	_ =	swait.ge [sflag:s4], $0x0  }
0x19: {  	s7 =	sld [smem:$0x3F96]  }
0x1a: {  	s8 =	sadd.s32 $0xFFFFE003, lr  }
0x1b: {  	s9 =	sadd.s32 $0xFFFFFEF7, lr;
	s5 =	simm.s32 $0xFFFFFFFF;
	p2 =	slt.u32 s8, $0xFFFFF086  }
0x1c: {  	p1 =	slt.u32 s9, $0xF7A;
	s5 =	simm.s32 @!p2 $0x0  }
0x1d: {  	s5 =	simm.s32 @p1 $0x1;
	p0 =	seq.s32 s7, s2  }
0x1e: {  	s7 =	smul.u32 @!p0 $0xF7A, s2;
	p2 =	seq.s32 @!p0 s5, $0x0  }
0x1f: {  	s9 =	smul.u32 $0xF7A, s1;
	s8 =	simm.s32 @!p0 $0x1BF5;
	p2 =	por !p2, p0  }
0x20: {  	[sflag:s8] =	ssyncset.s32 @!p0 $0xFFFFF086;
	s6 =	sadd.s32 @!p0 s3, s7;
	s7 =	simm.s32 @!p0 $0x108  }
0x21: {  	s3 =	sadd.s32 s3, s9;
	s6 =	sadd.s32 @!p0 $0x88, s6;
	s7 =	simm.s32 @p2 $0x1082  }
0x22: {  	[simem:s7], [sflag:s8] =	dma.local @!p0 [hbm:s6], $0xF7A  }
0x23: {  	s9 =	sor.u32 $0xD0000000, s2;
	s6 =	simm.s32 $0x108;
	_ =	swait.ge @!p0 [sflag:s8], $0x0  }
0x24: {  	s3 =	sadd.s32 $0x88, s3;
	s6 =	simm.s32 @!p1 $0x1082;
	[sflag:s4] =	ssyncset.s32 $0xFFFFF086  }
0x25: {  	[simem:s6], [sflag:s4] =	dma.local [hbm:s3], $0xF7A  }
0x26: {  	[smem:$0x3F96] =	sst s1;
	(tag) =	ssettag s2;
	_ =	strace s9  }
0x27: {  	s1 =	sld [smem:$0x3FA6]  }
0x28: {  	s2 =	sld [smem:$0x3FA7]  }
0x29: {  	s4 =	sld [smem:$0x3FA9]  }
0x2a: {  	p0 =	seq.s32 s5, $0x0;
	s5 =	sld [smem:$0x3FAA]  }
0x2b: {  	s6 =	sld [smem:$0x3FAB]  }
0x2c: {  	s7 =	sld [smem:$0x3FAC]  }
0x2d: {  	s3 =	simm.s32 $0x108;
	s8 =	sld [smem:$0x3FAD]  }
0x2e: {  	s3 =	simm.s32 @!p0 $0x1082;
	s9 =	sld [smem:$0x3FAE]  }
0x2f: {  	lr =	sadd.s32 s0, s3;
	s0 =	sld [smem:$0x3FA5]  }
0x30: {  	s3 =	sld [smem:$0x3FA8]  }
0x31: {  	[smem:$0x3FB1] =	sst s10  }
0x32: {  	s10 =	sld [smem:$0x3FAF];
	_ =	sdelay $0x3  }
0x33: {  	p0 =	seq.s32 s10, $0x1;
	s10 =	sld [smem:$0x3FB1];
	_ =	sdelay $0x3  }
0x34: {  	[smem:$0x3FB1] =	sst s10  }
0x35: {  	s10 =	sld [smem:$0x3FB0];
	_ =	sdelay $0x3  }
0x36: {  	p1 =	seq.s32 s10, $0x1;
	s10 =	sld [smem:$0x3FB1];
	_ =	sdelay $0x3  }
0x37: {  	[smem:$0x3FB1] =	sst s10  }
0x38: {  	s10 =	sld [smem:$0x3FB2]  }
0x39: {  	_ = 	snop;
	(pc) =	sbr.ind lr, $3  }
0x3a: {  	_ = 	snop  }
0x3b: {  	_ = 	snop  }
0x3c: {  	p2 =	seq.s32 s10, $0x1;
	s10 =	sld [smem:$0x3FB1]  }
0x3d: {  	_ =	shalt  }
0x3e: {  	_ =	shalt  }
0x3f: {  	_ =	shalt  }
0x40: {  	_ =	shalt  }
0x41: {  	_ =	shalt  }
0x42: {  	_ =	shalt  }
0x43: {  	_ =	shalt  }
0x44: {  	_ =	shalt  }
0x45: {  	_ =	shalt  }
0x46: {  	_ =	shalt  }
0x47: {  	_ =	shalt  }
0x48: {  	_ =	shalt  }
0x49: {  	_ =	shalt  }
0x4a: {  	_ =	shalt  }
0x4b: {  	_ =	shalt  }
0x4c: {  	_ =	shalt  }
0x4d: {  	_ =	shalt  }
0x4e: {  	_ =	shalt  }
0x4f: {  	_ =	shalt  }
0x50: {  	_ =	shalt  }
0x51: {  	_ =	shalt  }
0x52: {  	_ =	shalt  }
0x53: {  	_ =	shalt  }
0x54: {  	_ =	shalt  }
0x55: {  	_ =	shalt  }
0x56: {  	_ =	shalt  }
0x57: {  	_ =	shalt  }
0x58: {  	_ =	shalt  }
0x59: {  	_ =	shalt  }
0x5a: {  	_ =	shalt  }
0x5b: {  	_ =	shalt  }
0x5c: {  	_ =	shalt  }
0x5d: {  	_ =	shalt  }
0x5e: {  	_ =	shalt  }
0x5f: {  	_ =	shalt  }
0x60: {  	_ =	shalt  }
0x61: {  	_ =	shalt  }
0x62: {  	_ =	shalt  }
0x63: {  	_ =	shalt  }
0x64: {  	_ =	shalt  }
0x65: {  	_ =	shalt  }
0x66: {  	_ =	shalt  }
0x67: {  	_ =	shalt  }
0x68: {  	_ =	shalt  }
0x69: {  	_ =	shalt  }
0x6a: {  	_ =	shalt  }
0x6b: {  	_ =	shalt  }
0x6c: {  	_ =	shalt  }
0x6d: {  	_ =	shalt  }
0x6e: {  	_ =	shalt  }
0x6f: {  	_ =	shalt  }
0x70: {  	_ =	shalt  }
0x71: {  	_ =	shalt  }
0x72: {  	_ =	shalt  }
0x73: {  	_ =	shalt  }
0x74: {  	_ =	shalt  }
0x75: {  	_ =	shalt  }
0x76: {  	_ =	shalt  }
0x77: {  	_ =	shalt  }
0x78: {  	_ =	shalt  }
0x79: {  	_ =	shalt  }
0x7a: {  	_ =	shalt  }
0x7b: {  	_ =	shalt  }
0x7c: {  	_ =	shalt  }
0x7d: {  	_ =	shalt  }
0x7e: {  	_ =	shalt  }
0x7f: {  	_ =	shalt  }
0x80: {  	_ =	shalt  }
0x81: {  	_ =	shalt  }
0x82: {  	_ =	shalt  }
0x83: {  	_ =	shalt  }
0x84: {  	_ =	shalt  }
0x85: {  	_ =	shalt  }
0x86: {  	_ =	shalt  }
0x87: {  	_ =	shalt  }
.Lfunc_end0:
.L_simem_size_0:
called_computation.1_lowered:
.L_overlay_start_0:
0x88: {  	s2 =	sld [smem:$0x3FD9]  }
0x89: {  	s3 =	sld [smem:$0x3FFE];
	_ =	sdelay $0x1  }
0x8a: {  	s1 =	srdreg.scid  }
0x8b: {  	s0 =	sand.u32 $0x1, s1  }
0x8c: {  	s17 =	sshll.u32 s0, $0xA;
	s2 =	sadd.s32 s3, s2  }
0x8d: {  	s2 =	sadd.s32 s2, s17  }
0x8e: {  	[smem:$0x3FBD] =	sst s2  }
0x8f: {  	_ = 	snop  }
0x90: {  	s2 =	sld [smem:$0x3FD0];
	(tm) =	ssettm $0x1  }
0x91: {  	s18 =	sld [smem:$0x3FFB];
	_ =	sdelay $0x3  }
0x92: {  	_ =	strace s18  }
0x93: {  	s3 =	sld [smem:$0x3FFC];
	_ =	sdelay $0x3  }
0x94: {  	_ =	strace s3  }
0x95: {  	s3 =	sld [smem:$0x3FFD];
	_ =	sdelay $0x3  }
0x96: {  	_ =	strace s3  }
0x97: {  	_ =	strace $0x8FFFFFFF  }
0x98: {  	s19 =	sld [smem:$0x3FDB];
	_ =	sdelay $0x1  }
0x99: {  	s4 =	simm.s32 $_scs_section_size  }
0x9a: {  	s5 =	simm.s32 $_size__tile_overlayer_lowered;
	s6 =	simm.s32 $_tile_overlayer_lowered  }
0x9b: {  	s22 =	simm.s32 $0x1BFF;
	s21 =	sshll.u32 s6, $0x1;
	s3 =	sadd.s32 s4, s19  }
0x9c: {  	s7 =	simm.s32 $0x0;
	s20 =	sshll.u32 s5, $0x1;
	s5 =	sadd.s32 s21, s3  }
0x9d: {  	[timem:s7], [sflag:s22] =	dma.local [hbm:s5], s20  }
0x9e: {  	_ =	swait.ge [sflag:s22], s20  }
0x9f: {  	s4 =	ssub.s32 $0x0, s20;
	[sflag:s22] =	ssyncset.done $0x0  }
0xa0: {  	[sflag:s22] =	ssyncadd.s32 s4;
	_ =	sdelay $0x1  }
0xa1: {  	s23 =	simm.s32 $0x1B8B  }
0xa2: {  	_ =	swait.ge [sflag:s23], $0x1  }
0xa3: {  	[sflag:s23] =	ssyncset.done $0x0  }
0xa4: {  	s25 =	simm.s32 $0x1B8E;
	s24 =	sld [smem:$0x3FFE];
	[sflag:s23] =	ssyncadd.s32 $0xFFFFFFFF  }
0xa5: {  	s26 =	simm.s32 $execute0_lowered;
	[smem:$0x3FD2] =	sst s25  }
0xa6: {  	s5 =	sshll.u32 s26, $0x1;
	_ =	strace $0x80000049;
	[dreg:$0x1] =	wrdreg $0xFFFFFFFF  }
0xa7: {  	s28 =	simm.s32 $_size_execute0_lowered;
	s3 =	sadd.s32 s3, s5;
	[dreg:$0x0] =	wrdreg $0x0  }
0xa8: {  	s5 =	sshll.u32 s28, $0x1;
	[dreg:$0x2] =	wrdreg s3  }
0xa9: {  	[dreg:$0x3] =	wrdreg s5  }
0xaa: {  	[dreg:$0x4] =	wrdreg $0xC0  }
0xab: {  	_ =	task [dreg:s7], $0x5FFFF  }
0xac: {  	[dreg:$0x1] =	wrdreg $0xFFFFFFFF  }
0xad: {  	[dreg:$0x0] =	wrdreg $0x60  }
0xae: {  	[dreg:$0x2] =	wrdreg s24  }
0xaf: {  	[dreg:$0x3] =	wrdreg s2  }
0xb0: {  	[dreg:$0x4] =	wrdreg $0xA6000  }
0xb1: {  	[dreg:$0x5] =	wrdreg $0x9  }
0xb2: {  	_ =	task.clear_ibuf [dreg:s7], $0x6FFFF;
	_ =	strace $0x90000049  }
0xb3: {  	s29 =	simm.s32 $0x9;
	_ =	strace $0x8000004B  }
0xb4: {  	_ =	swait.ge [sflag:s29], $0x1  }
0xb5: {  	[sflag:s29] =	ssyncadd.s32 $0xFFFFFFFF  }
0xb6: {  	_ =	strace $0x9000004B  }
0xb7: {  	_ =	sfence  }
0xb8: {  	s30 =	sld [smem:$0x0];
	_ =	sdelay $0x2  }
0xb9: {  	s31 =	sshll.u32 s1, $0xD;
	s1 =	sshrl.u32 s1, $0x2  }
0xba: {  	s3 =	sand.u32 $0x4000, s31;
	s1 =	sadd.s32 s1, s30  }
0xbb: {  	s0 =	sor.u32 s3, s0;
	s1 =	sshll.u32 s1, $0x11  }
0xbc: {  	s0 =	sor.u32 s1, s0  }
0xbd: {  	s0 =	sadd.s32 $0x8F2B, s0  }
0xbe: {  	[sflag:s0] =	ssyncadd.remote.s32 $0x1  }
0xbf: {  	_ =	sfence.sel $0xFFFF  }
0xc0: {  	[dreg:$0x0] =	wrdreg $0xFFFFFFFF;
	(pc) =	sbr.abs _section_cstart, $3  }
0xc1: {  	[dreg:$0x1] =	wrdreg $0xFFFFFFFF  }
0xc2: {  	_ =	task.clear_ibuf [dreg:s7], $0x2FFFF;
	_ =	strace $0x9FFFFFFF  }
0xc3: {  	(tm) =	ssettm $0x7FFFFFFF  }
tec
execute0_lowered:
.L_overlay_start_1:
0x0: {  	(tag) =	ssettag $0x1  }
0x1: {  	s0 =	rddreg [dreg:$0x0]  }
0x2: {  	s1 =	rddreg [dreg:$0x1]  }
0x3: {  	s2 =	rddreg [dreg:$0x2]  }
0x4: {  	s3 =	simm.s32 $0x0;
	s15 =	srdreg.scid;
	s14 =	stileid.u32  }
0x5: {  	s31 =	simm.s32 $0xB;
	s28 =	simm.s32 $0x9;
	s29 =	simm.s32 $0xA  }
0x6: {  	[smem:$0x7FF] =	sst s3;
	s5 =	sadd.s32 $0xAD600, s0;
	s6 =	sadd.s32 $0xA3800, s0  }
0x7: {  	s3 =	sand.u32 $0x1, s15;
	s4 =	sshll.u32 s14, $0x1;
	s7 =	sadd.s32 $0x99A00, s0  }
0x8: {  	s8 =	sadd.s32 $0x8FC00, s0;
	s9 =	sadd.s32 $0x28800, s0;
	s10 =	sadd.s32 $0x4FA00, s0  }
0x9: {  	s12 =	sadd.s32 $0x8FA00, s0;
	s0 =	sadd.s32 $0xB7400, s0;
	s19 =	smul.u32 $0x4F000, s14  }
0xa: {  	s20 =	smul.u32 $0x13C00, s14;
	s4 =	sor.u32 s3, s4;
	s11 =	ssub.s32 $0x2, s3  }
0xb: {  	p0 =	seq.s32 s14, $0xF;
	s4 =	smul.u32 $0x2710, s4;
	s16 =	sshrl.u32 s11, $0x1  }
0xc: {  	_ =	strace $0x8000004A;
	[dreg:$0x4] =	wrdreg s12;
	s11 =	ssub.s32 s11, s16  }
0xd: {  	s3 =	smul.u32 $0x138800, s3;
	s17 =	sshrl.u32 s4, $0x3;
	s26 =	smax.u32 s11, $0x1  }
0xe: {  	s21 =	sadd.s32 $0x28, s4;
	s13 =	sadd.s32 s5, s17;
	[dreg:$0x11] =	wrdreg s26  }
0xf: {  	s18 =	sadd.s32 s6, s17;
	s15 =	sadd.s32 s7, s17;
	[dreg:$0x5] =	wrdreg s13  }
0x10: {  	s12 =	sadd.s32 s8, s17;
	s22 =	sshrl.u32 s21, $0x3;
	[dreg:$0x6] =	wrdreg s18  }
0x11: {  	s21 =	simm.s32 $0x6;
	s26 =	simm.s32 $0x8;
	[dreg:$0x7] =	wrdreg s15  }
0x12: {  	[dreg:$0x8] =	wrdreg s12;
	s15 =	simm.s32 $0xD;
	s13 =	sshrl.u32 s19, $0x2  }
0x13: {  	s12 =	sadd.s32 s20, s3;
	s14 =	sadd.s32 s5, s22;
	s3 =	sshrl.u32 s3, $0x3  }
0x14: {  	s23 =	sadd.s32 s6, s22;
	s24 =	sadd.s32 s7, s22;
	s25 =	sadd.s32 s8, s22  }
0x15: {  	s19 =	simm.s32 $0x100;
	s20 =	simm.s32 $0x5;
	[dreg:$0xb] =	wrdreg s14  }
0x16: {  	s22 =	simm.s32 $0x7;
	s18 =	simm.s32 $0x0;
	[dreg:$0xc] =	wrdreg s23  }
0x17: {  	s15 =	simm.s32 @!p0 $0xF;
	s17 =	sadd.s32 s13, s2;
	[dreg:$0xe] =	wrdreg s24  }
0x18: {  	s12 =	sshrl.u32 s12, $0x3;
	[dreg:$0xf] =	wrdreg s25;
	s23 =	sadd.s32 $0x50, s4  }
0x19: {  	s24 =	sadd.s32 $0x78, s4;
	s25 =	simm.s32 $0x200;
	s4 =	simm.s32 $0x7D00  }
0x1a: {  	s13 =	simm.s32 $0x80;
	s14 =	simm.s32 $0x180;
	[dreg:$0x9] =	wrdreg s15  }
0x1b: {  	s12 =	sadd.s32 s0, s12;
	s0 =	sadd.s32 s0, s3;
	[dreg:$0xa] =	wrdreg s17  }
0x1c: {  	s30 =	sadd.s32 $0x12C00, s17;
	[dreg:$0xd] =	wrdreg s12;
	s0 =	sadd.s32 $0x25080, s0  }
0x1d: {  	s15 =	simm.s32 $0x280;
	[dreg:$0x10] =	wrdreg s0;
	s0 =	sadd.s32 $0x128400, s2  }
0x1e: {  	s3 =	simm.s32 $0x9100;
	[dreg:$0x13] =	wrdreg s30;
	s0 =	sshrl.u32 @p0 s0, $0x3  }
0x1f: {  	v0 =	vimm.f32 $0.0e+00;
	s12 =	simm.s32 $0x28;
	[dreg:$0x12] =	wrdreg s0;
	s0 =	simm.s32 $0x2  }
.LBB2_1:
0x20: {  	[dreg:$0x14] =	wrdreg s18  }
0x21: {  	s11 =	simm.s32 $0x0;
	s16 =	rddreg [dreg:$0x4];
	s30 =	simm.s32 $0xA500  }
0x22: {  	[tilespmem:s30], [sflag:$0xB] =	stream.linear.gather [hbm4b:s16+s11], $0x100, $0x38;
	[tilespmem:$0x1DE80] =	vst v63  }
0x23: {  	_ =	swait.ge [sflag:s31], $0x100  }
0x24: {  	[sflag:s31] =	ssyncset.done $0x0  }
0x25: {  	[sflag:s31] =	ssyncadd.s32 $0xFFFFFF00  }
0x26: {  	v1 =	vld [tilespmem:$0xA500]  }
0x27: {  	v2 =	vld [tilespmem:$0xA510]  }
0x28: {  	v3 =	vld [tilespmem:$0xA520]  }
0x29: {  	v4 =	vld [tilespmem:$0xA530]  }
0x2a: {  	v5 =	vld [tilespmem:$0xA540]  }
0x2b: {  	v6 =	vld [tilespmem:$0xA550]  }
0x2c: {  	v7 =	vld [tilespmem:$0xA560]  }
0x2d: {  	s30 =	rddreg [dreg:$0x5];
	v8 =	vld [tilespmem:$0xA570]  }
0x2e: {  	v9 =	vld [tilespmem:$0xA580];
	[tilespmem:s11], [sflag:$0x1] =	stream.linear.gather [hbm4b:s30+s11], $0x28, $0x38  }
0x2f: {  	s18 =	rddreg [dreg:$0x6]  }
0x30: {  	[tilespmem:s19], [sflag:$0x1] =	stream.linear.gather [hbm4b:s18+s11], $0x28, $0x38;
	[tilespmem:$0x1DE80] =	vst v63  }
0x31: {  	s30 =	rddreg [dreg:$0x7]  }
0x32: {  	[tilespmem:s25], [sflag:$0x1] =	stream.linear.gather [hbm4b:s30+s11], $0x28, $0x38;
	[tilespmem:$0x1DE80] =	vst v63  }
0x33: {  	s18 =	rddreg [dreg:$0x8];
	s30 =	simm.s32 $0x300  }
0x34: {  	[tilespmem:s30], [sflag:$0x1] =	stream.linear.gather [hbm4b:s18+s11], $0x28, $0x38;
	[tilespmem:$0x1DE80] =	vst v63  }
0x35: {  	[tilespmem:$0x7D00] =	vst v0  }
0x36: {  	[tilespmem:$0x7D10] =	vst v0  }
0x37: {  	[tilespmem:$0x7D20] =	vst v0  }
0x38: {  	[tilespmem:$0x7D30] =	vst v0  }
0x39: {  	[tilespmem:$0x7D40] =	vst v0  }
0x3a: {  	[tilespmem:$0x7D50] =	vst v0  }
0x3b: {  	[tilespmem:$0x7D60] =	vst v0  }
0x3c: {  	[tilespmem:$0x7D70] =	vst v0  }
0x3d: {  	[tilespmem:$0x7D80] =	vst v0  }
0x3e: {  	[tilespmem:$0x7D90] =	vst v0  }
0x3f: {  	[tilespmem:$0x7DA0] =	vst v0  }
0x40: {  	[tilespmem:$0x7DB0] =	vst v0  }
0x41: {  	[tilespmem:$0x7DC0] =	vst v0  }
0x42: {  	[tilespmem:$0x7DD0] =	vst v0  }
0x43: {  	[tilespmem:$0x7DE0] =	vst v0  }
0x44: {  	[tilespmem:$0x7DF0] =	vst v0  }
0x45: {  	[tilespmem:$0x7E00] =	vst v0  }
0x46: {  	[tilespmem:$0x7E10] =	vst v0  }
0x47: {  	[tilespmem:$0x7E20] =	vst v0  }
0x48: {  	[tilespmem:$0x7E30] =	vst v0  }
0x49: {  	[tilespmem:$0x7E40] =	vst v0  }
0x4a: {  	[tilespmem:$0x7E50] =	vst v0  }
0x4b: {  	[tilespmem:$0x7E60] =	vst v0  }
0x4c: {  	[tilespmem:$0x7E70] =	vst v0  }
0x4d: {  	[tilespmem:$0x7E80] =	vst v0  }
0x4e: {  	[tilespmem:$0x7E90] =	vst v0  }
0x4f: {  	[tilespmem:$0x7EA0] =	vst v0  }
0x50: {  	[tilespmem:$0x7EB0] =	vst v0  }
0x51: {  	[tilespmem:$0x7EC0] =	vst v0  }
0x52: {  	[tilespmem:$0x7ED0] =	vst v0  }
0x53: {  	[tilespmem:$0x7EE0] =	vst v0  }
0x54: {  	[tilespmem:$0x7EF0] =	vst v0  }
0x55: {  	[tilespmem:$0x7F00] =	vst v0  }
0x56: {  	[tilespmem:$0x7F10] =	vst v0  }
0x57: {  	[tilespmem:$0x7F20] =	vst v0  }
0x58: {  	[tilespmem:$0x7F30] =	vst v0  }
0x59: {  	[tilespmem:$0x7F40] =	vst v0  }
0x5a: {  	[tilespmem:$0x7F50] =	vst v0  }
0x5b: {  	[tilespmem:$0x7F60] =	vst v0  }
0x5c: {  	[tilespmem:$0x7F70] =	vst v0  }
0x5d: {  	[tilespmem:$0x7F80] =	vst v0  }
0x5e: {  	[tilespmem:$0x7F90] =	vst v0  }
0x5f: {  	[tilespmem:$0x7FA0] =	vst v0  }
0x60: {  	[tilespmem:$0x7FB0] =	vst v0  }
0x61: {  	[tilespmem:$0x7FC0] =	vst v0  }
0x62: {  	[tilespmem:$0x7FD0] =	vst v0  }
0x63: {  	[tilespmem:$0x7FE0] =	vst v0  }
0x64: {  	[tilespmem:$0x7FF0] =	vst v0  }
0x65: {  	[tilespmem:$0x8000] =	vst v0  }
0x66: {  	[tilespmem:$0x8010] =	vst v0  }
0x67: {  	[tilespmem:$0x8020] =	vst v0  }
0x68: {  	[tilespmem:$0x8030] =	vst v0  }
0x69: {  	[tilespmem:$0x8040] =	vst v0  }
0x6a: {  	[tilespmem:$0x8050] =	vst v0  }
0x6b: {  	[tilespmem:$0x8060] =	vst v0  }
0x6c: {  	[tilespmem:$0x8070] =	vst v0  }
0x6d: {  	[tilespmem:$0x8080] =	vst v0  }
0x6e: {  	[tilespmem:$0x8090] =	vst v0  }
0x6f: {  	[tilespmem:$0x80A0] =	vst v0  }
0x70: {  	[tilespmem:$0x80B0] =	vst v0  }
0x71: {  	[tilespmem:$0x80C0] =	vst v0  }
0x72: {  	[tilespmem:$0x80D0] =	vst v0  }
0x73: {  	[tilespmem:$0x80E0] =	vst v0  }
0x74: {  	[tilespmem:$0x80F0] =	vst v0  }
0x75: {  	[tilespmem:$0x8100] =	vst v0  }
0x76: {  	[tilespmem:$0x8110] =	vst v0  }
0x77: {  	[tilespmem:$0x8120] =	vst v0  }
0x78: {  	[tilespmem:$0x8130] =	vst v0  }
0x79: {  	[tilespmem:$0x8140] =	vst v0  }
0x7a: {  	[tilespmem:$0x8150] =	vst v0  }
0x7b: {  	[tilespmem:$0x8160] =	vst v0  }
0x7c: {  	[tilespmem:$0x8170] =	vst v0  }
0x7d: {  	[tilespmem:$0x8180] =	vst v0  }
0x7e: {  	[tilespmem:$0x8190] =	vst v0  }
0x7f: {  	[tilespmem:$0x81A0] =	vst v0  }
0x80: {  	[tilespmem:$0x81B0] =	vst v0  }
0x81: {  	[tilespmem:$0x81C0] =	vst v0  }
0x82: {  	[tilespmem:$0x81D0] =	vst v0  }
0x83: {  	[tilespmem:$0x81E0] =	vst v0  }
0x84: {  	[tilespmem:$0x81F0] =	vst v0  }
0x85: {  	[tilespmem:$0x8200] =	vst v0  }
0x86: {  	[tilespmem:$0x8210] =	vst v0  }
0x87: {  	[tilespmem:$0x8220] =	vst v0  }
0x88: {  	[tilespmem:$0x8230] =	vst v0  }
0x89: {  	[tilespmem:$0x8240] =	vst v0  }
0x8a: {  	[tilespmem:$0x8250] =	vst v0  }
0x8b: {  	[tilespmem:$0x8260] =	vst v0  }
0x8c: {  	[tilespmem:$0x8270] =	vst v0  }
0x8d: {  	[tilespmem:$0x8280] =	vst v0  }
0x8e: {  	[tilespmem:$0x8290] =	vst v0  }
0x8f: {  	[tilespmem:$0x82A0] =	vst v0  }
0x90: {  	[tilespmem:$0x82B0] =	vst v0  }
0x91: {  	[tilespmem:$0x82C0] =	vst v0  }
0x92: {  	[tilespmem:$0x82D0] =	vst v0  }
0x93: {  	[tilespmem:$0x82E0] =	vst v0  }
0x94: {  	[tilespmem:$0x82F0] =	vst v0  }
0x95: {  	[tilespmem:$0x8300] =	vst v0  }
0x96: {  	[tilespmem:$0x8310] =	vst v0  }
0x97: {  	[tilespmem:$0x8320] =	vst v0  }
0x98: {  	[tilespmem:$0x8330] =	vst v0  }
0x99: {  	[tilespmem:$0x8340] =	vst v0  }
0x9a: {  	[tilespmem:$0x8350] =	vst v0  }
0x9b: {  	[tilespmem:$0x8360] =	vst v0  }
0x9c: {  	[tilespmem:$0x8370] =	vst v0  }
0x9d: {  	[tilespmem:$0x8380] =	vst v0  }
0x9e: {  	[tilespmem:$0x8390] =	vst v0  }
0x9f: {  	[tilespmem:$0x83A0] =	vst v0  }
0xa0: {  	[tilespmem:$0x83B0] =	vst v0  }
0xa1: {  	[tilespmem:$0x83C0] =	vst v0  }
0xa2: {  	[tilespmem:$0x83D0] =	vst v0  }
0xa3: {  	[tilespmem:$0x83E0] =	vst v0  }
0xa4: {  	[tilespmem:$0x83F0] =	vst v0  }
0xa5: {  	[tilespmem:$0x8400] =	vst v0  }
0xa6: {  	[tilespmem:$0x8410] =	vst v0  }
0xa7: {  	[tilespmem:$0x8420] =	vst v0  }
0xa8: {  	[tilespmem:$0x8430] =	vst v0  }
0xa9: {  	[tilespmem:$0x8440] =	vst v0  }
0xaa: {  	[tilespmem:$0x8450] =	vst v0  }
0xab: {  	[tilespmem:$0x8460] =	vst v0  }
0xac: {  	[tilespmem:$0x8470] =	vst v0  }
0xad: {  	[tilespmem:$0x8480] =	vst v0  }
0xae: {  	[tilespmem:$0x8490] =	vst v0  }
0xaf: {  	[tilespmem:$0x84A0] =	vst v0  }
0xb0: {  	[tilespmem:$0x84B0] =	vst v0  }
0xb1: {  	[tilespmem:$0x84C0] =	vst v0  }
0xb2: {  	[tilespmem:$0x84D0] =	vst v0  }
0xb3: {  	[tilespmem:$0x84E0] =	vst v0  }
0xb4: {  	[tilespmem:$0x84F0] =	vst v0  }
0xb5: {  	[tilespmem:$0x8500] =	vst v0  }
0xb6: {  	[tilespmem:$0x8510] =	vst v0  }
0xb7: {  	[tilespmem:$0x8520] =	vst v0  }
0xb8: {  	[tilespmem:$0x8530] =	vst v0  }
0xb9: {  	[tilespmem:$0x8540] =	vst v0  }
0xba: {  	[tilespmem:$0x8550] =	vst v0  }
0xbb: {  	[tilespmem:$0x8560] =	vst v0  }
0xbc: {  	[tilespmem:$0x8570] =	vst v0  }
0xbd: {  	[tilespmem:$0x8580] =	vst v0  }
0xbe: {  	[tilespmem:$0x8590] =	vst v0  }
0xbf: {  	[tilespmem:$0x85A0] =	vst v0  }
0xc0: {  	[tilespmem:$0x85B0] =	vst v0  }
0xc1: {  	[tilespmem:$0x85C0] =	vst v0  }
0xc2: {  	[tilespmem:$0x85D0] =	vst v0  }
0xc3: {  	[tilespmem:$0x85E0] =	vst v0  }
0xc4: {  	[tilespmem:$0x85F0] =	vst v0  }
0xc5: {  	[tilespmem:$0x8600] =	vst v0  }
0xc6: {  	[tilespmem:$0x8610] =	vst v0  }
0xc7: {  	[tilespmem:$0x8620] =	vst v0  }
0xc8: {  	[tilespmem:$0x8630] =	vst v0  }
0xc9: {  	[tilespmem:$0x8640] =	vst v0  }
0xca: {  	[tilespmem:$0x8650] =	vst v0  }
0xcb: {  	[tilespmem:$0x8660] =	vst v0  }
0xcc: {  	[tilespmem:$0x8670] =	vst v0  }
0xcd: {  	[tilespmem:$0x8680] =	vst v0  }
0xce: {  	[tilespmem:$0x8690] =	vst v0  }
0xcf: {  	[tilespmem:$0x86A0] =	vst v0  }
0xd0: {  	[tilespmem:$0x86B0] =	vst v0  }
0xd1: {  	[tilespmem:$0x86C0] =	vst v0  }
0xd2: {  	[tilespmem:$0x86D0] =	vst v0  }
0xd3: {  	[tilespmem:$0x86E0] =	vst v0  }
0xd4: {  	[tilespmem:$0x86F0] =	vst v0  }
0xd5: {  	[tilespmem:$0x8700] =	vst v0  }
0xd6: {  	[tilespmem:$0x8710] =	vst v0  }
0xd7: {  	[tilespmem:$0x8720] =	vst v0  }
0xd8: {  	[tilespmem:$0x8730] =	vst v0  }
0xd9: {  	[tilespmem:$0x8740] =	vst v0  }
0xda: {  	[tilespmem:$0x8750] =	vst v0  }
0xdb: {  	[tilespmem:$0x8760] =	vst v0  }
0xdc: {  	[tilespmem:$0x8770] =	vst v0  }
0xdd: {  	[tilespmem:$0x8780] =	vst v0  }
0xde: {  	[tilespmem:$0x8790] =	vst v0  }
0xdf: {  	[tilespmem:$0x87A0] =	vst v0  }
0xe0: {  	[tilespmem:$0x87B0] =	vst v0  }
0xe1: {  	[tilespmem:$0x87C0] =	vst v0  }
0xe2: {  	[tilespmem:$0x87D0] =	vst v0  }
0xe3: {  	[tilespmem:$0x87E0] =	vst v0  }
0xe4: {  	[tilespmem:$0x87F0] =	vst v0  }
0xe5: {  	[tilespmem:$0x8800] =	vst v0  }
0xe6: {  	[tilespmem:$0x8810] =	vst v0  }
0xe7: {  	[tilespmem:$0x8820] =	vst v0  }
0xe8: {  	[tilespmem:$0x8830] =	vst v0  }
0xe9: {  	[tilespmem:$0x8840] =	vst v0  }
0xea: {  	[tilespmem:$0x8850] =	vst v0  }
0xeb: {  	[tilespmem:$0x8860] =	vst v0  }
0xec: {  	[tilespmem:$0x8870] =	vst v0  }
0xed: {  	[tilespmem:$0x8880] =	vst v0  }
0xee: {  	[tilespmem:$0x8890] =	vst v0  }
0xef: {  	[tilespmem:$0x88A0] =	vst v0  }
0xf0: {  	[tilespmem:$0x88B0] =	vst v0  }
0xf1: {  	[tilespmem:$0x88C0] =	vst v0  }
0xf2: {  	[tilespmem:$0x88D0] =	vst v0  }
0xf3: {  	[tilespmem:$0x88E0] =	vst v0  }
0xf4: {  	[tilespmem:$0x88F0] =	vst v0  }
0xf5: {  	[tilespmem:$0x8900] =	vst v0  }
0xf6: {  	[tilespmem:$0x8910] =	vst v0  }
0xf7: {  	[tilespmem:$0x8920] =	vst v0  }
0xf8: {  	[tilespmem:$0x8930] =	vst v0  }
0xf9: {  	[tilespmem:$0x8940] =	vst v0  }
0xfa: {  	[tilespmem:$0x8950] =	vst v0  }
0xfb: {  	[tilespmem:$0x8960] =	vst v0  }
0xfc: {  	[tilespmem:$0x8970] =	vst v0  }
0xfd: {  	[tilespmem:$0x8980] =	vst v0  }
0xfe: {  	[tilespmem:$0x8990] =	vst v0  }
0xff: {  	[tilespmem:$0x89A0] =	vst v0  }
0x100: {  	[tilespmem:$0x89B0] =	vst v0  }
0x101: {  	[tilespmem:$0x89C0] =	vst v0  }
0x102: {  	[tilespmem:$0x89D0] =	vst v0  }
0x103: {  	[tilespmem:$0x89E0] =	vst v0  }
0x104: {  	[tilespmem:$0x89F0] =	vst v0  }
0x105: {  	[tilespmem:$0x8A00] =	vst v0  }
0x106: {  	[tilespmem:$0x8A10] =	vst v0  }
0x107: {  	[tilespmem:$0x8A20] =	vst v0  }
0x108: {  	[tilespmem:$0x8A30] =	vst v0  }
0x109: {  	[tilespmem:$0x8A40] =	vst v0  }
0x10a: {  	[tilespmem:$0x8A50] =	vst v0  }
0x10b: {  	[tilespmem:$0x8A60] =	vst v0  }
0x10c: {  	[tilespmem:$0x8A70] =	vst v0  }
0x10d: {  	[tilespmem:$0x8A80] =	vst v0  }
0x10e: {  	[tilespmem:$0x8A90] =	vst v0  }
0x10f: {  	[tilespmem:$0x8AA0] =	vst v0  }
0x110: {  	[tilespmem:$0x8AB0] =	vst v0  }
0x111: {  	[tilespmem:$0x8AC0] =	vst v0  }
0x112: {  	[tilespmem:$0x8AD0] =	vst v0  }
0x113: {  	[tilespmem:$0x8AE0] =	vst v0  }
0x114: {  	[tilespmem:$0x8AF0] =	vst v0  }
0x115: {  	[tilespmem:$0x8B00] =	vst v0  }
0x116: {  	[tilespmem:$0x8B10] =	vst v0  }
0x117: {  	[tilespmem:$0x8B20] =	vst v0  }
0x118: {  	[tilespmem:$0x8B30] =	vst v0  }
0x119: {  	[tilespmem:$0x8B40] =	vst v0  }
0x11a: {  	[tilespmem:$0x8B50] =	vst v0  }
0x11b: {  	[tilespmem:$0x8B60] =	vst v0  }
0x11c: {  	[tilespmem:$0x8B70] =	vst v0  }
0x11d: {  	[tilespmem:$0x8B80] =	vst v0  }
0x11e: {  	[tilespmem:$0x8B90] =	vst v0  }
0x11f: {  	[tilespmem:$0x8BA0] =	vst v0  }
0x120: {  	[tilespmem:$0x8BB0] =	vst v0  }
0x121: {  	[tilespmem:$0x8BC0] =	vst v0  }
0x122: {  	[tilespmem:$0x8BD0] =	vst v0  }
0x123: {  	[tilespmem:$0x8BE0] =	vst v0  }
0x124: {  	[tilespmem:$0x8BF0] =	vst v0  }
0x125: {  	[tilespmem:$0x8C00] =	vst v0  }
0x126: {  	[tilespmem:$0x8C10] =	vst v0  }
0x127: {  	[tilespmem:$0x8C20] =	vst v0  }
0x128: {  	[tilespmem:$0x8C30] =	vst v0  }
0x129: {  	[tilespmem:$0x8C40] =	vst v0  }
0x12a: {  	[tilespmem:$0x8C50] =	vst v0  }
0x12b: {  	[tilespmem:$0x8C60] =	vst v0  }
0x12c: {  	[tilespmem:$0x8C70] =	vst v0  }
0x12d: {  	[tilespmem:$0x8C80] =	vst v0  }
0x12e: {  	[tilespmem:$0x8C90] =	vst v0  }
0x12f: {  	[tilespmem:$0x8CA0] =	vst v0  }
0x130: {  	[tilespmem:$0x8CB0] =	vst v0  }
0x131: {  	[tilespmem:$0x8CC0] =	vst v0  }
0x132: {  	[tilespmem:$0x8CD0] =	vst v0  }
0x133: {  	[tilespmem:$0x90D0] =	vst v0  }
0x134: {  	[tilespmem:$0x90B0] =	vst v0  }
0x135: {  	[tilespmem:$0x8CF0] =	vst v0  }
0x136: {  	[tilespmem:$0x8D00] =	vst v0  }
0x137: {  	[tilespmem:$0x8D10] =	vst v0  }
0x138: {  	[tilespmem:$0x8D20] =	vst v0  }
0x139: {  	[tilespmem:$0x8D30] =	vst v0  }
0x13a: {  	[tilespmem:$0x8D40] =	vst v0  }
0x13b: {  	[tilespmem:$0x8D50] =	vst v0  }
0x13c: {  	[tilespmem:$0x8D60] =	vst v0  }
0x13d: {  	[tilespmem:$0x8D70] =	vst v0  }
0x13e: {  	[tilespmem:$0x8D80] =	vst v0  }
0x13f: {  	[tilespmem:$0x8D90] =	vst v0  }
0x140: {  	[tilespmem:$0x8DA0] =	vst v0  }
0x141: {  	[tilespmem:$0x8DB0] =	vst v0  }
0x142: {  	[tilespmem:$0x8DC0] =	vst v0  }
0x143: {  	[tilespmem:$0x8DD0] =	vst v0  }
0x144: {  	[tilespmem:$0x8DE0] =	vst v0  }
0x145: {  	[tilespmem:$0x8DF0] =	vst v0  }
0x146: {  	[tilespmem:$0x8E00] =	vst v0  }
0x147: {  	[tilespmem:$0x8E10] =	vst v0  }
0x148: {  	[tilespmem:$0x8E20] =	vst v0  }
0x149: {  	[tilespmem:$0x8E30] =	vst v0  }
0x14a: {  	[tilespmem:$0x8E40] =	vst v0  }
0x14b: {  	[tilespmem:$0x8E50] =	vst v0  }
0x14c: {  	[tilespmem:$0x8E60] =	vst v0  }
0x14d: {  	[tilespmem:$0x8E70] =	vst v0  }
0x14e: {  	[tilespmem:$0x8E80] =	vst v0  }
0x14f: {  	[tilespmem:$0x8E90] =	vst v0  }
0x150: {  	[tilespmem:$0x8EA0] =	vst v0  }
0x151: {  	[tilespmem:$0x8EB0] =	vst v0  }
0x152: {  	[tilespmem:$0x8EC0] =	vst v0  }
0x153: {  	[tilespmem:$0x8ED0] =	vst v0  }
0x154: {  	[tilespmem:$0x8EE0] =	vst v0  }
0x155: {  	[tilespmem:$0x8EF0] =	vst v0  }
0x156: {  	[tilespmem:$0x8F00] =	vst v0  }
0x157: {  	[tilespmem:$0x8F10] =	vst v0  }
0x158: {  	[tilespmem:$0x8F20] =	vst v0  }
0x159: {  	[tilespmem:$0x8F30] =	vst v0  }
0x15a: {  	[tilespmem:$0x8F40] =	vst v0  }
0x15b: {  	[tilespmem:$0x8F50] =	vst v0  }
0x15c: {  	[tilespmem:$0x8F60] =	vst v0  }
0x15d: {  	[tilespmem:$0x8F70] =	vst v0  }
0x15e: {  	[tilespmem:$0x8F80] =	vst v0  }
0x15f: {  	[tilespmem:$0x8F90] =	vst v0  }
0x160: {  	[tilespmem:$0x8FA0] =	vst v0  }
0x161: {  	[tilespmem:$0x8FB0] =	vst v0  }
0x162: {  	[tilespmem:$0x8FC0] =	vst v0  }
0x163: {  	[tilespmem:$0x8FD0] =	vst v0  }
0x164: {  	[tilespmem:$0x8FE0] =	vst v0  }
0x165: {  	[tilespmem:$0x8FF0] =	vst v0  }
0x166: {  	[tilespmem:$0x9000] =	vst v0  }
0x167: {  	[tilespmem:$0x9010] =	vst v0  }
0x168: {  	[tilespmem:$0x9020] =	vst v0  }
0x169: {  	[tilespmem:$0x9030] =	vst v0  }
0x16a: {  	[tilespmem:$0x9040] =	vst v0  }
0x16b: {  	[tilespmem:$0x9050] =	vst v0  }
0x16c: {  	[tilespmem:$0x9060] =	vst v0  }
0x16d: {  	[tilespmem:$0x9070] =	vst v0  }
0x16e: {  	[tilespmem:$0x9080] =	vst v0  }
0x16f: {  	[tilespmem:$0x9090] =	vst v0  }
0x170: {  	[tilespmem:$0x90A0] =	vst v0  }
0x171: {  	s30 =	rddreg [dreg:$0x9];
	[tilespmem:$0x8CE0] =	vst v0  }
0x172: {  	[tilespmem:$0x90C0] =	vst v0;
	p1 =	sne.s32 s30, $0x1  }
.Ltmp0:
0x173: {  	[tilespmem:$0x90E0] =	vst v0;
	(pc) =	sbr.rel @!p1 .LBB2_3-.Ltmp0, $4  }
0x174: {  	[tilespmem:$0x90F0] =	vst v0  }
0x175: {  	[spmem:s17] =	stream.linear.scatter [tilespmem:s4], [sflag:$0xB], $0x1400, $0x38;
	[tilespmem:$0x1DE80] =	vst v63  }
0x176: {  	_ =	swait.ge [sflag:s31], $0x1400  }
0x177: {  	s16 =	smov.u32 s17;
	s11 =	sadd.s32 $0xFFFFFFFF, s30;
	[sflag:s31] =	ssyncset.done $0x0  }
.LBB2_2:
0x178: {  	p1 =	sne.s32 s11, $0x1;
	[sflag:s31] =	ssyncadd.s32 $0xFFFFEC00;
	s16 =	sadd.s32 $0x1400, s16  }
.Ltmp1:
0x179: {  	s11 =	sadd.s32 $0xFFFFFFFF, s11;
	(pc) =	sbr.rel @p1 .LBB2_2-.Ltmp1, $4  }
0x17a: {  	_ = 	snop  }
0x17b: {  	[spmem:s16] =	stream.linear.scatter [tilespmem:s4], [sflag:$0xB], $0x1400, $0x38;
	[tilespmem:$0x1DE80] =	vst v63  }
0x17c: {  	_ =	swait.ge [sflag:s31], $0x1400  }
0x17d: {  	[sflag:s31] =	ssyncset.done $0x0  }
.LBB2_3:
0x17e: {  	[sflag:s31] =	ssyncadd.s32 $0xFFFFEC00;
	s11 =	simm.s32 @!p0 $0x7D00;
	s16 =	rddreg [dreg:$0x13]  }
0x17f: {  	[spmem:s16] =	stream.linear.scatter @!p0 [tilespmem:s11], [sflag:$0xB], $0x1000, $0x38;
	[tilespmem:$0x1DE80] =	vst v63  }
0x180: {  	s11 =	simm.s32 @!p0 $0xB  }
0x181: {  	_ =	swait.ge @!p0 [sflag:s11], $0x1000  }
0x182: {  	[sflag:s11] =	ssyncset.done @!p0 $0x0  }
0x183: {  	s17 =	simm.s32 $0x1;
	[sflag:s11] =	ssyncadd.s32 @!p0 $0xFFFFF000  }
0x184: {  	_ =	swait.ge [sflag:s17], $0x28  }
0x185: {  	[sflag:s17] =	ssyncset.done $0x0  }
0x186: {  	[sflag:s17] =	ssyncadd.s32 $0xFFFFFFD8  }
0x187: {  	_ =	swait.ge [sflag:s17], $0x28  }
0x188: {  	[sflag:s17] =	ssyncset.done $0x0  }
0x189: {  	[sflag:s17] =	ssyncadd.s32 $0xFFFFFFD8  }
0x18a: {  	_ =	swait.ge [sflag:s17], $0x28  }
0x18b: {  	[sflag:s17] =	ssyncset.done $0x0  }
0x18c: {  	[sflag:s17] =	ssyncadd.s32 $0xFFFFFFD8  }
0x18d: {  	_ =	swait.ge [sflag:s17], $0x28  }
0x18e: {  	[sflag:s17] =	ssyncset.done $0x0  }
0x18f: {  	[sflag:s17] =	ssyncadd.s32 $0xFFFFFFD8  }
0x190: {  	v10 =	vld [tilespmem:$0x300]  }
0x191: {  	v11 =	vld [tilespmem:$0x310]  }
0x192: {  	v12 =	vld [tilespmem:$0x318];
	_ =	sdelay $0x2  }
0x193: {  	[tilespmem:$0x400] =	vst v10  }
0x194: {  	[tilespmem:$0x410] =	vst v11  }
0x195: {  	s18 =	simm.s32 $0x500;
	s11 =	simm.s32 $0x0;
	[tilespmem:$0x418] =	vst v12  }
0x196: {  	[tilespmem:s18], [sflag:$0x5] =	stream.indirect.gather [hbm4b:s1+s12], $0x80, s11, s12, $0xb8;
	[tilespmem:$0x1DE80] =	vst v63  }
0x197: {  	s30 =	simm.s32 $0x2D00  }
0x198: {  	[tilespmem:s30], [sflag:$0x6] =	stream.indirect.gather [hbm4b:s9+s12], $0x80, s19, s12, $0xb8;
	[tilespmem:$0x1DE80] =	vst v63  }
0x199: {  	s17 =	simm.s32 $0x5500  }
0x19a: {  	[tilespmem:s17], [sflag:$0x7] =	stream.indirect.gather [hbm4b:s10+s12], $0x80, s25, s12, $0xb8;
	[tilespmem:$0x1DE80] =	vst v63  }
0x19b: {  	s18 =	rddreg [dreg:$0xb]  }
0x19c: {  	[tilespmem:s13], [sflag:$0x2] =	stream.linear.gather [hbm4b:s18+s11], $0x28, $0x38;
	[tilespmem:$0x1DE80] =	vst v63  }
0x19d: {  	s19 =	rddreg [dreg:$0xc]  }
0x19e: {  	[tilespmem:s14], [sflag:$0x2] =	stream.linear.gather [hbm4b:s19+s11], $0x28, $0x38;
	[tilespmem:$0x1DE80] =	vst v63  }
0x19f: {  	s25 =	rddreg [dreg:$0xe]  }
0x1a0: {  	[tilespmem:s15], [sflag:$0x2] =	stream.linear.gather [hbm4b:s25+s11], $0x28, $0x38;
	[tilespmem:$0x1DE80] =	vst v63  }
0x1a1: {  	s30 =	rddreg [dreg:$0xf];
	s17 =	simm.s32 $0x380  }
0x1a2: {  	[tilespmem:s17], [sflag:$0x2] =	stream.linear.gather [hbm4b:s30+s11], $0x28, $0x38;
	[tilespmem:$0x1DE80] =	vst v63  }
0x1a3: {  	[bflag:$0x0] =	sbarrier.arrive $0xFFFF  }
.LBB2_4:
0x1a4: {  	_ =	swait.ge [sflag:s0], $0x28  }
0x1a5: {  	[sflag:s0] =	ssyncset.done $0x0  }
0x1a6: {  	[sflag:s0] =	ssyncadd.s32 $0xFFFFFFD8  }
0x1a7: {  	_ =	swait.ge [sflag:s0], $0x28  }
0x1a8: {  	[sflag:s0] =	ssyncset.done $0x0  }
0x1a9: {  	[sflag:s0] =	ssyncadd.s32 $0xFFFFFFD8  }
0x1aa: {  	_ =	swait.ge [sflag:s0], $0x28  }
0x1ab: {  	[sflag:s0] =	ssyncset.done $0x0  }
0x1ac: {  	[sflag:s0] =	ssyncadd.s32 $0xFFFFFFD8  }
0x1ad: {  	_ =	swait.ge [sflag:s0], $0x28  }
0x1ae: {  	p1 =	seq.s32 s11, $0x0;
	[sflag:s0] =	ssyncset.done $0x0  }
0x1af: {  	s16 =	simm.s32 @!p1 $0x4;
	[sflag:s0] =	ssyncadd.s32 $0xFFFFFFD8  }
0x1b0: {  	_ =	swait.ge @!p1 [sflag:s16], $0x1400  }
0x1b1: {  	[sflag:s16] =	ssyncset.done @!p1 $0x0  }
0x1b2: {  	[sflag:s16] =	ssyncadd.s32 @!p1 $0xFFFFEC00  }
0x1b3: {  	v10 =	vld [tilespmem:$0x380]  }
0x1b4: {  	v11 =	vld [tilespmem:$0x390]  }
0x1b5: {  	v12 =	vld [tilespmem:$0x398];
	_ =	sdelay $0x2  }
0x1b6: {  	[tilespmem:$0x480] =	vst v10  }
0x1b7: {  	[tilespmem:$0x490] =	vst v11  }
0x1b8: {  	s18 =	simm.s32 $0x1900;
	[tilespmem:$0x498] =	vst v12  }
0x1b9: {  	[tilespmem:s18], [sflag:$0x8] =	stream.indirect.gather [hbm4b:s1+s12], $0x80, s13, s12, $0xb8;
	[tilespmem:$0x1DE80] =	vst v63  }
0x1ba: {  	s19 =	simm.s32 $0x4100  }
0x1bb: {  	[tilespmem:s19], [sflag:$0x9] =	stream.indirect.gather [hbm4b:s9+s12], $0x80, s14, s12, $0xb8;
	[tilespmem:$0x1DE80] =	vst v63  }
0x1bc: {  	s25 =	simm.s32 $0x6900  }
0x1bd: {  	[tilespmem:s25], [sflag:$0xA] =	stream.indirect.gather [hbm4b:s10+s12], $0x80, s15, s12, $0xb8;
	[tilespmem:$0x1DE80] =	vst v63  }
0x1be: {  	_ =	swait.ge [sflag:s20], $0x1400  }
0x1bf: {  	[sflag:s20] =	ssyncset.done $0x0  }
0x1c0: {  	[sflag:s20] =	ssyncadd.s32 $0xFFFFEC00  }
0x1c1: {  	p1 =	seq.s32 s11, $0x7C;
	_ =	swait.ge [sflag:s21], $0x1400  }
0x1c2: {  	s17 =	smul.u32 @!p1 $0x50, s11;
	[sflag:s21] =	ssyncset.done $0x0  }
0x1c3: {  	[sflag:s21] =	ssyncadd.s32 $0xFFFFEC00  }
0x1c4: {  	s16 =	sadd.s32 @!p1 s17, s23;
	_ =	swait.ge [sflag:s22], $0x1400  }
0x1c5: {  	s16 =	sshrl.u32 @!p1 s16, $0x3;
	[sflag:s22] =	ssyncset.done $0x0  }
0x1c6: {  	s18 =	sadd.s32 @!p1 s5, s16;
	s19 =	simm.s32 @!p1 $0x0;
	[sflag:s22] =	ssyncadd.s32 $0xFFFFEC00  }
0x1c7: {  	[tilespmem:s19], [sflag:$0x1] =	stream.linear.gather @!p1 [hbm4b:s18+s19], $0x28, $0x38;
	[tilespmem:$0x1DE80] =	vst v63  }
0x1c8: {  	s25 =	simm.s32 @!p1 $0x100;
	s18 =	sadd.s32 @!p1 s6, s16  }
0x1c9: {  	[tilespmem:s25], [sflag:$0x1] =	stream.linear.gather @!p1 [hbm4b:s18+s19], $0x28, $0x38;
	[tilespmem:$0x1DE80] =	vst v63  }
0x1ca: {  	s18 =	sadd.s32 @!p1 s7, s16;
	s25 =	simm.s32 @!p1 $0x200  }
0x1cb: {  	[tilespmem:s25], [sflag:$0x1] =	stream.linear.gather @!p1 [hbm4b:s18+s19], $0x28, $0x38;
	[tilespmem:$0x1DE80] =	vst v63  }
0x1cc: {  	s16 =	sadd.s32 @!p1 s8, s16;
	s18 =	simm.s32 @!p1 $0x300  }
0x1cd: {  	[tilespmem:s18], [sflag:$0x1] =	stream.linear.gather @!p1 [hbm4b:s16+s19], $0x28, $0x38;
	[tilespmem:$0x1DE80] =	vst v63  }
0x1ce: {  	s18 =	simm.s32 $0x0  }
0x1cf: {  	v10 =	vld [tilespmem:s18+$0x530]  }
0x1d0: {  	v11 =	vld [tilespmem:s18+$0x500]  }
0x1d1: {  	v12 =	vld [tilespmem:s18+$0x2D00]  }
0x1d2: {  	v13 =	vld [tilespmem:s18+$0x520]  }
0x1d3: {  	v14 =	vld [tilespmem:s18+$0x510]  }
0x1d4: {  	v15 =	vld [tilespmem:s18+$0x5500]  }
0x1d5: {  	v16 =	vld [tilespmem:s18+$0x2D10]  }
0x1d6: {  	v11 =	vadd.bf16 v12, v11;
	v12 =	vld [tilespmem:s18+$0x5510]  }
0x1d7: {  	v17 =	vld [tilespmem:s18+$0x2D20]  }
0x1d8: {  	v19 =	vld [tilespmem:s18+$0x5520];
	v18 =	vshll.u32 v11, $0x10  }
0x1d9: {  	v20 =	vld [tilespmem:s18+$0x2D30];
	v15 =	vadd.f32 v18, v15  }
0x1da: {  	v14 =	vadd.bf16 v16, v14;
	v16 =	vld [tilespmem:s18+$0x5530];
	v11 =	vand.u32 $0xFFFF0000, v11  }
0x1db: {  	v21 =	vld [tilespmem:s18+$0x5540];
	v15 =	vmax.f32 v15, $0.0e+00;
	v11 =	vadd.f32 v11, v12  }
0x1dc: {  	v22 =	vld [tilespmem:s18+$0x2D40];
	v12 =	vmul.f32 v15, v1;
	v15 =	vshll.u32 v14, $0x10  }
0x1dd: {  	v23 =	vld [tilespmem:s18+$0x2D60];
	v13 =	vadd.bf16 v17, v13;
	v11 =	vmax.f32 v11, $0.0e+00;
	v15 =	vadd.f32 v15, v19  }
0x1de: {  	s30 =	simm.s32 $0x80;
	v17 =	vld [tilespmem:s18+$0x5550];
	v14 =	vand.u32 $0xFFFF0000, v14;
	v12 =	vadd.f32 v12, v9;
	v11 =	vmul.f32 v11, v2  }
0x1df: {  	v24 =	vld [tilespmem:s30+$0x5500];
	v14 =	vadd.f32 v14, v16;
	v15 =	vmax.f32 v15, $0.0e+00  }
0x1e0: {  	v16 =	vld [tilespmem:s18+$0x5560];
	v11 =	vadd.f32 v12, v11;
	v12 =	vmul.f32 v15, v3;
	v15 =	vshll.u32 v13, $0x10  }
0x1e1: {  	v25 =	vld [tilespmem:s30+$0x5510];
	v10 =	vadd.bf16 v20, v10;
	v14 =	vmax.f32 v14, $0.0e+00;
	v15 =	vadd.f32 v15, v21  }
0x1e2: {  	v13 =	vand.u32 $0xFFFF0000, v13;
	v11 =	vadd.f32 v12, v11;
	v12 =	vmul.f32 v14, v4;
	v14 =	vld [tilespmem:s18+$0x5570]  }
0x1e3: {  	v27 =	vld [tilespmem:s30+$0x540];
	v13 =	vadd.f32 v13, v17;
	v15 =	vmax.f32 v15, $0.0e+00  }
0x1e4: {  	v29 =	vld [tilespmem:s30+$0x550];
	v17 =	vshll.u32 v10, $0x10;
	v11 =	vadd.f32 v11, v12;
	v12 =	vmul.f32 v15, v5  }
0x1e5: {  	v30 =	vld [tilespmem:s30+$0x560];
	v13 =	vmax.f32 v13, $0.0e+00;
	v15 =	vadd.f32 v17, v16  }
0x1e6: {  	v32 =	vld [tilespmem:s18+$0x2D70];
	v10 =	vand.u32 $0xFFFF0000, v10;
	v11 =	vadd.f32 v12, v11;
	v12 =	vmul.f32 v13, v6  }
0x1e7: {  	v21 =	vld [tilespmem:s18+$0x560];
	v15 =	vmax.f32 v15, $0.0e+00;
	v10 =	vadd.f32 v10, v14  }
0x1e8: {  	v14 =	vld [tilespmem:s30+$0x500];
	v11 =	vadd.f32 v11, v12;
	v12 =	vmul.f32 v15, v7  }
0x1e9: {  	v15 =	vld [tilespmem:s30+$0x2D00];
	v10 =	vmax.f32 v10, $0.0e+00  }
0x1ea: {  	v16 =	vld [tilespmem:s30+$0x530];
	v11 =	vadd.f32 v12, v11;
	v10 =	vmul.f32 v10, v8  }
0x1eb: {  	v17 =	vld [tilespmem:s30+$0x520]  }
0x1ec: {  	v12 =	vld [tilespmem:s30+$0x510];
	v10 =	vadd.f32 v11, v10  }
0x1ed: {  	v11 =	vld [tilespmem:s30+$0x2D10]  }
0x1ee: {  	v13 =	vld [tilespmem:s30+$0x2D30];
	v14 =	vadd.bf16 v15, v14;
	(xrf2) =	vadd.scan.msk.f32 $0xffff, v10  }
0x1ef: {  	v15 =	vld [tilespmem:s30+$0x5520]  }
0x1f0: {  	v10 =	vld [tilespmem:s30+$0x2D20];
	v26 =	vshll.u32 v14, $0x10  }
0x1f1: {  	v20 =	vld [tilespmem:s18+$0x2D50];
	v24 =	vadd.f32 v26, v24  }
0x1f2: {  	v14 =	vand.u32 $0xFFFF0000, v14;
	v26 =	vld [tilespmem:s30+$0x5530];
	v11 =	vadd.bf16 v11, v12  }
0x1f3: {  	v18 =	vld [tilespmem:s18+$0x540];
	v21 =	vadd.bf16 v23, v21;
	v14 =	vadd.f32 v14, v25;
	v24 =	vmax.f32 v24, $0.0e+00  }
0x1f4: {  	v13 =	vadd.bf16 v13, v16;
	v25 =	vld [tilespmem:s30+$0x5540];
	v24 =	vmul.f32 v24, v1;
	v28 =	vshll.u32 v11, $0x10  }
0x1f5: {  	v19 =	vld [tilespmem:s18+$0x550];
	v14 =	vmax.f32 v14, $0.0e+00;
	v10 =	vadd.bf16 v10, v17;
	v15 =	vadd.f32 v28, v15  }
0x1f6: {  	v17 =	vld [tilespmem:s30+$0x5550];
	v14 =	vmul.f32 v14, v2;
	v11 =	vand.u32 $0xFFFF0000, v11;
	v24 =	vadd.f32 v24, v9  }
0x1f7: {  	v31 =	vshll.u32 v13, $0x10;
	v12 =	vld [tilespmem:s30+$0x2D40];
	v11 =	vadd.f32 v11, v26;
	v15 =	vmax.f32 v15, $0.0e+00  }
0x1f8: {  	s19 =	simm.s32 $0x100;
	v28 =	vld [tilespmem:s30+$0x5560];
	v14 =	vadd.f32 v24, v14;
	v15 =	vmul.f32 v15, v3;
	v24 =	vshll.u32 v10, $0x10;
	v26, _, _ =	vpop (xrf2)  }
0x1f9: {  	v23 =	vld [tilespmem:s19+$0x510];
	v11 =	vmax.f32 v11, $0.0e+00;
	v24 =	vadd.f32 v24, v25;
	v25 =	vsub.f32 $0.0e+00, v26  }
0x1fa: {  	v10 =	vand.u32 $0xFFFF0000, v10;
	v11 =	vmul.f32 v11, v4;
	v26 =	vld [tilespmem:s30+$0x5570];
	v14 =	vadd.f32 v15, v14  }
0x1fb: {  	v16 =	vld [tilespmem:s30+$0x2D50];
	v10 =	vadd.f32 v10, v17;
	v24 =	vmax.f32 v24, $0.0e+00;
	v17 =	vmul.f32 $1.442695020e+00, v25  }
0x1fc: {  	v12 =	vadd.bf16 v12, v27;
	v27 =	vld [tilespmem:s19+$0x2D10];
	v11 =	vadd.f32 v14, v11;
	v14 =	vmul.f32 v24, v5  }
0x1fd: {  	v15 =	vld [tilespmem:s30+$0x2D60];
	v10 =	vmax.f32 v10, $0.0e+00;
	v24 =	vadd.f32 v31, v28;
	v17 =	vbroadcast v17, $0xF  }
0x1fe: {  	v13 =	vand.u32 $0xFFFF0000, v13;
	v25 =	vld [tilespmem:s18+$0x570];
	v10 =	vmul.f32 v10, v6;
	v11 =	vadd.f32 v14, v11  }
0x1ff: {  	v28 =	vld [tilespmem:s19+$0x530];
	v14 =	vmax.f32 v24, $0.0e+00;
	v13 =	vadd.f32 v13, v26;
	(erf) = vpow2.f32 v17  }
0x200: {  	v26 =	vld [tilespmem:s19+$0x500];
	v10 =	vadd.f32 v11, v10;
	v11 =	vmul.f32 v14, v7  }
0x201: {  	v19 =	vadd.bf16 v20, v19;
	v14 =	vld [tilespmem:s19+$0x2D00];
	v13 =	vmax.f32 v13, $0.0e+00  }
0x202: {  	v31 =	vld [tilespmem:s19+$0x2D30];
	v10 =	vadd.f32 v11, v10;
	v11 =	vmul.f32 v13, v8  }
0x203: {  	v34 =	vld [tilespmem:s19+$0x5500];
	v18 =	vadd.bf16 v22, v18;
	v20 =	vshll.u32 v19, $0x10;
	v19 =	vand.u32 $0xFFFF0000, v19  }
0x204: {  	v35 =	vld [tilespmem:s19+$0x5520];
	v22 =	vshll.u32 v21, $0x10;
	v16 =	vadd.bf16 v16, v29;
	v11 =	vadd.f32 v10, v11  }
0x205: {  	v54 =	vld [tilespmem:s19+$0x5530];
	v23 =	vadd.bf16 v27, v23;
	v24 =	vand.u32 $0xFFFF0000, v21;
	v15 =	vadd.bf16 v15, v30  }
0x206: {  	v29 =	vld [tilespmem:s19+$0x5510];
	v17 =	vshll.u32 v18, $0x10;
	v18 =	vand.u32 $0xFFFF0000, v18;
	v26 =	vadd.bf16 v14, v26;
	(xrf2) =	vadd.scan.msk.f32 $0xffff, v11  }
0x207: {  	v21 =	vadd.bf16 v32, v25;
	v31 =	vadd.bf16 v31, v28;
	v28 =	vshll.u32 v23, $0x10  }
0x208: {  	v33 =	vld [tilespmem:s19+$0x520];
	v13 =	vshll.u32 v16, $0x10;
	v14 =	vand.u32 $0xFFFF0000, v16;
	v16 =	vshll.u32 v26, $0x10;
	v25 =	vpop (erf)  }
0x209: {  	v30 =	vld [tilespmem:s19+$0x2D20];
	v23 =	vand.u32 $0xFFFF0000, v23;
	v16 =	vadd.f32 v16, v34;
	v25 =	vadd.f32 $1.000000000e+00, v25  }
0x20a: {  	v37 =	vld [tilespmem:s19+$0x540];
	v28 =	vadd.f32 v28, v35;
	v32 =	vadd.f32 v23, v54;
	v26 =	vand.u32 $0xFFFF0000, v26  }
0x20b: {  	v38 =	vld [tilespmem:s19+$0x2D40];
	v26 =	vadd.f32 v26, v29;
	v16 =	vmax.f32 v16, $0.0e+00;
	(erf) = vrcp.f32 v25  }
0x20c: {  	v27 =	vld [tilespmem:s19+$0x5540];
	v57 =	vshll.u32 v31, $0x10;
	v63 =	vand.u32 $0xFFFF0000, v31;
	v25 =	vmul.f32 v16, v1  }
0x20d: {  	v55 =	vld [tilespmem:s19+$0x5550];
	v10 =	vshll.u32 v12, $0x10;
	v28 =	vmax.f32 v28, $0.0e+00;
	v26 =	vmax.f32 v26, $0.0e+00  }
0x20e: {  	v56 =	vld [tilespmem:s19+$0x5560];
	v29 =	vadd.bf16 v30, v33;
	v26 =	vmul.f32 v26, v2;
	v25 =	vadd.f32 v25, v9  }
0x20f: {  	v59 =	vld [tilespmem:s19+$0x5570];
	v12 =	vand.u32 $0xFFFF0000, v12;
	v32 =	vmax.f32 v32, $0.0e+00;
	v28 =	vmul.f32 v28, v3  }
0x210: {  	s25 =	simm.s32 $0x180;
	v23 =	vld [tilespmem:s19+$0x2D50];
	v32 =	vmul.f32 v32, v4;
	v36 =	vshll.u32 v29, $0x10;
	v26 =	vadd.f32 v25, v26;
	v39, _, _ =	vpop (xrf2)  }
0x211: {  	v31 =	vld [tilespmem:s25+$0x2D30];
	v11 =	vshll.u32 v15, $0x10;
	v27 =	vadd.f32 v36, v27;
	v58 =	vsub.f32 $0.0e+00, v39  }
0x212: {  	v30 =	vand.u32 $0xFFFF0000, v21;
	v29 =	vand.u32 $0xFFFF0000, v29;
	v16 =	vld [tilespmem:s19+$0x550];
	v28 =	vadd.f32 v28, v26  }
0x213: {  	v29 =	vadd.f32 v29, v55;
	v40 =	vmax.f32 v27, $0.0e+00;
	v25 =	vld [tilespmem:s19+$0x560];
	v60 =	vmul.f32 $1.442695020e+00, v58  }
0x214: {  	v34 =	vadd.f32 v57, v56;
	v40 =	vmul.f32 v40, v5;
	v26 =	vld [tilespmem:s19+$0x2D60];
	v61 =	vadd.f32 v28, v32;
	v32 =	vpop (erf)  }
0x215: {  	v27 =	vld [tilespmem:s30+$0x570];
	v29 =	vmax.f32 v29, $0.0e+00;
	v33 =	vbroadcast v60, $0xF;
	v62 =	vmul.f32 v30, v32  }
0x216: {  	v15 =	vand.u32 $0xFFFF0000, v15;
	v29 =	vmul.f32 v29, v6;
	v28 =	vld [tilespmem:s30+$0x2D70];
	v36 =	vadd.f32 v40, v61  }
0x217: {  	v41 =	vmax.f32 v34, $0.0e+00;
	v34 =	vadd.f32 v63, v59;
	v30 =	vld [tilespmem:s25+$0x530];
	(erf) = vpow2.f32 v33;
	[tilespmem:s18+$0x7D70] =	vst v62  }
0x218: {  	s16 =	simm.s32 $0x800;
	v35 =	vadd.f32 v36, v29;
	v36 =	vmul.f32 v41, v7;
	v29 =	vadd.bf16 v38, v37;
	v33 =	vld [tilespmem:s25+$0x500]  }
.LBB2_5:
0x219: {  	p2 =	sne.s32 s16, $0x4E00;
	v37 =	vld [tilespmem:s25+$0x2D00];
	v34 =	vmax.f32 v34, $0.0e+00;
	v16 =	vadd.bf16 v23, v16;
	v23 =	vadd.bf16 v26, v25  }
0x21a: {  	v25 =	vld [tilespmem:s25+$0x520];
	v26 =	vadd.f32 v36, v35;
	v34 =	vmul.f32 v34, v8;
	v35 =	vshll.u32 v29, $0x10  }
0x21b: {  	v29 =	vand.u32 $0xFFFF0000, v29;
	v36 =	vld [tilespmem:s25+$0x510];
	v38 =	vshll.u32 v16, $0x10;
	v16 =	vand.u32 $0xFFFF0000, v16  }
0x21c: {  	v39 =	vld [tilespmem:s25+$0x5500];
	v26 =	vadd.f32 v26, v34;
	v34 =	vshll.u32 v23, $0x10;
	v23 =	vand.u32 $0xFFFF0000, v23  }
0x21d: {  	v41 =	vmul.f32 v17, v32;
	v42 =	vmul.f32 v18, v32;
	v43 =	vshll.u32 v21, $0x10;
	v17 =	vmovc v10;
	v10 =	vmovc v35;
	v40 =	vld [tilespmem:s25+$0x2D10]  }
0x21e: {  	v44 =	vmul.f32 v20, v32;
	v33 =	vadd.bf16 v37, v33;
	v35 =	vld [tilespmem:s25+$0x5510];
	(xrf2) =	vadd.scan.msk.f32 $0xffff, v26;
	v26 =	vmul.f32 v19, v32  }
0x21f: {  	v22 =	vmul.f32 v22, v32;
	v24 =	vmul.f32 v24, v32;
	v18 =	vmovc v12;
	v12 =	vmov v29;
	v37 =	vld [tilespmem:s25+$0x2D20];
	[tilespmem:s18+$0x7D00] =	vst v41  }
0x220: {  	v21 =	vadd.bf16 v28, v27;
	v28 =	vmul.f32 v43, v32;
	v41 =	vshll.u32 v33, $0x10;
	v29 =	vld [tilespmem:s25+$0x5520];
	v27 =	vpop (erf);
	[tilespmem:s18+$0x7D10] =	vst v42  }
0x221: {  	v20 =	vmovc v13;
	v13 =	vmovc v38;
	v19 =	vmov v14;
	v32 =	vadd.f32 v41, v39;
	v39 =	vld [tilespmem:s25+$0x540];
	v27 =	vadd.f32 $1.000000000e+00, v27;
	[tilespmem:s18+$0x7D20] =	vst v44  }
0x222: {  	v31 =	vadd.bf16 v31, v30;
	v14 =	vmovc v16;
	v33 =	vand.u32 $0xFFFF0000, v33;
	v36 =	vadd.bf16 v40, v36;
	v38 =	vld [tilespmem:s25+$0x5530];
	[tilespmem:s18+$0x7D30] =	vst v26  }
0x223: {  	v16 =	vmax.f32 v32, $0.0e+00;
	v26 =	vadd.f32 v33, v35;
	v40 =	vld [tilespmem:s25+$0x2D40];
	(erf) = vrcp.f32 v27;
	[tilespmem:s18+$0x7D40] =	vst v22;
	v22 =	vmovc v11;
	v11 =	vmovc v34  }
0x224: {  	v27 =	vmul.f32 v16, v1;
	v16 =	vshll.u32 v36, $0x10;
	v30 =	vadd.bf16 v37, v25;
	v25 =	vld [tilespmem:s25+$0x5540];
	[tilespmem:s18+$0x7D50] =	vst v24;
	v24 =	vmovc v15  }
0x225: {  	v33 =	vand.u32 $0xFFFF0000, v21;
	v15 =	vmovc v23;
	v26 =	vmax.f32 v26, $0.0e+00;
	v29 =	vadd.f32 v16, v29;
	v16 =	vld [tilespmem:s25+$0x550];
	[tilespmem:s18+$0x7D60] =	vst v28;
	s18 =	smov.u32 s30;
	s30 =	smov.u32 s19;
	s19 =	smov.u32 s25  }
0x226: {  	v23 =	vadd.f32 v27, v9;
	v26 =	vmul.f32 v26, v2;
	v27 =	vand.u32 $0xFFFF0000, v36;
	v28 =	vld [tilespmem:s19+$0x5550]  }
0x227: {  	v32 =	vshll.u32 v31, $0x10;
	v29 =	vmax.f32 v29, $0.0e+00;
	v27 =	vadd.f32 v27, v38;
	v34 =	vld [tilespmem:s19+$0x5560]  }
0x228: {  	v35 =	vshll.u32 v30, $0x10;
	v26 =	vadd.f32 v23, v26;
	v29 =	vmul.f32 v29, v3;
	v23 =	vld [tilespmem:s19+$0x2D50];
	v36, _, _ =	vpop (xrf2)  }
0x229: {  	v27 =	vmax.f32 v27, $0.0e+00;
	v35 =	vadd.f32 v35, v25;
	v25 =	vld [tilespmem:s19+$0x560];
	v36 =	vsub.f32 $0.0e+00, v36  }
0x22a: {  	v29 =	vadd.f32 v29, v26;
	v27 =	vmul.f32 v27, v4;
	v26 =	vand.u32 $0xFFFF0000, v30;
	v37 =	vld [tilespmem:s19+$0x5570]  }
0x22b: {  	v30 =	vmax.f32 v35, $0.0e+00;
	v28 =	vadd.f32 v26, v28;
	v26 =	vld [tilespmem:s19+$0x2D60];
	v35 =	vmul.f32 $1.442695020e+00, v36  }
.Ltmp2:
0x22c: {  	v29 =	vadd.f32 v29, v27;
	v36 =	vmul.f32 v30, v5;
	v34 =	vadd.f32 v32, v34;
	v27 =	vld [tilespmem:s30+$0x570];
	v32 =	vpop (erf);
	(pc) =	sbr.rel @p2 .LBB2_5-.Ltmp2, $4  }
0x22d: {  	s25 =	sshra.s32 s16, $0x2;
	v38 =	vmax.f32 v28, $0.0e+00;
	v35 =	vbroadcast v35, $0xF;
	v28 =	vld [tilespmem:s30+$0x2D70];
	v33 =	vmul.f32 v33, v32  }
0x22e: {  	v30 =	vld [tilespmem:s25+$0x530];
	v29 =	vadd.f32 v36, v29;
	v36 =	vmul.f32 v38, v6;
	v38 =	vand.u32 $0xFFFF0000, v31  }
0x22f: {  	v41 =	vmax.f32 v34, $0.0e+00;
	v31 =	vld [tilespmem:s25+$0x2D30];
	v34 =	vadd.f32 v38, v37;
	(erf) = vpow2.f32 v35;
	[tilespmem:s18+$0x7D70] =	vst v33  }
0x230: {  	s16 =	sadd.s32 $0x200, s16;
	v33 =	vld [tilespmem:s25+$0x500];
	v35 =	vadd.f32 v29, v36;
	v36 =	vmul.f32 v41, v7;
	v29 =	vadd.bf16 v40, v39  }
0x231: {  	v37 =	vld [tilespmem:s25+$0x2D00]  }
0x232: {  	v38 =	vld [tilespmem:s25+$0x520]  }
0x233: {  	v39 =	vld [tilespmem:s25+$0x510]  }
0x234: {  	v40 =	vld [tilespmem:s25+$0x5500]  }
0x235: {  	v41 =	vld [tilespmem:s25+$0x2D10];
	v17 =	vmul.f32 v17, v32  }
0x236: {  	v42 =	vld [tilespmem:s25+$0x5510];
	v18 =	vmul.f32 v18, v32  }
0x237: {  	v43 =	vld [tilespmem:s25+$0x2D20];
	[tilespmem:s18+$0x7D00] =	vst v17  }
0x238: {  	v20 =	vmul.f32 v20, v32;
	v44 =	vld [tilespmem:s25+$0x5520];
	[tilespmem:s18+$0x7D10] =	vst v18;
	v18 =	vmul.f32 v19, v32;
	v19 =	vadd.bf16 v37, v33;
	_ =	sdelay $0x1  }
0x239: {  	v22 =	vmul.f32 v22, v32;
	v34 =	vmax.f32 v34, $0.0e+00;
	v17 =	vld [tilespmem:s25+$0x540];
	[tilespmem:s18+$0x7D20] =	vst v20;
	v33 =	vshll.u32 v19, $0x10  }
0x23a: {  	v24 =	vmul.f32 v24, v32;
	v21 =	vshll.u32 v21, $0x10;
	v20 =	vld [tilespmem:s25+$0x5530];
	[tilespmem:s18+$0x7D30] =	vst v18;
	v33 =	vadd.f32 v33, v40  }
0x23b: {  	v21 =	vmul.f32 v21, v32;
	v62 =	vld [tilespmem:s25+$0x2D40];
	[tilespmem:s18+$0x7D40] =	vst v22;
	v22 =	vadd.bf16 v41, v39;
	v19 =	vand.u32 $0xFFFF0000, v19  }
0x23c: {  	v18 =	vadd.f32 v36, v35;
	v19 =	vadd.f32 v19, v42;
	v39 =	vmax.f32 v33, $0.0e+00  }
0x23d: {  	v63 =	vld [tilespmem:s25+$0x5540];
	[tilespmem:s18+$0x7D50] =	vst v24;
	v24 =	vmul.f32 v34, v8;
	v40 =	vshll.u32 v22, $0x10;
	v32 =	vmul.f32 v39, v1  }
0x23e: {  	v41 =	vld [tilespmem:s25+$0x550];
	v42 =	vadd.bf16 v43, v38;
	[tilespmem:s18+$0x7D60] =	vst v21;
	v19 =	vmax.f32 v19, $0.0e+00;
	v33 =	vadd.f32 v40, v44  }
0x23f: {  	v22 =	vand.u32 $0xFFFF0000, v22;
	v43 =	vld [tilespmem:s25+$0x5550];
	v19 =	vmul.f32 v19, v2;
	v21 =	vadd.f32 v32, v9  }
0x240: {  	v18 =	vadd.f32 v18, v24;
	v20 =	vadd.f32 v22, v20;
	v24 =	vmax.f32 v33, $0.0e+00  }
0x241: {  	v22 =	vld [tilespmem:s25+$0x5560];
	v19 =	vadd.f32 v21, v19;
	v21 =	vmul.f32 v24, v3;
	v24 =	vshll.u32 v42, $0x10  }
0x242: {  	(xrf2) =	vadd.scan.msk.f32 $0xffff, v18;
	v18 =	vadd.bf16 v31, v30;
	v20 =	vmax.f32 v20, $0.0e+00;
	v24 =	vadd.f32 v24, v63  }
0x243: {  	v20 =	vmul.f32 v20, v4;
	v19 =	vadd.f32 v21, v19;
	v21 =	vand.u32 $0xFFFF0000, v42  }
0x244: {  	v30 =	vld [tilespmem:s25+$0x5570];
	v24 =	vmax.f32 v24, $0.0e+00;
	v21 =	vadd.f32 v21, v43  }
0x245: {  	v31 =	vshll.u32 v18, $0x10;
	v19 =	vadd.f32 v19, v20;
	v20 =	vmul.f32 v24, v5  }
0x246: {  	v22 =	vadd.f32 v31, v22;
	v21 =	vmax.f32 v21, $0.0e+00  }
0x247: {  	v19 =	vadd.f32 v20, v19;
	v20 =	vmul.f32 v21, v6  }
0x248: {  	v18 =	vand.u32 $0xFFFF0000, v18;
	v21 =	vmax.f32 v22, $0.0e+00  }
0x249: {  	v18 =	vadd.f32 v18, v30;
	v19 =	vadd.f32 v19, v20;
	v20 =	vmul.f32 v21, v7;
	_ =	sdelay $0x1  }
0x24a: {  	v18 =	vmax.f32 v18, $0.0e+00  }
0x24b: {  	v18 =	vmul.f32 v18, v8;
	v19 =	vadd.f32 v20, v19  }
0x24c: {  	v20, _, _ =	vpop (xrf2)  }
0x24d: {  	v18 =	vadd.f32 v19, v18;
	v20 =	vsub.f32 $0.0e+00, v20;
	_ =	sdelay $0x1  }
0x24e: {  	v19 =	vpop (erf);
	(xrf2) =	vadd.scan.msk.f32 $0xffff, v18;
	v20 =	vmul.f32 $1.442695020e+00, v20  }
0x24f: {  	v18 =	vadd.f32 $1.000000000e+00, v19  }
0x250: {  	v19 =	vbroadcast v20, $0xF  }
0x251: {  	(erf) = vrcp.f32 v18  }
0x252: {  	(erf) = vpow2.f32 v19;
	_ =	sdelay $0x5  }
0x253: {  	v18, _, _ =	vpop (xrf2)  }
0x254: {  	v18 =	vsub.f32 $0.0e+00, v18  }
0x255: {  	v19 =	vpop (erf)  }
0x256: {  	v18 =	vmul.f32 $1.442695020e+00, v18;
	v20 =	vpop (erf)  }
0x257: {  	v20 =	vadd.f32 $1.000000000e+00, v20  }
0x258: {  	v18 =	vbroadcast v18, $0xF  }
0x259: {  	(erf) = vrcp.f32 v20  }
0x25a: {  	(erf) = vpow2.f32 v18  }
0x25b: {  	v24 =	vld [tilespmem:s25+$0x2D60]  }
0x25c: {  	v21 =	vld [tilespmem:s25+$0x2D50]  }
0x25d: {  	v10 =	vmul.f32 v10, v19;
	v20 =	vadd.bf16 v28, v27;
	v27 =	vld [tilespmem:s19+$0x570]  }
0x25e: {  	v12 =	vmul.f32 v12, v19;
	v28 =	vld [tilespmem:s19+$0x2D70]  }
0x25f: {  	v13 =	vmul.f32 v13, v19;
	v18 =	vld [tilespmem:s25+$0x560];
	[tilespmem:s30+$0x7D00] =	vst v10;
	v10 =	vmul.f32 v14, v19  }
0x260: {  	v11 =	vmul.f32 v11, v19;
	[tilespmem:s30+$0x7D10] =	vst v12  }
0x261: {  	[tilespmem:s30+$0x7D20] =	vst v13  }
0x262: {  	v14 =	vmul.f32 v15, v19;
	[tilespmem:s30+$0x7D40] =	vst v11;
	v22 =	vand.u32 $0xFFFF0000, v20;
	v12 =	vpop (erf)  }
0x263: {  	v13 =	vshll.u32 v20, $0x10;
	v22 =	vmul.f32 v22, v19;
	[tilespmem:s30+$0x7D30] =	vst v10;
	v10 =	vpop (erf)  }
0x264: {  	v13 =	vmul.f32 v13, v19;
	[tilespmem:s30+$0x7D50] =	vst v14;
	v10 =	vadd.f32 $1.000000000e+00, v10  }
0x265: {  	[tilespmem:s30+$0x7D70] =	vst v22  }
0x266: {  	v11 =	vadd.bf16 v28, v27;
	[tilespmem:s30+$0x7D60] =	vst v13;
	(erf) = vrcp.f32 v10  }
0x267: {  	v15 =	vshll.u32 v29, $0x10;
	v14 =	vadd.bf16 v23, v16;
	v13 =	vld [tilespmem:s25+$0x570]  }
0x268: {  	v20 =	vadd.bf16 v26, v25;
	v16 =	vld [tilespmem:s25+$0x2D70];
	v15 =	vmul.f32 v15, v12;
	v10 =	vand.u32 $0xFFFF0000, v11  }
0x269: {  	v22 =	vshll.u32 v14, $0x10;
	v14 =	vand.u32 $0xFFFF0000, v14;
	v10 =	vmul.f32 v10, v12  }
0x26a: {  	v19 =	vand.u32 $0xFFFF0000, v29;
	v14 =	vmul.f32 v14, v12;
	[tilespmem:s19+$0x7D00] =	vst v15  }
0x26b: {  	v15 =	vshll.u32 v20, $0x10;
	[tilespmem:s19+$0x7D70] =	vst v10;
	v10 =	vmul.f32 v19, v12  }
0x26c: {  	[tilespmem:s19+$0x7D30] =	vst v14;
	v15 =	vmul.f32 v15, v12;
	v11 =	vshll.u32 v11, $0x10  }
0x26d: {  	v13 =	vadd.bf16 v16, v13;
	v11 =	vmul.f32 v11, v12;
	[tilespmem:s19+$0x7D10] =	vst v10;
	v10 =	vand.u32 $0xFFFF0000, v20  }
0x26e: {  	v16 =	vadd.bf16 v62, v17;
	[tilespmem:s19+$0x7D40] =	vst v15;
	v10 =	vmul.f32 v10, v12  }
0x26f: {  	v19 =	vmul.f32 v22, v12;
	[tilespmem:s19+$0x7D60] =	vst v11;
	v12 =	vand.u32 $0xFFFF0000, v13;
	v14 =	vpop (erf)  }
0x270: {  	v17 =	vshll.u32 v16, $0x10;
	v15 =	vadd.bf16 v21, v41;
	[tilespmem:s19+$0x7D50] =	vst v10;
	v10 =	vmul.f32 v12, v14  }
0x271: {  	[tilespmem:s19+$0x7D20] =	vst v19;
	v12 =	vand.u32 $0xFFFF0000, v16;
	v11 =	vmul.f32 v17, v14  }
0x272: {  	v16 =	vadd.bf16 v24, v18;
	v17 =	vshll.u32 v15, $0x10;
	[tilespmem:s25+$0x7D70] =	vst v10;
	v10 =	vmul.f32 v12, v14  }
0x273: {  	v12 =	vand.u32 $0xFFFF0000, v15;
	v15 =	vmul.f32 v17, v14;
	[tilespmem:s25+$0x7D00] =	vst v11  }
0x274: {  	v11 =	vshll.u32 v16, $0x10;
	v12 =	vmul.f32 v12, v14;
	[tilespmem:s25+$0x7D10] =	vst v10  }
0x275: {  	v11 =	vmul.f32 v11, v14;
	v10 =	vand.u32 $0xFFFF0000, v16;
	[tilespmem:s25+$0x7D20] =	vst v15  }
0x276: {  	v13 =	vshll.u32 v13, $0x10;
	v10 =	vmul.f32 v10, v14;
	[tilespmem:s25+$0x7D30] =	vst v12  }
0x277: {  	v12 =	vmul.f32 v13, v14;
	[tilespmem:s25+$0x7D40] =	vst v11  }
0x278: {  	[tilespmem:s25+$0x7D50] =	vst v10  }
0x279: {  	s16 =	simm.s32 $0x400;
	[tilespmem:s25+$0x7D60] =	vst v12  }
0x27a: {  	[spmem:s2] =	stream.indirect.scatter.add.f32 [tilespmem:s4], [sflag:$0x3], $0x80, s16, s12, $0xb8;
	[tilespmem:$0x1DE80] =	vst v63  }
0x27b: {  	s16 =	simm.s32 @p1 $0x3  }
0x27c: {  	_ =	swait.ge @p1 [sflag:s16], $0x1400  }
0x27d: {  	[sflag:s16] =	ssyncset.done @p1 $0x0  }
0x27e: {  	[sflag:s16] =	ssyncadd.s32 @p1 $0xFFFFEC00;
	s16 =	simm.s32 @!p1 $0x1  }
0x27f: {  	_ =	swait.ge @!p1 [sflag:s16], $0x28  }
0x280: {  	[sflag:s16] =	ssyncset.done @!p1 $0x0  }
0x281: {  	[sflag:s16] =	ssyncadd.s32 @!p1 $0xFFFFFFD8  }
0x282: {  	_ =	swait.ge @!p1 [sflag:s16], $0x28  }
0x283: {  	[sflag:s16] =	ssyncset.done @!p1 $0x0  }
0x284: {  	[sflag:s16] =	ssyncadd.s32 @!p1 $0xFFFFFFD8  }
0x285: {  	_ =	swait.ge @!p1 [sflag:s16], $0x28  }
0x286: {  	[sflag:s16] =	ssyncset.done @!p1 $0x0  }
0x287: {  	[sflag:s16] =	ssyncadd.s32 @!p1 $0xFFFFFFD8  }
0x288: {  	_ =	swait.ge @!p1 [sflag:s16], $0x28  }
0x289: {  	[sflag:s16] =	ssyncset.done @!p1 $0x0  }
0x28a: {  	[sflag:s16] =	ssyncadd.s32 @!p1 $0xFFFFFFD8;
	s16 =	simm.s32 @!p1 $0x3  }
0x28b: {  	_ =	swait.ge @!p1 [sflag:s16], $0x1400  }
0x28c: {  	[sflag:s16] =	ssyncset.done @!p1 $0x0  }
0x28d: {  	[sflag:s16] =	ssyncadd.s32 @!p1 $0xFFFFEC00  }
0x28e: {  	v10 =	vld @!p1 [tilespmem:$0x300]  }
0x28f: {  	v11 =	vld @!p1 [tilespmem:$0x310]  }
0x290: {  	v12 =	vld @!p1 [tilespmem:$0x318];
	_ =	sdelay $0x2  }
0x291: {  	[tilespmem:$0x400] =	vst @!p1 v10  }
0x292: {  	[tilespmem:$0x410] =	vst @!p1 v11  }
0x293: {  	s18 =	simm.s32 @!p1 $0x0;
	s19 =	simm.s32 @!p1 $0x500;
	s16 =	simm.s32 @!p1 $0x28;
	[tilespmem:$0x418] =	vst @!p1 v12  }
0x294: {  	[tilespmem:s19], [sflag:$0x5] =	stream.indirect.gather @!p1 [hbm4b:s1+s16], $0x80, s18, s16, $0xb8;
	[tilespmem:$0x1DE80] =	vst v63  }
0x295: {  	s25 =	simm.s32 @!p1 $0x2D00;
	s19 =	simm.s32 @!p1 $0x100  }
0x296: {  	[tilespmem:s25], [sflag:$0x6] =	stream.indirect.gather @!p1 [hbm4b:s9+s16], $0x80, s19, s16, $0xb8;
	[tilespmem:$0x1DE80] =	vst v63  }
0x297: {  	s19 =	simm.s32 @!p1 $0x200;
	s25 =	simm.s32 @!p1 $0x5500  }
0x298: {  	[tilespmem:s25], [sflag:$0x7] =	stream.indirect.gather @!p1 [hbm4b:s10+s16], $0x80, s19, s16, $0xb8;
	[tilespmem:$0x1DE80] =	vst v63  }
0x299: {  	_ =	swait.ge [sflag:s26], $0x1400  }
0x29a: {  	[sflag:s26] =	ssyncset.done $0x0  }
0x29b: {  	[sflag:s26] =	ssyncadd.s32 $0xFFFFEC00  }
0x29c: {  	_ =	swait.ge [sflag:s28], $0x1400  }
0x29d: {  	[sflag:s28] =	ssyncset.done $0x0  }
0x29e: {  	[sflag:s28] =	ssyncadd.s32 $0xFFFFEC00  }
0x29f: {  	s16 =	sadd.s32 @!p1 s17, s24;
	_ =	swait.ge [sflag:s29], $0x1400  }
0x2a0: {  	s16 =	sshrl.u32 @!p1 s16, $0x3;
	[sflag:s29] =	ssyncset.done $0x0  }
0x2a1: {  	s19 =	simm.s32 @!p1 $0x80;
	s17 =	sadd.s32 @!p1 s5, s16;
	[sflag:s29] =	ssyncadd.s32 $0xFFFFEC00  }
0x2a2: {  	[tilespmem:s19], [sflag:$0x2] =	stream.linear.gather @!p1 [hbm4b:s17+s18], $0x28, $0x38;
	[tilespmem:$0x1DE80] =	vst v63  }
0x2a3: {  	s17 =	sadd.s32 @!p1 s6, s16;
	s19 =	simm.s32 @!p1 $0x180  }
0x2a4: {  	[tilespmem:s19], [sflag:$0x2] =	stream.linear.gather @!p1 [hbm4b:s17+s18], $0x28, $0x38;
	[tilespmem:$0x1DE80] =	vst v63  }
0x2a5: {  	s17 =	sadd.s32 @!p1 s7, s16;
	s19 =	simm.s32 @!p1 $0x280  }
0x2a6: {  	[tilespmem:s19], [sflag:$0x2] =	stream.linear.gather @!p1 [hbm4b:s17+s18], $0x28, $0x38;
	[tilespmem:$0x1DE80] =	vst v63  }
0x2a7: {  	s16 =	sadd.s32 @!p1 s8, s16;
	s17 =	simm.s32 @!p1 $0x380  }
0x2a8: {  	[tilespmem:s17], [sflag:$0x2] =	stream.linear.gather @!p1 [hbm4b:s16+s18], $0x28, $0x38;
	[tilespmem:$0x1DE80] =	vst v63  }
0x2a9: {  	s18 =	simm.s32 $0x0  }
0x2aa: {  	v10 =	vld [tilespmem:s18+$0x1930]  }
0x2ab: {  	v11 =	vld [tilespmem:s18+$0x1900]  }
0x2ac: {  	v12 =	vld [tilespmem:s18+$0x4100]  }
0x2ad: {  	v13 =	vld [tilespmem:s18+$0x1920]  }
0x2ae: {  	v14 =	vld [tilespmem:s18+$0x1910]  }
0x2af: {  	v15 =	vld [tilespmem:s18+$0x6900]  }
0x2b0: {  	v16 =	vld [tilespmem:s18+$0x4110]  }
0x2b1: {  	v11 =	vadd.bf16 v12, v11;
	v12 =	vld [tilespmem:s18+$0x6910]  }
0x2b2: {  	v17 =	vld [tilespmem:s18+$0x4120]  }
0x2b3: {  	v19 =	vld [tilespmem:s18+$0x6920];
	v18 =	vshll.u32 v11, $0x10  }
0x2b4: {  	v20 =	vld [tilespmem:s18+$0x4130];
	v15 =	vadd.f32 v18, v15  }
0x2b5: {  	v14 =	vadd.bf16 v16, v14;
	v16 =	vld [tilespmem:s18+$0x6930];
	v11 =	vand.u32 $0xFFFF0000, v11  }
0x2b6: {  	v21 =	vld [tilespmem:s18+$0x6940];
	v15 =	vmax.f32 v15, $0.0e+00;
	v11 =	vadd.f32 v11, v12  }
0x2b7: {  	v22 =	vld [tilespmem:s18+$0x4140];
	v12 =	vmul.f32 v15, v1;
	v15 =	vshll.u32 v14, $0x10  }
0x2b8: {  	v23 =	vld [tilespmem:s18+$0x4160];
	v13 =	vadd.bf16 v17, v13;
	v11 =	vmax.f32 v11, $0.0e+00;
	v15 =	vadd.f32 v15, v19  }
0x2b9: {  	s17 =	simm.s32 $0x80;
	v17 =	vld [tilespmem:s18+$0x6950];
	v14 =	vand.u32 $0xFFFF0000, v14;
	v12 =	vadd.f32 v12, v9;
	v11 =	vmul.f32 v11, v2  }
0x2ba: {  	v24 =	vld [tilespmem:s17+$0x6900];
	v14 =	vadd.f32 v14, v16;
	v15 =	vmax.f32 v15, $0.0e+00  }
0x2bb: {  	v16 =	vld [tilespmem:s18+$0x6960];
	v11 =	vadd.f32 v12, v11;
	v12 =	vmul.f32 v15, v3;
	v15 =	vshll.u32 v13, $0x10  }
0x2bc: {  	v25 =	vld [tilespmem:s17+$0x6910];
	v10 =	vadd.bf16 v20, v10;
	v14 =	vmax.f32 v14, $0.0e+00;
	v15 =	vadd.f32 v15, v21  }
0x2bd: {  	v13 =	vand.u32 $0xFFFF0000, v13;
	v11 =	vadd.f32 v12, v11;
	v12 =	vmul.f32 v14, v4;
	v14 =	vld [tilespmem:s18+$0x6970]  }
0x2be: {  	v27 =	vld [tilespmem:s17+$0x1940];
	v13 =	vadd.f32 v13, v17;
	v15 =	vmax.f32 v15, $0.0e+00  }
0x2bf: {  	v29 =	vld [tilespmem:s17+$0x1950];
	v17 =	vshll.u32 v10, $0x10;
	v11 =	vadd.f32 v11, v12;
	v12 =	vmul.f32 v15, v5  }
0x2c0: {  	v30 =	vld [tilespmem:s17+$0x1960];
	v13 =	vmax.f32 v13, $0.0e+00;
	v15 =	vadd.f32 v17, v16  }
0x2c1: {  	v44 =	vld [tilespmem:s18+$0x4170];
	v10 =	vand.u32 $0xFFFF0000, v10;
	v11 =	vadd.f32 v12, v11;
	v12 =	vmul.f32 v13, v6  }
0x2c2: {  	v21 =	vld [tilespmem:s18+$0x1960];
	v15 =	vmax.f32 v15, $0.0e+00;
	v10 =	vadd.f32 v10, v14  }
0x2c3: {  	v14 =	vld [tilespmem:s17+$0x1900];
	v11 =	vadd.f32 v11, v12;
	v12 =	vmul.f32 v15, v7  }
0x2c4: {  	v15 =	vld [tilespmem:s17+$0x4100];
	v10 =	vmax.f32 v10, $0.0e+00  }
0x2c5: {  	v16 =	vld [tilespmem:s17+$0x1930];
	v11 =	vadd.f32 v12, v11;
	v10 =	vmul.f32 v10, v8  }
0x2c6: {  	v17 =	vld [tilespmem:s17+$0x1920]  }
0x2c7: {  	v12 =	vld [tilespmem:s17+$0x1910];
	v10 =	vadd.f32 v11, v10  }
0x2c8: {  	v11 =	vld [tilespmem:s17+$0x4110]  }
0x2c9: {  	v13 =	vld [tilespmem:s17+$0x4130];
	v14 =	vadd.bf16 v15, v14;
	(xrf2) =	vadd.scan.msk.f32 $0xffff, v10  }
0x2ca: {  	v15 =	vld [tilespmem:s17+$0x6920]  }
0x2cb: {  	v10 =	vld [tilespmem:s17+$0x4120];
	v26 =	vshll.u32 v14, $0x10  }
0x2cc: {  	v20 =	vld [tilespmem:s18+$0x4150];
	v24 =	vadd.f32 v26, v24  }
0x2cd: {  	v14 =	vand.u32 $0xFFFF0000, v14;
	v26 =	vld [tilespmem:s17+$0x6930];
	v11 =	vadd.bf16 v11, v12  }
0x2ce: {  	v18 =	vld [tilespmem:s18+$0x1940];
	v21 =	vadd.bf16 v23, v21;
	v14 =	vadd.f32 v14, v25;
	v24 =	vmax.f32 v24, $0.0e+00  }
0x2cf: {  	v13 =	vadd.bf16 v13, v16;
	v25 =	vld [tilespmem:s17+$0x6940];
	v24 =	vmul.f32 v24, v1;
	v28 =	vshll.u32 v11, $0x10  }
0x2d0: {  	v19 =	vld [tilespmem:s18+$0x1950];
	v14 =	vmax.f32 v14, $0.0e+00;
	v10 =	vadd.bf16 v10, v17;
	v15 =	vadd.f32 v28, v15  }
0x2d1: {  	v17 =	vld [tilespmem:s17+$0x6950];
	v14 =	vmul.f32 v14, v2;
	v11 =	vand.u32 $0xFFFF0000, v11;
	v24 =	vadd.f32 v24, v9  }
0x2d2: {  	v31 =	vshll.u32 v13, $0x10;
	v12 =	vld [tilespmem:s17+$0x4140];
	v11 =	vadd.f32 v11, v26;
	v15 =	vmax.f32 v15, $0.0e+00  }
0x2d3: {  	s19 =	simm.s32 $0x100;
	v28 =	vld [tilespmem:s17+$0x6960];
	v14 =	vadd.f32 v24, v14;
	v15 =	vmul.f32 v15, v3;
	v24 =	vshll.u32 v10, $0x10;
	v26, _, _ =	vpop (xrf2)  }
0x2d4: {  	v23 =	vld [tilespmem:s19+$0x1910];
	v11 =	vmax.f32 v11, $0.0e+00;
	v24 =	vadd.f32 v24, v25;
	v25 =	vsub.f32 $0.0e+00, v26  }
0x2d5: {  	v10 =	vand.u32 $0xFFFF0000, v10;
	v11 =	vmul.f32 v11, v4;
	v26 =	vld [tilespmem:s17+$0x6970];
	v14 =	vadd.f32 v15, v14  }
0x2d6: {  	v16 =	vld [tilespmem:s17+$0x4150];
	v10 =	vadd.f32 v10, v17;
	v24 =	vmax.f32 v24, $0.0e+00;
	v17 =	vmul.f32 $1.442695020e+00, v25  }
0x2d7: {  	v12 =	vadd.bf16 v12, v27;
	v27 =	vld [tilespmem:s19+$0x4110];
	v11 =	vadd.f32 v14, v11;
	v14 =	vmul.f32 v24, v5  }
0x2d8: {  	v15 =	vld [tilespmem:s17+$0x4160];
	v10 =	vmax.f32 v10, $0.0e+00;
	v24 =	vadd.f32 v31, v28;
	v17 =	vbroadcast v17, $0xF  }
0x2d9: {  	v13 =	vand.u32 $0xFFFF0000, v13;
	v25 =	vld [tilespmem:s18+$0x1970];
	v10 =	vmul.f32 v10, v6;
	v11 =	vadd.f32 v14, v11  }
0x2da: {  	v28 =	vld [tilespmem:s19+$0x1930];
	v14 =	vmax.f32 v24, $0.0e+00;
	v13 =	vadd.f32 v13, v26;
	(erf) = vpow2.f32 v17  }
0x2db: {  	v26 =	vld [tilespmem:s19+$0x1900];
	v10 =	vadd.f32 v11, v10;
	v11 =	vmul.f32 v14, v7  }
0x2dc: {  	v19 =	vadd.bf16 v20, v19;
	v14 =	vld [tilespmem:s19+$0x4100];
	v13 =	vmax.f32 v13, $0.0e+00  }
0x2dd: {  	v31 =	vld [tilespmem:s19+$0x4130];
	v10 =	vadd.f32 v11, v10;
	v11 =	vmul.f32 v13, v8  }
0x2de: {  	v46 =	vld [tilespmem:s19+$0x6900];
	v18 =	vadd.bf16 v22, v18;
	v20 =	vshll.u32 v19, $0x10;
	v19 =	vand.u32 $0xFFFF0000, v19  }
0x2df: {  	v47 =	vld [tilespmem:s19+$0x6920];
	v22 =	vshll.u32 v21, $0x10;
	v16 =	vadd.bf16 v16, v29;
	v11 =	vadd.f32 v10, v11  }
0x2e0: {  	v49 =	vld [tilespmem:s19+$0x6930];
	v23 =	vadd.bf16 v27, v23;
	v24 =	vand.u32 $0xFFFF0000, v21;
	v15 =	vadd.bf16 v15, v30  }
0x2e1: {  	v29 =	vld [tilespmem:s19+$0x6910];
	v17 =	vshll.u32 v18, $0x10;
	v18 =	vand.u32 $0xFFFF0000, v18;
	v26 =	vadd.bf16 v14, v26;
	(xrf2) =	vadd.scan.msk.f32 $0xffff, v11  }
0x2e2: {  	v21 =	vadd.bf16 v44, v25;
	v31 =	vadd.bf16 v31, v28;
	v28 =	vshll.u32 v23, $0x10  }
0x2e3: {  	v45 =	vld [tilespmem:s19+$0x1920];
	v13 =	vshll.u32 v16, $0x10;
	v14 =	vand.u32 $0xFFFF0000, v16;
	v16 =	vshll.u32 v26, $0x10;
	v25 =	vpop (erf)  }
0x2e4: {  	v30 =	vld [tilespmem:s19+$0x4120];
	v23 =	vand.u32 $0xFFFF0000, v23;
	v16 =	vadd.f32 v16, v46;
	v25 =	vadd.f32 $1.000000000e+00, v25  }
0x2e5: {  	v52 =	vld [tilespmem:s19+$0x6960];
	v28 =	vadd.f32 v28, v47;
	v32 =	vadd.f32 v23, v49;
	v26 =	vand.u32 $0xFFFF0000, v26  }
0x2e6: {  	v48 =	vld [tilespmem:s19+$0x1940];
	v26 =	vadd.f32 v26, v29;
	v16 =	vmax.f32 v16, $0.0e+00;
	(erf) = vrcp.f32 v25  }
0x2e7: {  	v27 =	vld [tilespmem:s19+$0x6940];
	v53 =	vshll.u32 v31, $0x10;
	v62 =	vand.u32 $0xFFFF0000, v31;
	v25 =	vmul.f32 v16, v1  }
0x2e8: {  	v50 =	vld [tilespmem:s19+$0x4140];
	v10 =	vshll.u32 v12, $0x10;
	v28 =	vmax.f32 v28, $0.0e+00;
	v26 =	vmax.f32 v26, $0.0e+00  }
0x2e9: {  	v51 =	vld [tilespmem:s19+$0x6950];
	v29 =	vadd.bf16 v30, v45;
	v26 =	vmul.f32 v26, v2;
	v25 =	vadd.f32 v25, v9  }
0x2ea: {  	v57 =	vld [tilespmem:s19+$0x6970];
	v32 =	vmax.f32 v32, $0.0e+00;
	v34 =	vadd.f32 v53, v52;
	v28 =	vmul.f32 v28, v3  }
0x2eb: {  	s25 =	simm.s32 $0x180;
	v23 =	vld [tilespmem:s19+$0x4150];
	v32 =	vmul.f32 v32, v4;
	v54 =	vshll.u32 v29, $0x10;
	v26 =	vadd.f32 v25, v26;
	v55, _, _ =	vpop (xrf2)  }
0x2ec: {  	v31 =	vld [tilespmem:s25+$0x4130];
	v12 =	vand.u32 $0xFFFF0000, v12;
	v27 =	vadd.f32 v54, v27;
	v56 =	vsub.f32 $0.0e+00, v55  }
0x2ed: {  	v11 =	vshll.u32 v15, $0x10;
	v29 =	vand.u32 $0xFFFF0000, v29;
	v16 =	vld [tilespmem:s19+$0x1950];
	v28 =	vadd.f32 v28, v26  }
0x2ee: {  	v29 =	vadd.f32 v29, v51;
	v58 =	vmax.f32 v27, $0.0e+00;
	v25 =	vld [tilespmem:s19+$0x1960];
	v59 =	vmul.f32 $1.442695020e+00, v56  }
0x2ef: {  	v30 =	vand.u32 $0xFFFF0000, v21;
	v40 =	vmul.f32 v58, v5;
	v26 =	vld [tilespmem:s19+$0x4160];
	v60 =	vadd.f32 v28, v32;
	v32 =	vpop (erf)  }
0x2f0: {  	v27 =	vld [tilespmem:s17+$0x1970];
	v29 =	vmax.f32 v29, $0.0e+00;
	v33 =	vbroadcast v59, $0xF;
	v61 =	vmul.f32 v30, v32  }
0x2f1: {  	v15 =	vand.u32 $0xFFFF0000, v15;
	v29 =	vmul.f32 v29, v6;
	v28 =	vld [tilespmem:s17+$0x4170];
	v36 =	vadd.f32 v40, v60  }
0x2f2: {  	v63 =	vmax.f32 v34, $0.0e+00;
	v34 =	vadd.f32 v62, v57;
	v30 =	vld [tilespmem:s25+$0x1930];
	(erf) = vpow2.f32 v33;
	[tilespmem:s18+$0x9170] =	vst v61  }
0x2f3: {  	s16 =	simm.s32 $0x800;
	v35 =	vadd.f32 v36, v29;
	v36 =	vmul.f32 v63, v7;
	v29 =	vadd.bf16 v50, v48;
	v33 =	vld [tilespmem:s25+$0x1900]  }
.LBB2_7:
0x2f4: {  	p1 =	sne.s32 s16, $0x4E00;
	v37 =	vld [tilespmem:s25+$0x4100];
	v34 =	vmax.f32 v34, $0.0e+00;
	v16 =	vadd.bf16 v23, v16;
	v23 =	vadd.bf16 v26, v25  }
0x2f5: {  	v25 =	vld [tilespmem:s25+$0x1920];
	v26 =	vadd.f32 v36, v35;
	v34 =	vmul.f32 v34, v8;
	v35 =	vshll.u32 v29, $0x10  }
0x2f6: {  	v29 =	vand.u32 $0xFFFF0000, v29;
	v36 =	vld [tilespmem:s25+$0x1910];
	v38 =	vshll.u32 v16, $0x10;
	v16 =	vand.u32 $0xFFFF0000, v16  }
0x2f7: {  	v39 =	vld [tilespmem:s25+$0x6900];
	v26 =	vadd.f32 v26, v34;
	v34 =	vshll.u32 v23, $0x10;
	v23 =	vand.u32 $0xFFFF0000, v23  }
0x2f8: {  	v41 =	vmul.f32 v17, v32;
	v42 =	vmul.f32 v18, v32;
	v43 =	vshll.u32 v21, $0x10;
	v17 =	vmovc v10;
	v10 =	vmovc v35;
	v40 =	vld [tilespmem:s25+$0x4110]  }
0x2f9: {  	v44 =	vmul.f32 v20, v32;
	v33 =	vadd.bf16 v37, v33;
	v35 =	vld [tilespmem:s25+$0x6910];
	(xrf2) =	vadd.scan.msk.f32 $0xffff, v26;
	v26 =	vmul.f32 v19, v32  }
0x2fa: {  	v22 =	vmul.f32 v22, v32;
	v24 =	vmul.f32 v24, v32;
	v18 =	vmovc v12;
	v12 =	vmov v29;
	v37 =	vld [tilespmem:s25+$0x4120];
	[tilespmem:s18+$0x9100] =	vst v41  }
0x2fb: {  	v21 =	vadd.bf16 v28, v27;
	v28 =	vmul.f32 v43, v32;
	v41 =	vshll.u32 v33, $0x10;
	v29 =	vld [tilespmem:s25+$0x6920];
	v27 =	vpop (erf);
	[tilespmem:s18+$0x9110] =	vst v42  }
0x2fc: {  	v20 =	vmovc v13;
	v13 =	vmovc v38;
	v19 =	vmov v14;
	v32 =	vadd.f32 v41, v39;
	v39 =	vld [tilespmem:s25+$0x1940];
	v27 =	vadd.f32 $1.000000000e+00, v27;
	[tilespmem:s18+$0x9120] =	vst v44  }
0x2fd: {  	v31 =	vadd.bf16 v31, v30;
	v14 =	vmovc v16;
	v33 =	vand.u32 $0xFFFF0000, v33;
	v36 =	vadd.bf16 v40, v36;
	v38 =	vld [tilespmem:s25+$0x6930];
	[tilespmem:s18+$0x9130] =	vst v26  }
0x2fe: {  	v16 =	vmax.f32 v32, $0.0e+00;
	v26 =	vadd.f32 v33, v35;
	v40 =	vld [tilespmem:s25+$0x4140];
	(erf) = vrcp.f32 v27;
	[tilespmem:s18+$0x9140] =	vst v22;
	v22 =	vmovc v11;
	v11 =	vmovc v34  }
0x2ff: {  	v27 =	vmul.f32 v16, v1;
	v16 =	vshll.u32 v36, $0x10;
	v30 =	vadd.bf16 v37, v25;
	v25 =	vld [tilespmem:s25+$0x6940];
	[tilespmem:s18+$0x9150] =	vst v24;
	v24 =	vmovc v15  }
0x300: {  	v33 =	vand.u32 $0xFFFF0000, v21;
	v15 =	vmovc v23;
	v26 =	vmax.f32 v26, $0.0e+00;
	v29 =	vadd.f32 v16, v29;
	v16 =	vld [tilespmem:s25+$0x1950];
	[tilespmem:s18+$0x9160] =	vst v28;
	s18 =	smov.u32 s17;
	s17 =	smov.u32 s19;
	s19 =	smov.u32 s25  }
0x301: {  	v23 =	vadd.f32 v27, v9;
	v26 =	vmul.f32 v26, v2;
	v27 =	vand.u32 $0xFFFF0000, v36;
	v28 =	vld [tilespmem:s19+$0x6950]  }
0x302: {  	v32 =	vshll.u32 v31, $0x10;
	v29 =	vmax.f32 v29, $0.0e+00;
	v27 =	vadd.f32 v27, v38;
	v34 =	vld [tilespmem:s19+$0x6960]  }
0x303: {  	v35 =	vshll.u32 v30, $0x10;
	v26 =	vadd.f32 v23, v26;
	v29 =	vmul.f32 v29, v3;
	v23 =	vld [tilespmem:s19+$0x4150];
	v36, _, _ =	vpop (xrf2)  }
0x304: {  	v27 =	vmax.f32 v27, $0.0e+00;
	v35 =	vadd.f32 v35, v25;
	v25 =	vld [tilespmem:s19+$0x1960];
	v36 =	vsub.f32 $0.0e+00, v36  }
0x305: {  	v29 =	vadd.f32 v29, v26;
	v27 =	vmul.f32 v27, v4;
	v26 =	vand.u32 $0xFFFF0000, v30;
	v37 =	vld [tilespmem:s19+$0x6970]  }
0x306: {  	v30 =	vmax.f32 v35, $0.0e+00;
	v28 =	vadd.f32 v26, v28;
	v26 =	vld [tilespmem:s19+$0x4160];
	v35 =	vmul.f32 $1.442695020e+00, v36  }
.Ltmp3:
0x307: {  	v29 =	vadd.f32 v29, v27;
	v36 =	vmul.f32 v30, v5;
	v34 =	vadd.f32 v32, v34;
	v27 =	vld [tilespmem:s17+$0x1970];
	v32 =	vpop (erf);
	(pc) =	sbr.rel @p1 .LBB2_7-.Ltmp3, $4  }
0x308: {  	s25 =	sshra.s32 s16, $0x2;
	v38 =	vmax.f32 v28, $0.0e+00;
	v35 =	vbroadcast v35, $0xF;
	v28 =	vld [tilespmem:s17+$0x4170];
	v33 =	vmul.f32 v33, v32  }
0x309: {  	v30 =	vld [tilespmem:s25+$0x1930];
	v29 =	vadd.f32 v36, v29;
	v36 =	vmul.f32 v38, v6;
	v38 =	vand.u32 $0xFFFF0000, v31  }
0x30a: {  	v41 =	vmax.f32 v34, $0.0e+00;
	v31 =	vld [tilespmem:s25+$0x4130];
	v34 =	vadd.f32 v38, v37;
	(erf) = vpow2.f32 v35;
	[tilespmem:s18+$0x9170] =	vst v33  }
0x30b: {  	s16 =	sadd.s32 $0x200, s16;
	v33 =	vld [tilespmem:s25+$0x1900];
	v35 =	vadd.f32 v29, v36;
	v36 =	vmul.f32 v41, v7;
	v29 =	vadd.bf16 v40, v39  }
0x30c: {  	v37 =	vld [tilespmem:s25+$0x4100]  }
0x30d: {  	v38 =	vld [tilespmem:s25+$0x1920]  }
0x30e: {  	v39 =	vld [tilespmem:s25+$0x1910]  }
0x30f: {  	v40 =	vld [tilespmem:s25+$0x6900]  }
0x310: {  	v41 =	vld [tilespmem:s25+$0x4110];
	v17 =	vmul.f32 v17, v32  }
0x311: {  	v42 =	vld [tilespmem:s25+$0x6910];
	v18 =	vmul.f32 v18, v32;
	v62 =	vadd.bf16 v37, v33  }
0x312: {  	v43 =	vld [tilespmem:s25+$0x4120];
	v20 =	vmul.f32 v20, v32;
	v61 =	vmul.f32 v19, v32;
	[tilespmem:s18+$0x9100] =	vst v17  }
0x313: {  	v22 =	vmul.f32 v22, v32;
	v34 =	vmax.f32 v34, $0.0e+00;
	v44 =	vld [tilespmem:s25+$0x6920];
	[tilespmem:s18+$0x9110] =	vst v18;
	v33 =	vshll.u32 v62, $0x10  }
0x314: {  	v24 =	vmul.f32 v24, v32;
	v21 =	vshll.u32 v21, $0x10;
	v17 =	vld [tilespmem:s25+$0x1940];
	[tilespmem:s18+$0x9120] =	vst v20;
	v33 =	vadd.f32 v33, v40  }
0x315: {  	v63 =	vadd.f32 v36, v35;
	v20 =	vld [tilespmem:s25+$0x6930];
	[tilespmem:s18+$0x9130] =	vst v61;
	v19 =	vand.u32 $0xFFFF0000, v62;
	v40 =	vadd.bf16 v41, v39  }
0x316: {  	v21 =	vmul.f32 v21, v32;
	v35 =	vld [tilespmem:s25+$0x4140];
	[tilespmem:s18+$0x9140] =	vst v22;
	v19 =	vadd.f32 v19, v42;
	v45 =	vmax.f32 v33, $0.0e+00  }
0x317: {  	v46 =	vmul.f32 v34, v8;
	v41 =	vld [tilespmem:s25+$0x6940];
	[tilespmem:s18+$0x9150] =	vst v24;
	v47 =	vshll.u32 v40, $0x10;
	v32 =	vmul.f32 v45, v1  }
0x318: {  	v48 =	vadd.bf16 v43, v38;
	v34 =	vld [tilespmem:s25+$0x1950];
	[tilespmem:s18+$0x9160] =	vst v21;
	v19 =	vmax.f32 v19, $0.0e+00;
	v33 =	vadd.f32 v47, v44  }
0x319: {  	v22 =	vand.u32 $0xFFFF0000, v40;
	v50 =	vld [tilespmem:s25+$0x6950];
	v19 =	vmul.f32 v19, v2;
	v49 =	vadd.f32 v32, v9  }
0x31a: {  	v18 =	vadd.f32 v63, v46;
	v20 =	vadd.f32 v22, v20;
	v51 =	vmax.f32 v33, $0.0e+00  }
0x31b: {  	v54 =	vshll.u32 v48, $0x10;
	v52 =	vld [tilespmem:s25+$0x6960];
	v53 =	vmul.f32 v51, v3;
	v19 =	vadd.f32 v49, v19  }
0x31c: {  	v55 =	vadd.bf16 v31, v30;
	(xrf2) =	vadd.scan.msk.f32 $0xffff, v18;
	v20 =	vmax.f32 v20, $0.0e+00;
	v24 =	vadd.f32 v54, v41  }
0x31d: {  	v56 =	vand.u32 $0xFFFF0000, v48;
	v57 =	vld [tilespmem:s25+$0x6970];
	v20 =	vmul.f32 v20, v4;
	v19 =	vadd.f32 v53, v19  }
0x31e: {  	v24 =	vmax.f32 v24, $0.0e+00;
	v21 =	vadd.f32 v56, v50  }
0x31f: {  	v31 =	vshll.u32 v55, $0x10;
	v58 =	vmul.f32 v24, v5;
	v19 =	vadd.f32 v19, v20  }
0x320: {  	v22 =	vadd.f32 v31, v52;
	v21 =	vmax.f32 v21, $0.0e+00  }
0x321: {  	v18 =	vand.u32 $0xFFFF0000, v55;
	v59 =	vmul.f32 v21, v6;
	v19 =	vadd.f32 v58, v19  }
0x322: {  	v18 =	vadd.f32 v18, v57;
	v60 =	vmax.f32 v22, $0.0e+00  }
0x323: {  	v61 =	vmul.f32 v60, v7;
	v19 =	vadd.f32 v19, v59  }
0x324: {  	v18 =	vmax.f32 v18, $0.0e+00  }
0x325: {  	v18 =	vmul.f32 v18, v8;
	v19 =	vadd.f32 v61, v19  }
0x326: {  	v62, _, _ =	vpop (xrf2)  }
0x327: {  	v20 =	vsub.f32 $0.0e+00, v62;
	v18 =	vadd.f32 v19, v18;
	_ =	sdelay $0x1  }
0x328: {  	v63 =	vpop (erf);
	v20 =	vmul.f32 $1.442695020e+00, v20;
	(xrf2) =	vadd.scan.msk.f32 $0xffff, v18  }
0x329: {  	v24 =	vadd.f32 $1.000000000e+00, v63  }
0x32a: {  	v30 =	vbroadcast v20, $0xF  }
0x32b: {  	(erf) = vrcp.f32 v24  }
0x32c: {  	(erf) = vpow2.f32 v30;
	_ =	sdelay $0x5  }
0x32d: {  	v31, _, _ =	vpop (xrf2)  }
0x32e: {  	v18 =	vsub.f32 $0.0e+00, v31  }
0x32f: {  	v32 =	vpop (erf)  }
0x330: {  	v33 =	vpop (erf);
	v18 =	vmul.f32 $1.442695020e+00, v18  }
0x331: {  	v20 =	vadd.f32 $1.000000000e+00, v33  }
0x332: {  	v18 =	vbroadcast v18, $0xF  }
0x333: {  	(erf) = vrcp.f32 v20  }
0x334: {  	(erf) = vpow2.f32 v18  }
0x335: {  	v36 =	vadd.bf16 v28, v27;
	v37 =	vld [tilespmem:s25+$0x4150]  }
0x336: {  	v38 =	vld [tilespmem:s25+$0x1960]  }
0x337: {  	v39 =	vand.u32 $0xFFFF0000, v36;
	v40 =	vld [tilespmem:s25+$0x4160];
	v10 =	vmul.f32 v10, v32  }
0x338: {  	v42 =	vld [tilespmem:s19+$0x4170];
	v22 =	vmul.f32 v39, v32  }
0x339: {  	v41 =	vld [tilespmem:s19+$0x1970];
	v12 =	vmul.f32 v12, v32;
	[tilespmem:s17+$0x9100] =	vst v10;
	v10 =	vmul.f32 v14, v32  }
0x33a: {  	v13 =	vmul.f32 v13, v32;
	[tilespmem:s17+$0x9170] =	vst v22  }
0x33b: {  	[tilespmem:s17+$0x9110] =	vst v12  }
0x33c: {  	v11 =	vmul.f32 v11, v32;
	[tilespmem:s17+$0x9120] =	vst v13;
	v43 =	vpop (erf)  }
0x33d: {  	v44 =	vshll.u32 v36, $0x10;
	v45 =	vmul.f32 v15, v32;
	[tilespmem:s17+$0x9130] =	vst v10;
	v10 =	vpop (erf)  }
0x33e: {  	v13 =	vmul.f32 v44, v32;
	[tilespmem:s17+$0x9140] =	vst v11;
	v10 =	vadd.f32 $1.000000000e+00, v10  }
0x33f: {  	[tilespmem:s17+$0x9150] =	vst v45  }
0x340: {  	v11 =	vadd.bf16 v42, v41;
	[tilespmem:s17+$0x9160] =	vst v13;
	(erf) = vrcp.f32 v10  }
0x341: {  	v46 =	vadd.bf16 v23, v16;
	v47 =	vshll.u32 v29, $0x10;
	v13 =	vld [tilespmem:s25+$0x1970]  }
0x342: {  	v48 =	vld [tilespmem:s25+$0x4170];
	v15 =	vmul.f32 v47, v43;
	v10 =	vand.u32 $0xFFFF0000, v11  }
0x343: {  	v51 =	vshll.u32 v46, $0x10;
	v10 =	vmul.f32 v10, v43  }
0x344: {  	v49 =	vand.u32 $0xFFFF0000, v29;
	v50 =	vadd.bf16 v26, v25;
	v52 =	vmul.f32 v51, v43;
	[tilespmem:s19+$0x9100] =	vst v15  }
0x345: {  	v14 =	vand.u32 $0xFFFF0000, v46;
	[tilespmem:s19+$0x9170] =	vst v10;
	v10 =	vmul.f32 v49, v43  }
0x346: {  	v53 =	vshll.u32 v50, $0x10;
	v14 =	vmul.f32 v14, v43;
	[tilespmem:s19+$0x9120] =	vst v52  }
0x347: {  	v13 =	vadd.bf16 v48, v13;
	v15 =	vmul.f32 v53, v43;
	[tilespmem:s19+$0x9110] =	vst v10;
	v10 =	vand.u32 $0xFFFF0000, v50  }
0x348: {  	v54 =	vadd.bf16 v35, v17;
	[tilespmem:s19+$0x9130] =	vst v14;
	v11 =	vshll.u32 v11, $0x10;
	v10 =	vmul.f32 v10, v43  }
0x349: {  	v57 =	vadd.bf16 v37, v34;
	v55 =	vand.u32 $0xFFFF0000, v13;
	[tilespmem:s19+$0x9140] =	vst v15;
	v11 =	vmul.f32 v11, v43;
	v56 =	vpop (erf)  }
0x34a: {  	v17 =	vshll.u32 v54, $0x10;
	[tilespmem:s19+$0x9150] =	vst v10;
	v10 =	vmul.f32 v55, v56  }
0x34b: {  	v60 =	vshll.u32 v57, $0x10;
	[tilespmem:s19+$0x9160] =	vst v11;
	v11 =	vmul.f32 v17, v56  }
0x34c: {  	v61 =	vand.u32 $0xFFFF0000, v57;
	v62 =	vmul.f32 v60, v56;
	[tilespmem:s25+$0x9170] =	vst v10  }
0x34d: {  	v58 =	vand.u32 $0xFFFF0000, v54;
	v59 =	vadd.bf16 v40, v38;
	v12 =	vmul.f32 v61, v56;
	[tilespmem:s25+$0x9100] =	vst v11  }
0x34e: {  	s11 =	sadd.s32 $0x1, s11;
	v13 =	vshll.u32 v13, $0x10;
	v10 =	vmul.f32 v58, v56;
	[tilespmem:s25+$0x9120] =	vst v62  }
0x34f: {  	p1 =	sne.s32 s11, $0x7D;
	v63 =	vmul.f32 v13, v56;
	v11 =	vshll.u32 v59, $0x10;
	[tilespmem:s25+$0x9130] =	vst v12  }
.Ltmp4:
0x350: {  	v11 =	vmul.f32 v11, v56;
	[tilespmem:s25+$0x9110] =	vst v10;
	v10 =	vand.u32 $0xFFFF0000, v59;
	(pc) =	sbr.rel @p1 .LBB2_4-.Ltmp4, $4  }
0x351: {  	[tilespmem:s25+$0x9160] =	vst v63;
	v10 =	vmul.f32 v10, v56  }
0x352: {  	[tilespmem:s25+$0x9140] =	vst v11  }
0x353: {  	s16 =	simm.s32 $0x480;
	[tilespmem:s25+$0x9150] =	vst v10  }
0x354: {  	[spmem:s2] =	stream.indirect.scatter.add.f32 [tilespmem:s3], [sflag:$0x4], $0x80, s16, s12, $0xb8;
	[tilespmem:$0x1DE80] =	vst v63  }
0x355: {  	s11 =	simm.s32 $0x4  }
0x356: {  	_ =	swait.ge [sflag:s11], $0x1400  }
0x357: {  	[sflag:s11] =	ssyncset.done $0x0  }
0x358: {  	[sflag:s11] =	ssyncadd.s32 $0xFFFFEC00  }
0x359: {  	[bflag:$0x0] =	sbarrier.arrive $0xFFFF  }
0x35a: {  	s16 =	rddreg [dreg:$0x10]  }
0x35b: {  	s11 =	simm.s32 @p0 $0x1FCB;
	s17 =	rddreg [dreg:$0x12]  }
0x35c: {  	[hbm:s16], [sflag:s11] =	dma.local @p0 [spmem:s17], $0x2080  }
0x35d: {  	s11 =	simm.s32 @p0 $0xB  }
0x35e: {  	_ =	swait.ge @p0 [sflag:s11], $0x2080  }
0x35f: {  	s16 =	stileid.u32;
	s17 =	rddreg [dreg:$0xa]  }
0x360: {  	s16 =	sshll.u32 @!p0 s16, $0x6;
	[sflag:s11] =	ssyncset.done @p0 $0x0;
	s18 =	rddreg [dreg:$0xd]  }
0x361: {  	[sflag:s11] =	ssyncadd.s32 @p0 $0xFFFFDF80;
	s11 =	sor.u32 @!p0 $0x1C0B, s16;
	s16 =	sshrl.u32 @!p0 s17, $0x3  }
0x362: {  	[hbm:s18], [sflag:s11] =	dma.local @!p0 [spmem:s16], $0x2780  }
0x363: {  	s11 =	simm.s32 @!p0 $0xB  }
0x364: {  	_ =	swait.ge @!p0 [sflag:s11], $0x2780  }
0x365: {  	s25 =	rddreg [dreg:$0x14]  }
0x366: {  	s30 =	rddreg [dreg:$0x11];
	s18 =	sadd.s32 $0x1, s25  }
0x367: {  	p1 =	sne.s32 s18, s30  }
.Ltmp5:
0x368: {  	_ = 	snop;
	(pc) =	sbr.rel @p1 .LBB2_1-.Ltmp5, $3  }
0x369: {  	_ =	sdelay $0x1  }
0x36a: {  	[sflag:s11] =	ssyncset.done @!p0 $0x0  }
0x36b: {  	s19 =	simm.s32 $0x100;
	[sflag:s11] =	ssyncadd.s32 @!p0 $0xFFFFD880;
	s25 =	simm.s32 $0x200  }
0x36c: {  	_ =	sfence.sel $0x180000  }
0x36d: {  	[bflag:$0x0] =	sbarrier.arrive $0xFFFF  }
0x36e: {  	_ =	strace $0x9000004A  }
0x36f: {  	s0 =	stileid.u32;
	[bflag:$0x2] =	sbarrier.arrive $0xFFFF  }
0x370: {  	p0 =	sne.s32 s0, $0x0;
	s0 =	rddreg [dreg:$0x3]  }
0x371: {  	s0 =	sadd.s32 @!p0 $0x100000, s0  }
0x372: {  	[sflag:s0] =	ssyncadd.tile.s32 @!p0 $0x1;
	_ =	shalt  }
.Lfunc_end2:
_tile_overlayer_lowered:
.L_overlay_start_2:
0x373: {  	(tag) =	ssettag $0x2  }
0x374: {  	s0 =	rddreg [dreg:$0x0];
	s2 =	stileid.u32  }
0x375: {  	s1 =	rddreg [dreg:$0x1];
	p0 =	sne.s32 s2, $0x0  }
0x376: {  	s3 =	rddreg [dreg:$0x2];
	[bflag:$0x3] =	sbarrier.arrive $0xFFFF;
	s2 =	simm.s32 @!p0 $0x1C0B  }
0x377: {  	[timem:s3], [sflag:s2] =	dma.local @!p0 [hbm:s0], s1  }
0x378: {  	s0 =	simm.s32 @!p0 $0xB  }
0x379: {  	_ =	swait.ge @!p0 [sflag:s0], s1  }
0x37a: {  	s1 =	ssub.s32 @!p0 $0x0, s1;
	[sflag:s0] =	ssyncset.done @!p0 $0x0  }
0x37b: {  	[sflag:s0] =	ssyncadd.s32 @!p0 s1  }
0x37c: {  	[bflag:$0x3] =	sbarrier.arrive $0xFFFF  }
0x37d: {  	_ =	shalt  }

</sc_bundles>
